<compile_context>
chip_gen: v7x
topology: tpu7x:2x2x1
jax: 0.10.2.dev20260603
libtpu: 0.0.44.dev20260713+nightly
codegen_flags: <defaults>
</compile_context>

<pallas_src>
import functools

import jax
import jax.numpy as jnp
from jax import lax
from jax.experimental import pallas as pl
from jax.experimental.pallas import tpu as pltpu
from jax.experimental.pallas import tpu_sc as plsc

VOCAB = 1000
D = 128
L = 8
BATCH = 16384
B = BATCH * L

_info = plsc.get_sparse_core_info()
NC, NS, NLANES = _info.num_cores, _info.num_subcores, _info.num_lanes
NW = NC * NS
BPW = B // NW
R = 256
NCHUNK = BPW // R


def _body(tok_hbm, idx_hbm, pos_hbm, out_hbm, tok_sh, idx_v, buf0, buf1,
          pos_v, gsem0, gsem1, osem0, osem1):
    sid = lax.axis_index("s")
    wid = sid * NC + lax.axis_index("c")
    base = wid * BPW

    @pl.when(sid == 0)
    def _stage_table():
        pltpu.sync_copy(tok_hbm, tok_sh)

    pltpu.sync_copy(idx_hbm.at[pl.ds(base, BPW)], idx_v)
    pltpu.sync_copy(pos_hbm, pos_v)
    plsc.subcore_barrier()

    bufs = (buf0, buf1)
    gsems = (gsem0, gsem1)
    osems = (osem0, osem1)

    def start_gather(g, b):
        return pltpu.async_copy(
            tok_sh.at[idx_v.at[pl.ds(g * R, R)]], bufs[b], gsems[b])

    def add_pos(buf):
        def j_body(j, _):
            sl = pl.ds(j * NLANES, NLANES)
            prow = [pos_v[l, sl] for l in range(L)]

            def grp_body(grp, _):
                row0 = grp * L
                for l in range(L):
                    buf[row0 + l, sl] = buf[row0 + l, sl] + prow[l]
                return 0

            lax.fori_loop(0, R // L, grp_body, 0)
            return 0

        lax.fori_loop(0, D // NLANES, j_body, 0)

    gcp = [None, None]
    scp = [None, None]
    gcp[0] = start_gather(0, 0)
    for g in range(NCHUNK):
        b = g & 1
        gcp[b].wait()
        if g + 1 < NCHUNK:
            if scp[1 - b] is not None:
                scp[1 - b].wait()
            gcp[1 - b] = start_gather(g + 1, 1 - b)
        add_pos(bufs[b])
        scp[b] = pltpu.async_copy(
            bufs[b], out_hbm.at[pl.ds(base + g * R, R)], osems[b])
    scp[0].wait()
    scp[1].wait()


@functools.partial(jax.jit, static_argnums=())
def kernel(X, token_table, pos_table):
    idx = X.reshape(B)
    mesh = plsc.VectorSubcoreMesh(core_axis_name="c", subcore_axis_name="s")
    out = pl.kernel(
        _body,
        mesh=mesh,
        out_type=jax.ShapeDtypeStruct((B, D), jnp.float32),
        scratch_types=[
            pltpu.VMEM_SHARED((VOCAB, D), jnp.float32),
            pltpu.VMEM((BPW,), jnp.int32),
            pltpu.VMEM((R, D), jnp.float32),
            pltpu.VMEM((R, D), jnp.float32),
            pltpu.VMEM((L, D), jnp.float32),
            pltpu.SemaphoreType.DMA,
            pltpu.SemaphoreType.DMA,
            pltpu.SemaphoreType.DMA,
            pltpu.SemaphoreType.DMA,
        ],
    )(token_table, idx, pos_table)
    return out.reshape(BATCH, L, D)

# --- scband reference (transcript-rebuilt; emitter-appended) ---
"""Pipeline reference for scband-embedding-model-79405355368741 (READ-ONLY COPY).

The authoritative reference and input builder live on the scoring server;
editing this copy changes nothing except your own understanding.
"""

import jax, jax.numpy as jnp
import numpy as np

VOCAB_SIZE = 1000
EMBED_DIM = 128
MAX_SEQ_LEN = 8
BATCH = 16384


def setup_inputs(seed: int = 0) -> dict:
    key = jax.random.key(seed)
    k1, k2, k3 = jax.random.split(key, 3)
    X = jax.random.randint(k1, (BATCH, MAX_SEQ_LEN), 0, VOCAB_SIZE, dtype=jnp.int32)
    token_table = jax.random.normal(k2, (VOCAB_SIZE, EMBED_DIM), dtype=jnp.float32)
    pos_table = jax.random.normal(k3, (MAX_SEQ_LEN, EMBED_DIM), dtype=jnp.float32)
    return {"X": X, "token_table": token_table, "pos_table": pos_table}


def reference(X, token_table, pos_table):
    # token embedding lookup: gather rows of the table by index
    token_embedding = jnp.take(token_table, X, axis=0)  # [B, L, D]
    # positional embedding lookup over arange(max_seq_len)
    positional_embedding = jnp.take(pos_table, jnp.arange(MAX_SEQ_LEN), axis=0)  # [L, D]
    embeddings = token_embedding + positional_embedding[None, :, :]
    return embeddings

if __name__ == "__main__":
    import jax
    _d = setup_inputs()
    print(jax.jit(kernel)(*tuple(_d.values())))

</pallas_src>

<mosaic_0001>
#map = affine_map<(d0, d1) -> (0, 0)>
#map1 = affine_map<(d0, d1) -> (0)>
module attributes {stable_mosaic.version = 14 : i64} {
  func.func @_body(%arg0: i32, %arg1: i32, %arg2: memref<1000x128xf32, #tpu.memory_space<hbm>>, %arg3: memref<131072xi32, #tpu.memory_space<hbm>>, %arg4: memref<8x128xf32, #tpu.memory_space<hbm>>, %arg5: memref<131072x128xf32, #tpu.memory_space<hbm>>, %arg6: memref<1000x128xf32, #tpu.memory_space<vmem_shared>>, %arg7: memref<4096xi32, #tpu.memory_space<vmem>>, %arg8: memref<256x128xf32, #tpu.memory_space<vmem>>, %arg9: memref<256x128xf32, #tpu.memory_space<vmem>>, %arg10: memref<8x128xf32, #tpu.memory_space<vmem>>, %arg11: memref<!tpu.dma_semaphore, #tpu.memory_space<semaphore_mem>>, %arg12: memref<!tpu.dma_semaphore, #tpu.memory_space<semaphore_mem>>, %arg13: memref<!tpu.dma_semaphore, #tpu.memory_space<semaphore_mem>>, %arg14: memref<!tpu.dma_semaphore, #tpu.memory_space<semaphore_mem>>) attributes {dimension_semantics = [#tpu.dimension_semantics<core_parallel>, #tpu.dimension_semantics<subcore_parallel>], iteration_bounds = array<i64: 2, 16>, scalar_prefetch = 0 : i64, scratch_operands = 9 : i64, tpu.core_type = #tpu.core_type<sc_vector_subcore>, window_params = [{transform_indices = #map}, {transform_indices = #map1}, {transform_indices = #map}, {transform_indices = #map}]} {
    %mul3A = arith.constant 2 : i32
    %mul3A_0 = arith.muli %arg1, %mul3A : i32
    %add3A = arith.addi %mul3A_0, %arg0 : i32
    %mul3A_1 = arith.constant 4096 : i32
    %mul3A_2 = arith.muli %add3A, %mul3A_1 : i32
    %eq3A = arith.constant 0 : i32
    %eq3A_3 = arith.cmpi eq, %arg1, %eq3A : i32
    %convert_element_type3A = arith.extui %eq3A_3 : i1 to i32
    %cond3A = arith.constant 0 : i32
    %cond3A_4 = arith.cmpi ne, %convert_element_type3A, %cond3A : i32
    scf.if %cond3A_4 {
      "tpu.region"() ({
        %run_scoped3A = tpu.sem_alloc : memref<!tpu.dma_semaphore, #tpu.memory_space<semaphore_mem>>
        tpu.enqueue_dma source(%arg2 : memref<1000x128xf32, #tpu.memory_space<hbm>>) target(%arg6 : memref<1000x128xf32, #tpu.memory_space<vmem_shared>>) target_semaphore(%run_scoped3A : memref<!tpu.dma_semaphore, #tpu.memory_space<semaphore_mem>>)
        tpu.wait_dma2 semaphore(%run_scoped3A : memref<!tpu.dma_semaphore, #tpu.memory_space<semaphore_mem>>) src(%arg2 : memref<1000x128xf32, #tpu.memory_space<hbm>>) dst(%arg6 : memref<1000x128xf32, #tpu.memory_space<vmem_shared>>)
        tpu.yield
      }) : () -> ()
    } else {
    }
    "tpu.region"() ({
      %run_scoped3A = tpu.sem_alloc : memref<!tpu.dma_semaphore, #tpu.memory_space<semaphore_mem>>
      %dma_start3A_434 = tpu.memref_slice %arg3[%mul3A_2] : memref<131072xi32, #tpu.memory_space<hbm>> -> memref<4096xi32, #tpu.memory_space<hbm>>
      %dma_start3A_435 = tpu.memref_slice %arg3[%mul3A_2] : memref<131072xi32, #tpu.memory_space<hbm>> -> memref<4096xi32, #tpu.memory_space<hbm>>
      tpu.enqueue_dma source(%dma_start3A_435 : memref<4096xi32, #tpu.memory_space<hbm>>) target(%arg7 : memref<4096xi32, #tpu.memory_space<vmem>>) target_semaphore(%run_scoped3A : memref<!tpu.dma_semaphore, #tpu.memory_space<semaphore_mem>>)
      %dma_wait3A_436 = tpu.memref_slice %arg3[%mul3A_2] : memref<131072xi32, #tpu.memory_space<hbm>> -> memref<4096xi32, #tpu.memory_space<hbm>>
      %dma_wait3A_437 = tpu.memref_slice %arg3[%mul3A_2] : memref<131072xi32, #tpu.memory_space<hbm>> -> memref<4096xi32, #tpu.memory_space<hbm>>
      tpu.wait_dma2 semaphore(%run_scoped3A : memref<!tpu.dma_semaphore, #tpu.memory_space<semaphore_mem>>) src(%dma_wait3A_437 : memref<4096xi32, #tpu.memory_space<hbm>>) dst(%arg7 : memref<4096xi32, #tpu.memory_space<vmem>>)
      tpu.yield
    }) : () -> ()
    "tpu.region"() ({
      %run_scoped3A = tpu.sem_alloc : memref<!tpu.dma_semaphore, #tpu.memory_space<semaphore_mem>>
      tpu.enqueue_dma source(%arg4 : memref<8x128xf32, #tpu.memory_space<hbm>>) target(%arg10 : memref<8x128xf32, #tpu.memory_space<vmem>>) target_semaphore(%run_scoped3A : memref<!tpu.dma_semaphore, #tpu.memory_space<semaphore_mem>>)
      tpu.wait_dma2 semaphore(%run_scoped3A : memref<!tpu.dma_semaphore, #tpu.memory_space<semaphore_mem>>) src(%arg4 : memref<8x128xf32, #tpu.memory_space<hbm>>) dst(%arg10 : memref<8x128xf32, #tpu.memory_space<vmem>>)
      tpu.yield
    }) : () -> ()
    %barrier3A = arith.constant 0 : index
    tpu.barrier barrier_id(%barrier3A)
    %dma_start3A = arith.constant 0 : i32
    %dma_start3A_5 = tpu.memref_slice %arg7[%dma_start3A] : memref<4096xi32, #tpu.memory_space<vmem>> -> memref<256xi32, #tpu.memory_space<vmem>>
    %dma_start3A_6 = arith.constant 0 : i32
    %dma_start3A_7 = arith.constant 0 : i32
    %dma_start3A_8 = tpu.memref_slice %arg6[%dma_start3A_6, %dma_start3A_7] : memref<1000x128xf32, #tpu.memory_space<vmem_shared>> -> memref<1000x128xf32, #tpu.memory_space<vmem_shared>>
    tpu.enqueue_indirect_dma source(%dma_start3A_8 : memref<1000x128xf32, #tpu.memory_space<vmem_shared>>) target(%arg8 : memref<256x128xf32, #tpu.memory_space<vmem>>) offsets(%dma_start3A_5 : memref<256xi32, #tpu.memory_space<vmem>>) semaphore(%arg11 : memref<!tpu.dma_semaphore, #tpu.memory_space<semaphore_mem>>)
    %dma_wait3A = arith.constant 0 : i32
    %dma_wait3A_9 = tpu.memref_slice %arg7[%dma_wait3A] : memref<4096xi32, #tpu.memory_space<vmem>> -> memref<256xi32, #tpu.memory_space<vmem>>
    %dma_wait3A_10 = arith.constant 0 : i32
    %dma_wait3A_11 = arith.constant 0 : i32
    %dma_wait3A_12 = tpu.memref_slice %arg6[%dma_wait3A_10, %dma_wait3A_11] : memref<1000x128xf32, #tpu.memory_space<vmem_shared>> -> memref<1000x128xf32, #tpu.memory_space<vmem_shared>>
    tpu.wait_indirect_dma semaphore(%arg11 : memref<!tpu.dma_semaphore, #tpu.memory_space<semaphore_mem>>) src(%dma_wait3A_12 : memref<1000x128xf32, #tpu.memory_space<vmem_shared>>) dst(%arg8 : memref<256x128xf32, #tpu.memory_space<vmem>>)
    %dma_start3A_13 = arith.constant 256 : i32
    %dma_start3A_14 = tpu.memref_slice %arg7[%dma_start3A_13] : memref<4096xi32, #tpu.memory_space<vmem>> -> memref<256xi32, #tpu.memory_space<vmem>>
    %dma_start3A_15 = arith.constant 0 : i32
    %dma_start3A_16 = arith.constant 0 : i32
    %dma_start3A_17 = tpu.memref_slice %arg6[%dma_start3A_15, %dma_start3A_16] : memref<1000x128xf32, #tpu.memory_space<vmem_shared>> -> memref<1000x128xf32, #tpu.memory_space<vmem_shared>>
    tpu.enqueue_indirect_dma source(%dma_start3A_17 : memref<1000x128xf32, #tpu.memory_space<vmem_shared>>) target(%arg9 : memref<256x128xf32, #tpu.memory_space<vmem>>) offsets(%dma_start3A_14 : memref<256xi32, #tpu.memory_space<vmem>>) semaphore(%arg12 : memref<!tpu.dma_semaphore, #tpu.memory_space<semaphore_mem>>)
    %scan3A = arith.constant 0 : i32
    %scan3A_18 = arith.constant 0 : i32
    %scan3A_19 = arith.constant 8 : i32
    %scan3A_20 = arith.addi %scan3A_18, %scan3A_19 : i32
    %scan3A_21 = arith.constant 1 : i32
    %scan3A_22 = scf.for %scan3A_434 = %scan3A_18 to %scan3A_20 step %scan3A_21 iter_args(%scan3A_435 = %scan3A) -> (i32)  : i32 {
      %mul3A_436 = arith.constant 16 : i32
      %mul3A_437 = arith.muli %scan3A_434, %mul3A_436 : i32
      %get3A = arith.constant 0 : i32
      %get3A_438 = arith.index_cast %get3A : i32 to index
      %get3A_439 = arith.index_cast %mul3A_437 : i32 to index
      %get3A_440 = tpu.vector_load %arg10[%get3A_438, %get3A_439] {strides = array<i32>} : memref<8x128xf32, #tpu.memory_space<vmem>>, vector<1x16xf32>,
      %get3A_441 = vector.shape_cast %get3A_440 : vector<1x16xf32> to vector<16xf32>
      %get3A_442 = arith.constant 1 : i32
      %get3A_443 = arith.index_cast %get3A_442 : i32 to index
      %get3A_444 = arith.index_cast %mul3A_437 : i32 to index
      %get3A_445 = tpu.vector_load %arg10[%get3A_443, %get3A_444] {strides = array<i32>} : memref<8x128xf32, #tpu.memory_space<vmem>>, vector<1x16xf32>,
      %get3A_446 = vector.shape_cast %get3A_445 : vector<1x16xf32> to vector<16xf32>
      %get3A_447 = arith.constant 2 : i32
      %get3A_448 = arith.index_cast %get3A_447 : i32 to index
      %get3A_449 = arith.index_cast %mul3A_437 : i32 to index
      %get3A_450 = tpu.vector_load %arg10[%get3A_448, %get3A_449] {strides = array<i32>} : memref<8x128xf32, #tpu.memory_space<vmem>>, vector<1x16xf32>,
      %get3A_451 = vector.shape_cast %get3A_450 : vector<1x16xf32> to vector<16xf32>
      %get3A_452 = arith.constant 3 : i32
      %get3A_453 = arith.index_cast %get3A_452 : i32 to index
      %get3A_454 = arith.index_cast %mul3A_437 : i32 to index
      %get3A_455 = tpu.vector_load %arg10[%get3A_453, %get3A_454] {strides = array<i32>} : memref<8x128xf32, #tpu.memory_space<vmem>>, vector<1x16xf32>,
      %get3A_456 = vector.shape_cast %get3A_455 : vector<1x16xf32> to vector<16xf32>
      %get3A_457 = arith.constant 4 : i32
      %get3A_458 = arith.index_cast %get3A_457 : i32 to index
      %get3A_459 = arith.index_cast %mul3A_437 : i32 to index
      %get3A_460 = tpu.vector_load %arg10[%get3A_458, %get3A_459] {strides = array<i32>} : memref<8x128xf32, #tpu.memory_space<vmem>>, vector<1x16xf32>,
      %get3A_461 = vector.shape_cast %get3A_460 : vector<1x16xf32> to vector<16xf32>
      %get3A_462 = arith.constant 5 : i32
      %get3A_463 = arith.index_cast %get3A_462 : i32 to index
      %get3A_464 = arith.index_cast %mul3A_437 : i32 to index
      %get3A_465 = tpu.vector_load %arg10[%get3A_463, %get3A_464] {strides = array<i32>} : memref<8x128xf32, #tpu.memory_space<vmem>>, vector<1x16xf32>,
      %get3A_466 = vector.shape_cast %get3A_465 : vector<1x16xf32> to vector<16xf32>
      %get3A_467 = arith.constant 6 : i32
      %get3A_468 = arith.index_cast %get3A_467 : i32 to index
      %get3A_469 = arith.index_cast %mul3A_437 : i32 to index
      %get3A_470 = tpu.vector_load %arg10[%get3A_468, %get3A_469] {strides = array<i32>} : memref<8x128xf32, #tpu.memory_space<vmem>>, vector<1x16xf32>,
      %get3A_471 = vector.shape_cast %get3A_470 : vector<1x16xf32> to vector<16xf32>
      %get3A_472 = arith.constant 7 : i32
      %get3A_473 = arith.index_cast %get3A_472 : i32 to index
      %get3A_474 = arith.index_cast %mul3A_437 : i32 to index
      %get3A_475 = tpu.vector_load %arg10[%get3A_473, %get3A_474] {strides = array<i32>} : memref<8x128xf32, #tpu.memory_space<vmem>>, vector<1x16xf32>,
      %get3A_476 = vector.shape_cast %get3A_475 : vector<1x16xf32> to vector<16xf32>
      %scan3A_477 = arith.constant 0 : i32
      %scan3A_478 = arith.constant 0 : i32
      %scan3A_479 = arith.constant 32 : i32
      %scan3A_480 = arith.addi %scan3A_478, %scan3A_479 : i32
      %scan3A_481 = arith.constant 1 : i32
      %scan3A_482 = scf.for %scan3A_485 = %scan3A_478 to %scan3A_480 step %scan3A_481 iter_args(%scan3A_486 = %scan3A_477) -> (i32)  : i32 {
        %mul3A_487 = arith.constant 8 : i32
        %mul3A_488 = arith.muli %scan3A_485, %mul3A_487 : i32
        %add3A_489 = arith.constant 0 : i32
        %add3A_490 = arith.addi %mul3A_488, %add3A_489 : i32
        %get3A_491 = arith.index_cast %add3A_490 : i32 to index
        %get3A_492 = arith.index_cast %mul3A_437 : i32 to index
        %get3A_493 = tpu.vector_load %arg8[%get3A_491, %get3A_492] {strides = array<i32>} : memref<256x128xf32, #tpu.memory_space<vmem>>, vector<1x16xf32>,
        %get3A_494 = vector.shape_cast %get3A_493 : vector<1x16xf32> to vector<16xf32>
        %add3A_495 = arith.addf %get3A_494, %get3A_441 : vector<16xf32>
        %add3A_496 = arith.constant 0 : i32
        %add3A_497 = arith.addi %mul3A_488, %add3A_496 : i32
        %swap3A = arith.index_cast %add3A_497 : i32 to index
        %swap3A_498 = arith.index_cast %mul3A_437 : i32 to index
        %swap3A_499 = tpu.vector_load %arg8[%swap3A, %swap3A_498] {strides = array<i32>} : memref<256x128xf32, #tpu.memory_space<vmem>>, vector<1x16xf32>,
        %swap3A_500 = vector.shape_cast %swap3A_499 : vector<1x16xf32> to vector<16xf32>
        %swap3A_501 = vector.shape_cast %add3A_495 : vector<16xf32> to vector<1x16xf32>
        tpu.vector_store %arg8[%swap3A, %swap3A_498], %swap3A_501 {strides = array<i32>} : memref<256x128xf32, #tpu.memory_space<vmem>>, vector<1x16xf32>,
        %add3A_502 = arith.constant 1 : i32
        %add3A_503 = arith.addi %mul3A_488, %add3A_502 : i32
        %get3A_504 = arith.index_cast %add3A_503 : i32 to index
        %get3A_505 = arith.index_cast %mul3A_437 : i32 to index
        %get3A_506 = tpu.vector_load %arg8[%get3A_504, %get3A_505] {strides = array<i32>} : memref<256x128xf32, #tpu.memory_space<vmem>>, vector<1x16xf32>,
        %get3A_507 = vector.shape_cast %get3A_506 : vector<1x16xf32> to vector<16xf32>
        %add3A_508 = arith.addf %get3A_507, %get3A_446 : vector<16xf32>
        %add3A_509 = arith.constant 1 : i32
        %add3A_510 = arith.addi %mul3A_488, %add3A_509 : i32
        %swap3A_511 = arith.index_cast %add3A_510 : i32 to index
        %swap3A_512 = arith.index_cast %mul3A_437 : i32 to index
        %swap3A_513 = tpu.vector_load %arg8[%swap3A_511, %swap3A_512] {strides = array<i32>} : memref<256x128xf32, #tpu.memory_space<vmem>>, vector<1x16xf32>,
        %swap3A_514 = vector.shape_cast %swap3A_513 : vector<1x16xf32> to vector<16xf32>
        %swap3A_515 = vector.shape_cast %add3A_508 : vector<16xf32> to vector<1x16xf32>
        tpu.vector_store %arg8[%swap3A_511, %swap3A_512], %swap3A_515 {strides = array<i32>} : memref<256x128xf32, #tpu.memory_space<vmem>>, vector<1x16xf32>,
        %add3A_516 = arith.constant 2 : i32
        %add3A_517 = arith.addi %mul3A_488, %add3A_516 : i32
        %get3A_518 = arith.index_cast %add3A_517 : i32 to index
        %get3A_519 = arith.index_cast %mul3A_437 : i32 to index
        %get3A_520 = tpu.vector_load %arg8[%get3A_518, %get3A_519] {strides = array<i32>} : memref<256x128xf32, #tpu.memory_space<vmem>>, vector<1x16xf32>,
        %get3A_521 = vector.shape_cast %get3A_520 : vector<1x16xf32> to vector<16xf32>
        %add3A_522 = arith.addf %get3A_521, %get3A_451 : vector<16xf32>
        %add3A_523 = arith.constant 2 : i32
        %add3A_524 = arith.addi %mul3A_488, %add3A_523 : i32
        %swap3A_525 = arith.index_cast %add3A_524 : i32 to index
        %swap3A_526 = arith.index_cast %mul3A_437 : i32 to index
        %swap3A_527 = tpu.vector_load %arg8[%swap3A_525, %swap3A_526] {strides = array<i32>} : memref<256x128xf32, #tpu.memory_space<vmem>>, vector<1x16xf32>,
        %swap3A_528 = vector.shape_cast %swap3A_527 : vector<1x16xf32> to vector<16xf32>
        %swap3A_529 = vector.shape_cast %add3A_522 : vector<16xf32> to vector<1x16xf32>
        tpu.vector_store %arg8[%swap3A_525, %swap3A_526], %swap3A_529 {strides = array<i32>} : memref<256x128xf32, #tpu.memory_space<vmem>>, vector<1x16xf32>,
        %add3A_530 = arith.constant 3 : i32
        %add3A_531 = arith.addi %mul3A_488, %add3A_530 : i32
        %get3A_532 = arith.index_cast %add3A_531 : i32 to index
        %get3A_533 = arith.index_cast %mul3A_437 : i32 to index
        %get3A_534 = tpu.vector_load %arg8[%get3A_532, %get3A_533] {strides = array<i32>} : memref<256x128xf32, #tpu.memory_space<vmem>>, vector<1x16xf32>,
        %get3A_535 = vector.shape_cast %get3A_534 : vector<1x16xf32> to vector<16xf32>
        %add3A_536 = arith.addf %get3A_535, %get3A_456 : vector<16xf32>
        %add3A_537 = arith.constant 3 : i32
        %add3A_538 = arith.addi %mul3A_488, %add3A_537 : i32
        %swap3A_539 = arith.index_cast %add3A_538 : i32 to index
        %swap3A_540 = arith.index_cast %mul3A_437 : i32 to index
        %swap3A_541 = tpu.vector_load %arg8[%swap3A_539, %swap3A_540] {strides = array<i32>} : memref<256x128xf32, #tpu.memory_space<vmem>>, vector<1x16xf32>,
        %swap3A_542 = vector.shape_cast %swap3A_541 : vector<1x16xf32> to vector<16xf32>
        %swap3A_543 = vector.shape_cast %add3A_536 : vector<16xf32> to vector<1x16xf32>
        tpu.vector_store %arg8[%swap3A_539, %swap3A_540], %swap3A_543 {strides = array<i32>} : memref<256x128xf32, #tpu.memory_space<vmem>>, vector<1x16xf32>,
        %add3A_544 = arith.constant 4 : i32
        %add3A_545 = arith.addi %mul3A_488, %add3A_544 : i32
        %get3A_546 = arith.index_cast %add3A_545 : i32 to index
        %get3A_547 = arith.index_cast %mul3A_437 : i32 to index
        %get3A_548 = tpu.vector_load %arg8[%get3A_546, %get3A_547] {strides = array<i32>} : memref<256x128xf32, #tpu.memory_space<vmem>>, vector<1x16xf32>,
        %get3A_549 = vector.shape_cast %get3A_548 : vector<1x16xf32> to vector<16xf32>
        %add3A_550 = arith.addf %get3A_549, %get3A_461 : vector<16xf32>
        %add3A_551 = arith.constant 4 : i32
        %add3A_552 = arith.addi %mul3A_488, %add3A_551 : i32
        %swap3A_553 = arith.index_cast %add3A_552 : i32 to index
        %swap3A_554 = arith.index_cast %mul3A_437 : i32 to index
        %swap3A_555 = tpu.vector_load %arg8[%swap3A_553, %swap3A_554] {strides = array<i32>} : memref<256x128xf32, #tpu.memory_space<vmem>>, vector<1x16xf32>,
        %swap3A_556 = vector.shape_cast %swap3A_555 : vector<1x16xf32> to vector<16xf32>
        %swap3A_557 = vector.shape_cast %add3A_550 : vector<16xf32> to vector<1x16xf32>
        tpu.vector_store %arg8[%swap3A_553, %swap3A_554], %swap3A_557 {strides = array<i32>} : memref<256x128xf32, #tpu.memory_space<vmem>>, vector<1x16xf32>,
        %add3A_558 = arith.constant 5 : i32
        %add3A_559 = arith.addi %mul3A_488, %add3A_558 : i32
        %get3A_560 = arith.index_cast %add3A_559 : i32 to index
        %get3A_561 = arith.index_cast %mul3A_437 : i32 to index
        %get3A_562 = tpu.vector_load %arg8[%get3A_560, %get3A_561] {strides = array<i32>} : memref<256x128xf32, #tpu.memory_space<vmem>>, vector<1x16xf32>,
        %get3A_563 = vector.shape_cast %get3A_562 : vector<1x16xf32> to vector<16xf32>
        %add3A_564 = arith.addf %get3A_563, %get3A_466 : vector<16xf32>
        %add3A_565 = arith.constant 5 : i32
        %add3A_566 = arith.addi %mul3A_488, %add3A_565 : i32
        %swap3A_567 = arith.index_cast %add3A_566 : i32 to index
        %swap3A_568 = arith.index_cast %mul3A_437 : i32 to index
        %swap3A_569 = tpu.vector_load %arg8[%swap3A_567, %swap3A_568] {strides = array<i32>} : memref<256x128xf32, #tpu.memory_space<vmem>>, vector<1x16xf32>,
        %swap3A_570 = vector.shape_cast %swap3A_569 : vector<1x16xf32> to vector<16xf32>
        %swap3A_571 = vector.shape_cast %add3A_564 : vector<16xf32> to vector<1x16xf32>
        tpu.vector_store %arg8[%swap3A_567, %swap3A_568], %swap3A_571 {strides = array<i32>} : memref<256x128xf32, #tpu.memory_space<vmem>>, vector<1x16xf32>,
        %add3A_572 = arith.constant 6 : i32
        %add3A_573 = arith.addi %mul3A_488, %add3A_572 : i32
        %get3A_574 = arith.index_cast %add3A_573 : i32 to index
        %get3A_575 = arith.index_cast %mul3A_437 : i32 to index
        %get3A_576 = tpu.vector_load %arg8[%get3A_574, %get3A_575] {strides = array<i32>} : memref<256x128xf32, #tpu.memory_space<vmem>>, vector<1x16xf32>,
        %get3A_577 = vector.shape_cast %get3A_576 : vector<1x16xf32> to vector<16xf32>
        %add3A_578 = arith.addf %get3A_577, %get3A_471 : vector<16xf32>
        %add3A_579 = arith.constant 6 : i32
        %add3A_580 = arith.addi %mul3A_488, %add3A_579 : i32
        %swap3A_581 = arith.index_cast %add3A_580 : i32 to index
        %swap3A_582 = arith.index_cast %mul3A_437 : i32 to index
        %swap3A_583 = tpu.vector_load %arg8[%swap3A_581, %swap3A_582] {strides = array<i32>} : memref<256x128xf32, #tpu.memory_space<vmem>>, vector<1x16xf32>,
        %swap3A_584 = vector.shape_cast %swap3A_583 : vector<1x16xf32> to vector<16xf32>
        %swap3A_585 = vector.shape_cast %add3A_578 : vector<16xf32> to vector<1x16xf32>
        tpu.vector_store %arg8[%swap3A_581, %swap3A_582], %swap3A_585 {strides = array<i32>} : memref<256x128xf32, #tpu.memory_space<vmem>>, vector<1x16xf32>,
        %add3A_586 = arith.constant 7 : i32
        %add3A_587 = arith.addi %mul3A_488, %add3A_586 : i32
        %get3A_588 = arith.index_cast %add3A_587 : i32 to index
        %get3A_589 = arith.index_cast %mul3A_437 : i32 to index
        %get3A_590 = tpu.vector_load %arg8[%get3A_588, %get3A_589] {strides = array<i32>} : memref<256x128xf32, #tpu.memory_space<vmem>>, vector<1x16xf32>,
        %get3A_591 = vector.shape_cast %get3A_590 : vector<1x16xf32> to vector<16xf32>
        %add3A_592 = arith.addf %get3A_591, %get3A_476 : vector<16xf32>
        %add3A_593 = arith.constant 7 : i32
        %add3A_594 = arith.addi %mul3A_488, %add3A_593 : i32
        %swap3A_595 = arith.index_cast %add3A_594 : i32 to index
        %swap3A_596 = arith.index_cast %mul3A_437 : i32 to index
        %swap3A_597 = tpu.vector_load %arg8[%swap3A_595, %swap3A_596] {strides = array<i32>} : memref<256x128xf32, #tpu.memory_space<vmem>>, vector<1x16xf32>,
        %swap3A_598 = vector.shape_cast %swap3A_597 : vector<1x16xf32> to vector<16xf32>
        %swap3A_599 = vector.shape_cast %add3A_592 : vector<16xf32> to vector<1x16xf32>
        tpu.vector_store %arg8[%swap3A_595, %swap3A_596], %swap3A_599 {strides = array<i32>} : memref<256x128xf32, #tpu.memory_space<vmem>>, vector<1x16xf32>,
        %scan3A_600 = arith.constant 0 : i32
        scf.yield %scan3A_600 : i32
      }
      %scan3A_483 = arith.constant 32 : i32
      %scan3A_484 = arith.constant 0 : i32
      scf.yield %scan3A_484 : i32
    }
    %scan3A_23 = arith.constant 8 : i32
    %add3A_24 = arith.constant 0 : i32
    %add3A_25 = arith.addi %mul3A_2, %add3A_24 : i32
    %dma_start3A_26 = arith.constant 0 : i32
    %dma_start3A_27 = tpu.memref_slice %arg5[%add3A_25, %dma_start3A_26] : memref<131072x128xf32, #tpu.memory_space<hbm>> -> memref<256x128xf32, #tpu.memory_space<hbm>>
    %dma_start3A_28 = arith.constant 0 : i32
    %dma_start3A_29 = tpu.memref_slice %arg5[%add3A_25, %dma_start3A_28] : memref<131072x128xf32, #tpu.memory_space<hbm>> -> memref<256x128xf32, #tpu.memory_space<hbm>>
    tpu.enqueue_dma source(%arg8 : memref<256x128xf32, #tpu.memory_space<vmem>>) target(%dma_start3A_29 : memref<256x128xf32, #tpu.memory_space<hbm>>) target_semaphore(%arg13 : memref<!tpu.dma_semaphore, #tpu.memory_space<semaphore_mem>>)
    %dma_wait3A_30 = arith.constant 256 : i32
    %dma_wait3A_31 = tpu.memref_slice %arg7[%dma_wait3A_30] : memref<4096xi32, #tpu.memory_space<vmem>> -> memref<256xi32, #tpu.memory_space<vmem>>
    %dma_wait3A_32 = arith.constant 0 : i32
    %dma_wait3A_33 = arith.constant 0 : i32
    %dma_wait3A_34 = tpu.memref_slice %arg6[%dma_wait3A_32, %dma_wait3A_33] : memref<1000x128xf32, #tpu.memory_space<vmem_shared>> -> memref<1000x128xf32, #tpu.memory_space<vmem_shared>>
    tpu.wait_indirect_dma semaphore(%arg12 : memref<!tpu.dma_semaphore, #tpu.memory_space<semaphore_mem>>) src(%dma_wait3A_34 : memref<1000x128xf32, #tpu.memory_space<vmem_shared>>) dst(%arg9 : memref<256x128xf32, #tpu.memory_space<vmem>>)
    %dma_wait3A_35 = arith.constant 0 : i32
    %dma_wait3A_36 = tpu.memref_slice %arg5[%add3A_25, %dma_wait3A_35] : memref<131072x128xf32, #tpu.memory_space<hbm>> -> memref<256x128xf32, #tpu.memory_space<hbm>>
    %dma_wait3A_37 = arith.constant 0 : i32
    %dma_wait3A_38 = tpu.memref_slice %arg5[%add3A_25, %dma_wait3A_37] : memref<131072x128xf32, #tpu.memory_space<hbm>> -> memref<256x128xf32, #tpu.memory_space<hbm>>
    tpu.wait_dma2 semaphore(%arg13 : memref<!tpu.dma_semaphore, #tpu.memory_space<semaphore_mem>>) src(%arg8 : memref<256x128xf32, #tpu.memory_space<vmem>>) dst(%dma_wait3A_38 : memref<256x128xf32, #tpu.memory_space<hbm>>)
    %dma_start3A_39 = arith.constant 512 : i32
    %dma_start3A_40 = tpu.memref_slice %arg7[%dma_start3A_39] : memref<4096xi32, #tpu.memory_space<vmem>> -> memref<256xi32, #tpu.memory_space<vmem>>
    %dma_start3A_41 = arith.constant 0 : i32
    %dma_start3A_42 = arith.constant 0 : i32
    %dma_start3A_43 = tpu.memref_slice %arg6[%dma_start3A_41, %dma_start3A_42] : memref<1000x128xf32, #tpu.memory_space<vmem_shared>> -> memref<1000x128xf32, #tpu.memory_space<vmem_shared>>
    tpu.enqueue_indirect_dma source(%dma_start3A_43 : memref<1000x128xf32, #tpu.memory_space<vmem_shared>>) target(%arg8 : memref<256x128xf32, #tpu.memory_space<vmem>>) offsets(%dma_start3A_40 : memref<256xi32, #tpu.memory_space<vmem>>) semaphore(%arg11 : memref<!tpu.dma_semaphore, #tpu.memory_space<semaphore_mem>>)
    %scan3A_44 = arith.constant 0 : i32
    %scan3A_45 = arith.constant 0 : i32
    %scan3A_46 = arith.constant 8 : i32
    %scan3A_47 = arith.addi %scan3A_45, %scan3A_46 : i32
    %scan3A_48 = arith.constant 1 : i32
    %scan3A_49 = scf.for %scan3A_434 = %scan3A_45 to %scan3A_47 step %scan3A_48 iter_args(%scan3A_435 = %scan3A_44) -> (i32)  : i32 {
      %mul3A_436 = arith.constant 16 : i32
      %mul3A_437 = arith.muli %scan3A_434, %mul3A_436 : i32
      %get3A = arith.constant 0 : i32
      %get3A_438 = arith.index_cast %get3A : i32 to index
      %get3A_439 = arith.index_cast %mul3A_437 : i32 to index
      %get3A_440 = tpu.vector_load %arg10[%get3A_438, %get3A_439] {strides = array<i32>} : memref<8x128xf32, #tpu.memory_space<vmem>>, vector<1x16xf32>,
      %get3A_441 = vector.shape_cast %get3A_440 : vector<1x16xf32> to vector<16xf32>
      %get3A_442 = arith.constant 1 : i32
      %get3A_443 = arith.index_cast %get3A_442 : i32 to index
      %get3A_444 = arith.index_cast %mul3A_437 : i32 to index
      %get3A_445 = tpu.vector_load %arg10[%get3A_443, %get3A_444] {strides = array<i32>} : memref<8x128xf32, #tpu.memory_space<vmem>>, vector<1x16xf32>,
      %get3A_446 = vector.shape_cast %get3A_445 : vector<1x16xf32> to vector<16xf32>
      %get3A_447 = arith.constant 2 : i32
      %get3A_448 = arith.index_cast %get3A_447 : i32 to index
      %get3A_449 = arith.index_cast %mul3A_437 : i32 to index
      %get3A_450 = tpu.vector_load %arg10[%get3A_448, %get3A_449] {strides = array<i32>} : memref<8x128xf32, #tpu.memory_space<vmem>>, vector<1x16xf32>,
      %get3A_451 = vector.shape_cast %get3A_450 : vector<1x16xf32> to vector<16xf32>
      %get3A_452 = arith.constant 3 : i32
      %get3A_453 = arith.index_cast %get3A_452 : i32 to index
      %get3A_454 = arith.index_cast %mul3A_437 : i32 to index
      %get3A_455 = tpu.vector_load %arg10[%get3A_453, %get3A_454] {strides = array<i32>} : memref<8x128xf32, #tpu.memory_space<vmem>>, vector<1x16xf32>,
      %get3A_456 = vector.shape_cast %get3A_455 : vector<1x16xf32> to vector<16xf32>
      %get3A_457 = arith.constant 4 : i32
      %get3A_458 = arith.index_cast %get3A_457 : i32 to index
      %get3A_459 = arith.index_cast %mul3A_437 : i32 to index
      %get3A_460 = tpu.vector_load %arg10[%get3A_458, %get3A_459] {strides = array<i32>} : memref<8x128xf32, #tpu.memory_space<vmem>>, vector<1x16xf32>,
      %get3A_461 = vector.shape_cast %get3A_460 : vector<1x16xf32> to vector<16xf32>
      %get3A_462 = arith.constant 5 : i32
      %get3A_463 = arith.index_cast %get3A_462 : i32 to index
      %get3A_464 = arith.index_cast %mul3A_437 : i32 to index
      %get3A_465 = tpu.vector_load %arg10[%get3A_463, %get3A_464] {strides = array<i32>} : memref<8x128xf32, #tpu.memory_space<vmem>>, vector<1x16xf32>,
      %get3A_466 = vector.shape_cast %get3A_465 : vector<1x16xf32> to vector<16xf32>
      %get3A_467 = arith.constant 6 : i32
      %get3A_468 = arith.index_cast %get3A_467 : i32 to index
      %get3A_469 = arith.index_cast %mul3A_437 : i32 to index
      %get3A_470 = tpu.vector_load %arg10[%get3A_468, %get3A_469] {strides = array<i32>} : memref<8x128xf32, #tpu.memory_space<vmem>>, vector<1x16xf32>,
      %get3A_471 = vector.shape_cast %get3A_470 : vector<1x16xf32> to vector<16xf32>
      %get3A_472 = arith.constant 7 : i32
      %get3A_473 = arith.index_cast %get3A_472 : i32 to index
      %get3A_474 = arith.index_cast %mul3A_437 : i32 to index
      %get3A_475 = tpu.vector_load %arg10[%get3A_473, %get3A_474] {strides = array<i32>} : memref<8x128xf32, #tpu.memory_space<vmem>>, vector<1x16xf32>,
      %get3A_476 = vector.shape_cast %get3A_475 : vector<1x16xf32> to vector<16xf32>
      %scan3A_477 = arith.constant 0 : i32
      %scan3A_478 = arith.constant 0 : i32
      %scan3A_479 = arith.constant 32 : i32
      %scan3A_480 = arith.addi %scan3A_478, %scan3A_479 : i32
      %scan3A_481 = arith.constant 1 : i32
      %scan3A_482 = scf.for %scan3A_485 = %scan3A_478 to %scan3A_480 step %scan3A_481 iter_args(%scan3A_486 = %scan3A_477) -> (i32)  : i32 {
        %mul3A_487 = arith.constant 8 : i32
        %mul3A_488 = arith.muli %scan3A_485, %mul3A_487 : i32
        %add3A_489 = arith.constant 0 : i32
        %add3A_490 = arith.addi %mul3A_488, %add3A_489 : i32
        %get3A_491 = arith.index_cast %add3A_490 : i32 to index
        %get3A_492 = arith.index_cast %mul3A_437 : i32 to index
        %get3A_493 = tpu.vector_load %arg9[%get3A_491, %get3A_492] {strides = array<i32>} : memref<256x128xf32, #tpu.memory_space<vmem>>, vector<1x16xf32>,
        %get3A_494 = vector.shape_cast %get3A_493 : vector<1x16xf32> to vector<16xf32>
        %add3A_495 = arith.addf %get3A_494, %get3A_441 : vector<16xf32>
        %add3A_496 = arith.constant 0 : i32
        %add3A_497 = arith.addi %mul3A_488, %add3A_496 : i32
        %swap3A = arith.index_cast %add3A_497 : i32 to index
        %swap3A_498 = arith.index_cast %mul3A_437 : i32 to index
        %swap3A_499 = tpu.vector_load %arg9[%swap3A, %swap3A_498] {strides = array<i32>} : memref<256x128xf32, #tpu.memory_space<vmem>>, vector<1x16xf32>,
        %swap3A_500 = vector.shape_cast %swap3A_499 : vector<1x16xf32> to vector<16xf32>
        %swap3A_501 = vector.shape_cast %add3A_495 : vector<16xf32> to vector<1x16xf32>
        tpu.vector_store %arg9[%swap3A, %swap3A_498], %swap3A_501 {strides = array<i32>} : memref<256x128xf32, #tpu.memory_space<vmem>>, vector<1x16xf32>,
        %add3A_502 = arith.constant 1 : i32
        %add3A_503 = arith.addi %mul3A_488, %add3A_502 : i32
        %get3A_504 = arith.index_cast %add3A_503 : i32 to index
        %get3A_505 = arith.index_cast %mul3A_437 : i32 to index
        %get3A_506 = tpu.vector_load %arg9[%get3A_504, %get3A_505] {strides = array<i32>} : memref<256x128xf32, #tpu.memory_space<vmem>>, vector<1x16xf32>,
        %get3A_507 = vector.shape_cast %get3A_506 : vector<1x16xf32> to vector<16xf32>
        %add3A_508 = arith.addf %get3A_507, %get3A_446 : vector<16xf32>
        %add3A_509 = arith.constant 1 : i32
        %add3A_510 = arith.addi %mul3A_488, %add3A_509 : i32
        %swap3A_511 = arith.index_cast %add3A_510 : i32 to index
        %swap3A_512 = arith.index_cast %mul3A_437 : i32 to index
        %swap3A_513 = tpu.vector_load %arg9[%swap3A_511, %swap3A_512] {strides = array<i32>} : memref<256x128xf32, #tpu.memory_space<vmem>>, vector<1x16xf32>,
        %swap3A_514 = vector.shape_cast %swap3A_513 : vector<1x16xf32> to vector<16xf32>
        %swap3A_515 = vector.shape_cast %add3A_508 : vector<16xf32> to vector<1x16xf32>
        tpu.vector_store %arg9[%swap3A_511, %swap3A_512], %swap3A_515 {strides = array<i32>} : memref<256x128xf32, #tpu.memory_space<vmem>>, vector<1x16xf32>,
        %add3A_516 = arith.constant 2 : i32
        %add3A_517 = arith.addi %mul3A_488, %add3A_516 : i32
        %get3A_518 = arith.index_cast %add3A_517 : i32 to index
        %get3A_519 = arith.index_cast %mul3A_437 : i32 to index
        %get3A_520 = tpu.vector_load %arg9[%get3A_518, %get3A_519] {strides = array<i32>} : memref<256x128xf32, #tpu.memory_space<vmem>>, vector<1x16xf32>,
        %get3A_521 = vector.shape_cast %get3A_520 : vector<1x16xf32> to vector<16xf32>
        %add3A_522 = arith.addf %get3A_521, %get3A_451 : vector<16xf32>
        %add3A_523 = arith.constant 2 : i32
        %add3A_524 = arith.addi %mul3A_488, %add3A_523 : i32
        %swap3A_525 = arith.index_cast %add3A_524 : i32 to index
        %swap3A_526 = arith.index_cast %mul3A_437 : i32 to index
        %swap3A_527 = tpu.vector_load %arg9[%swap3A_525, %swap3A_526] {strides = array<i32>} : memref<256x128xf32, #tpu.memory_space<vmem>>, vector<1x16xf32>,
        %swap3A_528 = vector.shape_cast %swap3A_527 : vector<1x16xf32> to vector<16xf32>
        %swap3A_529 = vector.shape_cast %add3A_522 : vector<16xf32> to vector<1x16xf32>
        tpu.vector_store %arg9[%swap3A_525, %swap3A_526], %swap3A_529 {strides = array<i32>} : memref<256x128xf32, #tpu.memory_space<vmem>>, vector<1x16xf32>,
        %add3A_530 = arith.constant 3 : i32
        %add3A_531 = arith.addi %mul3A_488, %add3A_530 : i32
        %get3A_532 = arith.index_cast %add3A_531 : i32 to index
        %get3A_533 = arith.index_cast %mul3A_437 : i32 to index
        %get3A_534 = tpu.vector_load %arg9[%get3A_532, %get3A_533] {strides = array<i32>} : memref<256x128xf32, #tpu.memory_space<vmem>>, vector<1x16xf32>,
        %get3A_535 = vector.shape_cast %get3A_534 : vector<1x16xf32> to vector<16xf32>
        %add3A_536 = arith.addf %get3A_535, %get3A_456 : vector<16xf32>
        %add3A_537 = arith.constant 3 : i32
        %add3A_538 = arith.addi %mul3A_488, %add3A_537 : i32
        %swap3A_539 = arith.index_cast %add3A_538 : i32 to index
        %swap3A_540 = arith.index_cast %mul3A_437 : i32 to index
        %swap3A_541 = tpu.vector_load %arg9[%swap3A_539, %swap3A_540] {strides = array<i32>} : memref<256x128xf32, #tpu.memory_space<vmem>>, vector<1x16xf32>,
        %swap3A_542 = vector.shape_cast %swap3A_541 : vector<1x16xf32> to vector<16xf32>
        %swap3A_543 = vector.shape_cast %add3A_536 : vector<16xf32> to vector<1x16xf32>
        tpu.vector_store %arg9[%swap3A_539, %swap3A_540], %swap3A_543 {strides = array<i32>} : memref<256x128xf32, #tpu.memory_space<vmem>>, vector<1x16xf32>,
        %add3A_544 = arith.constant 4 : i32
        %add3A_545 = arith.addi %mul3A_488, %add3A_544 : i32
        %get3A_546 = arith.index_cast %add3A_545 : i32 to index
        %get3A_547 = arith.index_cast %mul3A_437 : i32 to index
        %get3A_548 = tpu.vector_load %arg9[%get3A_546, %get3A_547] {strides = array<i32>} : memref<256x128xf32, #tpu.memory_space<vmem>>, vector<1x16xf32>,
        %get3A_549 = vector.shape_cast %get3A_548 : vector<1x16xf32> to vector<16xf32>
        %add3A_550 = arith.addf %get3A_549, %get3A_461 : vector<16xf32>
        %add3A_551 = arith.constant 4 : i32
        %add3A_552 = arith.addi %mul3A_488, %add3A_551 : i32
        %swap3A_553 = arith.index_cast %add3A_552 : i32 to index
        %swap3A_554 = arith.index_cast %mul3A_437 : i32 to index
        %swap3A_555 = tpu.vector_load %arg9[%swap3A_553, %swap3A_554] {strides = array<i32>} : memref<256x128xf32, #tpu.memory_space<vmem>>, vector<1x16xf32>,
        %swap3A_556 = vector.shape_cast %swap3A_555 : vector<1x16xf32> to vector<16xf32>
        %swap3A_557 = vector.shape_cast %add3A_550 : vector<16xf32> to vector<1x16xf32>
        tpu.vector_store %arg9[%swap3A_553, %swap3A_554], %swap3A_557 {strides = array<i32>} : memref<256x128xf32, #tpu.memory_space<vmem>>, vector<1x16xf32>,
        %add3A_558 = arith.constant 5 : i32
        %add3A_559 = arith.addi %mul3A_488, %add3A_558 : i32
        %get3A_560 = arith.index_cast %add3A_559 : i32 to index
        %get3A_561 = arith.index_cast %mul3A_437 : i32 to index
        %get3A_562 = tpu.vector_load %arg9[%get3A_560, %get3A_561] {strides = array<i32>} : memref<256x128xf32, #tpu.memory_space<vmem>>, vector<1x16xf32>,
        %get3A_563 = vector.shape_cast %get3A_562 : vector<1x16xf32> to vector<16xf32>
        %add3A_564 = arith.addf %get3A_563, %get3A_466 : vector<16xf32>
        %add3A_565 = arith.constant 5 : i32
        %add3A_566 = arith.addi %mul3A_488, %add3A_565 : i32
        %swap3A_567 = arith.index_cast %add3A_566 : i32 to index
        %swap3A_568 = arith.index_cast %mul3A_437 : i32 to index
        %swap3A_569 = tpu.vector_load %arg9[%swap3A_567, %swap3A_568] {strides = array<i32>} : memref<256x128xf32, #tpu.memory_space<vmem>>, vector<1x16xf32>,
        %swap3A_570 = vector.shape_cast %swap3A_569 : vector<1x16xf32> to vector<16xf32>
        %swap3A_571 = vector.shape_cast %add3A_564 : vector<16xf32> to vector<1x16xf32>
        tpu.vector_store %arg9[%swap3A_567, %swap3A_568], %swap3A_571 {strides = array<i32>} : memref<256x128xf32, #tpu.memory_space<vmem>>, vector<1x16xf32>,
        %add3A_572 = arith.constant 6 : i32
        %add3A_573 = arith.addi %mul3A_488, %add3A_572 : i32
        %get3A_574 = arith.index_cast %add3A_573 : i32 to index
        %get3A_575 = arith.index_cast %mul3A_437 : i32 to index
        %get3A_576 = tpu.vector_load %arg9[%get3A_574, %get3A_575] {strides = array<i32>} : memref<256x128xf32, #tpu.memory_space<vmem>>, vector<1x16xf32>,
        %get3A_577 = vector.shape_cast %get3A_576 : vector<1x16xf32> to vector<16xf32>
        %add3A_578 = arith.addf %get3A_577, %get3A_471 : vector<16xf32>
        %add3A_579 = arith.constant 6 : i32
        %add3A_580 = arith.addi %mul3A_488, %add3A_579 : i32
        %swap3A_581 = arith.index_cast %add3A_580 : i32 to index
        %swap3A_582 = arith.index_cast %mul3A_437 : i32 to index
        %swap3A_583 = tpu.vector_load %arg9[%swap3A_581, %swap3A_582] {strides = array<i32>} : memref<256x128xf32, #tpu.memory_space<vmem>>, vector<1x16xf32>,
        %swap3A_584 = vector.shape_cast %swap3A_583 : vector<1x16xf32> to vector<16xf32>
        %swap3A_585 = vector.shape_cast %add3A_578 : vector<16xf32> to vector<1x16xf32>
        tpu.vector_store %arg9[%swap3A_581, %swap3A_582], %swap3A_585 {strides = array<i32>} : memref<256x128xf32, #tpu.memory_space<vmem>>, vector<1x16xf32>,
        %add3A_586 = arith.constant 7 : i32
        %add3A_587 = arith.addi %mul3A_488, %add3A_586 : i32
        %get3A_588 = arith.index_cast %add3A_587 : i32 to index
        %get3A_589 = arith.index_cast %mul3A_437 : i32 to index
        %get3A_590 = tpu.vector_load %arg9[%get3A_588, %get3A_589] {strides = array<i32>} : memref<256x128xf32, #tpu.memory_space<vmem>>, vector<1x16xf32>,
        %get3A_591 = vector.shape_cast %get3A_590 : vector<1x16xf32> to vector<16xf32>
        %add3A_592 = arith.addf %get3A_591, %get3A_476 : vector<16xf32>
        %add3A_593 = arith.constant 7 : i32
        %add3A_594 = arith.addi %mul3A_488, %add3A_593 : i32
        %swap3A_595 = arith.index_cast %add3A_594 : i32 to index
        %swap3A_596 = arith.index_cast %mul3A_437 : i32 to index
        %swap3A_597 = tpu.vector_load %arg9[%swap3A_595, %swap3A_596] {strides = array<i32>} : memref<256x128xf32, #tpu.memory_space<vmem>>, vector<1x16xf32>,
        %swap3A_598 = vector.shape_cast %swap3A_597 : vector<1x16xf32> to vector<16xf32>
        %swap3A_599 = vector.shape_cast %add3A_592 : vector<16xf32> to vector<1x16xf32>
        tpu.vector_store %arg9[%swap3A_595, %swap3A_596], %swap3A_599 {strides = array<i32>} : memref<256x128xf32, #tpu.memory_space<vmem>>, vector<1x16xf32>,
        %scan3A_600 = arith.constant 0 : i32
        scf.yield %scan3A_600 : i32
      }
      %scan3A_483 = arith.constant 32 : i32
      %scan3A_484 = arith.constant 0 : i32
      scf.yield %scan3A_484 : i32
    }
    %scan3A_50 = arith.constant 8 : i32
    %add3A_51 = arith.constant 256 : i32
    %add3A_52 = arith.addi %mul3A_2, %add3A_51 : i32
    %dma_start3A_53 = arith.constant 0 : i32
    %dma_start3A_54 = tpu.memref_slice %arg5[%add3A_52, %dma_start3A_53] : memref<131072x128xf32, #tpu.memory_space<hbm>> -> memref<256x128xf32, #tpu.memory_space<hbm>>
    %dma_start3A_55 = arith.constant 0 : i32
    %dma_start3A_56 = tpu.memref_slice %arg5[%add3A_52, %dma_start3A_55] : memref<131072x128xf32, #tpu.memory_space<hbm>> -> memref<256x128xf32, #tpu.memory_space<hbm>>
    tpu.enqueue_dma source(%arg9 : memref<256x128xf32, #tpu.memory_space<vmem>>) target(%dma_start3A_56 : memref<256x128xf32, #tpu.memory_space<hbm>>) target_semaphore(%arg14 : memref<!tpu.dma_semaphore, #tpu.memory_space<semaphore_mem>>)
    %dma_wait3A_57 = arith.constant 512 : i32
    %dma_wait3A_58 = tpu.memref_slice %arg7[%dma_wait3A_57] : memref<4096xi32, #tpu.memory_space<vmem>> -> memref<256xi32, #tpu.memory_space<vmem>>
    %dma_wait3A_59 = arith.constant 0 : i32
    %dma_wait3A_60 = arith.constant 0 : i32
    %dma_wait3A_61 = tpu.memref_slice %arg6[%dma_wait3A_59, %dma_wait3A_60] : memref<1000x128xf32, #tpu.memory_space<vmem_shared>> -> memref<1000x128xf32, #tpu.memory_space<vmem_shared>>
    tpu.wait_indirect_dma semaphore(%arg11 : memref<!tpu.dma_semaphore, #tpu.memory_space<semaphore_mem>>) src(%dma_wait3A_61 : memref<1000x128xf32, #tpu.memory_space<vmem_shared>>) dst(%arg8 : memref<256x128xf32, #tpu.memory_space<vmem>>)
    %dma_wait3A_62 = arith.constant 0 : i32
    %dma_wait3A_63 = tpu.memref_slice %arg5[%add3A_52, %dma_wait3A_62] : memref<131072x128xf32, #tpu.memory_space<hbm>> -> memref<256x128xf32, #tpu.memory_space<hbm>>
    %dma_wait3A_64 = arith.constant 0 : i32
    %dma_wait3A_65 = tpu.memref_slice %arg5[%add3A_52, %dma_wait3A_64] : memref<131072x128xf32, #tpu.memory_space<hbm>> -> memref<256x128xf32, #tpu.memory_space<hbm>>
    tpu.wait_dma2 semaphore(%arg14 : memref<!tpu.dma_semaphore, #tpu.memory_space<semaphore_mem>>) src(%arg9 : memref<256x128xf32, #tpu.memory_space<vmem>>) dst(%dma_wait3A_65 : memref<256x128xf32, #tpu.memory_space<hbm>>)
    %dma_start3A_66 = arith.constant 768 : i32
    %dma_start3A_67 = tpu.memref_slice %arg7[%dma_start3A_66] : memref<4096xi32, #tpu.memory_space<vmem>> -> memref<256xi32, #tpu.memory_space<vmem>>
    %dma_start3A_68 = arith.constant 0 : i32
    %dma_start3A_69 = arith.constant 0 : i32
    %dma_start3A_70 = tpu.memref_slice %arg6[%dma_start3A_68, %dma_start3A_69] : memref<1000x128xf32, #tpu.memory_space<vmem_shared>> -> memref<1000x128xf32, #tpu.memory_space<vmem_shared>>
    tpu.enqueue_indirect_dma source(%dma_start3A_70 : memref<1000x128xf32, #tpu.memory_space<vmem_shared>>) target(%arg9 : memref<256x128xf32, #tpu.memory_space<vmem>>) offsets(%dma_start3A_67 : memref<256xi32, #tpu.memory_space<vmem>>) semaphore(%arg12 : memref<!tpu.dma_semaphore, #tpu.memory_space<semaphore_mem>>)
    %scan3A_71 = arith.constant 0 : i32
    %scan3A_72 = arith.constant 0 : i32
    %scan3A_73 = arith.constant 8 : i32
    %scan3A_74 = arith.addi %scan3A_72, %scan3A_73 : i32
    %scan3A_75 = arith.constant 1 : i32
    %scan3A_76 = scf.for %scan3A_434 = %scan3A_72 to %scan3A_74 step %scan3A_75 iter_args(%scan3A_435 = %scan3A_71) -> (i32)  : i32 {
      %mul3A_436 = arith.constant 16 : i32
      %mul3A_437 = arith.muli %scan3A_434, %mul3A_436 : i32
      %get3A = arith.constant 0 : i32
      %get3A_438 = arith.index_cast %get3A : i32 to index
      %get3A_439 = arith.index_cast %mul3A_437 : i32 to index
      %get3A_440 = tpu.vector_load %arg10[%get3A_438, %get3A_439] {strides = array<i32>} : memref<8x128xf32, #tpu.memory_space<vmem>>, vector<1x16xf32>,
      %get3A_441 = vector.shape_cast %get3A_440 : vector<1x16xf32> to vector<16xf32>
      %get3A_442 = arith.constant 1 : i32
      %get3A_443 = arith.index_cast %get3A_442 : i32 to index
      %get3A_444 = arith.index_cast %mul3A_437 : i32 to index
      %get3A_445 = tpu.vector_load %arg10[%get3A_443, %get3A_444] {strides = array<i32>} : memref<8x128xf32, #tpu.memory_space<vmem>>, vector<1x16xf32>,
      %get3A_446 = vector.shape_cast %get3A_445 : vector<1x16xf32> to vector<16xf32>
      %get3A_447 = arith.constant 2 : i32
      %get3A_448 = arith.index_cast %get3A_447 : i32 to index
      %get3A_449 = arith.index_cast %mul3A_437 : i32 to index
      %get3A_450 = tpu.vector_load %arg10[%get3A_448, %get3A_449] {strides = array<i32>} : memref<8x128xf32, #tpu.memory_space<vmem>>, vector<1x16xf32>,
      %get3A_451 = vector.shape_cast %get3A_450 : vector<1x16xf32> to vector<16xf32>
      %get3A_452 = arith.constant 3 : i32
      %get3A_453 = arith.index_cast %get3A_452 : i32 to index
      %get3A_454 = arith.index_cast %mul3A_437 : i32 to index
      %get3A_455 = tpu.vector_load %arg10[%get3A_453, %get3A_454] {strides = array<i32>} : memref<8x128xf32, #tpu.memory_space<vmem>>, vector<1x16xf32>,
      %get3A_456 = vector.shape_cast %get3A_455 : vector<1x16xf32> to vector<16xf32>
      %get3A_457 = arith.constant 4 : i32
      %get3A_458 = arith.index_cast %get3A_457 : i32 to index
      %get3A_459 = arith.index_cast %mul3A_437 : i32 to index
      %get3A_460 = tpu.vector_load %arg10[%get3A_458, %get3A_459] {strides = array<i32>} : memref<8x128xf32, #tpu.memory_space<vmem>>, vector<1x16xf32>,
      %get3A_461 = vector.shape_cast %get3A_460 : vector<1x16xf32> to vector<16xf32>
      %get3A_462 = arith.constant 5 : i32
      %get3A_463 = arith.index_cast %get3A_462 : i32 to index
      %get3A_464 = arith.index_cast %mul3A_437 : i32 to index
      %get3A_465 = tpu.vector_load %arg10[%get3A_463, %get3A_464] {strides = array<i32>} : memref<8x128xf32, #tpu.memory_space<vmem>>, vector<1x16xf32>,
      %get3A_466 = vector.shape_cast %get3A_465 : vector<1x16xf32> to vector<16xf32>
      %get3A_467 = arith.constant 6 : i32
      %get3A_468 = arith.index_cast %get3A_467 : i32 to index
      %get3A_469 = arith.index_cast %mul3A_437 : i32 to index
      %get3A_470 = tpu.vector_load %arg10[%get3A_468, %get3A_469] {strides = array<i32>} : memref<8x128xf32, #tpu.memory_space<vmem>>, vector<1x16xf32>,
      %get3A_471 = vector.shape_cast %get3A_470 : vector<1x16xf32> to vector<16xf32>
      %get3A_472 = arith.constant 7 : i32
      %get3A_473 = arith.index_cast %get3A_472 : i32 to index
      %get3A_474 = arith.index_cast %mul3A_437 : i32 to index
      %get3A_475 = tpu.vector_load %arg10[%get3A_473, %get3A_474] {strides = array<i32>} : memref<8x128xf32, #tpu.memory_space<vmem>>, vector<1x16xf32>,
      %get3A_476 = vector.shape_cast %get3A_475 : vector<1x16xf32> to vector<16xf32>
      %scan3A_477 = arith.constant 0 : i32
      %scan3A_478 = arith.constant 0 : i32
      %scan3A_479 = arith.constant 32 : i32
      %scan3A_480 = arith.addi %scan3A_478, %scan3A_479 : i32
      %scan3A_481 = arith.constant 1 : i32
      %scan3A_482 = scf.for %scan3A_485 = %scan3A_478 to %scan3A_480 step %scan3A_481 iter_args(%scan3A_486 = %scan3A_477) -> (i32)  : i32 {
        %mul3A_487 = arith.constant 8 : i32
        %mul3A_488 = arith.muli %scan3A_485, %mul3A_487 : i32
        %add3A_489 = arith.constant 0 : i32
        %add3A_490 = arith.addi %mul3A_488, %add3A_489 : i32
        %get3A_491 = arith.index_cast %add3A_490 : i32 to index
        %get3A_492 = arith.index_cast %mul3A_437 : i32 to index
        %get3A_493 = tpu.vector_load %arg8[%get3A_491, %get3A_492] {strides = array<i32>} : memref<256x128xf32, #tpu.memory_space<vmem>>, vector<1x16xf32>,
        %get3A_494 = vector.shape_cast %get3A_493 : vector<1x16xf32> to vector<16xf32>
        %add3A_495 = arith.addf %get3A_494, %get3A_441 : vector<16xf32>
        %add3A_496 = arith.constant 0 : i32
        %add3A_497 = arith.addi %mul3A_488, %add3A_496 : i32
        %swap3A = arith.index_cast %add3A_497 : i32 to index
        %swap3A_498 = arith.index_cast %mul3A_437 : i32 to index
        %swap3A_499 = tpu.vector_load %arg8[%swap3A, %swap3A_498] {strides = array<i32>} : memref<256x128xf32, #tpu.memory_space<vmem>>, vector<1x16xf32>,
        %swap3A_500 = vector.shape_cast %swap3A_499 : vector<1x16xf32> to vector<16xf32>
        %swap3A_501 = vector.shape_cast %add3A_495 : vector<16xf32> to vector<1x16xf32>
        tpu.vector_store %arg8[%swap3A, %swap3A_498], %swap3A_501 {strides = array<i32>} : memref<256x128xf32, #tpu.memory_space<vmem>>, vector<1x16xf32>,
        %add3A_502 = arith.constant 1 : i32
        %add3A_503 = arith.addi %mul3A_488, %add3A_502 : i32
        %get3A_504 = arith.index_cast %add3A_503 : i32 to index
        %get3A_505 = arith.index_cast %mul3A_437 : i32 to index
        %get3A_506 = tpu.vector_load %arg8[%get3A_504, %get3A_505] {strides = array<i32>} : memref<256x128xf32, #tpu.memory_space<vmem>>, vector<1x16xf32>,
        %get3A_507 = vector.shape_cast %get3A_506 : vector<1x16xf32> to vector<16xf32>
        %add3A_508 = arith.addf %get3A_507, %get3A_446 : vector<16xf32>
        %add3A_509 = arith.constant 1 : i32
        %add3A_510 = arith.addi %mul3A_488, %add3A_509 : i32
        %swap3A_511 = arith.index_cast %add3A_510 : i32 to index
        %swap3A_512 = arith.index_cast %mul3A_437 : i32 to index
        %swap3A_513 = tpu.vector_load %arg8[%swap3A_511, %swap3A_512] {strides = array<i32>} : memref<256x128xf32, #tpu.memory_space<vmem>>, vector<1x16xf32>,
        %swap3A_514 = vector.shape_cast %swap3A_513 : vector<1x16xf32> to vector<16xf32>
        %swap3A_515 = vector.shape_cast %add3A_508 : vector<16xf32> to vector<1x16xf32>
        tpu.vector_store %arg8[%swap3A_511, %swap3A_512], %swap3A_515 {strides = array<i32>} : memref<256x128xf32, #tpu.memory_space<vmem>>, vector<1x16xf32>,
        %add3A_516 = arith.constant 2 : i32
        %add3A_517 = arith.addi %mul3A_488, %add3A_516 : i32
        %get3A_518 = arith.index_cast %add3A_517 : i32 to index
        %get3A_519 = arith.index_cast %mul3A_437 : i32 to index
        %get3A_520 = tpu.vector_load %arg8[%get3A_518, %get3A_519] {strides = array<i32>} : memref<256x128xf32, #tpu.memory_space<vmem>>, vector<1x16xf32>,
        %get3A_521 = vector.shape_cast %get3A_520 : vector<1x16xf32> to vector<16xf32>
        %add3A_522 = arith.addf %get3A_521, %get3A_451 : vector<16xf32>
        %add3A_523 = arith.constant 2 : i32
        %add3A_524 = arith.addi %mul3A_488, %add3A_523 : i32
        %swap3A_525 = arith.index_cast %add3A_524 : i32 to index
        %swap3A_526 = arith.index_cast %mul3A_437 : i32 to index
        %swap3A_527 = tpu.vector_load %arg8[%swap3A_525, %swap3A_526] {strides = array<i32>} : memref<256x128xf32, #tpu.memory_space<vmem>>, vector<1x16xf32>,
        %swap3A_528 = vector.shape_cast %swap3A_527 : vector<1x16xf32> to vector<16xf32>
        %swap3A_529 = vector.shape_cast %add3A_522 : vector<16xf32> to vector<1x16xf32>
        tpu.vector_store %arg8[%swap3A_525, %swap3A_526], %swap3A_529 {strides = array<i32>} : memref<256x128xf32, #tpu.memory_space<vmem>>, vector<1x16xf32>,
        %add3A_530 = arith.constant 3 : i32
        %add3A_531 = arith.addi %mul3A_488, %add3A_530 : i32
        %get3A_532 = arith.index_cast %add3A_531 : i32 to index
        %get3A_533 = arith.index_cast %mul3A_437 : i32 to index
        %get3A_534 = tpu.vector_load %arg8[%get3A_532, %get3A_533] {strides = array<i32>} : memref<256x128xf32, #tpu.memory_space<vmem>>, vector<1x16xf32>,
        %get3A_535 = vector.shape_cast %get3A_534 : vector<1x16xf32> to vector<16xf32>
        %add3A_536 = arith.addf %get3A_535, %get3A_456 : vector<16xf32>
        %add3A_537 = arith.constant 3 : i32
        %add3A_538 = arith.addi %mul3A_488, %add3A_537 : i32
        %swap3A_539 = arith.index_cast %add3A_538 : i32 to index
        %swap3A_540 = arith.index_cast %mul3A_437 : i32 to index
        %swap3A_541 = tpu.vector_load %arg8[%swap3A_539, %swap3A_540] {strides = array<i32>} : memref<256x128xf32, #tpu.memory_space<vmem>>, vector<1x16xf32>,
        %swap3A_542 = vector.shape_cast %swap3A_541 : vector<1x16xf32> to vector<16xf32>
        %swap3A_543 = vector.shape_cast %add3A_536 : vector<16xf32> to vector<1x16xf32>
        tpu.vector_store %arg8[%swap3A_539, %swap3A_540], %swap3A_543 {strides = array<i32>} : memref<256x128xf32, #tpu.memory_space<vmem>>, vector<1x16xf32>,
        %add3A_544 = arith.constant 4 : i32
        %add3A_545 = arith.addi %mul3A_488, %add3A_544 : i32
        %get3A_546 = arith.index_cast %add3A_545 : i32 to index
        %get3A_547 = arith.index_cast %mul3A_437 : i32 to index
        %get3A_548 = tpu.vector_load %arg8[%get3A_546, %get3A_547] {strides = array<i32>} : memref<256x128xf32, #tpu.memory_space<vmem>>, vector<1x16xf32>,
        %get3A_549 = vector.shape_cast %get3A_548 : vector<1x16xf32> to vector<16xf32>
        %add3A_550 = arith.addf %get3A_549, %get3A_461 : vector<16xf32>
        %add3A_551 = arith.constant 4 : i32
        %add3A_552 = arith.addi %mul3A_488, %add3A_551 : i32
        %swap3A_553 = arith.index_cast %add3A_552 : i32 to index
        %swap3A_554 = arith.index_cast %mul3A_437 : i32 to index
        %swap3A_555 = tpu.vector_load %arg8[%swap3A_553, %swap3A_554] {strides = array<i32>} : memref<256x128xf32, #tpu.memory_space<vmem>>, vector<1x16xf32>,
        %swap3A_556 = vector.shape_cast %swap3A_555 : vector<1x16xf32> to vector<16xf32>
        %swap3A_557 = vector.shape_cast %add3A_550 : vector<16xf32> to vector<1x16xf32>
        tpu.vector_store %arg8[%swap3A_553, %swap3A_554], %swap3A_557 {strides = array<i32>} : memref<256x128xf32, #tpu.memory_space<vmem>>, vector<1x16xf32>,
        %add3A_558 = arith.constant 5 : i32
        %add3A_559 = arith.addi %mul3A_488, %add3A_558 : i32
        %get3A_560 = arith.index_cast %add3A_559 : i32 to index
        %get3A_561 = arith.index_cast %mul3A_437 : i32 to index
        %get3A_562 = tpu.vector_load %arg8[%get3A_560, %get3A_561] {strides = array<i32>} : memref<256x128xf32, #tpu.memory_space<vmem>>, vector<1x16xf32>,
        %get3A_563 = vector.shape_cast %get3A_562 : vector<1x16xf32> to vector<16xf32>
        %add3A_564 = arith.addf %get3A_563, %get3A_466 : vector<16xf32>
        %add3A_565 = arith.constant 5 : i32
        %add3A_566 = arith.addi %mul3A_488, %add3A_565 : i32
        %swap3A_567 = arith.index_cast %add3A_566 : i32 to index
        %swap3A_568 = arith.index_cast %mul3A_437 : i32 to index
        %swap3A_569 = tpu.vector_load %arg8[%swap3A_567, %swap3A_568] {strides = array<i32>} : memref<256x128xf32, #tpu.memory_space<vmem>>, vector<1x16xf32>,
        %swap3A_570 = vector.shape_cast %swap3A_569 : vector<1x16xf32> to vector<16xf32>
        %swap3A_571 = vector.shape_cast %add3A_564 : vector<16xf32> to vector<1x16xf32>
        tpu.vector_store %arg8[%swap3A_567, %swap3A_568], %swap3A_571 {strides = array<i32>} : memref<256x128xf32, #tpu.memory_space<vmem>>, vector<1x16xf32>,
        %add3A_572 = arith.constant 6 : i32
        %add3A_573 = arith.addi %mul3A_488, %add3A_572 : i32
        %get3A_574 = arith.index_cast %add3A_573 : i32 to index
        %get3A_575 = arith.index_cast %mul3A_437 : i32 to index
        %get3A_576 = tpu.vector_load %arg8[%get3A_574, %get3A_575] {strides = array<i32>} : memref<256x128xf32, #tpu.memory_space<vmem>>, vector<1x16xf32>,
        %get3A_577 = vector.shape_cast %get3A_576 : vector<1x16xf32> to vector<16xf32>
        %add3A_578 = arith.addf %get3A_577, %get3A_471 : vector<16xf32>
        %add3A_579 = arith.constant 6 : i32
        %add3A_580 = arith.addi %mul3A_488, %add3A_579 : i32
        %swap3A_581 = arith.index_cast %add3A_580 : i32 to index
        %swap3A_582 = arith.index_cast %mul3A_437 : i32 to index
        %swap3A_583 = tpu.vector_load %arg8[%swap3A_581, %swap3A_582] {strides = array<i32>} : memref<256x128xf32, #tpu.memory_space<vmem>>, vector<1x16xf32>,
        %swap3A_584 = vector.shape_cast %swap3A_583 : vector<1x16xf32> to vector<16xf32>
        %swap3A_585 = vector.shape_cast %add3A_578 : vector<16xf32> to vector<1x16xf32>
        tpu.vector_store %arg8[%swap3A_581, %swap3A_582], %swap3A_585 {strides = array<i32>} : memref<256x128xf32, #tpu.memory_space<vmem>>, vector<1x16xf32>,
        %add3A_586 = arith.constant 7 : i32
        %add3A_587 = arith.addi %mul3A_488, %add3A_586 : i32
        %get3A_588 = arith.index_cast %add3A_587 : i32 to index
        %get3A_589 = arith.index_cast %mul3A_437 : i32 to index
        %get3A_590 = tpu.vector_load %arg8[%get3A_588, %get3A_589] {strides = array<i32>} : memref<256x128xf32, #tpu.memory_space<vmem>>, vector<1x16xf32>,
        %get3A_591 = vector.shape_cast %get3A_590 : vector<1x16xf32> to vector<16xf32>
        %add3A_592 = arith.addf %get3A_591, %get3A_476 : vector<16xf32>
        %add3A_593 = arith.constant 7 : i32
        %add3A_594 = arith.addi %mul3A_488, %add3A_593 : i32
        %swap3A_595 = arith.index_cast %add3A_594 : i32 to index
        %swap3A_596 = arith.index_cast %mul3A_437 : i32 to index
        %swap3A_597 = tpu.vector_load %arg8[%swap3A_595, %swap3A_596] {strides = array<i32>} : memref<256x128xf32, #tpu.memory_space<vmem>>, vector<1x16xf32>,
        %swap3A_598 = vector.shape_cast %swap3A_597 : vector<1x16xf32> to vector<16xf32>
        %swap3A_599 = vector.shape_cast %add3A_592 : vector<16xf32> to vector<1x16xf32>
        tpu.vector_store %arg8[%swap3A_595, %swap3A_596], %swap3A_599 {strides = array<i32>} : memref<256x128xf32, #tpu.memory_space<vmem>>, vector<1x16xf32>,
        %scan3A_600 = arith.constant 0 : i32
        scf.yield %scan3A_600 : i32
      }
      %scan3A_483 = arith.constant 32 : i32
      %scan3A_484 = arith.constant 0 : i32
      scf.yield %scan3A_484 : i32
    }
    %scan3A_77 = arith.constant 8 : i32
    %add3A_78 = arith.constant 512 : i32
    %add3A_79 = arith.addi %mul3A_2, %add3A_78 : i32
    %dma_start3A_80 = arith.constant 0 : i32
    %dma_start3A_81 = tpu.memref_slice %arg5[%add3A_79, %dma_start3A_80] : memref<131072x128xf32, #tpu.memory_space<hbm>> -> memref<256x128xf32, #tpu.memory_space<hbm>>
    %dma_start3A_82 = arith.constant 0 : i32
    %dma_start3A_83 = tpu.memref_slice %arg5[%add3A_79, %dma_start3A_82] : memref<131072x128xf32, #tpu.memory_space<hbm>> -> memref<256x128xf32, #tpu.memory_space<hbm>>
    tpu.enqueue_dma source(%arg8 : memref<256x128xf32, #tpu.memory_space<vmem>>) target(%dma_start3A_83 : memref<256x128xf32, #tpu.memory_space<hbm>>) target_semaphore(%arg13 : memref<!tpu.dma_semaphore, #tpu.memory_space<semaphore_mem>>)
    %dma_wait3A_84 = arith.constant 768 : i32
    %dma_wait3A_85 = tpu.memref_slice %arg7[%dma_wait3A_84] : memref<4096xi32, #tpu.memory_space<vmem>> -> memref<256xi32, #tpu.memory_space<vmem>>
    %dma_wait3A_86 = arith.constant 0 : i32
    %dma_wait3A_87 = arith.constant 0 : i32
    %dma_wait3A_88 = tpu.memref_slice %arg6[%dma_wait3A_86, %dma_wait3A_87] : memref<1000x128xf32, #tpu.memory_space<vmem_shared>> -> memref<1000x128xf32, #tpu.memory_space<vmem_shared>>
    tpu.wait_indirect_dma semaphore(%arg12 : memref<!tpu.dma_semaphore, #tpu.memory_space<semaphore_mem>>) src(%dma_wait3A_88 : memref<1000x128xf32, #tpu.memory_space<vmem_shared>>) dst(%arg9 : memref<256x128xf32, #tpu.memory_space<vmem>>)
    %dma_wait3A_89 = arith.constant 0 : i32
    %dma_wait3A_90 = tpu.memref_slice %arg5[%add3A_79, %dma_wait3A_89] : memref<131072x128xf32, #tpu.memory_space<hbm>> -> memref<256x128xf32, #tpu.memory_space<hbm>>
    %dma_wait3A_91 = arith.constant 0 : i32
    %dma_wait3A_92 = tpu.memref_slice %arg5[%add3A_79, %dma_wait3A_91] : memref<131072x128xf32, #tpu.memory_space<hbm>> -> memref<256x128xf32, #tpu.memory_space<hbm>>
    tpu.wait_dma2 semaphore(%arg13 : memref<!tpu.dma_semaphore, #tpu.memory_space<semaphore_mem>>) src(%arg8 : memref<256x128xf32, #tpu.memory_space<vmem>>) dst(%dma_wait3A_92 : memref<256x128xf32, #tpu.memory_space<hbm>>)
    %dma_start3A_93 = arith.constant 1024 : i32
    %dma_start3A_94 = tpu.memref_slice %arg7[%dma_start3A_93] : memref<4096xi32, #tpu.memory_space<vmem>> -> memref<256xi32, #tpu.memory_space<vmem>>
    %dma_start3A_95 = arith.constant 0 : i32
    %dma_start3A_96 = arith.constant 0 : i32
    %dma_start3A_97 = tpu.memref_slice %arg6[%dma_start3A_95, %dma_start3A_96] : memref<1000x128xf32, #tpu.memory_space<vmem_shared>> -> memref<1000x128xf32, #tpu.memory_space<vmem_shared>>
    tpu.enqueue_indirect_dma source(%dma_start3A_97 : memref<1000x128xf32, #tpu.memory_space<vmem_shared>>) target(%arg8 : memref<256x128xf32, #tpu.memory_space<vmem>>) offsets(%dma_start3A_94 : memref<256xi32, #tpu.memory_space<vmem>>) semaphore(%arg11 : memref<!tpu.dma_semaphore, #tpu.memory_space<semaphore_mem>>)
    %scan3A_98 = arith.constant 0 : i32
    %scan3A_99 = arith.constant 0 : i32
    %scan3A_100 = arith.constant 8 : i32
    %scan3A_101 = arith.addi %scan3A_99, %scan3A_100 : i32
    %scan3A_102 = arith.constant 1 : i32
    %scan3A_103 = scf.for %scan3A_434 = %scan3A_99 to %scan3A_101 step %scan3A_102 iter_args(%scan3A_435 = %scan3A_98) -> (i32)  : i32 {
      %mul3A_436 = arith.constant 16 : i32
      %mul3A_437 = arith.muli %scan3A_434, %mul3A_436 : i32
      %get3A = arith.constant 0 : i32
      %get3A_438 = arith.index_cast %get3A : i32 to index
      %get3A_439 = arith.index_cast %mul3A_437 : i32 to index
      %get3A_440 = tpu.vector_load %arg10[%get3A_438, %get3A_439] {strides = array<i32>} : memref<8x128xf32, #tpu.memory_space<vmem>>, vector<1x16xf32>,
      %get3A_441 = vector.shape_cast %get3A_440 : vector<1x16xf32> to vector<16xf32>
      %get3A_442 = arith.constant 1 : i32
      %get3A_443 = arith.index_cast %get3A_442 : i32 to index
      %get3A_444 = arith.index_cast %mul3A_437 : i32 to index
      %get3A_445 = tpu.vector_load %arg10[%get3A_443, %get3A_444] {strides = array<i32>} : memref<8x128xf32, #tpu.memory_space<vmem>>, vector<1x16xf32>,
      %get3A_446 = vector.shape_cast %get3A_445 : vector<1x16xf32> to vector<16xf32>
      %get3A_447 = arith.constant 2 : i32
      %get3A_448 = arith.index_cast %get3A_447 : i32 to index
      %get3A_449 = arith.index_cast %mul3A_437 : i32 to index
      %get3A_450 = tpu.vector_load %arg10[%get3A_448, %get3A_449] {strides = array<i32>} : memref<8x128xf32, #tpu.memory_space<vmem>>, vector<1x16xf32>,
      %get3A_451 = vector.shape_cast %get3A_450 : vector<1x16xf32> to vector<16xf32>
      %get3A_452 = arith.constant 3 : i32
      %get3A_453 = arith.index_cast %get3A_452 : i32 to index
      %get3A_454 = arith.index_cast %mul3A_437 : i32 to index
      %get3A_455 = tpu.vector_load %arg10[%get3A_453, %get3A_454] {strides = array<i32>} : memref<8x128xf32, #tpu.memory_space<vmem>>, vector<1x16xf32>,
      %get3A_456 = vector.shape_cast %get3A_455 : vector<1x16xf32> to vector<16xf32>
      %get3A_457 = arith.constant 4 : i32
      %get3A_458 = arith.index_cast %get3A_457 : i32 to index
      %get3A_459 = arith.index_cast %mul3A_437 : i32 to index
      %get3A_460 = tpu.vector_load %arg10[%get3A_458, %get3A_459] {strides = array<i32>} : memref<8x128xf32, #tpu.memory_space<vmem>>, vector<1x16xf32>,
      %get3A_461 = vector.shape_cast %get3A_460 : vector<1x16xf32> to vector<16xf32>
      %get3A_462 = arith.constant 5 : i32
      %get3A_463 = arith.index_cast %get3A_462 : i32 to index
      %get3A_464 = arith.index_cast %mul3A_437 : i32 to index
      %get3A_465 = tpu.vector_load %arg10[%get3A_463, %get3A_464] {strides = array<i32>} : memref<8x128xf32, #tpu.memory_space<vmem>>, vector<1x16xf32>,
      %get3A_466 = vector.shape_cast %get3A_465 : vector<1x16xf32> to vector<16xf32>
      %get3A_467 = arith.constant 6 : i32
      %get3A_468 = arith.index_cast %get3A_467 : i32 to index
      %get3A_469 = arith.index_cast %mul3A_437 : i32 to index
      %get3A_470 = tpu.vector_load %arg10[%get3A_468, %get3A_469] {strides = array<i32>} : memref<8x128xf32, #tpu.memory_space<vmem>>, vector<1x16xf32>,
      %get3A_471 = vector.shape_cast %get3A_470 : vector<1x16xf32> to vector<16xf32>
      %get3A_472 = arith.constant 7 : i32
      %get3A_473 = arith.index_cast %get3A_472 : i32 to index
      %get3A_474 = arith.index_cast %mul3A_437 : i32 to index
      %get3A_475 = tpu.vector_load %arg10[%get3A_473, %get3A_474] {strides = array<i32>} : memref<8x128xf32, #tpu.memory_space<vmem>>, vector<1x16xf32>,
      %get3A_476 = vector.shape_cast %get3A_475 : vector<1x16xf32> to vector<16xf32>
      %scan3A_477 = arith.constant 0 : i32
      %scan3A_478 = arith.constant 0 : i32
      %scan3A_479 = arith.constant 32 : i32
      %scan3A_480 = arith.addi %scan3A_478, %scan3A_479 : i32
      %scan3A_481 = arith.constant 1 : i32
      %scan3A_482 = scf.for %scan3A_485 = %scan3A_478 to %scan3A_480 step %scan3A_481 iter_args(%scan3A_486 = %scan3A_477) -> (i32)  : i32 {
        %mul3A_487 = arith.constant 8 : i32
        %mul3A_488 = arith.muli %scan3A_485, %mul3A_487 : i32
        %add3A_489 = arith.constant 0 : i32
        %add3A_490 = arith.addi %mul3A_488, %add3A_489 : i32
        %get3A_491 = arith.index_cast %add3A_490 : i32 to index
        %get3A_492 = arith.index_cast %mul3A_437 : i32 to index
        %get3A_493 = tpu.vector_load %arg9[%get3A_491, %get3A_492] {strides = array<i32>} : memref<256x128xf32, #tpu.memory_space<vmem>>, vector<1x16xf32>,
        %get3A_494 = vector.shape_cast %get3A_493 : vector<1x16xf32> to vector<16xf32>
        %add3A_495 = arith.addf %get3A_494, %get3A_441 : vector<16xf32>
        %add3A_496 = arith.constant 0 : i32
        %add3A_497 = arith.addi %mul3A_488, %add3A_496 : i32
        %swap3A = arith.index_cast %add3A_497 : i32 to index
        %swap3A_498 = arith.index_cast %mul3A_437 : i32 to index
        %swap3A_499 = tpu.vector_load %arg9[%swap3A, %swap3A_498] {strides = array<i32>} : memref<256x128xf32, #tpu.memory_space<vmem>>, vector<1x16xf32>,
        %swap3A_500 = vector.shape_cast %swap3A_499 : vector<1x16xf32> to vector<16xf32>
        %swap3A_501 = vector.shape_cast %add3A_495 : vector<16xf32> to vector<1x16xf32>
        tpu.vector_store %arg9[%swap3A, %swap3A_498], %swap3A_501 {strides = array<i32>} : memref<256x128xf32, #tpu.memory_space<vmem>>, vector<1x16xf32>,
        %add3A_502 = arith.constant 1 : i32
        %add3A_503 = arith.addi %mul3A_488, %add3A_502 : i32
        %get3A_504 = arith.index_cast %add3A_503 : i32 to index
        %get3A_505 = arith.index_cast %mul3A_437 : i32 to index
        %get3A_506 = tpu.vector_load %arg9[%get3A_504, %get3A_505] {strides = array<i32>} : memref<256x128xf32, #tpu.memory_space<vmem>>, vector<1x16xf32>,
        %get3A_507 = vector.shape_cast %get3A_506 : vector<1x16xf32> to vector<16xf32>
        %add3A_508 = arith.addf %get3A_507, %get3A_446 : vector<16xf32>
        %add3A_509 = arith.constant 1 : i32
        %add3A_510 = arith.addi %mul3A_488, %add3A_509 : i32
        %swap3A_511 = arith.index_cast %add3A_510 : i32 to index
        %swap3A_512 = arith.index_cast %mul3A_437 : i32 to index
        %swap3A_513 = tpu.vector_load %arg9[%swap3A_511, %swap3A_512] {strides = array<i32>} : memref<256x128xf32, #tpu.memory_space<vmem>>, vector<1x16xf32>,
        %swap3A_514 = vector.shape_cast %swap3A_513 : vector<1x16xf32> to vector<16xf32>
        %swap3A_515 = vector.shape_cast %add3A_508 : vector<16xf32> to vector<1x16xf32>
        tpu.vector_store %arg9[%swap3A_511, %swap3A_512], %swap3A_515 {strides = array<i32>} : memref<256x128xf32, #tpu.memory_space<vmem>>, vector<1x16xf32>,
        %add3A_516 = arith.constant 2 : i32
        %add3A_517 = arith.addi %mul3A_488, %add3A_516 : i32
        %get3A_518 = arith.index_cast %add3A_517 : i32 to index
        %get3A_519 = arith.index_cast %mul3A_437 : i32 to index
        %get3A_520 = tpu.vector_load %arg9[%get3A_518, %get3A_519] {strides = array<i32>} : memref<256x128xf32, #tpu.memory_space<vmem>>, vector<1x16xf32>,
        %get3A_521 = vector.shape_cast %get3A_520 : vector<1x16xf32> to vector<16xf32>
        %add3A_522 = arith.addf %get3A_521, %get3A_451 : vector<16xf32>
        %add3A_523 = arith.constant 2 : i32
        %add3A_524 = arith.addi %mul3A_488, %add3A_523 : i32
        %swap3A_525 = arith.index_cast %add3A_524 : i32 to index
        %swap3A_526 = arith.index_cast %mul3A_437 : i32 to index
        %swap3A_527 = tpu.vector_load %arg9[%swap3A_525, %swap3A_526] {strides = array<i32>} : memref<256x128xf32, #tpu.memory_space<vmem>>, vector<1x16xf32>,
        %swap3A_528 = vector.shape_cast %swap3A_527 : vector<1x16xf32> to vector<16xf32>
        %swap3A_529 = vector.shape_cast %add3A_522 : vector<16xf32> to vector<1x16xf32>
        tpu.vector_store %arg9[%swap3A_525, %swap3A_526], %swap3A_529 {strides = array<i32>} : memref<256x128xf32, #tpu.memory_space<vmem>>, vector<1x16xf32>,
        %add3A_530 = arith.constant 3 : i32
        %add3A_531 = arith.addi %mul3A_488, %add3A_530 : i32
        %get3A_532 = arith.index_cast %add3A_531 : i32 to index
        %get3A_533 = arith.index_cast %mul3A_437 : i32 to index
        %get3A_534 = tpu.vector_load %arg9[%get3A_532, %get3A_533] {strides = array<i32>} : memref<256x128xf32, #tpu.memory_space<vmem>>, vector<1x16xf32>,
        %get3A_535 = vector.shape_cast %get3A_534 : vector<1x16xf32> to vector<16xf32>
        %add3A_536 = arith.addf %get3A_535, %get3A_456 : vector<16xf32>
        %add3A_537 = arith.constant 3 : i32
        %add3A_538 = arith.addi %mul3A_488, %add3A_537 : i32
        %swap3A_539 = arith.index_cast %add3A_538 : i32 to index
        %swap3A_540 = arith.index_cast %mul3A_437 : i32 to index
        %swap3A_541 = tpu.vector_load %arg9[%swap3A_539, %swap3A_540] {strides = array<i32>} : memref<256x128xf32, #tpu.memory_space<vmem>>, vector<1x16xf32>,
        %swap3A_542 = vector.shape_cast %swap3A_541 : vector<1x16xf32> to vector<16xf32>
        %swap3A_543 = vector.shape_cast %add3A_536 : vector<16xf32> to vector<1x16xf32>
        tpu.vector_store %arg9[%swap3A_539, %swap3A_540], %swap3A_543 {strides = array<i32>} : memref<256x128xf32, #tpu.memory_space<vmem>>, vector<1x16xf32>,
        %add3A_544 = arith.constant 4 : i32
        %add3A_545 = arith.addi %mul3A_488, %add3A_544 : i32
        %get3A_546 = arith.index_cast %add3A_545 : i32 to index
        %get3A_547 = arith.index_cast %mul3A_437 : i32 to index
        %get3A_548 = tpu.vector_load %arg9[%get3A_546, %get3A_547] {strides = array<i32>} : memref<256x128xf32, #tpu.memory_space<vmem>>, vector<1x16xf32>,
        %get3A_549 = vector.shape_cast %get3A_548 : vector<1x16xf32> to vector<16xf32>
        %add3A_550 = arith.addf %get3A_549, %get3A_461 : vector<16xf32>
        %add3A_551 = arith.constant 4 : i32
        %add3A_552 = arith.addi %mul3A_488, %add3A_551 : i32
        %swap3A_553 = arith.index_cast %add3A_552 : i32 to index
        %swap3A_554 = arith.index_cast %mul3A_437 : i32 to index
        %swap3A_555 = tpu.vector_load %arg9[%swap3A_553, %swap3A_554] {strides = array<i32>} : memref<256x128xf32, #tpu.memory_space<vmem>>, vector<1x16xf32>,
        %swap3A_556 = vector.shape_cast %swap3A_555 : vector<1x16xf32> to vector<16xf32>
        %swap3A_557 = vector.shape_cast %add3A_550 : vector<16xf32> to vector<1x16xf32>
        tpu.vector_store %arg9[%swap3A_553, %swap3A_554], %swap3A_557 {strides = array<i32>} : memref<256x128xf32, #tpu.memory_space<vmem>>, vector<1x16xf32>,
        %add3A_558 = arith.constant 5 : i32
        %add3A_559 = arith.addi %mul3A_488, %add3A_558 : i32
        %get3A_560 = arith.index_cast %add3A_559 : i32 to index
        %get3A_561 = arith.index_cast %mul3A_437 : i32 to index
        %get3A_562 = tpu.vector_load %arg9[%get3A_560, %get3A_561] {strides = array<i32>} : memref<256x128xf32, #tpu.memory_space<vmem>>, vector<1x16xf32>,
        %get3A_563 = vector.shape_cast %get3A_562 : vector<1x16xf32> to vector<16xf32>
        %add3A_564 = arith.addf %get3A_563, %get3A_466 : vector<16xf32>
        %add3A_565 = arith.constant 5 : i32
        %add3A_566 = arith.addi %mul3A_488, %add3A_565 : i32
        %swap3A_567 = arith.index_cast %add3A_566 : i32 to index
        %swap3A_568 = arith.index_cast %mul3A_437 : i32 to index
        %swap3A_569 = tpu.vector_load %arg9[%swap3A_567, %swap3A_568] {strides = array<i32>} : memref<256x128xf32, #tpu.memory_space<vmem>>, vector<1x16xf32>,
        %swap3A_570 = vector.shape_cast %swap3A_569 : vector<1x16xf32> to vector<16xf32>
        %swap3A_571 = vector.shape_cast %add3A_564 : vector<16xf32> to vector<1x16xf32>
        tpu.vector_store %arg9[%swap3A_567, %swap3A_568], %swap3A_571 {strides = array<i32>} : memref<256x128xf32, #tpu.memory_space<vmem>>, vector<1x16xf32>,
        %add3A_572 = arith.constant 6 : i32
        %add3A_573 = arith.addi %mul3A_488, %add3A_572 : i32
        %get3A_574 = arith.index_cast %add3A_573 : i32 to index
        %get3A_575 = arith.index_cast %mul3A_437 : i32 to index
        %get3A_576 = tpu.vector_load %arg9[%get3A_574, %get3A_575] {strides = array<i32>} : memref<256x128xf32, #tpu.memory_space<vmem>>, vector<1x16xf32>,
        %get3A_577 = vector.shape_cast %get3A_576 : vector<1x16xf32> to vector<16xf32>
        %add3A_578 = arith.addf %get3A_577, %get3A_471 : vector<16xf32>
        %add3A_579 = arith.constant 6 : i32
        %add3A_580 = arith.addi %mul3A_488, %add3A_579 : i32
        %swap3A_581 = arith.index_cast %add3A_580 : i32 to index
        %swap3A_582 = arith.index_cast %mul3A_437 : i32 to index
        %swap3A_583 = tpu.vector_load %arg9[%swap3A_581, %swap3A_582] {strides = array<i32>} : memref<256x128xf32, #tpu.memory_space<vmem>>, vector<1x16xf32>,
        %swap3A_584 = vector.shape_cast %swap3A_583 : vector<1x16xf32> to vector<16xf32>
        %swap3A_585 = vector.shape_cast %add3A_578 : vector<16xf32> to vector<1x16xf32>
        tpu.vector_store %arg9[%swap3A_581, %swap3A_582], %swap3A_585 {strides = array<i32>} : memref<256x128xf32, #tpu.memory_space<vmem>>, vector<1x16xf32>,
        %add3A_586 = arith.constant 7 : i32
        %add3A_587 = arith.addi %mul3A_488, %add3A_586 : i32
        %get3A_588 = arith.index_cast %add3A_587 : i32 to index
        %get3A_589 = arith.index_cast %mul3A_437 : i32 to index
        %get3A_590 = tpu.vector_load %arg9[%get3A_588, %get3A_589] {strides = array<i32>} : memref<256x128xf32, #tpu.memory_space<vmem>>, vector<1x16xf32>,
        %get3A_591 = vector.shape_cast %get3A_590 : vector<1x16xf32> to vector<16xf32>
        %add3A_592 = arith.addf %get3A_591, %get3A_476 : vector<16xf32>
        %add3A_593 = arith.constant 7 : i32
        %add3A_594 = arith.addi %mul3A_488, %add3A_593 : i32
        %swap3A_595 = arith.index_cast %add3A_594 : i32 to index
        %swap3A_596 = arith.index_cast %mul3A_437 : i32 to index
        %swap3A_597 = tpu.vector_load %arg9[%swap3A_595, %swap3A_596] {strides = array<i32>} : memref<256x128xf32, #tpu.memory_space<vmem>>, vector<1x16xf32>,
        %swap3A_598 = vector.shape_cast %swap3A_597 : vector<1x16xf32> to vector<16xf32>
        %swap3A_599 = vector.shape_cast %add3A_592 : vector<16xf32> to vector<1x16xf32>
        tpu.vector_store %arg9[%swap3A_595, %swap3A_596], %swap3A_599 {strides = array<i32>} : memref<256x128xf32, #tpu.memory_space<vmem>>, vector<1x16xf32>,
        %scan3A_600 = arith.constant 0 : i32
        scf.yield %scan3A_600 : i32
      }
      %scan3A_483 = arith.constant 32 : i32
      %scan3A_484 = arith.constant 0 : i32
      scf.yield %scan3A_484 : i32
    }
    %scan3A_104 = arith.constant 8 : i32
    %add3A_105 = arith.constant 768 : i32
    %add3A_106 = arith.addi %mul3A_2, %add3A_105 : i32
    %dma_start3A_107 = arith.constant 0 : i32
    %dma_start3A_108 = tpu.memref_slice %arg5[%add3A_106, %dma_start3A_107] : memref<131072x128xf32, #tpu.memory_space<hbm>> -> memref<256x128xf32, #tpu.memory_space<hbm>>
    %dma_start3A_109 = arith.constant 0 : i32
    %dma_start3A_110 = tpu.memref_slice %arg5[%add3A_106, %dma_start3A_109] : memref<131072x128xf32, #tpu.memory_space<hbm>> -> memref<256x128xf32, #tpu.memory_space<hbm>>
    tpu.enqueue_dma source(%arg9 : memref<256x128xf32, #tpu.memory_space<vmem>>) target(%dma_start3A_110 : memref<256x128xf32, #tpu.memory_space<hbm>>) target_semaphore(%arg14 : memref<!tpu.dma_semaphore, #tpu.memory_space<semaphore_mem>>)
    %dma_wait3A_111 = arith.constant 1024 : i32
    %dma_wait3A_112 = tpu.memref_slice %arg7[%dma_wait3A_111] : memref<4096xi32, #tpu.memory_space<vmem>> -> memref<256xi32, #tpu.memory_space<vmem>>
    %dma_wait3A_113 = arith.constant 0 : i32
    %dma_wait3A_114 = arith.constant 0 : i32
    %dma_wait3A_115 = tpu.memref_slice %arg6[%dma_wait3A_113, %dma_wait3A_114] : memref<1000x128xf32, #tpu.memory_space<vmem_shared>> -> memref<1000x128xf32, #tpu.memory_space<vmem_shared>>
    tpu.wait_indirect_dma semaphore(%arg11 : memref<!tpu.dma_semaphore, #tpu.memory_space<semaphore_mem>>) src(%dma_wait3A_115 : memref<1000x128xf32, #tpu.memory_space<vmem_shared>>) dst(%arg8 : memref<256x128xf32, #tpu.memory_space<vmem>>)
    %dma_wait3A_116 = arith.constant 0 : i32
    %dma_wait3A_117 = tpu.memref_slice %arg5[%add3A_106, %dma_wait3A_116] : memref<131072x128xf32, #tpu.memory_space<hbm>> -> memref<256x128xf32, #tpu.memory_space<hbm>>
    %dma_wait3A_118 = arith.constant 0 : i32
    %dma_wait3A_119 = tpu.memref_slice %arg5[%add3A_106, %dma_wait3A_118] : memref<131072x128xf32, #tpu.memory_space<hbm>> -> memref<256x128xf32, #tpu.memory_space<hbm>>
    tpu.wait_dma2 semaphore(%arg14 : memref<!tpu.dma_semaphore, #tpu.memory_space<semaphore_mem>>) src(%arg9 : memref<256x128xf32, #tpu.memory_space<vmem>>) dst(%dma_wait3A_119 : memref<256x128xf32, #tpu.memory_space<hbm>>)
    %dma_start3A_120 = arith.constant 1280 : i32
    %dma_start3A_121 = tpu.memref_slice %arg7[%dma_start3A_120] : memref<4096xi32, #tpu.memory_space<vmem>> -> memref<256xi32, #tpu.memory_space<vmem>>
    %dma_start3A_122 = arith.constant 0 : i32
    %dma_start3A_123 = arith.constant 0 : i32
    %dma_start3A_124 = tpu.memref_slice %arg6[%dma_start3A_122, %dma_start3A_123] : memref<1000x128xf32, #tpu.memory_space<vmem_shared>> -> memref<1000x128xf32, #tpu.memory_space<vmem_shared>>
    tpu.enqueue_indirect_dma source(%dma_start3A_124 : memref<1000x128xf32, #tpu.memory_space<vmem_shared>>) target(%arg9 : memref<256x128xf32, #tpu.memory_space<vmem>>) offsets(%dma_start3A_121 : memref<256xi32, #tpu.memory_space<vmem>>) semaphore(%arg12 : memref<!tpu.dma_semaphore, #tpu.memory_space<semaphore_mem>>)
    %scan3A_125 = arith.constant 0 : i32
    %scan3A_126 = arith.constant 0 : i32
    %scan3A_127 = arith.constant 8 : i32
    %scan3A_128 = arith.addi %scan3A_126, %scan3A_127 : i32
    %scan3A_129 = arith.constant 1 : i32
    %scan3A_130 = scf.for %scan3A_434 = %scan3A_126 to %scan3A_128 step %scan3A_129 iter_args(%scan3A_435 = %scan3A_125) -> (i32)  : i32 {
      %mul3A_436 = arith.constant 16 : i32
      %mul3A_437 = arith.muli %scan3A_434, %mul3A_436 : i32
      %get3A = arith.constant 0 : i32
      %get3A_438 = arith.index_cast %get3A : i32 to index
      %get3A_439 = arith.index_cast %mul3A_437 : i32 to index
      %get3A_440 = tpu.vector_load %arg10[%get3A_438, %get3A_439] {strides = array<i32>} : memref<8x128xf32, #tpu.memory_space<vmem>>, vector<1x16xf32>,
      %get3A_441 = vector.shape_cast %get3A_440 : vector<1x16xf32> to vector<16xf32>
      %get3A_442 = arith.constant 1 : i32
      %get3A_443 = arith.index_cast %get3A_442 : i32 to index
      %get3A_444 = arith.index_cast %mul3A_437 : i32 to index
      %get3A_445 = tpu.vector_load %arg10[%get3A_443, %get3A_444] {strides = array<i32>} : memref<8x128xf32, #tpu.memory_space<vmem>>, vector<1x16xf32>,
      %get3A_446 = vector.shape_cast %get3A_445 : vector<1x16xf32> to vector<16xf32>
      %get3A_447 = arith.constant 2 : i32
      %get3A_448 = arith.index_cast %get3A_447 : i32 to index
      %get3A_449 = arith.index_cast %mul3A_437 : i32 to index
      %get3A_450 = tpu.vector_load %arg10[%get3A_448, %get3A_449] {strides = array<i32>} : memref<8x128xf32, #tpu.memory_space<vmem>>, vector<1x16xf32>,
      %get3A_451 = vector.shape_cast %get3A_450 : vector<1x16xf32> to vector<16xf32>
      %get3A_452 = arith.constant 3 : i32
      %get3A_453 = arith.index_cast %get3A_452 : i32 to index
      %get3A_454 = arith.index_cast %mul3A_437 : i32 to index
      %get3A_455 = tpu.vector_load %arg10[%get3A_453, %get3A_454] {strides = array<i32>} : memref<8x128xf32, #tpu.memory_space<vmem>>, vector<1x16xf32>,
      %get3A_456 = vector.shape_cast %get3A_455 : vector<1x16xf32> to vector<16xf32>
      %get3A_457 = arith.constant 4 : i32
      %get3A_458 = arith.index_cast %get3A_457 : i32 to index
      %get3A_459 = arith.index_cast %mul3A_437 : i32 to index
      %get3A_460 = tpu.vector_load %arg10[%get3A_458, %get3A_459] {strides = array<i32>} : memref<8x128xf32, #tpu.memory_space<vmem>>, vector<1x16xf32>,
      %get3A_461 = vector.shape_cast %get3A_460 : vector<1x16xf32> to vector<16xf32>
      %get3A_462 = arith.constant 5 : i32
      %get3A_463 = arith.index_cast %get3A_462 : i32 to index
      %get3A_464 = arith.index_cast %mul3A_437 : i32 to index
      %get3A_465 = tpu.vector_load %arg10[%get3A_463, %get3A_464] {strides = array<i32>} : memref<8x128xf32, #tpu.memory_space<vmem>>, vector<1x16xf32>,
      %get3A_466 = vector.shape_cast %get3A_465 : vector<1x16xf32> to vector<16xf32>
      %get3A_467 = arith.constant 6 : i32
      %get3A_468 = arith.index_cast %get3A_467 : i32 to index
      %get3A_469 = arith.index_cast %mul3A_437 : i32 to index
      %get3A_470 = tpu.vector_load %arg10[%get3A_468, %get3A_469] {strides = array<i32>} : memref<8x128xf32, #tpu.memory_space<vmem>>, vector<1x16xf32>,
      %get3A_471 = vector.shape_cast %get3A_470 : vector<1x16xf32> to vector<16xf32>
      %get3A_472 = arith.constant 7 : i32
      %get3A_473 = arith.index_cast %get3A_472 : i32 to index
      %get3A_474 = arith.index_cast %mul3A_437 : i32 to index
      %get3A_475 = tpu.vector_load %arg10[%get3A_473, %get3A_474] {strides = array<i32>} : memref<8x128xf32, #tpu.memory_space<vmem>>, vector<1x16xf32>,
      %get3A_476 = vector.shape_cast %get3A_475 : vector<1x16xf32> to vector<16xf32>
      %scan3A_477 = arith.constant 0 : i32
      %scan3A_478 = arith.constant 0 : i32
      %scan3A_479 = arith.constant 32 : i32
      %scan3A_480 = arith.addi %scan3A_478, %scan3A_479 : i32
      %scan3A_481 = arith.constant 1 : i32
      %scan3A_482 = scf.for %scan3A_485 = %scan3A_478 to %scan3A_480 step %scan3A_481 iter_args(%scan3A_486 = %scan3A_477) -> (i32)  : i32 {
        %mul3A_487 = arith.constant 8 : i32
        %mul3A_488 = arith.muli %scan3A_485, %mul3A_487 : i32
        %add3A_489 = arith.constant 0 : i32
        %add3A_490 = arith.addi %mul3A_488, %add3A_489 : i32
        %get3A_491 = arith.index_cast %add3A_490 : i32 to index
        %get3A_492 = arith.index_cast %mul3A_437 : i32 to index
        %get3A_493 = tpu.vector_load %arg8[%get3A_491, %get3A_492] {strides = array<i32>} : memref<256x128xf32, #tpu.memory_space<vmem>>, vector<1x16xf32>,
        %get3A_494 = vector.shape_cast %get3A_493 : vector<1x16xf32> to vector<16xf32>
        %add3A_495 = arith.addf %get3A_494, %get3A_441 : vector<16xf32>
        %add3A_496 = arith.constant 0 : i32
        %add3A_497 = arith.addi %mul3A_488, %add3A_496 : i32
        %swap3A = arith.index_cast %add3A_497 : i32 to index
        %swap3A_498 = arith.index_cast %mul3A_437 : i32 to index
        %swap3A_499 = tpu.vector_load %arg8[%swap3A, %swap3A_498] {strides = array<i32>} : memref<256x128xf32, #tpu.memory_space<vmem>>, vector<1x16xf32>,
        %swap3A_500 = vector.shape_cast %swap3A_499 : vector<1x16xf32> to vector<16xf32>
        %swap3A_501 = vector.shape_cast %add3A_495 : vector<16xf32> to vector<1x16xf32>
        tpu.vector_store %arg8[%swap3A, %swap3A_498], %swap3A_501 {strides = array<i32>} : memref<256x128xf32, #tpu.memory_space<vmem>>, vector<1x16xf32>,
        %add3A_502 = arith.constant 1 : i32
        %add3A_503 = arith.addi %mul3A_488, %add3A_502 : i32
        %get3A_504 = arith.index_cast %add3A_503 : i32 to index
        %get3A_505 = arith.index_cast %mul3A_437 : i32 to index
        %get3A_506 = tpu.vector_load %arg8[%get3A_504, %get3A_505] {strides = array<i32>} : memref<256x128xf32, #tpu.memory_space<vmem>>, vector<1x16xf32>,
        %get3A_507 = vector.shape_cast %get3A_506 : vector<1x16xf32> to vector<16xf32>
        %add3A_508 = arith.addf %get3A_507, %get3A_446 : vector<16xf32>
        %add3A_509 = arith.constant 1 : i32
        %add3A_510 = arith.addi %mul3A_488, %add3A_509 : i32
        %swap3A_511 = arith.index_cast %add3A_510 : i32 to index
        %swap3A_512 = arith.index_cast %mul3A_437 : i32 to index
        %swap3A_513 = tpu.vector_load %arg8[%swap3A_511, %swap3A_512] {strides = array<i32>} : memref<256x128xf32, #tpu.memory_space<vmem>>, vector<1x16xf32>,
        %swap3A_514 = vector.shape_cast %swap3A_513 : vector<1x16xf32> to vector<16xf32>
        %swap3A_515 = vector.shape_cast %add3A_508 : vector<16xf32> to vector<1x16xf32>
        tpu.vector_store %arg8[%swap3A_511, %swap3A_512], %swap3A_515 {strides = array<i32>} : memref<256x128xf32, #tpu.memory_space<vmem>>, vector<1x16xf32>,
        %add3A_516 = arith.constant 2 : i32
        %add3A_517 = arith.addi %mul3A_488, %add3A_516 : i32
        %get3A_518 = arith.index_cast %add3A_517 : i32 to index
        %get3A_519 = arith.index_cast %mul3A_437 : i32 to index
        %get3A_520 = tpu.vector_load %arg8[%get3A_518, %get3A_519] {strides = array<i32>} : memref<256x128xf32, #tpu.memory_space<vmem>>, vector<1x16xf32>,
        %get3A_521 = vector.shape_cast %get3A_520 : vector<1x16xf32> to vector<16xf32>
        %add3A_522 = arith.addf %get3A_521, %get3A_451 : vector<16xf32>
        %add3A_523 = arith.constant 2 : i32
        %add3A_524 = arith.addi %mul3A_488, %add3A_523 : i32
        %swap3A_525 = arith.index_cast %add3A_524 : i32 to index
        %swap3A_526 = arith.index_cast %mul3A_437 : i32 to index
        %swap3A_527 = tpu.vector_load %arg8[%swap3A_525, %swap3A_526] {strides = array<i32>} : memref<256x128xf32, #tpu.memory_space<vmem>>, vector<1x16xf32>,
        %swap3A_528 = vector.shape_cast %swap3A_527 : vector<1x16xf32> to vector<16xf32>
        %swap3A_529 = vector.shape_cast %add3A_522 : vector<16xf32> to vector<1x16xf32>
        tpu.vector_store %arg8[%swap3A_525, %swap3A_526], %swap3A_529 {strides = array<i32>} : memref<256x128xf32, #tpu.memory_space<vmem>>, vector<1x16xf32>,
        %add3A_530 = arith.constant 3 : i32
        %add3A_531 = arith.addi %mul3A_488, %add3A_530 : i32
        %get3A_532 = arith.index_cast %add3A_531 : i32 to index
        %get3A_533 = arith.index_cast %mul3A_437 : i32 to index
        %get3A_534 = tpu.vector_load %arg8[%get3A_532, %get3A_533] {strides = array<i32>} : memref<256x128xf32, #tpu.memory_space<vmem>>, vector<1x16xf32>,
        %get3A_535 = vector.shape_cast %get3A_534 : vector<1x16xf32> to vector<16xf32>
        %add3A_536 = arith.addf %get3A_535, %get3A_456 : vector<16xf32>
        %add3A_537 = arith.constant 3 : i32
        %add3A_538 = arith.addi %mul3A_488, %add3A_537 : i32
        %swap3A_539 = arith.index_cast %add3A_538 : i32 to index
        %swap3A_540 = arith.index_cast %mul3A_437 : i32 to index
        %swap3A_541 = tpu.vector_load %arg8[%swap3A_539, %swap3A_540] {strides = array<i32>} : memref<256x128xf32, #tpu.memory_space<vmem>>, vector<1x16xf32>,
        %swap3A_542 = vector.shape_cast %swap3A_541 : vector<1x16xf32> to vector<16xf32>
        %swap3A_543 = vector.shape_cast %add3A_536 : vector<16xf32> to vector<1x16xf32>
        tpu.vector_store %arg8[%swap3A_539, %swap3A_540], %swap3A_543 {strides = array<i32>} : memref<256x128xf32, #tpu.memory_space<vmem>>, vector<1x16xf32>,
        %add3A_544 = arith.constant 4 : i32
        %add3A_545 = arith.addi %mul3A_488, %add3A_544 : i32
        %get3A_546 = arith.index_cast %add3A_545 : i32 to index
        %get3A_547 = arith.index_cast %mul3A_437 : i32 to index
        %get3A_548 = tpu.vector_load %arg8[%get3A_546, %get3A_547] {strides = array<i32>} : memref<256x128xf32, #tpu.memory_space<vmem>>, vector<1x16xf32>,
        %get3A_549 = vector.shape_cast %get3A_548 : vector<1x16xf32> to vector<16xf32>
        %add3A_550 = arith.addf %get3A_549, %get3A_461 : vector<16xf32>
        %add3A_551 = arith.constant 4 : i32
        %add3A_552 = arith.addi %mul3A_488, %add3A_551 : i32
        %swap3A_553 = arith.index_cast %add3A_552 : i32 to index
        %swap3A_554 = arith.index_cast %mul3A_437 : i32 to index
        %swap3A_555 = tpu.vector_load %arg8[%swap3A_553, %swap3A_554] {strides = array<i32>} : memref<256x128xf32, #tpu.memory_space<vmem>>, vector<1x16xf32>,
        %swap3A_556 = vector.shape_cast %swap3A_555 : vector<1x16xf32> to vector<16xf32>
        %swap3A_557 = vector.shape_cast %add3A_550 : vector<16xf32> to vector<1x16xf32>
        tpu.vector_store %arg8[%swap3A_553, %swap3A_554], %swap3A_557 {strides = array<i32>} : memref<256x128xf32, #tpu.memory_space<vmem>>, vector<1x16xf32>,
        %add3A_558 = arith.constant 5 : i32
        %add3A_559 = arith.addi %mul3A_488, %add3A_558 : i32
        %get3A_560 = arith.index_cast %add3A_559 : i32 to index
        %get3A_561 = arith.index_cast %mul3A_437 : i32 to index
        %get3A_562 = tpu.vector_load %arg8[%get3A_560, %get3A_561] {strides = array<i32>} : memref<256x128xf32, #tpu.memory_space<vmem>>, vector<1x16xf32>,
        %get3A_563 = vector.shape_cast %get3A_562 : vector<1x16xf32> to vector<16xf32>
        %add3A_564 = arith.addf %get3A_563, %get3A_466 : vector<16xf32>
        %add3A_565 = arith.constant 5 : i32
        %add3A_566 = arith.addi %mul3A_488, %add3A_565 : i32
        %swap3A_567 = arith.index_cast %add3A_566 : i32 to index
        %swap3A_568 = arith.index_cast %mul3A_437 : i32 to index
        %swap3A_569 = tpu.vector_load %arg8[%swap3A_567, %swap3A_568] {strides = array<i32>} : memref<256x128xf32, #tpu.memory_space<vmem>>, vector<1x16xf32>,
        %swap3A_570 = vector.shape_cast %swap3A_569 : vector<1x16xf32> to vector<16xf32>
        %swap3A_571 = vector.shape_cast %add3A_564 : vector<16xf32> to vector<1x16xf32>
        tpu.vector_store %arg8[%swap3A_567, %swap3A_568], %swap3A_571 {strides = array<i32>} : memref<256x128xf32, #tpu.memory_space<vmem>>, vector<1x16xf32>,
        %add3A_572 = arith.constant 6 : i32
        %add3A_573 = arith.addi %mul3A_488, %add3A_572 : i32
        %get3A_574 = arith.index_cast %add3A_573 : i32 to index
        %get3A_575 = arith.index_cast %mul3A_437 : i32 to index
        %get3A_576 = tpu.vector_load %arg8[%get3A_574, %get3A_575] {strides = array<i32>} : memref<256x128xf32, #tpu.memory_space<vmem>>, vector<1x16xf32>,
        %get3A_577 = vector.shape_cast %get3A_576 : vector<1x16xf32> to vector<16xf32>
        %add3A_578 = arith.addf %get3A_577, %get3A_471 : vector<16xf32>
        %add3A_579 = arith.constant 6 : i32
        %add3A_580 = arith.addi %mul3A_488, %add3A_579 : i32
        %swap3A_581 = arith.index_cast %add3A_580 : i32 to index
        %swap3A_582 = arith.index_cast %mul3A_437 : i32 to index
        %swap3A_583 = tpu.vector_load %arg8[%swap3A_581, %swap3A_582] {strides = array<i32>} : memref<256x128xf32, #tpu.memory_space<vmem>>, vector<1x16xf32>,
        %swap3A_584 = vector.shape_cast %swap3A_583 : vector<1x16xf32> to vector<16xf32>
        %swap3A_585 = vector.shape_cast %add3A_578 : vector<16xf32> to vector<1x16xf32>
        tpu.vector_store %arg8[%swap3A_581, %swap3A_582], %swap3A_585 {strides = array<i32>} : memref<256x128xf32, #tpu.memory_space<vmem>>, vector<1x16xf32>,
        %add3A_586 = arith.constant 7 : i32
        %add3A_587 = arith.addi %mul3A_488, %add3A_586 : i32
        %get3A_588 = arith.index_cast %add3A_587 : i32 to index
        %get3A_589 = arith.index_cast %mul3A_437 : i32 to index
        %get3A_590 = tpu.vector_load %arg8[%get3A_588, %get3A_589] {strides = array<i32>} : memref<256x128xf32, #tpu.memory_space<vmem>>, vector<1x16xf32>,
        %get3A_591 = vector.shape_cast %get3A_590 : vector<1x16xf32> to vector<16xf32>
        %add3A_592 = arith.addf %get3A_591, %get3A_476 : vector<16xf32>
        %add3A_593 = arith.constant 7 : i32
        %add3A_594 = arith.addi %mul3A_488, %add3A_593 : i32
        %swap3A_595 = arith.index_cast %add3A_594 : i32 to index
        %swap3A_596 = arith.index_cast %mul3A_437 : i32 to index
        %swap3A_597 = tpu.vector_load %arg8[%swap3A_595, %swap3A_596] {strides = array<i32>} : memref<256x128xf32, #tpu.memory_space<vmem>>, vector<1x16xf32>,
        %swap3A_598 = vector.shape_cast %swap3A_597 : vector<1x16xf32> to vector<16xf32>
        %swap3A_599 = vector.shape_cast %add3A_592 : vector<16xf32> to vector<1x16xf32>
        tpu.vector_store %arg8[%swap3A_595, %swap3A_596], %swap3A_599 {strides = array<i32>} : memref<256x128xf32, #tpu.memory_space<vmem>>, vector<1x16xf32>,
        %scan3A_600 = arith.constant 0 : i32
        scf.yield %scan3A_600 : i32
      }
      %scan3A_483 = arith.constant 32 : i32
      %scan3A_484 = arith.constant 0 : i32
      scf.yield %scan3A_484 : i32
    }
    %scan3A_131 = arith.constant 8 : i32
    %add3A_132 = arith.constant 1024 : i32
    %add3A_133 = arith.addi %mul3A_2, %add3A_132 : i32
    %dma_start3A_134 = arith.constant 0 : i32
    %dma_start3A_135 = tpu.memref_slice %arg5[%add3A_133, %dma_start3A_134] : memref<131072x128xf32, #tpu.memory_space<hbm>> -> memref<256x128xf32, #tpu.memory_space<hbm>>
    %dma_start3A_136 = arith.constant 0 : i32
    %dma_start3A_137 = tpu.memref_slice %arg5[%add3A_133, %dma_start3A_136] : memref<131072x128xf32, #tpu.memory_space<hbm>> -> memref<256x128xf32, #tpu.memory_space<hbm>>
    tpu.enqueue_dma source(%arg8 : memref<256x128xf32, #tpu.memory_space<vmem>>) target(%dma_start3A_137 : memref<256x128xf32, #tpu.memory_space<hbm>>) target_semaphore(%arg13 : memref<!tpu.dma_semaphore, #tpu.memory_space<semaphore_mem>>)
    %dma_wait3A_138 = arith.constant 1280 : i32
    %dma_wait3A_139 = tpu.memref_slice %arg7[%dma_wait3A_138] : memref<4096xi32, #tpu.memory_space<vmem>> -> memref<256xi32, #tpu.memory_space<vmem>>
    %dma_wait3A_140 = arith.constant 0 : i32
    %dma_wait3A_141 = arith.constant 0 : i32
    %dma_wait3A_142 = tpu.memref_slice %arg6[%dma_wait3A_140, %dma_wait3A_141] : memref<1000x128xf32, #tpu.memory_space<vmem_shared>> -> memref<1000x128xf32, #tpu.memory_space<vmem_shared>>
    tpu.wait_indirect_dma semaphore(%arg12 : memref<!tpu.dma_semaphore, #tpu.memory_space<semaphore_mem>>) src(%dma_wait3A_142 : memref<1000x128xf32, #tpu.memory_space<vmem_shared>>) dst(%arg9 : memref<256x128xf32, #tpu.memory_space<vmem>>)
    %dma_wait3A_143 = arith.constant 0 : i32
    %dma_wait3A_144 = tpu.memref_slice %arg5[%add3A_133, %dma_wait3A_143] : memref<131072x128xf32, #tpu.memory_space<hbm>> -> memref<256x128xf32, #tpu.memory_space<hbm>>
    %dma_wait3A_145 = arith.constant 0 : i32
    %dma_wait3A_146 = tpu.memref_slice %arg5[%add3A_133, %dma_wait3A_145] : memref<131072x128xf32, #tpu.memory_space<hbm>> -> memref<256x128xf32, #tpu.memory_space<hbm>>
    tpu.wait_dma2 semaphore(%arg13 : memref<!tpu.dma_semaphore, #tpu.memory_space<semaphore_mem>>) src(%arg8 : memref<256x128xf32, #tpu.memory_space<vmem>>) dst(%dma_wait3A_146 : memref<256x128xf32, #tpu.memory_space<hbm>>)
    %dma_start3A_147 = arith.constant 1536 : i32
    %dma_start3A_148 = tpu.memref_slice %arg7[%dma_start3A_147] : memref<4096xi32, #tpu.memory_space<vmem>> -> memref<256xi32, #tpu.memory_space<vmem>>
    %dma_start3A_149 = arith.constant 0 : i32
    %dma_start3A_150 = arith.constant 0 : i32
    %dma_start3A_151 = tpu.memref_slice %arg6[%dma_start3A_149, %dma_start3A_150] : memref<1000x128xf32, #tpu.memory_space<vmem_shared>> -> memref<1000x128xf32, #tpu.memory_space<vmem_shared>>
    tpu.enqueue_indirect_dma source(%dma_start3A_151 : memref<1000x128xf32, #tpu.memory_space<vmem_shared>>) target(%arg8 : memref<256x128xf32, #tpu.memory_space<vmem>>) offsets(%dma_start3A_148 : memref<256xi32, #tpu.memory_space<vmem>>) semaphore(%arg11 : memref<!tpu.dma_semaphore, #tpu.memory_space<semaphore_mem>>)
    %scan3A_152 = arith.constant 0 : i32
    %scan3A_153 = arith.constant 0 : i32
    %scan3A_154 = arith.constant 8 : i32
    %scan3A_155 = arith.addi %scan3A_153, %scan3A_154 : i32
    %scan3A_156 = arith.constant 1 : i32
    %scan3A_157 = scf.for %scan3A_434 = %scan3A_153 to %scan3A_155 step %scan3A_156 iter_args(%scan3A_435 = %scan3A_152) -> (i32)  : i32 {
      %mul3A_436 = arith.constant 16 : i32
      %mul3A_437 = arith.muli %scan3A_434, %mul3A_436 : i32
      %get3A = arith.constant 0 : i32
      %get3A_438 = arith.index_cast %get3A : i32 to index
      %get3A_439 = arith.index_cast %mul3A_437 : i32 to index
      %get3A_440 = tpu.vector_load %arg10[%get3A_438, %get3A_439] {strides = array<i32>} : memref<8x128xf32, #tpu.memory_space<vmem>>, vector<1x16xf32>,
      %get3A_441 = vector.shape_cast %get3A_440 : vector<1x16xf32> to vector<16xf32>
      %get3A_442 = arith.constant 1 : i32
      %get3A_443 = arith.index_cast %get3A_442 : i32 to index
      %get3A_444 = arith.index_cast %mul3A_437 : i32 to index
      %get3A_445 = tpu.vector_load %arg10[%get3A_443, %get3A_444] {strides = array<i32>} : memref<8x128xf32, #tpu.memory_space<vmem>>, vector<1x16xf32>,
      %get3A_446 = vector.shape_cast %get3A_445 : vector<1x16xf32> to vector<16xf32>
      %get3A_447 = arith.constant 2 : i32
      %get3A_448 = arith.index_cast %get3A_447 : i32 to index
      %get3A_449 = arith.index_cast %mul3A_437 : i32 to index
      %get3A_450 = tpu.vector_load %arg10[%get3A_448, %get3A_449] {strides = array<i32>} : memref<8x128xf32, #tpu.memory_space<vmem>>, vector<1x16xf32>,
      %get3A_451 = vector.shape_cast %get3A_450 : vector<1x16xf32> to vector<16xf32>
      %get3A_452 = arith.constant 3 : i32
      %get3A_453 = arith.index_cast %get3A_452 : i32 to index
      %get3A_454 = arith.index_cast %mul3A_437 : i32 to index
      %get3A_455 = tpu.vector_load %arg10[%get3A_453, %get3A_454] {strides = array<i32>} : memref<8x128xf32, #tpu.memory_space<vmem>>, vector<1x16xf32>,
      %get3A_456 = vector.shape_cast %get3A_455 : vector<1x16xf32> to vector<16xf32>
      %get3A_457 = arith.constant 4 : i32
      %get3A_458 = arith.index_cast %get3A_457 : i32 to index
      %get3A_459 = arith.index_cast %mul3A_437 : i32 to index
      %get3A_460 = tpu.vector_load %arg10[%get3A_458, %get3A_459] {strides = array<i32>} : memref<8x128xf32, #tpu.memory_space<vmem>>, vector<1x16xf32>,
      %get3A_461 = vector.shape_cast %get3A_460 : vector<1x16xf32> to vector<16xf32>
      %get3A_462 = arith.constant 5 : i32
      %get3A_463 = arith.index_cast %get3A_462 : i32 to index
      %get3A_464 = arith.index_cast %mul3A_437 : i32 to index
      %get3A_465 = tpu.vector_load %arg10[%get3A_463, %get3A_464] {strides = array<i32>} : memref<8x128xf32, #tpu.memory_space<vmem>>, vector<1x16xf32>,
      %get3A_466 = vector.shape_cast %get3A_465 : vector<1x16xf32> to vector<16xf32>
      %get3A_467 = arith.constant 6 : i32
      %get3A_468 = arith.index_cast %get3A_467 : i32 to index
      %get3A_469 = arith.index_cast %mul3A_437 : i32 to index
      %get3A_470 = tpu.vector_load %arg10[%get3A_468, %get3A_469] {strides = array<i32>} : memref<8x128xf32, #tpu.memory_space<vmem>>, vector<1x16xf32>,
      %get3A_471 = vector.shape_cast %get3A_470 : vector<1x16xf32> to vector<16xf32>
      %get3A_472 = arith.constant 7 : i32
      %get3A_473 = arith.index_cast %get3A_472 : i32 to index
      %get3A_474 = arith.index_cast %mul3A_437 : i32 to index
      %get3A_475 = tpu.vector_load %arg10[%get3A_473, %get3A_474] {strides = array<i32>} : memref<8x128xf32, #tpu.memory_space<vmem>>, vector<1x16xf32>,
      %get3A_476 = vector.shape_cast %get3A_475 : vector<1x16xf32> to vector<16xf32>
      %scan3A_477 = arith.constant 0 : i32
      %scan3A_478 = arith.constant 0 : i32
      %scan3A_479 = arith.constant 32 : i32
      %scan3A_480 = arith.addi %scan3A_478, %scan3A_479 : i32
      %scan3A_481 = arith.constant 1 : i32
      %scan3A_482 = scf.for %scan3A_485 = %scan3A_478 to %scan3A_480 step %scan3A_481 iter_args(%scan3A_486 = %scan3A_477) -> (i32)  : i32 {
        %mul3A_487 = arith.constant 8 : i32
        %mul3A_488 = arith.muli %scan3A_485, %mul3A_487 : i32
        %add3A_489 = arith.constant 0 : i32
        %add3A_490 = arith.addi %mul3A_488, %add3A_489 : i32
        %get3A_491 = arith.index_cast %add3A_490 : i32 to index
        %get3A_492 = arith.index_cast %mul3A_437 : i32 to index
        %get3A_493 = tpu.vector_load %arg9[%get3A_491, %get3A_492] {strides = array<i32>} : memref<256x128xf32, #tpu.memory_space<vmem>>, vector<1x16xf32>,
        %get3A_494 = vector.shape_cast %get3A_493 : vector<1x16xf32> to vector<16xf32>
        %add3A_495 = arith.addf %get3A_494, %get3A_441 : vector<16xf32>
        %add3A_496 = arith.constant 0 : i32
        %add3A_497 = arith.addi %mul3A_488, %add3A_496 : i32
        %swap3A = arith.index_cast %add3A_497 : i32 to index
        %swap3A_498 = arith.index_cast %mul3A_437 : i32 to index
        %swap3A_499 = tpu.vector_load %arg9[%swap3A, %swap3A_498] {strides = array<i32>} : memref<256x128xf32, #tpu.memory_space<vmem>>, vector<1x16xf32>,
        %swap3A_500 = vector.shape_cast %swap3A_499 : vector<1x16xf32> to vector<16xf32>
        %swap3A_501 = vector.shape_cast %add3A_495 : vector<16xf32> to vector<1x16xf32>
        tpu.vector_store %arg9[%swap3A, %swap3A_498], %swap3A_501 {strides = array<i32>} : memref<256x128xf32, #tpu.memory_space<vmem>>, vector<1x16xf32>,
        %add3A_502 = arith.constant 1 : i32
        %add3A_503 = arith.addi %mul3A_488, %add3A_502 : i32
        %get3A_504 = arith.index_cast %add3A_503 : i32 to index
        %get3A_505 = arith.index_cast %mul3A_437 : i32 to index
        %get3A_506 = tpu.vector_load %arg9[%get3A_504, %get3A_505] {strides = array<i32>} : memref<256x128xf32, #tpu.memory_space<vmem>>, vector<1x16xf32>,
        %get3A_507 = vector.shape_cast %get3A_506 : vector<1x16xf32> to vector<16xf32>
        %add3A_508 = arith.addf %get3A_507, %get3A_446 : vector<16xf32>
        %add3A_509 = arith.constant 1 : i32
        %add3A_510 = arith.addi %mul3A_488, %add3A_509 : i32
        %swap3A_511 = arith.index_cast %add3A_510 : i32 to index
        %swap3A_512 = arith.index_cast %mul3A_437 : i32 to index
        %swap3A_513 = tpu.vector_load %arg9[%swap3A_511, %swap3A_512] {strides = array<i32>} : memref<256x128xf32, #tpu.memory_space<vmem>>, vector<1x16xf32>,
        %swap3A_514 = vector.shape_cast %swap3A_513 : vector<1x16xf32> to vector<16xf32>
        %swap3A_515 = vector.shape_cast %add3A_508 : vector<16xf32> to vector<1x16xf32>
        tpu.vector_store %arg9[%swap3A_511, %swap3A_512], %swap3A_515 {strides = array<i32>} : memref<256x128xf32, #tpu.memory_space<vmem>>, vector<1x16xf32>,
        %add3A_516 = arith.constant 2 : i32
        %add3A_517 = arith.addi %mul3A_488, %add3A_516 : i32
        %get3A_518 = arith.index_cast %add3A_517 : i32 to index
        %get3A_519 = arith.index_cast %mul3A_437 : i32 to index
        %get3A_520 = tpu.vector_load %arg9[%get3A_518, %get3A_519] {strides = array<i32>} : memref<256x128xf32, #tpu.memory_space<vmem>>, vector<1x16xf32>,
        %get3A_521 = vector.shape_cast %get3A_520 : vector<1x16xf32> to vector<16xf32>
        %add3A_522 = arith.addf %get3A_521, %get3A_451 : vector<16xf32>
        %add3A_523 = arith.constant 2 : i32
        %add3A_524 = arith.addi %mul3A_488, %add3A_523 : i32
        %swap3A_525 = arith.index_cast %add3A_524 : i32 to index
        %swap3A_526 = arith.index_cast %mul3A_437 : i32 to index
        %swap3A_527 = tpu.vector_load %arg9[%swap3A_525, %swap3A_526] {strides = array<i32>} : memref<256x128xf32, #tpu.memory_space<vmem>>, vector<1x16xf32>,
        %swap3A_528 = vector.shape_cast %swap3A_527 : vector<1x16xf32> to vector<16xf32>
        %swap3A_529 = vector.shape_cast %add3A_522 : vector<16xf32> to vector<1x16xf32>
        tpu.vector_store %arg9[%swap3A_525, %swap3A_526], %swap3A_529 {strides = array<i32>} : memref<256x128xf32, #tpu.memory_space<vmem>>, vector<1x16xf32>,
        %add3A_530 = arith.constant 3 : i32
        %add3A_531 = arith.addi %mul3A_488, %add3A_530 : i32
        %get3A_532 = arith.index_cast %add3A_531 : i32 to index
        %get3A_533 = arith.index_cast %mul3A_437 : i32 to index
        %get3A_534 = tpu.vector_load %arg9[%get3A_532, %get3A_533] {strides = array<i32>} : memref<256x128xf32, #tpu.memory_space<vmem>>, vector<1x16xf32>,
        %get3A_535 = vector.shape_cast %get3A_534 : vector<1x16xf32> to vector<16xf32>
        %add3A_536 = arith.addf %get3A_535, %get3A_456 : vector<16xf32>
        %add3A_537 = arith.constant 3 : i32
        %add3A_538 = arith.addi %mul3A_488, %add3A_537 : i32
        %swap3A_539 = arith.index_cast %add3A_538 : i32 to index
        %swap3A_540 = arith.index_cast %mul3A_437 : i32 to index
        %swap3A_541 = tpu.vector_load %arg9[%swap3A_539, %swap3A_540] {strides = array<i32>} : memref<256x128xf32, #tpu.memory_space<vmem>>, vector<1x16xf32>,
        %swap3A_542 = vector.shape_cast %swap3A_541 : vector<1x16xf32> to vector<16xf32>
        %swap3A_543 = vector.shape_cast %add3A_536 : vector<16xf32> to vector<1x16xf32>
        tpu.vector_store %arg9[%swap3A_539, %swap3A_540], %swap3A_543 {strides = array<i32>} : memref<256x128xf32, #tpu.memory_space<vmem>>, vector<1x16xf32>,
        %add3A_544 = arith.constant 4 : i32
        %add3A_545 = arith.addi %mul3A_488, %add3A_544 : i32
        %get3A_546 = arith.index_cast %add3A_545 : i32 to index
        %get3A_547 = arith.index_cast %mul3A_437 : i32 to index
        %get3A_548 = tpu.vector_load %arg9[%get3A_546, %get3A_547] {strides = array<i32>} : memref<256x128xf32, #tpu.memory_space<vmem>>, vector<1x16xf32>,
        %get3A_549 = vector.shape_cast %get3A_548 : vector<1x16xf32> to vector<16xf32>
        %add3A_550 = arith.addf %get3A_549, %get3A_461 : vector<16xf32>
        %add3A_551 = arith.constant 4 : i32
        %add3A_552 = arith.addi %mul3A_488, %add3A_551 : i32
        %swap3A_553 = arith.index_cast %add3A_552 : i32 to index
        %swap3A_554 = arith.index_cast %mul3A_437 : i32 to index
        %swap3A_555 = tpu.vector_load %arg9[%swap3A_553, %swap3A_554] {strides = array<i32>} : memref<256x128xf32, #tpu.memory_space<vmem>>, vector<1x16xf32>,
        %swap3A_556 = vector.shape_cast %swap3A_555 : vector<1x16xf32> to vector<16xf32>
        %swap3A_557 = vector.shape_cast %add3A_550 : vector<16xf32> to vector<1x16xf32>
        tpu.vector_store %arg9[%swap3A_553, %swap3A_554], %swap3A_557 {strides = array<i32>} : memref<256x128xf32, #tpu.memory_space<vmem>>, vector<1x16xf32>,
        %add3A_558 = arith.constant 5 : i32
        %add3A_559 = arith.addi %mul3A_488, %add3A_558 : i32
        %get3A_560 = arith.index_cast %add3A_559 : i32 to index
        %get3A_561 = arith.index_cast %mul3A_437 : i32 to index
        %get3A_562 = tpu.vector_load %arg9[%get3A_560, %get3A_561] {strides = array<i32>} : memref<256x128xf32, #tpu.memory_space<vmem>>, vector<1x16xf32>,
        %get3A_563 = vector.shape_cast %get3A_562 : vector<1x16xf32> to vector<16xf32>
        %add3A_564 = arith.addf %get3A_563, %get3A_466 : vector<16xf32>
        %add3A_565 = arith.constant 5 : i32
        %add3A_566 = arith.addi %mul3A_488, %add3A_565 : i32
        %swap3A_567 = arith.index_cast %add3A_566 : i32 to index
        %swap3A_568 = arith.index_cast %mul3A_437 : i32 to index
        %swap3A_569 = tpu.vector_load %arg9[%swap3A_567, %swap3A_568] {strides = array<i32>} : memref<256x128xf32, #tpu.memory_space<vmem>>, vector<1x16xf32>,
        %swap3A_570 = vector.shape_cast %swap3A_569 : vector<1x16xf32> to vector<16xf32>
        %swap3A_571 = vector.shape_cast %add3A_564 : vector<16xf32> to vector<1x16xf32>
        tpu.vector_store %arg9[%swap3A_567, %swap3A_568], %swap3A_571 {strides = array<i32>} : memref<256x128xf32, #tpu.memory_space<vmem>>, vector<1x16xf32>,
        %add3A_572 = arith.constant 6 : i32
        %add3A_573 = arith.addi %mul3A_488, %add3A_572 : i32
        %get3A_574 = arith.index_cast %add3A_573 : i32 to index
        %get3A_575 = arith.index_cast %mul3A_437 : i32 to index
        %get3A_576 = tpu.vector_load %arg9[%get3A_574, %get3A_575] {strides = array<i32>} : memref<256x128xf32, #tpu.memory_space<vmem>>, vector<1x16xf32>,
        %get3A_577 = vector.shape_cast %get3A_576 : vector<1x16xf32> to vector<16xf32>
        %add3A_578 = arith.addf %get3A_577, %get3A_471 : vector<16xf32>
        %add3A_579 = arith.constant 6 : i32
        %add3A_580 = arith.addi %mul3A_488, %add3A_579 : i32
        %swap3A_581 = arith.index_cast %add3A_580 : i32 to index
        %swap3A_582 = arith.index_cast %mul3A_437 : i32 to index
        %swap3A_583 = tpu.vector_load %arg9[%swap3A_581, %swap3A_582] {strides = array<i32>} : memref<256x128xf32, #tpu.memory_space<vmem>>, vector<1x16xf32>,
        %swap3A_584 = vector.shape_cast %swap3A_583 : vector<1x16xf32> to vector<16xf32>
        %swap3A_585 = vector.shape_cast %add3A_578 : vector<16xf32> to vector<1x16xf32>
        tpu.vector_store %arg9[%swap3A_581, %swap3A_582], %swap3A_585 {strides = array<i32>} : memref<256x128xf32, #tpu.memory_space<vmem>>, vector<1x16xf32>,
        %add3A_586 = arith.constant 7 : i32
        %add3A_587 = arith.addi %mul3A_488, %add3A_586 : i32
        %get3A_588 = arith.index_cast %add3A_587 : i32 to index
        %get3A_589 = arith.index_cast %mul3A_437 : i32 to index
        %get3A_590 = tpu.vector_load %arg9[%get3A_588, %get3A_589] {strides = array<i32>} : memref<256x128xf32, #tpu.memory_space<vmem>>, vector<1x16xf32>,
        %get3A_591 = vector.shape_cast %get3A_590 : vector<1x16xf32> to vector<16xf32>
        %add3A_592 = arith.addf %get3A_591, %get3A_476 : vector<16xf32>
        %add3A_593 = arith.constant 7 : i32
        %add3A_594 = arith.addi %mul3A_488, %add3A_593 : i32
        %swap3A_595 = arith.index_cast %add3A_594 : i32 to index
        %swap3A_596 = arith.index_cast %mul3A_437 : i32 to index
        %swap3A_597 = tpu.vector_load %arg9[%swap3A_595, %swap3A_596] {strides = array<i32>} : memref<256x128xf32, #tpu.memory_space<vmem>>, vector<1x16xf32>,
        %swap3A_598 = vector.shape_cast %swap3A_597 : vector<1x16xf32> to vector<16xf32>
        %swap3A_599 = vector.shape_cast %add3A_592 : vector<16xf32> to vector<1x16xf32>
        tpu.vector_store %arg9[%swap3A_595, %swap3A_596], %swap3A_599 {strides = array<i32>} : memref<256x128xf32, #tpu.memory_space<vmem>>, vector<1x16xf32>,
        %scan3A_600 = arith.constant 0 : i32
        scf.yield %scan3A_600 : i32
      }
      %scan3A_483 = arith.constant 32 : i32
      %scan3A_484 = arith.constant 0 : i32
      scf.yield %scan3A_484 : i32
    }
    %scan3A_158 = arith.constant 8 : i32
    %add3A_159 = arith.constant 1280 : i32
    %add3A_160 = arith.addi %mul3A_2, %add3A_159 : i32
    %dma_start3A_161 = arith.constant 0 : i32
    %dma_start3A_162 = tpu.memref_slice %arg5[%add3A_160, %dma_start3A_161] : memref<131072x128xf32, #tpu.memory_space<hbm>> -> memref<256x128xf32, #tpu.memory_space<hbm>>
    %dma_start3A_163 = arith.constant 0 : i32
    %dma_start3A_164 = tpu.memref_slice %arg5[%add3A_160, %dma_start3A_163] : memref<131072x128xf32, #tpu.memory_space<hbm>> -> memref<256x128xf32, #tpu.memory_space<hbm>>
    tpu.enqueue_dma source(%arg9 : memref<256x128xf32, #tpu.memory_space<vmem>>) target(%dma_start3A_164 : memref<256x128xf32, #tpu.memory_space<hbm>>) target_semaphore(%arg14 : memref<!tpu.dma_semaphore, #tpu.memory_space<semaphore_mem>>)
    %dma_wait3A_165 = arith.constant 1536 : i32
    %dma_wait3A_166 = tpu.memref_slice %arg7[%dma_wait3A_165] : memref<4096xi32, #tpu.memory_space<vmem>> -> memref<256xi32, #tpu.memory_space<vmem>>
    %dma_wait3A_167 = arith.constant 0 : i32
    %dma_wait3A_168 = arith.constant 0 : i32
    %dma_wait3A_169 = tpu.memref_slice %arg6[%dma_wait3A_167, %dma_wait3A_168] : memref<1000x128xf32, #tpu.memory_space<vmem_shared>> -> memref<1000x128xf32, #tpu.memory_space<vmem_shared>>
    tpu.wait_indirect_dma semaphore(%arg11 : memref<!tpu.dma_semaphore, #tpu.memory_space<semaphore_mem>>) src(%dma_wait3A_169 : memref<1000x128xf32, #tpu.memory_space<vmem_shared>>) dst(%arg8 : memref<256x128xf32, #tpu.memory_space<vmem>>)
    %dma_wait3A_170 = arith.constant 0 : i32
    %dma_wait3A_171 = tpu.memref_slice %arg5[%add3A_160, %dma_wait3A_170] : memref<131072x128xf32, #tpu.memory_space<hbm>> -> memref<256x128xf32, #tpu.memory_space<hbm>>
    %dma_wait3A_172 = arith.constant 0 : i32
    %dma_wait3A_173 = tpu.memref_slice %arg5[%add3A_160, %dma_wait3A_172] : memref<131072x128xf32, #tpu.memory_space<hbm>> -> memref<256x128xf32, #tpu.memory_space<hbm>>
    tpu.wait_dma2 semaphore(%arg14 : memref<!tpu.dma_semaphore, #tpu.memory_space<semaphore_mem>>) src(%arg9 : memref<256x128xf32, #tpu.memory_space<vmem>>) dst(%dma_wait3A_173 : memref<256x128xf32, #tpu.memory_space<hbm>>)
    %dma_start3A_174 = arith.constant 1792 : i32
    %dma_start3A_175 = tpu.memref_slice %arg7[%dma_start3A_174] : memref<4096xi32, #tpu.memory_space<vmem>> -> memref<256xi32, #tpu.memory_space<vmem>>
    %dma_start3A_176 = arith.constant 0 : i32
    %dma_start3A_177 = arith.constant 0 : i32
    %dma_start3A_178 = tpu.memref_slice %arg6[%dma_start3A_176, %dma_start3A_177] : memref<1000x128xf32, #tpu.memory_space<vmem_shared>> -> memref<1000x128xf32, #tpu.memory_space<vmem_shared>>
    tpu.enqueue_indirect_dma source(%dma_start3A_178 : memref<1000x128xf32, #tpu.memory_space<vmem_shared>>) target(%arg9 : memref<256x128xf32, #tpu.memory_space<vmem>>) offsets(%dma_start3A_175 : memref<256xi32, #tpu.memory_space<vmem>>) semaphore(%arg12 : memref<!tpu.dma_semaphore, #tpu.memory_space<semaphore_mem>>)
    %scan3A_179 = arith.constant 0 : i32
    %scan3A_180 = arith.constant 0 : i32
    %scan3A_181 = arith.constant 8 : i32
    %scan3A_182 = arith.addi %scan3A_180, %scan3A_181 : i32
    %scan3A_183 = arith.constant 1 : i32
    %scan3A_184 = scf.for %scan3A_434 = %scan3A_180 to %scan3A_182 step %scan3A_183 iter_args(%scan3A_435 = %scan3A_179) -> (i32)  : i32 {
      %mul3A_436 = arith.constant 16 : i32
      %mul3A_437 = arith.muli %scan3A_434, %mul3A_436 : i32
      %get3A = arith.constant 0 : i32
      %get3A_438 = arith.index_cast %get3A : i32 to index
      %get3A_439 = arith.index_cast %mul3A_437 : i32 to index
      %get3A_440 = tpu.vector_load %arg10[%get3A_438, %get3A_439] {strides = array<i32>} : memref<8x128xf32, #tpu.memory_space<vmem>>, vector<1x16xf32>,
      %get3A_441 = vector.shape_cast %get3A_440 : vector<1x16xf32> to vector<16xf32>
      %get3A_442 = arith.constant 1 : i32
      %get3A_443 = arith.index_cast %get3A_442 : i32 to index
      %get3A_444 = arith.index_cast %mul3A_437 : i32 to index
      %get3A_445 = tpu.vector_load %arg10[%get3A_443, %get3A_444] {strides = array<i32>} : memref<8x128xf32, #tpu.memory_space<vmem>>, vector<1x16xf32>,
      %get3A_446 = vector.shape_cast %get3A_445 : vector<1x16xf32> to vector<16xf32>
      %get3A_447 = arith.constant 2 : i32
      %get3A_448 = arith.index_cast %get3A_447 : i32 to index
      %get3A_449 = arith.index_cast %mul3A_437 : i32 to index
      %get3A_450 = tpu.vector_load %arg10[%get3A_448, %get3A_449] {strides = array<i32>} : memref<8x128xf32, #tpu.memory_space<vmem>>, vector<1x16xf32>,
      %get3A_451 = vector.shape_cast %get3A_450 : vector<1x16xf32> to vector<16xf32>
      %get3A_452 = arith.constant 3 : i32
      %get3A_453 = arith.index_cast %get3A_452 : i32 to index
      %get3A_454 = arith.index_cast %mul3A_437 : i32 to index
      %get3A_455 = tpu.vector_load %arg10[%get3A_453, %get3A_454] {strides = array<i32>} : memref<8x128xf32, #tpu.memory_space<vmem>>, vector<1x16xf32>,
      %get3A_456 = vector.shape_cast %get3A_455 : vector<1x16xf32> to vector<16xf32>
      %get3A_457 = arith.constant 4 : i32
      %get3A_458 = arith.index_cast %get3A_457 : i32 to index
      %get3A_459 = arith.index_cast %mul3A_437 : i32 to index
      %get3A_460 = tpu.vector_load %arg10[%get3A_458, %get3A_459] {strides = array<i32>} : memref<8x128xf32, #tpu.memory_space<vmem>>, vector<1x16xf32>,
      %get3A_461 = vector.shape_cast %get3A_460 : vector<1x16xf32> to vector<16xf32>
      %get3A_462 = arith.constant 5 : i32
      %get3A_463 = arith.index_cast %get3A_462 : i32 to index
      %get3A_464 = arith.index_cast %mul3A_437 : i32 to index
      %get3A_465 = tpu.vector_load %arg10[%get3A_463, %get3A_464] {strides = array<i32>} : memref<8x128xf32, #tpu.memory_space<vmem>>, vector<1x16xf32>,
      %get3A_466 = vector.shape_cast %get3A_465 : vector<1x16xf32> to vector<16xf32>
      %get3A_467 = arith.constant 6 : i32
      %get3A_468 = arith.index_cast %get3A_467 : i32 to index
      %get3A_469 = arith.index_cast %mul3A_437 : i32 to index
      %get3A_470 = tpu.vector_load %arg10[%get3A_468, %get3A_469] {strides = array<i32>} : memref<8x128xf32, #tpu.memory_space<vmem>>, vector<1x16xf32>,
      %get3A_471 = vector.shape_cast %get3A_470 : vector<1x16xf32> to vector<16xf32>
      %get3A_472 = arith.constant 7 : i32
      %get3A_473 = arith.index_cast %get3A_472 : i32 to index
      %get3A_474 = arith.index_cast %mul3A_437 : i32 to index
      %get3A_475 = tpu.vector_load %arg10[%get3A_473, %get3A_474] {strides = array<i32>} : memref<8x128xf32, #tpu.memory_space<vmem>>, vector<1x16xf32>,
      %get3A_476 = vector.shape_cast %get3A_475 : vector<1x16xf32> to vector<16xf32>
      %scan3A_477 = arith.constant 0 : i32
      %scan3A_478 = arith.constant 0 : i32
      %scan3A_479 = arith.constant 32 : i32
      %scan3A_480 = arith.addi %scan3A_478, %scan3A_479 : i32
      %scan3A_481 = arith.constant 1 : i32
      %scan3A_482 = scf.for %scan3A_485 = %scan3A_478 to %scan3A_480 step %scan3A_481 iter_args(%scan3A_486 = %scan3A_477) -> (i32)  : i32 {
        %mul3A_487 = arith.constant 8 : i32
        %mul3A_488 = arith.muli %scan3A_485, %mul3A_487 : i32
        %add3A_489 = arith.constant 0 : i32
        %add3A_490 = arith.addi %mul3A_488, %add3A_489 : i32
        %get3A_491 = arith.index_cast %add3A_490 : i32 to index
        %get3A_492 = arith.index_cast %mul3A_437 : i32 to index
        %get3A_493 = tpu.vector_load %arg8[%get3A_491, %get3A_492] {strides = array<i32>} : memref<256x128xf32, #tpu.memory_space<vmem>>, vector<1x16xf32>,
        %get3A_494 = vector.shape_cast %get3A_493 : vector<1x16xf32> to vector<16xf32>
        %add3A_495 = arith.addf %get3A_494, %get3A_441 : vector<16xf32>
        %add3A_496 = arith.constant 0 : i32
        %add3A_497 = arith.addi %mul3A_488, %add3A_496 : i32
        %swap3A = arith.index_cast %add3A_497 : i32 to index
        %swap3A_498 = arith.index_cast %mul3A_437 : i32 to index
        %swap3A_499 = tpu.vector_load %arg8[%swap3A, %swap3A_498] {strides = array<i32>} : memref<256x128xf32, #tpu.memory_space<vmem>>, vector<1x16xf32>,
        %swap3A_500 = vector.shape_cast %swap3A_499 : vector<1x16xf32> to vector<16xf32>
        %swap3A_501 = vector.shape_cast %add3A_495 : vector<16xf32> to vector<1x16xf32>
        tpu.vector_store %arg8[%swap3A, %swap3A_498], %swap3A_501 {strides = array<i32>} : memref<256x128xf32, #tpu.memory_space<vmem>>, vector<1x16xf32>,
        %add3A_502 = arith.constant 1 : i32
        %add3A_503 = arith.addi %mul3A_488, %add3A_502 : i32
        %get3A_504 = arith.index_cast %add3A_503 : i32 to index
        %get3A_505 = arith.index_cast %mul3A_437 : i32 to index
        %get3A_506 = tpu.vector_load %arg8[%get3A_504, %get3A_505] {strides = array<i32>} : memref<256x128xf32, #tpu.memory_space<vmem>>, vector<1x16xf32>,
        %get3A_507 = vector.shape_cast %get3A_506 : vector<1x16xf32> to vector<16xf32>
        %add3A_508 = arith.addf %get3A_507, %get3A_446 : vector<16xf32>
        %add3A_509 = arith.constant 1 : i32
        %add3A_510 = arith.addi %mul3A_488, %add3A_509 : i32
        %swap3A_511 = arith.index_cast %add3A_510 : i32 to index
        %swap3A_512 = arith.index_cast %mul3A_437 : i32 to index
        %swap3A_513 = tpu.vector_load %arg8[%swap3A_511, %swap3A_512] {strides = array<i32>} : memref<256x128xf32, #tpu.memory_space<vmem>>, vector<1x16xf32>,
        %swap3A_514 = vector.shape_cast %swap3A_513 : vector<1x16xf32> to vector<16xf32>
        %swap3A_515 = vector.shape_cast %add3A_508 : vector<16xf32> to vector<1x16xf32>
        tpu.vector_store %arg8[%swap3A_511, %swap3A_512], %swap3A_515 {strides = array<i32>} : memref<256x128xf32, #tpu.memory_space<vmem>>, vector<1x16xf32>,
        %add3A_516 = arith.constant 2 : i32
        %add3A_517 = arith.addi %mul3A_488, %add3A_516 : i32
        %get3A_518 = arith.index_cast %add3A_517 : i32 to index
        %get3A_519 = arith.index_cast %mul3A_437 : i32 to index
        %get3A_520 = tpu.vector_load %arg8[%get3A_518, %get3A_519] {strides = array<i32>} : memref<256x128xf32, #tpu.memory_space<vmem>>, vector<1x16xf32>,
        %get3A_521 = vector.shape_cast %get3A_520 : vector<1x16xf32> to vector<16xf32>
        %add3A_522 = arith.addf %get3A_521, %get3A_451 : vector<16xf32>
        %add3A_523 = arith.constant 2 : i32
        %add3A_524 = arith.addi %mul3A_488, %add3A_523 : i32
        %swap3A_525 = arith.index_cast %add3A_524 : i32 to index
        %swap3A_526 = arith.index_cast %mul3A_437 : i32 to index
        %swap3A_527 = tpu.vector_load %arg8[%swap3A_525, %swap3A_526] {strides = array<i32>} : memref<256x128xf32, #tpu.memory_space<vmem>>, vector<1x16xf32>,
        %swap3A_528 = vector.shape_cast %swap3A_527 : vector<1x16xf32> to vector<16xf32>
        %swap3A_529 = vector.shape_cast %add3A_522 : vector<16xf32> to vector<1x16xf32>
        tpu.vector_store %arg8[%swap3A_525, %swap3A_526], %swap3A_529 {strides = array<i32>} : memref<256x128xf32, #tpu.memory_space<vmem>>, vector<1x16xf32>,
        %add3A_530 = arith.constant 3 : i32
        %add3A_531 = arith.addi %mul3A_488, %add3A_530 : i32
        %get3A_532 = arith.index_cast %add3A_531 : i32 to index
        %get3A_533 = arith.index_cast %mul3A_437 : i32 to index
        %get3A_534 = tpu.vector_load %arg8[%get3A_532, %get3A_533] {strides = array<i32>} : memref<256x128xf32, #tpu.memory_space<vmem>>, vector<1x16xf32>,
        %get3A_535 = vector.shape_cast %get3A_534 : vector<1x16xf32> to vector<16xf32>
        %add3A_536 = arith.addf %get3A_535, %get3A_456 : vector<16xf32>
        %add3A_537 = arith.constant 3 : i32
        %add3A_538 = arith.addi %mul3A_488, %add3A_537 : i32
        %swap3A_539 = arith.index_cast %add3A_538 : i32 to index
        %swap3A_540 = arith.index_cast %mul3A_437 : i32 to index
        %swap3A_541 = tpu.vector_load %arg8[%swap3A_539, %swap3A_540] {strides = array<i32>} : memref<256x128xf32, #tpu.memory_space<vmem>>, vector<1x16xf32>,
        %swap3A_542 = vector.shape_cast %swap3A_541 : vector<1x16xf32> to vector<16xf32>
        %swap3A_543 = vector.shape_cast %add3A_536 : vector<16xf32> to vector<1x16xf32>
        tpu.vector_store %arg8[%swap3A_539, %swap3A_540], %swap3A_543 {strides = array<i32>} : memref<256x128xf32, #tpu.memory_space<vmem>>, vector<1x16xf32>,
        %add3A_544 = arith.constant 4 : i32
        %add3A_545 = arith.addi %mul3A_488, %add3A_544 : i32
        %get3A_546 = arith.index_cast %add3A_545 : i32 to index
        %get3A_547 = arith.index_cast %mul3A_437 : i32 to index
        %get3A_548 = tpu.vector_load %arg8[%get3A_546, %get3A_547] {strides = array<i32>} : memref<256x128xf32, #tpu.memory_space<vmem>>, vector<1x16xf32>,
        %get3A_549 = vector.shape_cast %get3A_548 : vector<1x16xf32> to vector<16xf32>
        %add3A_550 = arith.addf %get3A_549, %get3A_461 : vector<16xf32>
        %add3A_551 = arith.constant 4 : i32
        %add3A_552 = arith.addi %mul3A_488, %add3A_551 : i32
        %swap3A_553 = arith.index_cast %add3A_552 : i32 to index
        %swap3A_554 = arith.index_cast %mul3A_437 : i32 to index
        %swap3A_555 = tpu.vector_load %arg8[%swap3A_553, %swap3A_554] {strides = array<i32>} : memref<256x128xf32, #tpu.memory_space<vmem>>, vector<1x16xf32>,
        %swap3A_556 = vector.shape_cast %swap3A_555 : vector<1x16xf32> to vector<16xf32>
        %swap3A_557 = vector.shape_cast %add3A_550 : vector<16xf32> to vector<1x16xf32>
        tpu.vector_store %arg8[%swap3A_553, %swap3A_554], %swap3A_557 {strides = array<i32>} : memref<256x128xf32, #tpu.memory_space<vmem>>, vector<1x16xf32>,
        %add3A_558 = arith.constant 5 : i32
        %add3A_559 = arith.addi %mul3A_488, %add3A_558 : i32
        %get3A_560 = arith.index_cast %add3A_559 : i32 to index
        %get3A_561 = arith.index_cast %mul3A_437 : i32 to index
        %get3A_562 = tpu.vector_load %arg8[%get3A_560, %get3A_561] {strides = array<i32>} : memref<256x128xf32, #tpu.memory_space<vmem>>, vector<1x16xf32>,
        %get3A_563 = vector.shape_cast %get3A_562 : vector<1x16xf32> to vector<16xf32>
        %add3A_564 = arith.addf %get3A_563, %get3A_466 : vector<16xf32>
        %add3A_565 = arith.constant 5 : i32
        %add3A_566 = arith.addi %mul3A_488, %add3A_565 : i32
        %swap3A_567 = arith.index_cast %add3A_566 : i32 to index
        %swap3A_568 = arith.index_cast %mul3A_437 : i32 to index
        %swap3A_569 = tpu.vector_load %arg8[%swap3A_567, %swap3A_568] {strides = array<i32>} : memref<256x128xf32, #tpu.memory_space<vmem>>, vector<1x16xf32>,
        %swap3A_570 = vector.shape_cast %swap3A_569 : vector<1x16xf32> to vector<16xf32>
        %swap3A_571 = vector.shape_cast %add3A_564 : vector<16xf32> to vector<1x16xf32>
        tpu.vector_store %arg8[%swap3A_567, %swap3A_568], %swap3A_571 {strides = array<i32>} : memref<256x128xf32, #tpu.memory_space<vmem>>, vector<1x16xf32>,
        %add3A_572 = arith.constant 6 : i32
        %add3A_573 = arith.addi %mul3A_488, %add3A_572 : i32
        %get3A_574 = arith.index_cast %add3A_573 : i32 to index
        %get3A_575 = arith.index_cast %mul3A_437 : i32 to index
        %get3A_576 = tpu.vector_load %arg8[%get3A_574, %get3A_575] {strides = array<i32>} : memref<256x128xf32, #tpu.memory_space<vmem>>, vector<1x16xf32>,
        %get3A_577 = vector.shape_cast %get3A_576 : vector<1x16xf32> to vector<16xf32>
        %add3A_578 = arith.addf %get3A_577, %get3A_471 : vector<16xf32>
        %add3A_579 = arith.constant 6 : i32
        %add3A_580 = arith.addi %mul3A_488, %add3A_579 : i32
        %swap3A_581 = arith.index_cast %add3A_580 : i32 to index
        %swap3A_582 = arith.index_cast %mul3A_437 : i32 to index
        %swap3A_583 = tpu.vector_load %arg8[%swap3A_581, %swap3A_582] {strides = array<i32>} : memref<256x128xf32, #tpu.memory_space<vmem>>, vector<1x16xf32>,
        %swap3A_584 = vector.shape_cast %swap3A_583 : vector<1x16xf32> to vector<16xf32>
        %swap3A_585 = vector.shape_cast %add3A_578 : vector<16xf32> to vector<1x16xf32>
        tpu.vector_store %arg8[%swap3A_581, %swap3A_582], %swap3A_585 {strides = array<i32>} : memref<256x128xf32, #tpu.memory_space<vmem>>, vector<1x16xf32>,
        %add3A_586 = arith.constant 7 : i32
        %add3A_587 = arith.addi %mul3A_488, %add3A_586 : i32
        %get3A_588 = arith.index_cast %add3A_587 : i32 to index
        %get3A_589 = arith.index_cast %mul3A_437 : i32 to index
        %get3A_590 = tpu.vector_load %arg8[%get3A_588, %get3A_589] {strides = array<i32>} : memref<256x128xf32, #tpu.memory_space<vmem>>, vector<1x16xf32>,
        %get3A_591 = vector.shape_cast %get3A_590 : vector<1x16xf32> to vector<16xf32>
        %add3A_592 = arith.addf %get3A_591, %get3A_476 : vector<16xf32>
        %add3A_593 = arith.constant 7 : i32
        %add3A_594 = arith.addi %mul3A_488, %add3A_593 : i32
        %swap3A_595 = arith.index_cast %add3A_594 : i32 to index
        %swap3A_596 = arith.index_cast %mul3A_437 : i32 to index
        %swap3A_597 = tpu.vector_load %arg8[%swap3A_595, %swap3A_596] {strides = array<i32>} : memref<256x128xf32, #tpu.memory_space<vmem>>, vector<1x16xf32>,
        %swap3A_598 = vector.shape_cast %swap3A_597 : vector<1x16xf32> to vector<16xf32>
        %swap3A_599 = vector.shape_cast %add3A_592 : vector<16xf32> to vector<1x16xf32>
        tpu.vector_store %arg8[%swap3A_595, %swap3A_596], %swap3A_599 {strides = array<i32>} : memref<256x128xf32, #tpu.memory_space<vmem>>, vector<1x16xf32>,
        %scan3A_600 = arith.constant 0 : i32
        scf.yield %scan3A_600 : i32
      }
      %scan3A_483 = arith.constant 32 : i32
      %scan3A_484 = arith.constant 0 : i32
      scf.yield %scan3A_484 : i32
    }
    %scan3A_185 = arith.constant 8 : i32
    %add3A_186 = arith.constant 1536 : i32
    %add3A_187 = arith.addi %mul3A_2, %add3A_186 : i32
    %dma_start3A_188 = arith.constant 0 : i32
    %dma_start3A_189 = tpu.memref_slice %arg5[%add3A_187, %dma_start3A_188] : memref<131072x128xf32, #tpu.memory_space<hbm>> -> memref<256x128xf32, #tpu.memory_space<hbm>>
    %dma_start3A_190 = arith.constant 0 : i32
    %dma_start3A_191 = tpu.memref_slice %arg5[%add3A_187, %dma_start3A_190] : memref<131072x128xf32, #tpu.memory_space<hbm>> -> memref<256x128xf32, #tpu.memory_space<hbm>>
    tpu.enqueue_dma source(%arg8 : memref<256x128xf32, #tpu.memory_space<vmem>>) target(%dma_start3A_191 : memref<256x128xf32, #tpu.memory_space<hbm>>) target_semaphore(%arg13 : memref<!tpu.dma_semaphore, #tpu.memory_space<semaphore_mem>>)
    %dma_wait3A_192 = arith.constant 1792 : i32
    %dma_wait3A_193 = tpu.memref_slice %arg7[%dma_wait3A_192] : memref<4096xi32, #tpu.memory_space<vmem>> -> memref<256xi32, #tpu.memory_space<vmem>>
    %dma_wait3A_194 = arith.constant 0 : i32
    %dma_wait3A_195 = arith.constant 0 : i32
    %dma_wait3A_196 = tpu.memref_slice %arg6[%dma_wait3A_194, %dma_wait3A_195] : memref<1000x128xf32, #tpu.memory_space<vmem_shared>> -> memref<1000x128xf32, #tpu.memory_space<vmem_shared>>
    tpu.wait_indirect_dma semaphore(%arg12 : memref<!tpu.dma_semaphore, #tpu.memory_space<semaphore_mem>>) src(%dma_wait3A_196 : memref<1000x128xf32, #tpu.memory_space<vmem_shared>>) dst(%arg9 : memref<256x128xf32, #tpu.memory_space<vmem>>)
    %dma_wait3A_197 = arith.constant 0 : i32
    %dma_wait3A_198 = tpu.memref_slice %arg5[%add3A_187, %dma_wait3A_197] : memref<131072x128xf32, #tpu.memory_space<hbm>> -> memref<256x128xf32, #tpu.memory_space<hbm>>
    %dma_wait3A_199 = arith.constant 0 : i32
    %dma_wait3A_200 = tpu.memref_slice %arg5[%add3A_187, %dma_wait3A_199] : memref<131072x128xf32, #tpu.memory_space<hbm>> -> memref<256x128xf32, #tpu.memory_space<hbm>>
    tpu.wait_dma2 semaphore(%arg13 : memref<!tpu.dma_semaphore, #tpu.memory_space<semaphore_mem>>) src(%arg8 : memref<256x128xf32, #tpu.memory_space<vmem>>) dst(%dma_wait3A_200 : memref<256x128xf32, #tpu.memory_space<hbm>>)
    %dma_start3A_201 = arith.constant 2048 : i32
    %dma_start3A_202 = tpu.memref_slice %arg7[%dma_start3A_201] : memref<4096xi32, #tpu.memory_space<vmem>> -> memref<256xi32, #tpu.memory_space<vmem>>
    %dma_start3A_203 = arith.constant 0 : i32
    %dma_start3A_204 = arith.constant 0 : i32
    %dma_start3A_205 = tpu.memref_slice %arg6[%dma_start3A_203, %dma_start3A_204] : memref<1000x128xf32, #tpu.memory_space<vmem_shared>> -> memref<1000x128xf32, #tpu.memory_space<vmem_shared>>
    tpu.enqueue_indirect_dma source(%dma_start3A_205 : memref<1000x128xf32, #tpu.memory_space<vmem_shared>>) target(%arg8 : memref<256x128xf32, #tpu.memory_space<vmem>>) offsets(%dma_start3A_202 : memref<256xi32, #tpu.memory_space<vmem>>) semaphore(%arg11 : memref<!tpu.dma_semaphore, #tpu.memory_space<semaphore_mem>>)
    %scan3A_206 = arith.constant 0 : i32
    %scan3A_207 = arith.constant 0 : i32
    %scan3A_208 = arith.constant 8 : i32
    %scan3A_209 = arith.addi %scan3A_207, %scan3A_208 : i32
    %scan3A_210 = arith.constant 1 : i32
    %scan3A_211 = scf.for %scan3A_434 = %scan3A_207 to %scan3A_209 step %scan3A_210 iter_args(%scan3A_435 = %scan3A_206) -> (i32)  : i32 {
      %mul3A_436 = arith.constant 16 : i32
      %mul3A_437 = arith.muli %scan3A_434, %mul3A_436 : i32
      %get3A = arith.constant 0 : i32
      %get3A_438 = arith.index_cast %get3A : i32 to index
      %get3A_439 = arith.index_cast %mul3A_437 : i32 to index
      %get3A_440 = tpu.vector_load %arg10[%get3A_438, %get3A_439] {strides = array<i32>} : memref<8x128xf32, #tpu.memory_space<vmem>>, vector<1x16xf32>,
      %get3A_441 = vector.shape_cast %get3A_440 : vector<1x16xf32> to vector<16xf32>
      %get3A_442 = arith.constant 1 : i32
      %get3A_443 = arith.index_cast %get3A_442 : i32 to index
      %get3A_444 = arith.index_cast %mul3A_437 : i32 to index
      %get3A_445 = tpu.vector_load %arg10[%get3A_443, %get3A_444] {strides = array<i32>} : memref<8x128xf32, #tpu.memory_space<vmem>>, vector<1x16xf32>,
      %get3A_446 = vector.shape_cast %get3A_445 : vector<1x16xf32> to vector<16xf32>
      %get3A_447 = arith.constant 2 : i32
      %get3A_448 = arith.index_cast %get3A_447 : i32 to index
      %get3A_449 = arith.index_cast %mul3A_437 : i32 to index
      %get3A_450 = tpu.vector_load %arg10[%get3A_448, %get3A_449] {strides = array<i32>} : memref<8x128xf32, #tpu.memory_space<vmem>>, vector<1x16xf32>,
      %get3A_451 = vector.shape_cast %get3A_450 : vector<1x16xf32> to vector<16xf32>
      %get3A_452 = arith.constant 3 : i32
      %get3A_453 = arith.index_cast %get3A_452 : i32 to index
      %get3A_454 = arith.index_cast %mul3A_437 : i32 to index
      %get3A_455 = tpu.vector_load %arg10[%get3A_453, %get3A_454] {strides = array<i32>} : memref<8x128xf32, #tpu.memory_space<vmem>>, vector<1x16xf32>,
      %get3A_456 = vector.shape_cast %get3A_455 : vector<1x16xf32> to vector<16xf32>
      %get3A_457 = arith.constant 4 : i32
      %get3A_458 = arith.index_cast %get3A_457 : i32 to index
      %get3A_459 = arith.index_cast %mul3A_437 : i32 to index
      %get3A_460 = tpu.vector_load %arg10[%get3A_458, %get3A_459] {strides = array<i32>} : memref<8x128xf32, #tpu.memory_space<vmem>>, vector<1x16xf32>,
      %get3A_461 = vector.shape_cast %get3A_460 : vector<1x16xf32> to vector<16xf32>
      %get3A_462 = arith.constant 5 : i32
      %get3A_463 = arith.index_cast %get3A_462 : i32 to index
      %get3A_464 = arith.index_cast %mul3A_437 : i32 to index
      %get3A_465 = tpu.vector_load %arg10[%get3A_463, %get3A_464] {strides = array<i32>} : memref<8x128xf32, #tpu.memory_space<vmem>>, vector<1x16xf32>,
      %get3A_466 = vector.shape_cast %get3A_465 : vector<1x16xf32> to vector<16xf32>
      %get3A_467 = arith.constant 6 : i32
      %get3A_468 = arith.index_cast %get3A_467 : i32 to index
      %get3A_469 = arith.index_cast %mul3A_437 : i32 to index
      %get3A_470 = tpu.vector_load %arg10[%get3A_468, %get3A_469] {strides = array<i32>} : memref<8x128xf32, #tpu.memory_space<vmem>>, vector<1x16xf32>,
      %get3A_471 = vector.shape_cast %get3A_470 : vector<1x16xf32> to vector<16xf32>
      %get3A_472 = arith.constant 7 : i32
      %get3A_473 = arith.index_cast %get3A_472 : i32 to index
      %get3A_474 = arith.index_cast %mul3A_437 : i32 to index
      %get3A_475 = tpu.vector_load %arg10[%get3A_473, %get3A_474] {strides = array<i32>} : memref<8x128xf32, #tpu.memory_space<vmem>>, vector<1x16xf32>,
      %get3A_476 = vector.shape_cast %get3A_475 : vector<1x16xf32> to vector<16xf32>
      %scan3A_477 = arith.constant 0 : i32
      %scan3A_478 = arith.constant 0 : i32
      %scan3A_479 = arith.constant 32 : i32
      %scan3A_480 = arith.addi %scan3A_478, %scan3A_479 : i32
      %scan3A_481 = arith.constant 1 : i32
      %scan3A_482 = scf.for %scan3A_485 = %scan3A_478 to %scan3A_480 step %scan3A_481 iter_args(%scan3A_486 = %scan3A_477) -> (i32)  : i32 {
        %mul3A_487 = arith.constant 8 : i32
        %mul3A_488 = arith.muli %scan3A_485, %mul3A_487 : i32
        %add3A_489 = arith.constant 0 : i32
        %add3A_490 = arith.addi %mul3A_488, %add3A_489 : i32
        %get3A_491 = arith.index_cast %add3A_490 : i32 to index
        %get3A_492 = arith.index_cast %mul3A_437 : i32 to index
        %get3A_493 = tpu.vector_load %arg9[%get3A_491, %get3A_492] {strides = array<i32>} : memref<256x128xf32, #tpu.memory_space<vmem>>, vector<1x16xf32>,
        %get3A_494 = vector.shape_cast %get3A_493 : vector<1x16xf32> to vector<16xf32>
        %add3A_495 = arith.addf %get3A_494, %get3A_441 : vector<16xf32>
        %add3A_496 = arith.constant 0 : i32
        %add3A_497 = arith.addi %mul3A_488, %add3A_496 : i32
        %swap3A = arith.index_cast %add3A_497 : i32 to index
        %swap3A_498 = arith.index_cast %mul3A_437 : i32 to index
        %swap3A_499 = tpu.vector_load %arg9[%swap3A, %swap3A_498] {strides = array<i32>} : memref<256x128xf32, #tpu.memory_space<vmem>>, vector<1x16xf32>,
        %swap3A_500 = vector.shape_cast %swap3A_499 : vector<1x16xf32> to vector<16xf32>
        %swap3A_501 = vector.shape_cast %add3A_495 : vector<16xf32> to vector<1x16xf32>
        tpu.vector_store %arg9[%swap3A, %swap3A_498], %swap3A_501 {strides = array<i32>} : memref<256x128xf32, #tpu.memory_space<vmem>>, vector<1x16xf32>,
        %add3A_502 = arith.constant 1 : i32
        %add3A_503 = arith.addi %mul3A_488, %add3A_502 : i32
        %get3A_504 = arith.index_cast %add3A_503 : i32 to index
        %get3A_505 = arith.index_cast %mul3A_437 : i32 to index
        %get3A_506 = tpu.vector_load %arg9[%get3A_504, %get3A_505] {strides = array<i32>} : memref<256x128xf32, #tpu.memory_space<vmem>>, vector<1x16xf32>,
        %get3A_507 = vector.shape_cast %get3A_506 : vector<1x16xf32> to vector<16xf32>
        %add3A_508 = arith.addf %get3A_507, %get3A_446 : vector<16xf32>
        %add3A_509 = arith.constant 1 : i32
        %add3A_510 = arith.addi %mul3A_488, %add3A_509 : i32
        %swap3A_511 = arith.index_cast %add3A_510 : i32 to index
        %swap3A_512 = arith.index_cast %mul3A_437 : i32 to index
        %swap3A_513 = tpu.vector_load %arg9[%swap3A_511, %swap3A_512] {strides = array<i32>} : memref<256x128xf32, #tpu.memory_space<vmem>>, vector<1x16xf32>,
        %swap3A_514 = vector.shape_cast %swap3A_513 : vector<1x16xf32> to vector<16xf32>
        %swap3A_515 = vector.shape_cast %add3A_508 : vector<16xf32> to vector<1x16xf32>
        tpu.vector_store %arg9[%swap3A_511, %swap3A_512], %swap3A_515 {strides = array<i32>} : memref<256x128xf32, #tpu.memory_space<vmem>>, vector<1x16xf32>,
        %add3A_516 = arith.constant 2 : i32
        %add3A_517 = arith.addi %mul3A_488, %add3A_516 : i32
        %get3A_518 = arith.index_cast %add3A_517 : i32 to index
        %get3A_519 = arith.index_cast %mul3A_437 : i32 to index
        %get3A_520 = tpu.vector_load %arg9[%get3A_518, %get3A_519] {strides = array<i32>} : memref<256x128xf32, #tpu.memory_space<vmem>>, vector<1x16xf32>,
        %get3A_521 = vector.shape_cast %get3A_520 : vector<1x16xf32> to vector<16xf32>
        %add3A_522 = arith.addf %get3A_521, %get3A_451 : vector<16xf32>
        %add3A_523 = arith.constant 2 : i32
        %add3A_524 = arith.addi %mul3A_488, %add3A_523 : i32
        %swap3A_525 = arith.index_cast %add3A_524 : i32 to index
        %swap3A_526 = arith.index_cast %mul3A_437 : i32 to index
        %swap3A_527 = tpu.vector_load %arg9[%swap3A_525, %swap3A_526] {strides = array<i32>} : memref<256x128xf32, #tpu.memory_space<vmem>>, vector<1x16xf32>,
        %swap3A_528 = vector.shape_cast %swap3A_527 : vector<1x16xf32> to vector<16xf32>
        %swap3A_529 = vector.shape_cast %add3A_522 : vector<16xf32> to vector<1x16xf32>
        tpu.vector_store %arg9[%swap3A_525, %swap3A_526], %swap3A_529 {strides = array<i32>} : memref<256x128xf32, #tpu.memory_space<vmem>>, vector<1x16xf32>,
        %add3A_530 = arith.constant 3 : i32
        %add3A_531 = arith.addi %mul3A_488, %add3A_530 : i32
        %get3A_532 = arith.index_cast %add3A_531 : i32 to index
        %get3A_533 = arith.index_cast %mul3A_437 : i32 to index
        %get3A_534 = tpu.vector_load %arg9[%get3A_532, %get3A_533] {strides = array<i32>} : memref<256x128xf32, #tpu.memory_space<vmem>>, vector<1x16xf32>,
        %get3A_535 = vector.shape_cast %get3A_534 : vector<1x16xf32> to vector<16xf32>
        %add3A_536 = arith.addf %get3A_535, %get3A_456 : vector<16xf32>
        %add3A_537 = arith.constant 3 : i32
        %add3A_538 = arith.addi %mul3A_488, %add3A_537 : i32
        %swap3A_539 = arith.index_cast %add3A_538 : i32 to index
        %swap3A_540 = arith.index_cast %mul3A_437 : i32 to index
        %swap3A_541 = tpu.vector_load %arg9[%swap3A_539, %swap3A_540] {strides = array<i32>} : memref<256x128xf32, #tpu.memory_space<vmem>>, vector<1x16xf32>,
        %swap3A_542 = vector.shape_cast %swap3A_541 : vector<1x16xf32> to vector<16xf32>
        %swap3A_543 = vector.shape_cast %add3A_536 : vector<16xf32> to vector<1x16xf32>
        tpu.vector_store %arg9[%swap3A_539, %swap3A_540], %swap3A_543 {strides = array<i32>} : memref<256x128xf32, #tpu.memory_space<vmem>>, vector<1x16xf32>,
        %add3A_544 = arith.constant 4 : i32
        %add3A_545 = arith.addi %mul3A_488, %add3A_544 : i32
        %get3A_546 = arith.index_cast %add3A_545 : i32 to index
        %get3A_547 = arith.index_cast %mul3A_437 : i32 to index
        %get3A_548 = tpu.vector_load %arg9[%get3A_546, %get3A_547] {strides = array<i32>} : memref<256x128xf32, #tpu.memory_space<vmem>>, vector<1x16xf32>,
        %get3A_549 = vector.shape_cast %get3A_548 : vector<1x16xf32> to vector<16xf32>
        %add3A_550 = arith.addf %get3A_549, %get3A_461 : vector<16xf32>
        %add3A_551 = arith.constant 4 : i32
        %add3A_552 = arith.addi %mul3A_488, %add3A_551 : i32
        %swap3A_553 = arith.index_cast %add3A_552 : i32 to index
        %swap3A_554 = arith.index_cast %mul3A_437 : i32 to index
        %swap3A_555 = tpu.vector_load %arg9[%swap3A_553, %swap3A_554] {strides = array<i32>} : memref<256x128xf32, #tpu.memory_space<vmem>>, vector<1x16xf32>,
        %swap3A_556 = vector.shape_cast %swap3A_555 : vector<1x16xf32> to vector<16xf32>
        %swap3A_557 = vector.shape_cast %add3A_550 : vector<16xf32> to vector<1x16xf32>
        tpu.vector_store %arg9[%swap3A_553, %swap3A_554], %swap3A_557 {strides = array<i32>} : memref<256x128xf32, #tpu.memory_space<vmem>>, vector<1x16xf32>,
        %add3A_558 = arith.constant 5 : i32
        %add3A_559 = arith.addi %mul3A_488, %add3A_558 : i32
        %get3A_560 = arith.index_cast %add3A_559 : i32 to index
        %get3A_561 = arith.index_cast %mul3A_437 : i32 to index
        %get3A_562 = tpu.vector_load %arg9[%get3A_560, %get3A_561] {strides = array<i32>} : memref<256x128xf32, #tpu.memory_space<vmem>>, vector<1x16xf32>,
        %get3A_563 = vector.shape_cast %get3A_562 : vector<1x16xf32> to vector<16xf32>
        %add3A_564 = arith.addf %get3A_563, %get3A_466 : vector<16xf32>
        %add3A_565 = arith.constant 5 : i32
        %add3A_566 = arith.addi %mul3A_488, %add3A_565 : i32
        %swap3A_567 = arith.index_cast %add3A_566 : i32 to index
        %swap3A_568 = arith.index_cast %mul3A_437 : i32 to index
        %swap3A_569 = tpu.vector_load %arg9[%swap3A_567, %swap3A_568] {strides = array<i32>} : memref<256x128xf32, #tpu.memory_space<vmem>>, vector<1x16xf32>,
        %swap3A_570 = vector.shape_cast %swap3A_569 : vector<1x16xf32> to vector<16xf32>
        %swap3A_571 = vector.shape_cast %add3A_564 : vector<16xf32> to vector<1x16xf32>
        tpu.vector_store %arg9[%swap3A_567, %swap3A_568], %swap3A_571 {strides = array<i32>} : memref<256x128xf32, #tpu.memory_space<vmem>>, vector<1x16xf32>,
        %add3A_572 = arith.constant 6 : i32
        %add3A_573 = arith.addi %mul3A_488, %add3A_572 : i32
        %get3A_574 = arith.index_cast %add3A_573 : i32 to index
        %get3A_575 = arith.index_cast %mul3A_437 : i32 to index
        %get3A_576 = tpu.vector_load %arg9[%get3A_574, %get3A_575] {strides = array<i32>} : memref<256x128xf32, #tpu.memory_space<vmem>>, vector<1x16xf32>,
        %get3A_577 = vector.shape_cast %get3A_576 : vector<1x16xf32> to vector<16xf32>
        %add3A_578 = arith.addf %get3A_577, %get3A_471 : vector<16xf32>
        %add3A_579 = arith.constant 6 : i32
        %add3A_580 = arith.addi %mul3A_488, %add3A_579 : i32
        %swap3A_581 = arith.index_cast %add3A_580 : i32 to index
        %swap3A_582 = arith.index_cast %mul3A_437 : i32 to index
        %swap3A_583 = tpu.vector_load %arg9[%swap3A_581, %swap3A_582] {strides = array<i32>} : memref<256x128xf32, #tpu.memory_space<vmem>>, vector<1x16xf32>,
        %swap3A_584 = vector.shape_cast %swap3A_583 : vector<1x16xf32> to vector<16xf32>
        %swap3A_585 = vector.shape_cast %add3A_578 : vector<16xf32> to vector<1x16xf32>
        tpu.vector_store %arg9[%swap3A_581, %swap3A_582], %swap3A_585 {strides = array<i32>} : memref<256x128xf32, #tpu.memory_space<vmem>>, vector<1x16xf32>,
        %add3A_586 = arith.constant 7 : i32
        %add3A_587 = arith.addi %mul3A_488, %add3A_586 : i32
        %get3A_588 = arith.index_cast %add3A_587 : i32 to index
        %get3A_589 = arith.index_cast %mul3A_437 : i32 to index
        %get3A_590 = tpu.vector_load %arg9[%get3A_588, %get3A_589] {strides = array<i32>} : memref<256x128xf32, #tpu.memory_space<vmem>>, vector<1x16xf32>,
        %get3A_591 = vector.shape_cast %get3A_590 : vector<1x16xf32> to vector<16xf32>
        %add3A_592 = arith.addf %get3A_591, %get3A_476 : vector<16xf32>
        %add3A_593 = arith.constant 7 : i32
        %add3A_594 = arith.addi %mul3A_488, %add3A_593 : i32
        %swap3A_595 = arith.index_cast %add3A_594 : i32 to index
        %swap3A_596 = arith.index_cast %mul3A_437 : i32 to index
        %swap3A_597 = tpu.vector_load %arg9[%swap3A_595, %swap3A_596] {strides = array<i32>} : memref<256x128xf32, #tpu.memory_space<vmem>>, vector<1x16xf32>,
        %swap3A_598 = vector.shape_cast %swap3A_597 : vector<1x16xf32> to vector<16xf32>
        %swap3A_599 = vector.shape_cast %add3A_592 : vector<16xf32> to vector<1x16xf32>
        tpu.vector_store %arg9[%swap3A_595, %swap3A_596], %swap3A_599 {strides = array<i32>} : memref<256x128xf32, #tpu.memory_space<vmem>>, vector<1x16xf32>,
        %scan3A_600 = arith.constant 0 : i32
        scf.yield %scan3A_600 : i32
      }
      %scan3A_483 = arith.constant 32 : i32
      %scan3A_484 = arith.constant 0 : i32
      scf.yield %scan3A_484 : i32
    }
    %scan3A_212 = arith.constant 8 : i32
    %add3A_213 = arith.constant 1792 : i32
    %add3A_214 = arith.addi %mul3A_2, %add3A_213 : i32
    %dma_start3A_215 = arith.constant 0 : i32
    %dma_start3A_216 = tpu.memref_slice %arg5[%add3A_214, %dma_start3A_215] : memref<131072x128xf32, #tpu.memory_space<hbm>> -> memref<256x128xf32, #tpu.memory_space<hbm>>
    %dma_start3A_217 = arith.constant 0 : i32
    %dma_start3A_218 = tpu.memref_slice %arg5[%add3A_214, %dma_start3A_217] : memref<131072x128xf32, #tpu.memory_space<hbm>> -> memref<256x128xf32, #tpu.memory_space<hbm>>
    tpu.enqueue_dma source(%arg9 : memref<256x128xf32, #tpu.memory_space<vmem>>) target(%dma_start3A_218 : memref<256x128xf32, #tpu.memory_space<hbm>>) target_semaphore(%arg14 : memref<!tpu.dma_semaphore, #tpu.memory_space<semaphore_mem>>)
    %dma_wait3A_219 = arith.constant 2048 : i32
    %dma_wait3A_220 = tpu.memref_slice %arg7[%dma_wait3A_219] : memref<4096xi32, #tpu.memory_space<vmem>> -> memref<256xi32, #tpu.memory_space<vmem>>
    %dma_wait3A_221 = arith.constant 0 : i32
    %dma_wait3A_222 = arith.constant 0 : i32
    %dma_wait3A_223 = tpu.memref_slice %arg6[%dma_wait3A_221, %dma_wait3A_222] : memref<1000x128xf32, #tpu.memory_space<vmem_shared>> -> memref<1000x128xf32, #tpu.memory_space<vmem_shared>>
    tpu.wait_indirect_dma semaphore(%arg11 : memref<!tpu.dma_semaphore, #tpu.memory_space<semaphore_mem>>) src(%dma_wait3A_223 : memref<1000x128xf32, #tpu.memory_space<vmem_shared>>) dst(%arg8 : memref<256x128xf32, #tpu.memory_space<vmem>>)
    %dma_wait3A_224 = arith.constant 0 : i32
    %dma_wait3A_225 = tpu.memref_slice %arg5[%add3A_214, %dma_wait3A_224] : memref<131072x128xf32, #tpu.memory_space<hbm>> -> memref<256x128xf32, #tpu.memory_space<hbm>>
    %dma_wait3A_226 = arith.constant 0 : i32
    %dma_wait3A_227 = tpu.memref_slice %arg5[%add3A_214, %dma_wait3A_226] : memref<131072x128xf32, #tpu.memory_space<hbm>> -> memref<256x128xf32, #tpu.memory_space<hbm>>
    tpu.wait_dma2 semaphore(%arg14 : memref<!tpu.dma_semaphore, #tpu.memory_space<semaphore_mem>>) src(%arg9 : memref<256x128xf32, #tpu.memory_space<vmem>>) dst(%dma_wait3A_227 : memref<256x128xf32, #tpu.memory_space<hbm>>)
    %dma_start3A_228 = arith.constant 2304 : i32
    %dma_start3A_229 = tpu.memref_slice %arg7[%dma_start3A_228] : memref<4096xi32, #tpu.memory_space<vmem>> -> memref<256xi32, #tpu.memory_space<vmem>>
    %dma_start3A_230 = arith.constant 0 : i32
    %dma_start3A_231 = arith.constant 0 : i32
    %dma_start3A_232 = tpu.memref_slice %arg6[%dma_start3A_230, %dma_start3A_231] : memref<1000x128xf32, #tpu.memory_space<vmem_shared>> -> memref<1000x128xf32, #tpu.memory_space<vmem_shared>>
    tpu.enqueue_indirect_dma source(%dma_start3A_232 : memref<1000x128xf32, #tpu.memory_space<vmem_shared>>) target(%arg9 : memref<256x128xf32, #tpu.memory_space<vmem>>) offsets(%dma_start3A_229 : memref<256xi32, #tpu.memory_space<vmem>>) semaphore(%arg12 : memref<!tpu.dma_semaphore, #tpu.memory_space<semaphore_mem>>)
    %scan3A_233 = arith.constant 0 : i32
    %scan3A_234 = arith.constant 0 : i32
    %scan3A_235 = arith.constant 8 : i32
    %scan3A_236 = arith.addi %scan3A_234, %scan3A_235 : i32
    %scan3A_237 = arith.constant 1 : i32
    %scan3A_238 = scf.for %scan3A_434 = %scan3A_234 to %scan3A_236 step %scan3A_237 iter_args(%scan3A_435 = %scan3A_233) -> (i32)  : i32 {
      %mul3A_436 = arith.constant 16 : i32
      %mul3A_437 = arith.muli %scan3A_434, %mul3A_436 : i32
      %get3A = arith.constant 0 : i32
      %get3A_438 = arith.index_cast %get3A : i32 to index
      %get3A_439 = arith.index_cast %mul3A_437 : i32 to index
      %get3A_440 = tpu.vector_load %arg10[%get3A_438, %get3A_439] {strides = array<i32>} : memref<8x128xf32, #tpu.memory_space<vmem>>, vector<1x16xf32>,
      %get3A_441 = vector.shape_cast %get3A_440 : vector<1x16xf32> to vector<16xf32>
      %get3A_442 = arith.constant 1 : i32
      %get3A_443 = arith.index_cast %get3A_442 : i32 to index
      %get3A_444 = arith.index_cast %mul3A_437 : i32 to index
      %get3A_445 = tpu.vector_load %arg10[%get3A_443, %get3A_444] {strides = array<i32>} : memref<8x128xf32, #tpu.memory_space<vmem>>, vector<1x16xf32>,
      %get3A_446 = vector.shape_cast %get3A_445 : vector<1x16xf32> to vector<16xf32>
      %get3A_447 = arith.constant 2 : i32
      %get3A_448 = arith.index_cast %get3A_447 : i32 to index
      %get3A_449 = arith.index_cast %mul3A_437 : i32 to index
      %get3A_450 = tpu.vector_load %arg10[%get3A_448, %get3A_449] {strides = array<i32>} : memref<8x128xf32, #tpu.memory_space<vmem>>, vector<1x16xf32>,
      %get3A_451 = vector.shape_cast %get3A_450 : vector<1x16xf32> to vector<16xf32>
      %get3A_452 = arith.constant 3 : i32
      %get3A_453 = arith.index_cast %get3A_452 : i32 to index
      %get3A_454 = arith.index_cast %mul3A_437 : i32 to index
      %get3A_455 = tpu.vector_load %arg10[%get3A_453, %get3A_454] {strides = array<i32>} : memref<8x128xf32, #tpu.memory_space<vmem>>, vector<1x16xf32>,
      %get3A_456 = vector.shape_cast %get3A_455 : vector<1x16xf32> to vector<16xf32>
      %get3A_457 = arith.constant 4 : i32
      %get3A_458 = arith.index_cast %get3A_457 : i32 to index
      %get3A_459 = arith.index_cast %mul3A_437 : i32 to index
      %get3A_460 = tpu.vector_load %arg10[%get3A_458, %get3A_459] {strides = array<i32>} : memref<8x128xf32, #tpu.memory_space<vmem>>, vector<1x16xf32>,
      %get3A_461 = vector.shape_cast %get3A_460 : vector<1x16xf32> to vector<16xf32>
      %get3A_462 = arith.constant 5 : i32
      %get3A_463 = arith.index_cast %get3A_462 : i32 to index
      %get3A_464 = arith.index_cast %mul3A_437 : i32 to index
      %get3A_465 = tpu.vector_load %arg10[%get3A_463, %get3A_464] {strides = array<i32>} : memref<8x128xf32, #tpu.memory_space<vmem>>, vector<1x16xf32>,
      %get3A_466 = vector.shape_cast %get3A_465 : vector<1x16xf32> to vector<16xf32>
      %get3A_467 = arith.constant 6 : i32
      %get3A_468 = arith.index_cast %get3A_467 : i32 to index
      %get3A_469 = arith.index_cast %mul3A_437 : i32 to index
      %get3A_470 = tpu.vector_load %arg10[%get3A_468, %get3A_469] {strides = array<i32>} : memref<8x128xf32, #tpu.memory_space<vmem>>, vector<1x16xf32>,
      %get3A_471 = vector.shape_cast %get3A_470 : vector<1x16xf32> to vector<16xf32>
      %get3A_472 = arith.constant 7 : i32
      %get3A_473 = arith.index_cast %get3A_472 : i32 to index
      %get3A_474 = arith.index_cast %mul3A_437 : i32 to index
      %get3A_475 = tpu.vector_load %arg10[%get3A_473, %get3A_474] {strides = array<i32>} : memref<8x128xf32, #tpu.memory_space<vmem>>, vector<1x16xf32>,
      %get3A_476 = vector.shape_cast %get3A_475 : vector<1x16xf32> to vector<16xf32>
      %scan3A_477 = arith.constant 0 : i32
      %scan3A_478 = arith.constant 0 : i32
      %scan3A_479 = arith.constant 32 : i32
      %scan3A_480 = arith.addi %scan3A_478, %scan3A_479 : i32
      %scan3A_481 = arith.constant 1 : i32
      %scan3A_482 = scf.for %scan3A_485 = %scan3A_478 to %scan3A_480 step %scan3A_481 iter_args(%scan3A_486 = %scan3A_477) -> (i32)  : i32 {
        %mul3A_487 = arith.constant 8 : i32
        %mul3A_488 = arith.muli %scan3A_485, %mul3A_487 : i32
        %add3A_489 = arith.constant 0 : i32
        %add3A_490 = arith.addi %mul3A_488, %add3A_489 : i32
        %get3A_491 = arith.index_cast %add3A_490 : i32 to index
        %get3A_492 = arith.index_cast %mul3A_437 : i32 to index
        %get3A_493 = tpu.vector_load %arg8[%get3A_491, %get3A_492] {strides = array<i32>} : memref<256x128xf32, #tpu.memory_space<vmem>>, vector<1x16xf32>,
        %get3A_494 = vector.shape_cast %get3A_493 : vector<1x16xf32> to vector<16xf32>
        %add3A_495 = arith.addf %get3A_494, %get3A_441 : vector<16xf32>
        %add3A_496 = arith.constant 0 : i32
        %add3A_497 = arith.addi %mul3A_488, %add3A_496 : i32
        %swap3A = arith.index_cast %add3A_497 : i32 to index
        %swap3A_498 = arith.index_cast %mul3A_437 : i32 to index
        %swap3A_499 = tpu.vector_load %arg8[%swap3A, %swap3A_498] {strides = array<i32>} : memref<256x128xf32, #tpu.memory_space<vmem>>, vector<1x16xf32>,
        %swap3A_500 = vector.shape_cast %swap3A_499 : vector<1x16xf32> to vector<16xf32>
        %swap3A_501 = vector.shape_cast %add3A_495 : vector<16xf32> to vector<1x16xf32>
        tpu.vector_store %arg8[%swap3A, %swap3A_498], %swap3A_501 {strides = array<i32>} : memref<256x128xf32, #tpu.memory_space<vmem>>, vector<1x16xf32>,
        %add3A_502 = arith.constant 1 : i32
        %add3A_503 = arith.addi %mul3A_488, %add3A_502 : i32
        %get3A_504 = arith.index_cast %add3A_503 : i32 to index
        %get3A_505 = arith.index_cast %mul3A_437 : i32 to index
        %get3A_506 = tpu.vector_load %arg8[%get3A_504, %get3A_505] {strides = array<i32>} : memref<256x128xf32, #tpu.memory_space<vmem>>, vector<1x16xf32>,
        %get3A_507 = vector.shape_cast %get3A_506 : vector<1x16xf32> to vector<16xf32>
        %add3A_508 = arith.addf %get3A_507, %get3A_446 : vector<16xf32>
        %add3A_509 = arith.constant 1 : i32
        %add3A_510 = arith.addi %mul3A_488, %add3A_509 : i32
        %swap3A_511 = arith.index_cast %add3A_510 : i32 to index
        %swap3A_512 = arith.index_cast %mul3A_437 : i32 to index
        %swap3A_513 = tpu.vector_load %arg8[%swap3A_511, %swap3A_512] {strides = array<i32>} : memref<256x128xf32, #tpu.memory_space<vmem>>, vector<1x16xf32>,
        %swap3A_514 = vector.shape_cast %swap3A_513 : vector<1x16xf32> to vector<16xf32>
        %swap3A_515 = vector.shape_cast %add3A_508 : vector<16xf32> to vector<1x16xf32>
        tpu.vector_store %arg8[%swap3A_511, %swap3A_512], %swap3A_515 {strides = array<i32>} : memref<256x128xf32, #tpu.memory_space<vmem>>, vector<1x16xf32>,
        %add3A_516 = arith.constant 2 : i32
        %add3A_517 = arith.addi %mul3A_488, %add3A_516 : i32
        %get3A_518 = arith.index_cast %add3A_517 : i32 to index
        %get3A_519 = arith.index_cast %mul3A_437 : i32 to index
        %get3A_520 = tpu.vector_load %arg8[%get3A_518, %get3A_519] {strides = array<i32>} : memref<256x128xf32, #tpu.memory_space<vmem>>, vector<1x16xf32>,
        %get3A_521 = vector.shape_cast %get3A_520 : vector<1x16xf32> to vector<16xf32>
        %add3A_522 = arith.addf %get3A_521, %get3A_451 : vector<16xf32>
        %add3A_523 = arith.constant 2 : i32
        %add3A_524 = arith.addi %mul3A_488, %add3A_523 : i32
        %swap3A_525 = arith.index_cast %add3A_524 : i32 to index
        %swap3A_526 = arith.index_cast %mul3A_437 : i32 to index
        %swap3A_527 = tpu.vector_load %arg8[%swap3A_525, %swap3A_526] {strides = array<i32>} : memref<256x128xf32, #tpu.memory_space<vmem>>, vector<1x16xf32>,
        %swap3A_528 = vector.shape_cast %swap3A_527 : vector<1x16xf32> to vector<16xf32>
        %swap3A_529 = vector.shape_cast %add3A_522 : vector<16xf32> to vector<1x16xf32>
        tpu.vector_store %arg8[%swap3A_525, %swap3A_526], %swap3A_529 {strides = array<i32>} : memref<256x128xf32, #tpu.memory_space<vmem>>, vector<1x16xf32>,
        %add3A_530 = arith.constant 3 : i32
        %add3A_531 = arith.addi %mul3A_488, %add3A_530 : i32
        %get3A_532 = arith.index_cast %add3A_531 : i32 to index
        %get3A_533 = arith.index_cast %mul3A_437 : i32 to index
        %get3A_534 = tpu.vector_load %arg8[%get3A_532, %get3A_533] {strides = array<i32>} : memref<256x128xf32, #tpu.memory_space<vmem>>, vector<1x16xf32>,
        %get3A_535 = vector.shape_cast %get3A_534 : vector<1x16xf32> to vector<16xf32>
        %add3A_536 = arith.addf %get3A_535, %get3A_456 : vector<16xf32>
        %add3A_537 = arith.constant 3 : i32
        %add3A_538 = arith.addi %mul3A_488, %add3A_537 : i32
        %swap3A_539 = arith.index_cast %add3A_538 : i32 to index
        %swap3A_540 = arith.index_cast %mul3A_437 : i32 to index
        %swap3A_541 = tpu.vector_load %arg8[%swap3A_539, %swap3A_540] {strides = array<i32>} : memref<256x128xf32, #tpu.memory_space<vmem>>, vector<1x16xf32>,
        %swap3A_542 = vector.shape_cast %swap3A_541 : vector<1x16xf32> to vector<16xf32>
        %swap3A_543 = vector.shape_cast %add3A_536 : vector<16xf32> to vector<1x16xf32>
        tpu.vector_store %arg8[%swap3A_539, %swap3A_540], %swap3A_543 {strides = array<i32>} : memref<256x128xf32, #tpu.memory_space<vmem>>, vector<1x16xf32>,
        %add3A_544 = arith.constant 4 : i32
        %add3A_545 = arith.addi %mul3A_488, %add3A_544 : i32
        %get3A_546 = arith.index_cast %add3A_545 : i32 to index
        %get3A_547 = arith.index_cast %mul3A_437 : i32 to index
        %get3A_548 = tpu.vector_load %arg8[%get3A_546, %get3A_547] {strides = array<i32>} : memref<256x128xf32, #tpu.memory_space<vmem>>, vector<1x16xf32>,
        %get3A_549 = vector.shape_cast %get3A_548 : vector<1x16xf32> to vector<16xf32>
        %add3A_550 = arith.addf %get3A_549, %get3A_461 : vector<16xf32>
        %add3A_551 = arith.constant 4 : i32
        %add3A_552 = arith.addi %mul3A_488, %add3A_551 : i32
        %swap3A_553 = arith.index_cast %add3A_552 : i32 to index
        %swap3A_554 = arith.index_cast %mul3A_437 : i32 to index
        %swap3A_555 = tpu.vector_load %arg8[%swap3A_553, %swap3A_554] {strides = array<i32>} : memref<256x128xf32, #tpu.memory_space<vmem>>, vector<1x16xf32>,
        %swap3A_556 = vector.shape_cast %swap3A_555 : vector<1x16xf32> to vector<16xf32>
        %swap3A_557 = vector.shape_cast %add3A_550 : vector<16xf32> to vector<1x16xf32>
        tpu.vector_store %arg8[%swap3A_553, %swap3A_554], %swap3A_557 {strides = array<i32>} : memref<256x128xf32, #tpu.memory_space<vmem>>, vector<1x16xf32>,
        %add3A_558 = arith.constant 5 : i32
        %add3A_559 = arith.addi %mul3A_488, %add3A_558 : i32
        %get3A_560 = arith.index_cast %add3A_559 : i32 to index
        %get3A_561 = arith.index_cast %mul3A_437 : i32 to index
        %get3A_562 = tpu.vector_load %arg8[%get3A_560, %get3A_561] {strides = array<i32>} : memref<256x128xf32, #tpu.memory_space<vmem>>, vector<1x16xf32>,
        %get3A_563 = vector.shape_cast %get3A_562 : vector<1x16xf32> to vector<16xf32>
        %add3A_564 = arith.addf %get3A_563, %get3A_466 : vector<16xf32>
        %add3A_565 = arith.constant 5 : i32
        %add3A_566 = arith.addi %mul3A_488, %add3A_565 : i32
        %swap3A_567 = arith.index_cast %add3A_566 : i32 to index
        %swap3A_568 = arith.index_cast %mul3A_437 : i32 to index
        %swap3A_569 = tpu.vector_load %arg8[%swap3A_567, %swap3A_568] {strides = array<i32>} : memref<256x128xf32, #tpu.memory_space<vmem>>, vector<1x16xf32>,
        %swap3A_570 = vector.shape_cast %swap3A_569 : vector<1x16xf32> to vector<16xf32>
        %swap3A_571 = vector.shape_cast %add3A_564 : vector<16xf32> to vector<1x16xf32>
        tpu.vector_store %arg8[%swap3A_567, %swap3A_568], %swap3A_571 {strides = array<i32>} : memref<256x128xf32, #tpu.memory_space<vmem>>, vector<1x16xf32>,
        %add3A_572 = arith.constant 6 : i32
        %add3A_573 = arith.addi %mul3A_488, %add3A_572 : i32
        %get3A_574 = arith.index_cast %add3A_573 : i32 to index
        %get3A_575 = arith.index_cast %mul3A_437 : i32 to index
        %get3A_576 = tpu.vector_load %arg8[%get3A_574, %get3A_575] {strides = array<i32>} : memref<256x128xf32, #tpu.memory_space<vmem>>, vector<1x16xf32>,
        %get3A_577 = vector.shape_cast %get3A_576 : vector<1x16xf32> to vector<16xf32>
        %add3A_578 = arith.addf %get3A_577, %get3A_471 : vector<16xf32>
        %add3A_579 = arith.constant 6 : i32
        %add3A_580 = arith.addi %mul3A_488, %add3A_579 : i32
        %swap3A_581 = arith.index_cast %add3A_580 : i32 to index
        %swap3A_582 = arith.index_cast %mul3A_437 : i32 to index
        %swap3A_583 = tpu.vector_load %arg8[%swap3A_581, %swap3A_582] {strides = array<i32>} : memref<256x128xf32, #tpu.memory_space<vmem>>, vector<1x16xf32>,
        %swap3A_584 = vector.shape_cast %swap3A_583 : vector<1x16xf32> to vector<16xf32>
        %swap3A_585 = vector.shape_cast %add3A_578 : vector<16xf32> to vector<1x16xf32>
        tpu.vector_store %arg8[%swap3A_581, %swap3A_582], %swap3A_585 {strides = array<i32>} : memref<256x128xf32, #tpu.memory_space<vmem>>, vector<1x16xf32>,
        %add3A_586 = arith.constant 7 : i32
        %add3A_587 = arith.addi %mul3A_488, %add3A_586 : i32
        %get3A_588 = arith.index_cast %add3A_587 : i32 to index
        %get3A_589 = arith.index_cast %mul3A_437 : i32 to index
        %get3A_590 = tpu.vector_load %arg8[%get3A_588, %get3A_589] {strides = array<i32>} : memref<256x128xf32, #tpu.memory_space<vmem>>, vector<1x16xf32>,
        %get3A_591 = vector.shape_cast %get3A_590 : vector<1x16xf32> to vector<16xf32>
        %add3A_592 = arith.addf %get3A_591, %get3A_476 : vector<16xf32>
        %add3A_593 = arith.constant 7 : i32
        %add3A_594 = arith.addi %mul3A_488, %add3A_593 : i32
        %swap3A_595 = arith.index_cast %add3A_594 : i32 to index
        %swap3A_596 = arith.index_cast %mul3A_437 : i32 to index
        %swap3A_597 = tpu.vector_load %arg8[%swap3A_595, %swap3A_596] {strides = array<i32>} : memref<256x128xf32, #tpu.memory_space<vmem>>, vector<1x16xf32>,
        %swap3A_598 = vector.shape_cast %swap3A_597 : vector<1x16xf32> to vector<16xf32>
        %swap3A_599 = vector.shape_cast %add3A_592 : vector<16xf32> to vector<1x16xf32>
        tpu.vector_store %arg8[%swap3A_595, %swap3A_596], %swap3A_599 {strides = array<i32>} : memref<256x128xf32, #tpu.memory_space<vmem>>, vector<1x16xf32>,
        %scan3A_600 = arith.constant 0 : i32
        scf.yield %scan3A_600 : i32
      }
      %scan3A_483 = arith.constant 32 : i32
      %scan3A_484 = arith.constant 0 : i32
      scf.yield %scan3A_484 : i32
    }
    %scan3A_239 = arith.constant 8 : i32
    %add3A_240 = arith.constant 2048 : i32
    %add3A_241 = arith.addi %mul3A_2, %add3A_240 : i32
    %dma_start3A_242 = arith.constant 0 : i32
    %dma_start3A_243 = tpu.memref_slice %arg5[%add3A_241, %dma_start3A_242] : memref<131072x128xf32, #tpu.memory_space<hbm>> -> memref<256x128xf32, #tpu.memory_space<hbm>>
    %dma_start3A_244 = arith.constant 0 : i32
    %dma_start3A_245 = tpu.memref_slice %arg5[%add3A_241, %dma_start3A_244] : memref<131072x128xf32, #tpu.memory_space<hbm>> -> memref<256x128xf32, #tpu.memory_space<hbm>>
    tpu.enqueue_dma source(%arg8 : memref<256x128xf32, #tpu.memory_space<vmem>>) target(%dma_start3A_245 : memref<256x128xf32, #tpu.memory_space<hbm>>) target_semaphore(%arg13 : memref<!tpu.dma_semaphore, #tpu.memory_space<semaphore_mem>>)
    %dma_wait3A_246 = arith.constant 2304 : i32
    %dma_wait3A_247 = tpu.memref_slice %arg7[%dma_wait3A_246] : memref<4096xi32, #tpu.memory_space<vmem>> -> memref<256xi32, #tpu.memory_space<vmem>>
    %dma_wait3A_248 = arith.constant 0 : i32
    %dma_wait3A_249 = arith.constant 0 : i32
    %dma_wait3A_250 = tpu.memref_slice %arg6[%dma_wait3A_248, %dma_wait3A_249] : memref<1000x128xf32, #tpu.memory_space<vmem_shared>> -> memref<1000x128xf32, #tpu.memory_space<vmem_shared>>
    tpu.wait_indirect_dma semaphore(%arg12 : memref<!tpu.dma_semaphore, #tpu.memory_space<semaphore_mem>>) src(%dma_wait3A_250 : memref<1000x128xf32, #tpu.memory_space<vmem_shared>>) dst(%arg9 : memref<256x128xf32, #tpu.memory_space<vmem>>)
    %dma_wait3A_251 = arith.constant 0 : i32
    %dma_wait3A_252 = tpu.memref_slice %arg5[%add3A_241, %dma_wait3A_251] : memref<131072x128xf32, #tpu.memory_space<hbm>> -> memref<256x128xf32, #tpu.memory_space<hbm>>
    %dma_wait3A_253 = arith.constant 0 : i32
    %dma_wait3A_254 = tpu.memref_slice %arg5[%add3A_241, %dma_wait3A_253] : memref<131072x128xf32, #tpu.memory_space<hbm>> -> memref<256x128xf32, #tpu.memory_space<hbm>>
    tpu.wait_dma2 semaphore(%arg13 : memref<!tpu.dma_semaphore, #tpu.memory_space<semaphore_mem>>) src(%arg8 : memref<256x128xf32, #tpu.memory_space<vmem>>) dst(%dma_wait3A_254 : memref<256x128xf32, #tpu.memory_space<hbm>>)
    %dma_start3A_255 = arith.constant 2560 : i32
    %dma_start3A_256 = tpu.memref_slice %arg7[%dma_start3A_255] : memref<4096xi32, #tpu.memory_space<vmem>> -> memref<256xi32, #tpu.memory_space<vmem>>
    %dma_start3A_257 = arith.constant 0 : i32
    %dma_start3A_258 = arith.constant 0 : i32
    %dma_start3A_259 = tpu.memref_slice %arg6[%dma_start3A_257, %dma_start3A_258] : memref<1000x128xf32, #tpu.memory_space<vmem_shared>> -> memref<1000x128xf32, #tpu.memory_space<vmem_shared>>
    tpu.enqueue_indirect_dma source(%dma_start3A_259 : memref<1000x128xf32, #tpu.memory_space<vmem_shared>>) target(%arg8 : memref<256x128xf32, #tpu.memory_space<vmem>>) offsets(%dma_start3A_256 : memref<256xi32, #tpu.memory_space<vmem>>) semaphore(%arg11 : memref<!tpu.dma_semaphore, #tpu.memory_space<semaphore_mem>>)
    %scan3A_260 = arith.constant 0 : i32
    %scan3A_261 = arith.constant 0 : i32
    %scan3A_262 = arith.constant 8 : i32
    %scan3A_263 = arith.addi %scan3A_261, %scan3A_262 : i32
    %scan3A_264 = arith.constant 1 : i32
    %scan3A_265 = scf.for %scan3A_434 = %scan3A_261 to %scan3A_263 step %scan3A_264 iter_args(%scan3A_435 = %scan3A_260) -> (i32)  : i32 {
      %mul3A_436 = arith.constant 16 : i32
      %mul3A_437 = arith.muli %scan3A_434, %mul3A_436 : i32
      %get3A = arith.constant 0 : i32
      %get3A_438 = arith.index_cast %get3A : i32 to index
      %get3A_439 = arith.index_cast %mul3A_437 : i32 to index
      %get3A_440 = tpu.vector_load %arg10[%get3A_438, %get3A_439] {strides = array<i32>} : memref<8x128xf32, #tpu.memory_space<vmem>>, vector<1x16xf32>,
      %get3A_441 = vector.shape_cast %get3A_440 : vector<1x16xf32> to vector<16xf32>
      %get3A_442 = arith.constant 1 : i32
      %get3A_443 = arith.index_cast %get3A_442 : i32 to index
      %get3A_444 = arith.index_cast %mul3A_437 : i32 to index
      %get3A_445 = tpu.vector_load %arg10[%get3A_443, %get3A_444] {strides = array<i32>} : memref<8x128xf32, #tpu.memory_space<vmem>>, vector<1x16xf32>,
      %get3A_446 = vector.shape_cast %get3A_445 : vector<1x16xf32> to vector<16xf32>
      %get3A_447 = arith.constant 2 : i32
      %get3A_448 = arith.index_cast %get3A_447 : i32 to index
      %get3A_449 = arith.index_cast %mul3A_437 : i32 to index
      %get3A_450 = tpu.vector_load %arg10[%get3A_448, %get3A_449] {strides = array<i32>} : memref<8x128xf32, #tpu.memory_space<vmem>>, vector<1x16xf32>,
      %get3A_451 = vector.shape_cast %get3A_450 : vector<1x16xf32> to vector<16xf32>
      %get3A_452 = arith.constant 3 : i32
      %get3A_453 = arith.index_cast %get3A_452 : i32 to index
      %get3A_454 = arith.index_cast %mul3A_437 : i32 to index
      %get3A_455 = tpu.vector_load %arg10[%get3A_453, %get3A_454] {strides = array<i32>} : memref<8x128xf32, #tpu.memory_space<vmem>>, vector<1x16xf32>,
      %get3A_456 = vector.shape_cast %get3A_455 : vector<1x16xf32> to vector<16xf32>
      %get3A_457 = arith.constant 4 : i32
      %get3A_458 = arith.index_cast %get3A_457 : i32 to index
      %get3A_459 = arith.index_cast %mul3A_437 : i32 to index
      %get3A_460 = tpu.vector_load %arg10[%get3A_458, %get3A_459] {strides = array<i32>} : memref<8x128xf32, #tpu.memory_space<vmem>>, vector<1x16xf32>,
      %get3A_461 = vector.shape_cast %get3A_460 : vector<1x16xf32> to vector<16xf32>
      %get3A_462 = arith.constant 5 : i32
      %get3A_463 = arith.index_cast %get3A_462 : i32 to index
      %get3A_464 = arith.index_cast %mul3A_437 : i32 to index
      %get3A_465 = tpu.vector_load %arg10[%get3A_463, %get3A_464] {strides = array<i32>} : memref<8x128xf32, #tpu.memory_space<vmem>>, vector<1x16xf32>,
      %get3A_466 = vector.shape_cast %get3A_465 : vector<1x16xf32> to vector<16xf32>
      %get3A_467 = arith.constant 6 : i32
      %get3A_468 = arith.index_cast %get3A_467 : i32 to index
      %get3A_469 = arith.index_cast %mul3A_437 : i32 to index
      %get3A_470 = tpu.vector_load %arg10[%get3A_468, %get3A_469] {strides = array<i32>} : memref<8x128xf32, #tpu.memory_space<vmem>>, vector<1x16xf32>,
      %get3A_471 = vector.shape_cast %get3A_470 : vector<1x16xf32> to vector<16xf32>
      %get3A_472 = arith.constant 7 : i32
      %get3A_473 = arith.index_cast %get3A_472 : i32 to index
      %get3A_474 = arith.index_cast %mul3A_437 : i32 to index
      %get3A_475 = tpu.vector_load %arg10[%get3A_473, %get3A_474] {strides = array<i32>} : memref<8x128xf32, #tpu.memory_space<vmem>>, vector<1x16xf32>,
      %get3A_476 = vector.shape_cast %get3A_475 : vector<1x16xf32> to vector<16xf32>
      %scan3A_477 = arith.constant 0 : i32
      %scan3A_478 = arith.constant 0 : i32
      %scan3A_479 = arith.constant 32 : i32
      %scan3A_480 = arith.addi %scan3A_478, %scan3A_479 : i32
      %scan3A_481 = arith.constant 1 : i32
      %scan3A_482 = scf.for %scan3A_485 = %scan3A_478 to %scan3A_480 step %scan3A_481 iter_args(%scan3A_486 = %scan3A_477) -> (i32)  : i32 {
        %mul3A_487 = arith.constant 8 : i32
        %mul3A_488 = arith.muli %scan3A_485, %mul3A_487 : i32
        %add3A_489 = arith.constant 0 : i32
        %add3A_490 = arith.addi %mul3A_488, %add3A_489 : i32
        %get3A_491 = arith.index_cast %add3A_490 : i32 to index
        %get3A_492 = arith.index_cast %mul3A_437 : i32 to index
        %get3A_493 = tpu.vector_load %arg9[%get3A_491, %get3A_492] {strides = array<i32>} : memref<256x128xf32, #tpu.memory_space<vmem>>, vector<1x16xf32>,
        %get3A_494 = vector.shape_cast %get3A_493 : vector<1x16xf32> to vector<16xf32>
        %add3A_495 = arith.addf %get3A_494, %get3A_441 : vector<16xf32>
        %add3A_496 = arith.constant 0 : i32
        %add3A_497 = arith.addi %mul3A_488, %add3A_496 : i32
        %swap3A = arith.index_cast %add3A_497 : i32 to index
        %swap3A_498 = arith.index_cast %mul3A_437 : i32 to index
        %swap3A_499 = tpu.vector_load %arg9[%swap3A, %swap3A_498] {strides = array<i32>} : memref<256x128xf32, #tpu.memory_space<vmem>>, vector<1x16xf32>,
        %swap3A_500 = vector.shape_cast %swap3A_499 : vector<1x16xf32> to vector<16xf32>
        %swap3A_501 = vector.shape_cast %add3A_495 : vector<16xf32> to vector<1x16xf32>
        tpu.vector_store %arg9[%swap3A, %swap3A_498], %swap3A_501 {strides = array<i32>} : memref<256x128xf32, #tpu.memory_space<vmem>>, vector<1x16xf32>,
        %add3A_502 = arith.constant 1 : i32
        %add3A_503 = arith.addi %mul3A_488, %add3A_502 : i32
        %get3A_504 = arith.index_cast %add3A_503 : i32 to index
        %get3A_505 = arith.index_cast %mul3A_437 : i32 to index
        %get3A_506 = tpu.vector_load %arg9[%get3A_504, %get3A_505] {strides = array<i32>} : memref<256x128xf32, #tpu.memory_space<vmem>>, vector<1x16xf32>,
        %get3A_507 = vector.shape_cast %get3A_506 : vector<1x16xf32> to vector<16xf32>
        %add3A_508 = arith.addf %get3A_507, %get3A_446 : vector<16xf32>
        %add3A_509 = arith.constant 1 : i32
        %add3A_510 = arith.addi %mul3A_488, %add3A_509 : i32
        %swap3A_511 = arith.index_cast %add3A_510 : i32 to index
        %swap3A_512 = arith.index_cast %mul3A_437 : i32 to index
        %swap3A_513 = tpu.vector_load %arg9[%swap3A_511, %swap3A_512] {strides = array<i32>} : memref<256x128xf32, #tpu.memory_space<vmem>>, vector<1x16xf32>,
        %swap3A_514 = vector.shape_cast %swap3A_513 : vector<1x16xf32> to vector<16xf32>
        %swap3A_515 = vector.shape_cast %add3A_508 : vector<16xf32> to vector<1x16xf32>
        tpu.vector_store %arg9[%swap3A_511, %swap3A_512], %swap3A_515 {strides = array<i32>} : memref<256x128xf32, #tpu.memory_space<vmem>>, vector<1x16xf32>,
        %add3A_516 = arith.constant 2 : i32
        %add3A_517 = arith.addi %mul3A_488, %add3A_516 : i32
        %get3A_518 = arith.index_cast %add3A_517 : i32 to index
        %get3A_519 = arith.index_cast %mul3A_437 : i32 to index
        %get3A_520 = tpu.vector_load %arg9[%get3A_518, %get3A_519] {strides = array<i32>} : memref<256x128xf32, #tpu.memory_space<vmem>>, vector<1x16xf32>,
        %get3A_521 = vector.shape_cast %get3A_520 : vector<1x16xf32> to vector<16xf32>
        %add3A_522 = arith.addf %get3A_521, %get3A_451 : vector<16xf32>
        %add3A_523 = arith.constant 2 : i32
        %add3A_524 = arith.addi %mul3A_488, %add3A_523 : i32
        %swap3A_525 = arith.index_cast %add3A_524 : i32 to index
        %swap3A_526 = arith.index_cast %mul3A_437 : i32 to index
        %swap3A_527 = tpu.vector_load %arg9[%swap3A_525, %swap3A_526] {strides = array<i32>} : memref<256x128xf32, #tpu.memory_space<vmem>>, vector<1x16xf32>,
        %swap3A_528 = vector.shape_cast %swap3A_527 : vector<1x16xf32> to vector<16xf32>
        %swap3A_529 = vector.shape_cast %add3A_522 : vector<16xf32> to vector<1x16xf32>
        tpu.vector_store %arg9[%swap3A_525, %swap3A_526], %swap3A_529 {strides = array<i32>} : memref<256x128xf32, #tpu.memory_space<vmem>>, vector<1x16xf32>,
        %add3A_530 = arith.constant 3 : i32
        %add3A_531 = arith.addi %mul3A_488, %add3A_530 : i32
        %get3A_532 = arith.index_cast %add3A_531 : i32 to index
        %get3A_533 = arith.index_cast %mul3A_437 : i32 to index
        %get3A_534 = tpu.vector_load %arg9[%get3A_532, %get3A_533] {strides = array<i32>} : memref<256x128xf32, #tpu.memory_space<vmem>>, vector<1x16xf32>,
        %get3A_535 = vector.shape_cast %get3A_534 : vector<1x16xf32> to vector<16xf32>
        %add3A_536 = arith.addf %get3A_535, %get3A_456 : vector<16xf32>
        %add3A_537 = arith.constant 3 : i32
        %add3A_538 = arith.addi %mul3A_488, %add3A_537 : i32
        %swap3A_539 = arith.index_cast %add3A_538 : i32 to index
        %swap3A_540 = arith.index_cast %mul3A_437 : i32 to index
        %swap3A_541 = tpu.vector_load %arg9[%swap3A_539, %swap3A_540] {strides = array<i32>} : memref<256x128xf32, #tpu.memory_space<vmem>>, vector<1x16xf32>,
        %swap3A_542 = vector.shape_cast %swap3A_541 : vector<1x16xf32> to vector<16xf32>
        %swap3A_543 = vector.shape_cast %add3A_536 : vector<16xf32> to vector<1x16xf32>
        tpu.vector_store %arg9[%swap3A_539, %swap3A_540], %swap3A_543 {strides = array<i32>} : memref<256x128xf32, #tpu.memory_space<vmem>>, vector<1x16xf32>,
        %add3A_544 = arith.constant 4 : i32
        %add3A_545 = arith.addi %mul3A_488, %add3A_544 : i32
        %get3A_546 = arith.index_cast %add3A_545 : i32 to index
        %get3A_547 = arith.index_cast %mul3A_437 : i32 to index
        %get3A_548 = tpu.vector_load %arg9[%get3A_546, %get3A_547] {strides = array<i32>} : memref<256x128xf32, #tpu.memory_space<vmem>>, vector<1x16xf32>,
        %get3A_549 = vector.shape_cast %get3A_548 : vector<1x16xf32> to vector<16xf32>
        %add3A_550 = arith.addf %get3A_549, %get3A_461 : vector<16xf32>
        %add3A_551 = arith.constant 4 : i32
        %add3A_552 = arith.addi %mul3A_488, %add3A_551 : i32
        %swap3A_553 = arith.index_cast %add3A_552 : i32 to index
        %swap3A_554 = arith.index_cast %mul3A_437 : i32 to index
        %swap3A_555 = tpu.vector_load %arg9[%swap3A_553, %swap3A_554] {strides = array<i32>} : memref<256x128xf32, #tpu.memory_space<vmem>>, vector<1x16xf32>,
        %swap3A_556 = vector.shape_cast %swap3A_555 : vector<1x16xf32> to vector<16xf32>
        %swap3A_557 = vector.shape_cast %add3A_550 : vector<16xf32> to vector<1x16xf32>
        tpu.vector_store %arg9[%swap3A_553, %swap3A_554], %swap3A_557 {strides = array<i32>} : memref<256x128xf32, #tpu.memory_space<vmem>>, vector<1x16xf32>,
        %add3A_558 = arith.constant 5 : i32
        %add3A_559 = arith.addi %mul3A_488, %add3A_558 : i32
        %get3A_560 = arith.index_cast %add3A_559 : i32 to index
        %get3A_561 = arith.index_cast %mul3A_437 : i32 to index
        %get3A_562 = tpu.vector_load %arg9[%get3A_560, %get3A_561] {strides = array<i32>} : memref<256x128xf32, #tpu.memory_space<vmem>>, vector<1x16xf32>,
        %get3A_563 = vector.shape_cast %get3A_562 : vector<1x16xf32> to vector<16xf32>
        %add3A_564 = arith.addf %get3A_563, %get3A_466 : vector<16xf32>
        %add3A_565 = arith.constant 5 : i32
        %add3A_566 = arith.addi %mul3A_488, %add3A_565 : i32
        %swap3A_567 = arith.index_cast %add3A_566 : i32 to index
        %swap3A_568 = arith.index_cast %mul3A_437 : i32 to index
        %swap3A_569 = tpu.vector_load %arg9[%swap3A_567, %swap3A_568] {strides = array<i32>} : memref<256x128xf32, #tpu.memory_space<vmem>>, vector<1x16xf32>,
        %swap3A_570 = vector.shape_cast %swap3A_569 : vector<1x16xf32> to vector<16xf32>
        %swap3A_571 = vector.shape_cast %add3A_564 : vector<16xf32> to vector<1x16xf32>
        tpu.vector_store %arg9[%swap3A_567, %swap3A_568], %swap3A_571 {strides = array<i32>} : memref<256x128xf32, #tpu.memory_space<vmem>>, vector<1x16xf32>,
        %add3A_572 = arith.constant 6 : i32
        %add3A_573 = arith.addi %mul3A_488, %add3A_572 : i32
        %get3A_574 = arith.index_cast %add3A_573 : i32 to index
        %get3A_575 = arith.index_cast %mul3A_437 : i32 to index
        %get3A_576 = tpu.vector_load %arg9[%get3A_574, %get3A_575] {strides = array<i32>} : memref<256x128xf32, #tpu.memory_space<vmem>>, vector<1x16xf32>,
        %get3A_577 = vector.shape_cast %get3A_576 : vector<1x16xf32> to vector<16xf32>
        %add3A_578 = arith.addf %get3A_577, %get3A_471 : vector<16xf32>
        %add3A_579 = arith.constant 6 : i32
        %add3A_580 = arith.addi %mul3A_488, %add3A_579 : i32
        %swap3A_581 = arith.index_cast %add3A_580 : i32 to index
        %swap3A_582 = arith.index_cast %mul3A_437 : i32 to index
        %swap3A_583 = tpu.vector_load %arg9[%swap3A_581, %swap3A_582] {strides = array<i32>} : memref<256x128xf32, #tpu.memory_space<vmem>>, vector<1x16xf32>,
        %swap3A_584 = vector.shape_cast %swap3A_583 : vector<1x16xf32> to vector<16xf32>
        %swap3A_585 = vector.shape_cast %add3A_578 : vector<16xf32> to vector<1x16xf32>
        tpu.vector_store %arg9[%swap3A_581, %swap3A_582], %swap3A_585 {strides = array<i32>} : memref<256x128xf32, #tpu.memory_space<vmem>>, vector<1x16xf32>,
        %add3A_586 = arith.constant 7 : i32
        %add3A_587 = arith.addi %mul3A_488, %add3A_586 : i32
        %get3A_588 = arith.index_cast %add3A_587 : i32 to index
        %get3A_589 = arith.index_cast %mul3A_437 : i32 to index
        %get3A_590 = tpu.vector_load %arg9[%get3A_588, %get3A_589] {strides = array<i32>} : memref<256x128xf32, #tpu.memory_space<vmem>>, vector<1x16xf32>,
        %get3A_591 = vector.shape_cast %get3A_590 : vector<1x16xf32> to vector<16xf32>
        %add3A_592 = arith.addf %get3A_591, %get3A_476 : vector<16xf32>
        %add3A_593 = arith.constant 7 : i32
        %add3A_594 = arith.addi %mul3A_488, %add3A_593 : i32
        %swap3A_595 = arith.index_cast %add3A_594 : i32 to index
        %swap3A_596 = arith.index_cast %mul3A_437 : i32 to index
        %swap3A_597 = tpu.vector_load %arg9[%swap3A_595, %swap3A_596] {strides = array<i32>} : memref<256x128xf32, #tpu.memory_space<vmem>>, vector<1x16xf32>,
        %swap3A_598 = vector.shape_cast %swap3A_597 : vector<1x16xf32> to vector<16xf32>
        %swap3A_599 = vector.shape_cast %add3A_592 : vector<16xf32> to vector<1x16xf32>
        tpu.vector_store %arg9[%swap3A_595, %swap3A_596], %swap3A_599 {strides = array<i32>} : memref<256x128xf32, #tpu.memory_space<vmem>>, vector<1x16xf32>,
        %scan3A_600 = arith.constant 0 : i32
        scf.yield %scan3A_600 : i32
      }
      %scan3A_483 = arith.constant 32 : i32
      %scan3A_484 = arith.constant 0 : i32
      scf.yield %scan3A_484 : i32
    }
    %scan3A_266 = arith.constant 8 : i32
    %add3A_267 = arith.constant 2304 : i32
    %add3A_268 = arith.addi %mul3A_2, %add3A_267 : i32
    %dma_start3A_269 = arith.constant 0 : i32
    %dma_start3A_270 = tpu.memref_slice %arg5[%add3A_268, %dma_start3A_269] : memref<131072x128xf32, #tpu.memory_space<hbm>> -> memref<256x128xf32, #tpu.memory_space<hbm>>
    %dma_start3A_271 = arith.constant 0 : i32
    %dma_start3A_272 = tpu.memref_slice %arg5[%add3A_268, %dma_start3A_271] : memref<131072x128xf32, #tpu.memory_space<hbm>> -> memref<256x128xf32, #tpu.memory_space<hbm>>
    tpu.enqueue_dma source(%arg9 : memref<256x128xf32, #tpu.memory_space<vmem>>) target(%dma_start3A_272 : memref<256x128xf32, #tpu.memory_space<hbm>>) target_semaphore(%arg14 : memref<!tpu.dma_semaphore, #tpu.memory_space<semaphore_mem>>)
    %dma_wait3A_273 = arith.constant 2560 : i32
    %dma_wait3A_274 = tpu.memref_slice %arg7[%dma_wait3A_273] : memref<4096xi32, #tpu.memory_space<vmem>> -> memref<256xi32, #tpu.memory_space<vmem>>
    %dma_wait3A_275 = arith.constant 0 : i32
    %dma_wait3A_276 = arith.constant 0 : i32
    %dma_wait3A_277 = tpu.memref_slice %arg6[%dma_wait3A_275, %dma_wait3A_276] : memref<1000x128xf32, #tpu.memory_space<vmem_shared>> -> memref<1000x128xf32, #tpu.memory_space<vmem_shared>>
    tpu.wait_indirect_dma semaphore(%arg11 : memref<!tpu.dma_semaphore, #tpu.memory_space<semaphore_mem>>) src(%dma_wait3A_277 : memref<1000x128xf32, #tpu.memory_space<vmem_shared>>) dst(%arg8 : memref<256x128xf32, #tpu.memory_space<vmem>>)
    %dma_wait3A_278 = arith.constant 0 : i32
    %dma_wait3A_279 = tpu.memref_slice %arg5[%add3A_268, %dma_wait3A_278] : memref<131072x128xf32, #tpu.memory_space<hbm>> -> memref<256x128xf32, #tpu.memory_space<hbm>>
    %dma_wait3A_280 = arith.constant 0 : i32
    %dma_wait3A_281 = tpu.memref_slice %arg5[%add3A_268, %dma_wait3A_280] : memref<131072x128xf32, #tpu.memory_space<hbm>> -> memref<256x128xf32, #tpu.memory_space<hbm>>
    tpu.wait_dma2 semaphore(%arg14 : memref<!tpu.dma_semaphore, #tpu.memory_space<semaphore_mem>>) src(%arg9 : memref<256x128xf32, #tpu.memory_space<vmem>>) dst(%dma_wait3A_281 : memref<256x128xf32, #tpu.memory_space<hbm>>)
    %dma_start3A_282 = arith.constant 2816 : i32
    %dma_start3A_283 = tpu.memref_slice %arg7[%dma_start3A_282] : memref<4096xi32, #tpu.memory_space<vmem>> -> memref<256xi32, #tpu.memory_space<vmem>>
    %dma_start3A_284 = arith.constant 0 : i32
    %dma_start3A_285 = arith.constant 0 : i32
    %dma_start3A_286 = tpu.memref_slice %arg6[%dma_start3A_284, %dma_start3A_285] : memref<1000x128xf32, #tpu.memory_space<vmem_shared>> -> memref<1000x128xf32, #tpu.memory_space<vmem_shared>>
    tpu.enqueue_indirect_dma source(%dma_start3A_286 : memref<1000x128xf32, #tpu.memory_space<vmem_shared>>) target(%arg9 : memref<256x128xf32, #tpu.memory_space<vmem>>) offsets(%dma_start3A_283 : memref<256xi32, #tpu.memory_space<vmem>>) semaphore(%arg12 : memref<!tpu.dma_semaphore, #tpu.memory_space<semaphore_mem>>)
    %scan3A_287 = arith.constant 0 : i32
    %scan3A_288 = arith.constant 0 : i32
    %scan3A_289 = arith.constant 8 : i32
    %scan3A_290 = arith.addi %scan3A_288, %scan3A_289 : i32
    %scan3A_291 = arith.constant 1 : i32
    %scan3A_292 = scf.for %scan3A_434 = %scan3A_288 to %scan3A_290 step %scan3A_291 iter_args(%scan3A_435 = %scan3A_287) -> (i32)  : i32 {
      %mul3A_436 = arith.constant 16 : i32
      %mul3A_437 = arith.muli %scan3A_434, %mul3A_436 : i32
      %get3A = arith.constant 0 : i32
      %get3A_438 = arith.index_cast %get3A : i32 to index
      %get3A_439 = arith.index_cast %mul3A_437 : i32 to index
      %get3A_440 = tpu.vector_load %arg10[%get3A_438, %get3A_439] {strides = array<i32>} : memref<8x128xf32, #tpu.memory_space<vmem>>, vector<1x16xf32>,
      %get3A_441 = vector.shape_cast %get3A_440 : vector<1x16xf32> to vector<16xf32>
      %get3A_442 = arith.constant 1 : i32
      %get3A_443 = arith.index_cast %get3A_442 : i32 to index
      %get3A_444 = arith.index_cast %mul3A_437 : i32 to index
      %get3A_445 = tpu.vector_load %arg10[%get3A_443, %get3A_444] {strides = array<i32>} : memref<8x128xf32, #tpu.memory_space<vmem>>, vector<1x16xf32>,
      %get3A_446 = vector.shape_cast %get3A_445 : vector<1x16xf32> to vector<16xf32>
      %get3A_447 = arith.constant 2 : i32
      %get3A_448 = arith.index_cast %get3A_447 : i32 to index
      %get3A_449 = arith.index_cast %mul3A_437 : i32 to index
      %get3A_450 = tpu.vector_load %arg10[%get3A_448, %get3A_449] {strides = array<i32>} : memref<8x128xf32, #tpu.memory_space<vmem>>, vector<1x16xf32>,
      %get3A_451 = vector.shape_cast %get3A_450 : vector<1x16xf32> to vector<16xf32>
      %get3A_452 = arith.constant 3 : i32
      %get3A_453 = arith.index_cast %get3A_452 : i32 to index
      %get3A_454 = arith.index_cast %mul3A_437 : i32 to index
      %get3A_455 = tpu.vector_load %arg10[%get3A_453, %get3A_454] {strides = array<i32>} : memref<8x128xf32, #tpu.memory_space<vmem>>, vector<1x16xf32>,
      %get3A_456 = vector.shape_cast %get3A_455 : vector<1x16xf32> to vector<16xf32>
      %get3A_457 = arith.constant 4 : i32
      %get3A_458 = arith.index_cast %get3A_457 : i32 to index
      %get3A_459 = arith.index_cast %mul3A_437 : i32 to index
      %get3A_460 = tpu.vector_load %arg10[%get3A_458, %get3A_459] {strides = array<i32>} : memref<8x128xf32, #tpu.memory_space<vmem>>, vector<1x16xf32>,
      %get3A_461 = vector.shape_cast %get3A_460 : vector<1x16xf32> to vector<16xf32>
      %get3A_462 = arith.constant 5 : i32
      %get3A_463 = arith.index_cast %get3A_462 : i32 to index
      %get3A_464 = arith.index_cast %mul3A_437 : i32 to index
      %get3A_465 = tpu.vector_load %arg10[%get3A_463, %get3A_464] {strides = array<i32>} : memref<8x128xf32, #tpu.memory_space<vmem>>, vector<1x16xf32>,
      %get3A_466 = vector.shape_cast %get3A_465 : vector<1x16xf32> to vector<16xf32>
      %get3A_467 = arith.constant 6 : i32
      %get3A_468 = arith.index_cast %get3A_467 : i32 to index
      %get3A_469 = arith.index_cast %mul3A_437 : i32 to index
      %get3A_470 = tpu.vector_load %arg10[%get3A_468, %get3A_469] {strides = array<i32>} : memref<8x128xf32, #tpu.memory_space<vmem>>, vector<1x16xf32>,
      %get3A_471 = vector.shape_cast %get3A_470 : vector<1x16xf32> to vector<16xf32>
      %get3A_472 = arith.constant 7 : i32
      %get3A_473 = arith.index_cast %get3A_472 : i32 to index
      %get3A_474 = arith.index_cast %mul3A_437 : i32 to index
      %get3A_475 = tpu.vector_load %arg10[%get3A_473, %get3A_474] {strides = array<i32>} : memref<8x128xf32, #tpu.memory_space<vmem>>, vector<1x16xf32>,
      %get3A_476 = vector.shape_cast %get3A_475 : vector<1x16xf32> to vector<16xf32>
      %scan3A_477 = arith.constant 0 : i32
      %scan3A_478 = arith.constant 0 : i32
      %scan3A_479 = arith.constant 32 : i32
      %scan3A_480 = arith.addi %scan3A_478, %scan3A_479 : i32
      %scan3A_481 = arith.constant 1 : i32
      %scan3A_482 = scf.for %scan3A_485 = %scan3A_478 to %scan3A_480 step %scan3A_481 iter_args(%scan3A_486 = %scan3A_477) -> (i32)  : i32 {
        %mul3A_487 = arith.constant 8 : i32
        %mul3A_488 = arith.muli %scan3A_485, %mul3A_487 : i32
        %add3A_489 = arith.constant 0 : i32
        %add3A_490 = arith.addi %mul3A_488, %add3A_489 : i32
        %get3A_491 = arith.index_cast %add3A_490 : i32 to index
        %get3A_492 = arith.index_cast %mul3A_437 : i32 to index
        %get3A_493 = tpu.vector_load %arg8[%get3A_491, %get3A_492] {strides = array<i32>} : memref<256x128xf32, #tpu.memory_space<vmem>>, vector<1x16xf32>,
        %get3A_494 = vector.shape_cast %get3A_493 : vector<1x16xf32> to vector<16xf32>
        %add3A_495 = arith.addf %get3A_494, %get3A_441 : vector<16xf32>
        %add3A_496 = arith.constant 0 : i32
        %add3A_497 = arith.addi %mul3A_488, %add3A_496 : i32
        %swap3A = arith.index_cast %add3A_497 : i32 to index
        %swap3A_498 = arith.index_cast %mul3A_437 : i32 to index
        %swap3A_499 = tpu.vector_load %arg8[%swap3A, %swap3A_498] {strides = array<i32>} : memref<256x128xf32, #tpu.memory_space<vmem>>, vector<1x16xf32>,
        %swap3A_500 = vector.shape_cast %swap3A_499 : vector<1x16xf32> to vector<16xf32>
        %swap3A_501 = vector.shape_cast %add3A_495 : vector<16xf32> to vector<1x16xf32>
        tpu.vector_store %arg8[%swap3A, %swap3A_498], %swap3A_501 {strides = array<i32>} : memref<256x128xf32, #tpu.memory_space<vmem>>, vector<1x16xf32>,
        %add3A_502 = arith.constant 1 : i32
        %add3A_503 = arith.addi %mul3A_488, %add3A_502 : i32
        %get3A_504 = arith.index_cast %add3A_503 : i32 to index
        %get3A_505 = arith.index_cast %mul3A_437 : i32 to index
        %get3A_506 = tpu.vector_load %arg8[%get3A_504, %get3A_505] {strides = array<i32>} : memref<256x128xf32, #tpu.memory_space<vmem>>, vector<1x16xf32>,
        %get3A_507 = vector.shape_cast %get3A_506 : vector<1x16xf32> to vector<16xf32>
        %add3A_508 = arith.addf %get3A_507, %get3A_446 : vector<16xf32>
        %add3A_509 = arith.constant 1 : i32
        %add3A_510 = arith.addi %mul3A_488, %add3A_509 : i32
        %swap3A_511 = arith.index_cast %add3A_510 : i32 to index
        %swap3A_512 = arith.index_cast %mul3A_437 : i32 to index
        %swap3A_513 = tpu.vector_load %arg8[%swap3A_511, %swap3A_512] {strides = array<i32>} : memref<256x128xf32, #tpu.memory_space<vmem>>, vector<1x16xf32>,
        %swap3A_514 = vector.shape_cast %swap3A_513 : vector<1x16xf32> to vector<16xf32>
        %swap3A_515 = vector.shape_cast %add3A_508 : vector<16xf32> to vector<1x16xf32>
        tpu.vector_store %arg8[%swap3A_511, %swap3A_512], %swap3A_515 {strides = array<i32>} : memref<256x128xf32, #tpu.memory_space<vmem>>, vector<1x16xf32>,
        %add3A_516 = arith.constant 2 : i32
        %add3A_517 = arith.addi %mul3A_488, %add3A_516 : i32
        %get3A_518 = arith.index_cast %add3A_517 : i32 to index
        %get3A_519 = arith.index_cast %mul3A_437 : i32 to index
        %get3A_520 = tpu.vector_load %arg8[%get3A_518, %get3A_519] {strides = array<i32>} : memref<256x128xf32, #tpu.memory_space<vmem>>, vector<1x16xf32>,
        %get3A_521 = vector.shape_cast %get3A_520 : vector<1x16xf32> to vector<16xf32>
        %add3A_522 = arith.addf %get3A_521, %get3A_451 : vector<16xf32>
        %add3A_523 = arith.constant 2 : i32
        %add3A_524 = arith.addi %mul3A_488, %add3A_523 : i32
        %swap3A_525 = arith.index_cast %add3A_524 : i32 to index
        %swap3A_526 = arith.index_cast %mul3A_437 : i32 to index
        %swap3A_527 = tpu.vector_load %arg8[%swap3A_525, %swap3A_526] {strides = array<i32>} : memref<256x128xf32, #tpu.memory_space<vmem>>, vector<1x16xf32>,
        %swap3A_528 = vector.shape_cast %swap3A_527 : vector<1x16xf32> to vector<16xf32>
        %swap3A_529 = vector.shape_cast %add3A_522 : vector<16xf32> to vector<1x16xf32>
        tpu.vector_store %arg8[%swap3A_525, %swap3A_526], %swap3A_529 {strides = array<i32>} : memref<256x128xf32, #tpu.memory_space<vmem>>, vector<1x16xf32>,
        %add3A_530 = arith.constant 3 : i32
        %add3A_531 = arith.addi %mul3A_488, %add3A_530 : i32
        %get3A_532 = arith.index_cast %add3A_531 : i32 to index
        %get3A_533 = arith.index_cast %mul3A_437 : i32 to index
        %get3A_534 = tpu.vector_load %arg8[%get3A_532, %get3A_533] {strides = array<i32>} : memref<256x128xf32, #tpu.memory_space<vmem>>, vector<1x16xf32>,
        %get3A_535 = vector.shape_cast %get3A_534 : vector<1x16xf32> to vector<16xf32>
        %add3A_536 = arith.addf %get3A_535, %get3A_456 : vector<16xf32>
        %add3A_537 = arith.constant 3 : i32
        %add3A_538 = arith.addi %mul3A_488, %add3A_537 : i32
        %swap3A_539 = arith.index_cast %add3A_538 : i32 to index
        %swap3A_540 = arith.index_cast %mul3A_437 : i32 to index
        %swap3A_541 = tpu.vector_load %arg8[%swap3A_539, %swap3A_540] {strides = array<i32>} : memref<256x128xf32, #tpu.memory_space<vmem>>, vector<1x16xf32>,
        %swap3A_542 = vector.shape_cast %swap3A_541 : vector<1x16xf32> to vector<16xf32>
        %swap3A_543 = vector.shape_cast %add3A_536 : vector<16xf32> to vector<1x16xf32>
        tpu.vector_store %arg8[%swap3A_539, %swap3A_540], %swap3A_543 {strides = array<i32>} : memref<256x128xf32, #tpu.memory_space<vmem>>, vector<1x16xf32>,
        %add3A_544 = arith.constant 4 : i32
        %add3A_545 = arith.addi %mul3A_488, %add3A_544 : i32
        %get3A_546 = arith.index_cast %add3A_545 : i32 to index
        %get3A_547 = arith.index_cast %mul3A_437 : i32 to index
        %get3A_548 = tpu.vector_load %arg8[%get3A_546, %get3A_547] {strides = array<i32>} : memref<256x128xf32, #tpu.memory_space<vmem>>, vector<1x16xf32>,
        %get3A_549 = vector.shape_cast %get3A_548 : vector<1x16xf32> to vector<16xf32>
        %add3A_550 = arith.addf %get3A_549, %get3A_461 : vector<16xf32>
        %add3A_551 = arith.constant 4 : i32
        %add3A_552 = arith.addi %mul3A_488, %add3A_551 : i32
        %swap3A_553 = arith.index_cast %add3A_552 : i32 to index
        %swap3A_554 = arith.index_cast %mul3A_437 : i32 to index
        %swap3A_555 = tpu.vector_load %arg8[%swap3A_553, %swap3A_554] {strides = array<i32>} : memref<256x128xf32, #tpu.memory_space<vmem>>, vector<1x16xf32>,
        %swap3A_556 = vector.shape_cast %swap3A_555 : vector<1x16xf32> to vector<16xf32>
        %swap3A_557 = vector.shape_cast %add3A_550 : vector<16xf32> to vector<1x16xf32>
        tpu.vector_store %arg8[%swap3A_553, %swap3A_554], %swap3A_557 {strides = array<i32>} : memref<256x128xf32, #tpu.memory_space<vmem>>, vector<1x16xf32>,
        %add3A_558 = arith.constant 5 : i32
        %add3A_559 = arith.addi %mul3A_488, %add3A_558 : i32
        %get3A_560 = arith.index_cast %add3A_559 : i32 to index
        %get3A_561 = arith.index_cast %mul3A_437 : i32 to index
        %get3A_562 = tpu.vector_load %arg8[%get3A_560, %get3A_561] {strides = array<i32>} : memref<256x128xf32, #tpu.memory_space<vmem>>, vector<1x16xf32>,
        %get3A_563 = vector.shape_cast %get3A_562 : vector<1x16xf32> to vector<16xf32>
        %add3A_564 = arith.addf %get3A_563, %get3A_466 : vector<16xf32>
        %add3A_565 = arith.constant 5 : i32
        %add3A_566 = arith.addi %mul3A_488, %add3A_565 : i32
        %swap3A_567 = arith.index_cast %add3A_566 : i32 to index
        %swap3A_568 = arith.index_cast %mul3A_437 : i32 to index
        %swap3A_569 = tpu.vector_load %arg8[%swap3A_567, %swap3A_568] {strides = array<i32>} : memref<256x128xf32, #tpu.memory_space<vmem>>, vector<1x16xf32>,
        %swap3A_570 = vector.shape_cast %swap3A_569 : vector<1x16xf32> to vector<16xf32>
        %swap3A_571 = vector.shape_cast %add3A_564 : vector<16xf32> to vector<1x16xf32>
        tpu.vector_store %arg8[%swap3A_567, %swap3A_568], %swap3A_571 {strides = array<i32>} : memref<256x128xf32, #tpu.memory_space<vmem>>, vector<1x16xf32>,
        %add3A_572 = arith.constant 6 : i32
        %add3A_573 = arith.addi %mul3A_488, %add3A_572 : i32
        %get3A_574 = arith.index_cast %add3A_573 : i32 to index
        %get3A_575 = arith.index_cast %mul3A_437 : i32 to index
        %get3A_576 = tpu.vector_load %arg8[%get3A_574, %get3A_575] {strides = array<i32>} : memref<256x128xf32, #tpu.memory_space<vmem>>, vector<1x16xf32>,
        %get3A_577 = vector.shape_cast %get3A_576 : vector<1x16xf32> to vector<16xf32>
        %add3A_578 = arith.addf %get3A_577, %get3A_471 : vector<16xf32>
        %add3A_579 = arith.constant 6 : i32
        %add3A_580 = arith.addi %mul3A_488, %add3A_579 : i32
        %swap3A_581 = arith.index_cast %add3A_580 : i32 to index
        %swap3A_582 = arith.index_cast %mul3A_437 : i32 to index
        %swap3A_583 = tpu.vector_load %arg8[%swap3A_581, %swap3A_582] {strides = array<i32>} : memref<256x128xf32, #tpu.memory_space<vmem>>, vector<1x16xf32>,
        %swap3A_584 = vector.shape_cast %swap3A_583 : vector<1x16xf32> to vector<16xf32>
        %swap3A_585 = vector.shape_cast %add3A_578 : vector<16xf32> to vector<1x16xf32>
        tpu.vector_store %arg8[%swap3A_581, %swap3A_582], %swap3A_585 {strides = array<i32>} : memref<256x128xf32, #tpu.memory_space<vmem>>, vector<1x16xf32>,
        %add3A_586 = arith.constant 7 : i32
        %add3A_587 = arith.addi %mul3A_488, %add3A_586 : i32
        %get3A_588 = arith.index_cast %add3A_587 : i32 to index
        %get3A_589 = arith.index_cast %mul3A_437 : i32 to index
        %get3A_590 = tpu.vector_load %arg8[%get3A_588, %get3A_589] {strides = array<i32>} : memref<256x128xf32, #tpu.memory_space<vmem>>, vector<1x16xf32>,
        %get3A_591 = vector.shape_cast %get3A_590 : vector<1x16xf32> to vector<16xf32>
        %add3A_592 = arith.addf %get3A_591, %get3A_476 : vector<16xf32>
        %add3A_593 = arith.constant 7 : i32
        %add3A_594 = arith.addi %mul3A_488, %add3A_593 : i32
        %swap3A_595 = arith.index_cast %add3A_594 : i32 to index
        %swap3A_596 = arith.index_cast %mul3A_437 : i32 to index
        %swap3A_597 = tpu.vector_load %arg8[%swap3A_595, %swap3A_596] {strides = array<i32>} : memref<256x128xf32, #tpu.memory_space<vmem>>, vector<1x16xf32>,
        %swap3A_598 = vector.shape_cast %swap3A_597 : vector<1x16xf32> to vector<16xf32>
        %swap3A_599 = vector.shape_cast %add3A_592 : vector<16xf32> to vector<1x16xf32>
        tpu.vector_store %arg8[%swap3A_595, %swap3A_596], %swap3A_599 {strides = array<i32>} : memref<256x128xf32, #tpu.memory_space<vmem>>, vector<1x16xf32>,
        %scan3A_600 = arith.constant 0 : i32
        scf.yield %scan3A_600 : i32
      }
      %scan3A_483 = arith.constant 32 : i32
      %scan3A_484 = arith.constant 0 : i32
      scf.yield %scan3A_484 : i32
    }
    %scan3A_293 = arith.constant 8 : i32
    %add3A_294 = arith.constant 2560 : i32
    %add3A_295 = arith.addi %mul3A_2, %add3A_294 : i32
    %dma_start3A_296 = arith.constant 0 : i32
    %dma_start3A_297 = tpu.memref_slice %arg5[%add3A_295, %dma_start3A_296] : memref<131072x128xf32, #tpu.memory_space<hbm>> -> memref<256x128xf32, #tpu.memory_space<hbm>>
    %dma_start3A_298 = arith.constant 0 : i32
    %dma_start3A_299 = tpu.memref_slice %arg5[%add3A_295, %dma_start3A_298] : memref<131072x128xf32, #tpu.memory_space<hbm>> -> memref<256x128xf32, #tpu.memory_space<hbm>>
    tpu.enqueue_dma source(%arg8 : memref<256x128xf32, #tpu.memory_space<vmem>>) target(%dma_start3A_299 : memref<256x128xf32, #tpu.memory_space<hbm>>) target_semaphore(%arg13 : memref<!tpu.dma_semaphore, #tpu.memory_space<semaphore_mem>>)
    %dma_wait3A_300 = arith.constant 2816 : i32
    %dma_wait3A_301 = tpu.memref_slice %arg7[%dma_wait3A_300] : memref<4096xi32, #tpu.memory_space<vmem>> -> memref<256xi32, #tpu.memory_space<vmem>>
    %dma_wait3A_302 = arith.constant 0 : i32
    %dma_wait3A_303 = arith.constant 0 : i32
    %dma_wait3A_304 = tpu.memref_slice %arg6[%dma_wait3A_302, %dma_wait3A_303] : memref<1000x128xf32, #tpu.memory_space<vmem_shared>> -> memref<1000x128xf32, #tpu.memory_space<vmem_shared>>
    tpu.wait_indirect_dma semaphore(%arg12 : memref<!tpu.dma_semaphore, #tpu.memory_space<semaphore_mem>>) src(%dma_wait3A_304 : memref<1000x128xf32, #tpu.memory_space<vmem_shared>>) dst(%arg9 : memref<256x128xf32, #tpu.memory_space<vmem>>)
    %dma_wait3A_305 = arith.constant 0 : i32
    %dma_wait3A_306 = tpu.memref_slice %arg5[%add3A_295, %dma_wait3A_305] : memref<131072x128xf32, #tpu.memory_space<hbm>> -> memref<256x128xf32, #tpu.memory_space<hbm>>
    %dma_wait3A_307 = arith.constant 0 : i32
    %dma_wait3A_308 = tpu.memref_slice %arg5[%add3A_295, %dma_wait3A_307] : memref<131072x128xf32, #tpu.memory_space<hbm>> -> memref<256x128xf32, #tpu.memory_space<hbm>>
    tpu.wait_dma2 semaphore(%arg13 : memref<!tpu.dma_semaphore, #tpu.memory_space<semaphore_mem>>) src(%arg8 : memref<256x128xf32, #tpu.memory_space<vmem>>) dst(%dma_wait3A_308 : memref<256x128xf32, #tpu.memory_space<hbm>>)
    %dma_start3A_309 = arith.constant 3072 : i32
    %dma_start3A_310 = tpu.memref_slice %arg7[%dma_start3A_309] : memref<4096xi32, #tpu.memory_space<vmem>> -> memref<256xi32, #tpu.memory_space<vmem>>
    %dma_start3A_311 = arith.constant 0 : i32
    %dma_start3A_312 = arith.constant 0 : i32
    %dma_start3A_313 = tpu.memref_slice %arg6[%dma_start3A_311, %dma_start3A_312] : memref<1000x128xf32, #tpu.memory_space<vmem_shared>> -> memref<1000x128xf32, #tpu.memory_space<vmem_shared>>
    tpu.enqueue_indirect_dma source(%dma_start3A_313 : memref<1000x128xf32, #tpu.memory_space<vmem_shared>>) target(%arg8 : memref<256x128xf32, #tpu.memory_space<vmem>>) offsets(%dma_start3A_310 : memref<256xi32, #tpu.memory_space<vmem>>) semaphore(%arg11 : memref<!tpu.dma_semaphore, #tpu.memory_space<semaphore_mem>>)
    %scan3A_314 = arith.constant 0 : i32
    %scan3A_315 = arith.constant 0 : i32
    %scan3A_316 = arith.constant 8 : i32
    %scan3A_317 = arith.addi %scan3A_315, %scan3A_316 : i32
    %scan3A_318 = arith.constant 1 : i32
    %scan3A_319 = scf.for %scan3A_434 = %scan3A_315 to %scan3A_317 step %scan3A_318 iter_args(%scan3A_435 = %scan3A_314) -> (i32)  : i32 {
      %mul3A_436 = arith.constant 16 : i32
      %mul3A_437 = arith.muli %scan3A_434, %mul3A_436 : i32
      %get3A = arith.constant 0 : i32
      %get3A_438 = arith.index_cast %get3A : i32 to index
      %get3A_439 = arith.index_cast %mul3A_437 : i32 to index
      %get3A_440 = tpu.vector_load %arg10[%get3A_438, %get3A_439] {strides = array<i32>} : memref<8x128xf32, #tpu.memory_space<vmem>>, vector<1x16xf32>,
      %get3A_441 = vector.shape_cast %get3A_440 : vector<1x16xf32> to vector<16xf32>
      %get3A_442 = arith.constant 1 : i32
      %get3A_443 = arith.index_cast %get3A_442 : i32 to index
      %get3A_444 = arith.index_cast %mul3A_437 : i32 to index
      %get3A_445 = tpu.vector_load %arg10[%get3A_443, %get3A_444] {strides = array<i32>} : memref<8x128xf32, #tpu.memory_space<vmem>>, vector<1x16xf32>,
      %get3A_446 = vector.shape_cast %get3A_445 : vector<1x16xf32> to vector<16xf32>
      %get3A_447 = arith.constant 2 : i32
      %get3A_448 = arith.index_cast %get3A_447 : i32 to index
      %get3A_449 = arith.index_cast %mul3A_437 : i32 to index
      %get3A_450 = tpu.vector_load %arg10[%get3A_448, %get3A_449] {strides = array<i32>} : memref<8x128xf32, #tpu.memory_space<vmem>>, vector<1x16xf32>,
      %get3A_451 = vector.shape_cast %get3A_450 : vector<1x16xf32> to vector<16xf32>
      %get3A_452 = arith.constant 3 : i32
      %get3A_453 = arith.index_cast %get3A_452 : i32 to index
      %get3A_454 = arith.index_cast %mul3A_437 : i32 to index
      %get3A_455 = tpu.vector_load %arg10[%get3A_453, %get3A_454] {strides = array<i32>} : memref<8x128xf32, #tpu.memory_space<vmem>>, vector<1x16xf32>,
      %get3A_456 = vector.shape_cast %get3A_455 : vector<1x16xf32> to vector<16xf32>
      %get3A_457 = arith.constant 4 : i32
      %get3A_458 = arith.index_cast %get3A_457 : i32 to index
      %get3A_459 = arith.index_cast %mul3A_437 : i32 to index
      %get3A_460 = tpu.vector_load %arg10[%get3A_458, %get3A_459] {strides = array<i32>} : memref<8x128xf32, #tpu.memory_space<vmem>>, vector<1x16xf32>,
      %get3A_461 = vector.shape_cast %get3A_460 : vector<1x16xf32> to vector<16xf32>
      %get3A_462 = arith.constant 5 : i32
      %get3A_463 = arith.index_cast %get3A_462 : i32 to index
      %get3A_464 = arith.index_cast %mul3A_437 : i32 to index
      %get3A_465 = tpu.vector_load %arg10[%get3A_463, %get3A_464] {strides = array<i32>} : memref<8x128xf32, #tpu.memory_space<vmem>>, vector<1x16xf32>,
      %get3A_466 = vector.shape_cast %get3A_465 : vector<1x16xf32> to vector<16xf32>
      %get3A_467 = arith.constant 6 : i32
      %get3A_468 = arith.index_cast %get3A_467 : i32 to index
      %get3A_469 = arith.index_cast %mul3A_437 : i32 to index
      %get3A_470 = tpu.vector_load %arg10[%get3A_468, %get3A_469] {strides = array<i32>} : memref<8x128xf32, #tpu.memory_space<vmem>>, vector<1x16xf32>,
      %get3A_471 = vector.shape_cast %get3A_470 : vector<1x16xf32> to vector<16xf32>
      %get3A_472 = arith.constant 7 : i32
      %get3A_473 = arith.index_cast %get3A_472 : i32 to index
      %get3A_474 = arith.index_cast %mul3A_437 : i32 to index
      %get3A_475 = tpu.vector_load %arg10[%get3A_473, %get3A_474] {strides = array<i32>} : memref<8x128xf32, #tpu.memory_space<vmem>>, vector<1x16xf32>,
      %get3A_476 = vector.shape_cast %get3A_475 : vector<1x16xf32> to vector<16xf32>
      %scan3A_477 = arith.constant 0 : i32
      %scan3A_478 = arith.constant 0 : i32
      %scan3A_479 = arith.constant 32 : i32
      %scan3A_480 = arith.addi %scan3A_478, %scan3A_479 : i32
      %scan3A_481 = arith.constant 1 : i32
      %scan3A_482 = scf.for %scan3A_485 = %scan3A_478 to %scan3A_480 step %scan3A_481 iter_args(%scan3A_486 = %scan3A_477) -> (i32)  : i32 {
        %mul3A_487 = arith.constant 8 : i32
        %mul3A_488 = arith.muli %scan3A_485, %mul3A_487 : i32
        %add3A_489 = arith.constant 0 : i32
        %add3A_490 = arith.addi %mul3A_488, %add3A_489 : i32
        %get3A_491 = arith.index_cast %add3A_490 : i32 to index
        %get3A_492 = arith.index_cast %mul3A_437 : i32 to index
        %get3A_493 = tpu.vector_load %arg9[%get3A_491, %get3A_492] {strides = array<i32>} : memref<256x128xf32, #tpu.memory_space<vmem>>, vector<1x16xf32>,
        %get3A_494 = vector.shape_cast %get3A_493 : vector<1x16xf32> to vector<16xf32>
        %add3A_495 = arith.addf %get3A_494, %get3A_441 : vector<16xf32>
        %add3A_496 = arith.constant 0 : i32
        %add3A_497 = arith.addi %mul3A_488, %add3A_496 : i32
        %swap3A = arith.index_cast %add3A_497 : i32 to index
        %swap3A_498 = arith.index_cast %mul3A_437 : i32 to index
        %swap3A_499 = tpu.vector_load %arg9[%swap3A, %swap3A_498] {strides = array<i32>} : memref<256x128xf32, #tpu.memory_space<vmem>>, vector<1x16xf32>,
        %swap3A_500 = vector.shape_cast %swap3A_499 : vector<1x16xf32> to vector<16xf32>
        %swap3A_501 = vector.shape_cast %add3A_495 : vector<16xf32> to vector<1x16xf32>
        tpu.vector_store %arg9[%swap3A, %swap3A_498], %swap3A_501 {strides = array<i32>} : memref<256x128xf32, #tpu.memory_space<vmem>>, vector<1x16xf32>,
        %add3A_502 = arith.constant 1 : i32
        %add3A_503 = arith.addi %mul3A_488, %add3A_502 : i32
        %get3A_504 = arith.index_cast %add3A_503 : i32 to index
        %get3A_505 = arith.index_cast %mul3A_437 : i32 to index
        %get3A_506 = tpu.vector_load %arg9[%get3A_504, %get3A_505] {strides = array<i32>} : memref<256x128xf32, #tpu.memory_space<vmem>>, vector<1x16xf32>,
        %get3A_507 = vector.shape_cast %get3A_506 : vector<1x16xf32> to vector<16xf32>
        %add3A_508 = arith.addf %get3A_507, %get3A_446 : vector<16xf32>
        %add3A_509 = arith.constant 1 : i32
        %add3A_510 = arith.addi %mul3A_488, %add3A_509 : i32
        %swap3A_511 = arith.index_cast %add3A_510 : i32 to index
        %swap3A_512 = arith.index_cast %mul3A_437 : i32 to index
        %swap3A_513 = tpu.vector_load %arg9[%swap3A_511, %swap3A_512] {strides = array<i32>} : memref<256x128xf32, #tpu.memory_space<vmem>>, vector<1x16xf32>,
        %swap3A_514 = vector.shape_cast %swap3A_513 : vector<1x16xf32> to vector<16xf32>
        %swap3A_515 = vector.shape_cast %add3A_508 : vector<16xf32> to vector<1x16xf32>
        tpu.vector_store %arg9[%swap3A_511, %swap3A_512], %swap3A_515 {strides = array<i32>} : memref<256x128xf32, #tpu.memory_space<vmem>>, vector<1x16xf32>,
        %add3A_516 = arith.constant 2 : i32
        %add3A_517 = arith.addi %mul3A_488, %add3A_516 : i32
        %get3A_518 = arith.index_cast %add3A_517 : i32 to index
        %get3A_519 = arith.index_cast %mul3A_437 : i32 to index
        %get3A_520 = tpu.vector_load %arg9[%get3A_518, %get3A_519] {strides = array<i32>} : memref<256x128xf32, #tpu.memory_space<vmem>>, vector<1x16xf32>,
        %get3A_521 = vector.shape_cast %get3A_520 : vector<1x16xf32> to vector<16xf32>
        %add3A_522 = arith.addf %get3A_521, %get3A_451 : vector<16xf32>
        %add3A_523 = arith.constant 2 : i32
        %add3A_524 = arith.addi %mul3A_488, %add3A_523 : i32
        %swap3A_525 = arith.index_cast %add3A_524 : i32 to index
        %swap3A_526 = arith.index_cast %mul3A_437 : i32 to index
        %swap3A_527 = tpu.vector_load %arg9[%swap3A_525, %swap3A_526] {strides = array<i32>} : memref<256x128xf32, #tpu.memory_space<vmem>>, vector<1x16xf32>,
        %swap3A_528 = vector.shape_cast %swap3A_527 : vector<1x16xf32> to vector<16xf32>
        %swap3A_529 = vector.shape_cast %add3A_522 : vector<16xf32> to vector<1x16xf32>
        tpu.vector_store %arg9[%swap3A_525, %swap3A_526], %swap3A_529 {strides = array<i32>} : memref<256x128xf32, #tpu.memory_space<vmem>>, vector<1x16xf32>,
        %add3A_530 = arith.constant 3 : i32
        %add3A_531 = arith.addi %mul3A_488, %add3A_530 : i32
        %get3A_532 = arith.index_cast %add3A_531 : i32 to index
        %get3A_533 = arith.index_cast %mul3A_437 : i32 to index
        %get3A_534 = tpu.vector_load %arg9[%get3A_532, %get3A_533] {strides = array<i32>} : memref<256x128xf32, #tpu.memory_space<vmem>>, vector<1x16xf32>,
        %get3A_535 = vector.shape_cast %get3A_534 : vector<1x16xf32> to vector<16xf32>
        %add3A_536 = arith.addf %get3A_535, %get3A_456 : vector<16xf32>
        %add3A_537 = arith.constant 3 : i32
        %add3A_538 = arith.addi %mul3A_488, %add3A_537 : i32
        %swap3A_539 = arith.index_cast %add3A_538 : i32 to index
        %swap3A_540 = arith.index_cast %mul3A_437 : i32 to index
        %swap3A_541 = tpu.vector_load %arg9[%swap3A_539, %swap3A_540] {strides = array<i32>} : memref<256x128xf32, #tpu.memory_space<vmem>>, vector<1x16xf32>,
        %swap3A_542 = vector.shape_cast %swap3A_541 : vector<1x16xf32> to vector<16xf32>
        %swap3A_543 = vector.shape_cast %add3A_536 : vector<16xf32> to vector<1x16xf32>
        tpu.vector_store %arg9[%swap3A_539, %swap3A_540], %swap3A_543 {strides = array<i32>} : memref<256x128xf32, #tpu.memory_space<vmem>>, vector<1x16xf32>,
        %add3A_544 = arith.constant 4 : i32
        %add3A_545 = arith.addi %mul3A_488, %add3A_544 : i32
        %get3A_546 = arith.index_cast %add3A_545 : i32 to index
        %get3A_547 = arith.index_cast %mul3A_437 : i32 to index
        %get3A_548 = tpu.vector_load %arg9[%get3A_546, %get3A_547] {strides = array<i32>} : memref<256x128xf32, #tpu.memory_space<vmem>>, vector<1x16xf32>,
        %get3A_549 = vector.shape_cast %get3A_548 : vector<1x16xf32> to vector<16xf32>
        %add3A_550 = arith.addf %get3A_549, %get3A_461 : vector<16xf32>
        %add3A_551 = arith.constant 4 : i32
        %add3A_552 = arith.addi %mul3A_488, %add3A_551 : i32
        %swap3A_553 = arith.index_cast %add3A_552 : i32 to index
        %swap3A_554 = arith.index_cast %mul3A_437 : i32 to index
        %swap3A_555 = tpu.vector_load %arg9[%swap3A_553, %swap3A_554] {strides = array<i32>} : memref<256x128xf32, #tpu.memory_space<vmem>>, vector<1x16xf32>,
        %swap3A_556 = vector.shape_cast %swap3A_555 : vector<1x16xf32> to vector<16xf32>
        %swap3A_557 = vector.shape_cast %add3A_550 : vector<16xf32> to vector<1x16xf32>
        tpu.vector_store %arg9[%swap3A_553, %swap3A_554], %swap3A_557 {strides = array<i32>} : memref<256x128xf32, #tpu.memory_space<vmem>>, vector<1x16xf32>,
        %add3A_558 = arith.constant 5 : i32
        %add3A_559 = arith.addi %mul3A_488, %add3A_558 : i32
        %get3A_560 = arith.index_cast %add3A_559 : i32 to index
        %get3A_561 = arith.index_cast %mul3A_437 : i32 to index
        %get3A_562 = tpu.vector_load %arg9[%get3A_560, %get3A_561] {strides = array<i32>} : memref<256x128xf32, #tpu.memory_space<vmem>>, vector<1x16xf32>,
        %get3A_563 = vector.shape_cast %get3A_562 : vector<1x16xf32> to vector<16xf32>
        %add3A_564 = arith.addf %get3A_563, %get3A_466 : vector<16xf32>
        %add3A_565 = arith.constant 5 : i32
        %add3A_566 = arith.addi %mul3A_488, %add3A_565 : i32
        %swap3A_567 = arith.index_cast %add3A_566 : i32 to index
        %swap3A_568 = arith.index_cast %mul3A_437 : i32 to index
        %swap3A_569 = tpu.vector_load %arg9[%swap3A_567, %swap3A_568] {strides = array<i32>} : memref<256x128xf32, #tpu.memory_space<vmem>>, vector<1x16xf32>,
        %swap3A_570 = vector.shape_cast %swap3A_569 : vector<1x16xf32> to vector<16xf32>
        %swap3A_571 = vector.shape_cast %add3A_564 : vector<16xf32> to vector<1x16xf32>
        tpu.vector_store %arg9[%swap3A_567, %swap3A_568], %swap3A_571 {strides = array<i32>} : memref<256x128xf32, #tpu.memory_space<vmem>>, vector<1x16xf32>,
        %add3A_572 = arith.constant 6 : i32
        %add3A_573 = arith.addi %mul3A_488, %add3A_572 : i32
        %get3A_574 = arith.index_cast %add3A_573 : i32 to index
        %get3A_575 = arith.index_cast %mul3A_437 : i32 to index
        %get3A_576 = tpu.vector_load %arg9[%get3A_574, %get3A_575] {strides = array<i32>} : memref<256x128xf32, #tpu.memory_space<vmem>>, vector<1x16xf32>,
        %get3A_577 = vector.shape_cast %get3A_576 : vector<1x16xf32> to vector<16xf32>
        %add3A_578 = arith.addf %get3A_577, %get3A_471 : vector<16xf32>
        %add3A_579 = arith.constant 6 : i32
        %add3A_580 = arith.addi %mul3A_488, %add3A_579 : i32
        %swap3A_581 = arith.index_cast %add3A_580 : i32 to index
        %swap3A_582 = arith.index_cast %mul3A_437 : i32 to index
        %swap3A_583 = tpu.vector_load %arg9[%swap3A_581, %swap3A_582] {strides = array<i32>} : memref<256x128xf32, #tpu.memory_space<vmem>>, vector<1x16xf32>,
        %swap3A_584 = vector.shape_cast %swap3A_583 : vector<1x16xf32> to vector<16xf32>
        %swap3A_585 = vector.shape_cast %add3A_578 : vector<16xf32> to vector<1x16xf32>
        tpu.vector_store %arg9[%swap3A_581, %swap3A_582], %swap3A_585 {strides = array<i32>} : memref<256x128xf32, #tpu.memory_space<vmem>>, vector<1x16xf32>,
        %add3A_586 = arith.constant 7 : i32
        %add3A_587 = arith.addi %mul3A_488, %add3A_586 : i32
        %get3A_588 = arith.index_cast %add3A_587 : i32 to index
        %get3A_589 = arith.index_cast %mul3A_437 : i32 to index
        %get3A_590 = tpu.vector_load %arg9[%get3A_588, %get3A_589] {strides = array<i32>} : memref<256x128xf32, #tpu.memory_space<vmem>>, vector<1x16xf32>,
        %get3A_591 = vector.shape_cast %get3A_590 : vector<1x16xf32> to vector<16xf32>
        %add3A_592 = arith.addf %get3A_591, %get3A_476 : vector<16xf32>
        %add3A_593 = arith.constant 7 : i32
        %add3A_594 = arith.addi %mul3A_488, %add3A_593 : i32
        %swap3A_595 = arith.index_cast %add3A_594 : i32 to index
        %swap3A_596 = arith.index_cast %mul3A_437 : i32 to index
        %swap3A_597 = tpu.vector_load %arg9[%swap3A_595, %swap3A_596] {strides = array<i32>} : memref<256x128xf32, #tpu.memory_space<vmem>>, vector<1x16xf32>,
        %swap3A_598 = vector.shape_cast %swap3A_597 : vector<1x16xf32> to vector<16xf32>
        %swap3A_599 = vector.shape_cast %add3A_592 : vector<16xf32> to vector<1x16xf32>
        tpu.vector_store %arg9[%swap3A_595, %swap3A_596], %swap3A_599 {strides = array<i32>} : memref<256x128xf32, #tpu.memory_space<vmem>>, vector<1x16xf32>,
        %scan3A_600 = arith.constant 0 : i32
        scf.yield %scan3A_600 : i32
      }
      %scan3A_483 = arith.constant 32 : i32
      %scan3A_484 = arith.constant 0 : i32
      scf.yield %scan3A_484 : i32
    }
    %scan3A_320 = arith.constant 8 : i32
    %add3A_321 = arith.constant 2816 : i32
    %add3A_322 = arith.addi %mul3A_2, %add3A_321 : i32
    %dma_start3A_323 = arith.constant 0 : i32
    %dma_start3A_324 = tpu.memref_slice %arg5[%add3A_322, %dma_start3A_323] : memref<131072x128xf32, #tpu.memory_space<hbm>> -> memref<256x128xf32, #tpu.memory_space<hbm>>
    %dma_start3A_325 = arith.constant 0 : i32
    %dma_start3A_326 = tpu.memref_slice %arg5[%add3A_322, %dma_start3A_325] : memref<131072x128xf32, #tpu.memory_space<hbm>> -> memref<256x128xf32, #tpu.memory_space<hbm>>
    tpu.enqueue_dma source(%arg9 : memref<256x128xf32, #tpu.memory_space<vmem>>) target(%dma_start3A_326 : memref<256x128xf32, #tpu.memory_space<hbm>>) target_semaphore(%arg14 : memref<!tpu.dma_semaphore, #tpu.memory_space<semaphore_mem>>)
    %dma_wait3A_327 = arith.constant 3072 : i32
    %dma_wait3A_328 = tpu.memref_slice %arg7[%dma_wait3A_327] : memref<4096xi32, #tpu.memory_space<vmem>> -> memref<256xi32, #tpu.memory_space<vmem>>
    %dma_wait3A_329 = arith.constant 0 : i32
    %dma_wait3A_330 = arith.constant 0 : i32
    %dma_wait3A_331 = tpu.memref_slice %arg6[%dma_wait3A_329, %dma_wait3A_330] : memref<1000x128xf32, #tpu.memory_space<vmem_shared>> -> memref<1000x128xf32, #tpu.memory_space<vmem_shared>>
    tpu.wait_indirect_dma semaphore(%arg11 : memref<!tpu.dma_semaphore, #tpu.memory_space<semaphore_mem>>) src(%dma_wait3A_331 : memref<1000x128xf32, #tpu.memory_space<vmem_shared>>) dst(%arg8 : memref<256x128xf32, #tpu.memory_space<vmem>>)
    %dma_wait3A_332 = arith.constant 0 : i32
    %dma_wait3A_333 = tpu.memref_slice %arg5[%add3A_322, %dma_wait3A_332] : memref<131072x128xf32, #tpu.memory_space<hbm>> -> memref<256x128xf32, #tpu.memory_space<hbm>>
    %dma_wait3A_334 = arith.constant 0 : i32
    %dma_wait3A_335 = tpu.memref_slice %arg5[%add3A_322, %dma_wait3A_334] : memref<131072x128xf32, #tpu.memory_space<hbm>> -> memref<256x128xf32, #tpu.memory_space<hbm>>
    tpu.wait_dma2 semaphore(%arg14 : memref<!tpu.dma_semaphore, #tpu.memory_space<semaphore_mem>>) src(%arg9 : memref<256x128xf32, #tpu.memory_space<vmem>>) dst(%dma_wait3A_335 : memref<256x128xf32, #tpu.memory_space<hbm>>)
    %dma_start3A_336 = arith.constant 3328 : i32
    %dma_start3A_337 = tpu.memref_slice %arg7[%dma_start3A_336] : memref<4096xi32, #tpu.memory_space<vmem>> -> memref<256xi32, #tpu.memory_space<vmem>>
    %dma_start3A_338 = arith.constant 0 : i32
    %dma_start3A_339 = arith.constant 0 : i32
    %dma_start3A_340 = tpu.memref_slice %arg6[%dma_start3A_338, %dma_start3A_339] : memref<1000x128xf32, #tpu.memory_space<vmem_shared>> -> memref<1000x128xf32, #tpu.memory_space<vmem_shared>>
    tpu.enqueue_indirect_dma source(%dma_start3A_340 : memref<1000x128xf32, #tpu.memory_space<vmem_shared>>) target(%arg9 : memref<256x128xf32, #tpu.memory_space<vmem>>) offsets(%dma_start3A_337 : memref<256xi32, #tpu.memory_space<vmem>>) semaphore(%arg12 : memref<!tpu.dma_semaphore, #tpu.memory_space<semaphore_mem>>)
    %scan3A_341 = arith.constant 0 : i32
    %scan3A_342 = arith.constant 0 : i32
    %scan3A_343 = arith.constant 8 : i32
    %scan3A_344 = arith.addi %scan3A_342, %scan3A_343 : i32
    %scan3A_345 = arith.constant 1 : i32
    %scan3A_346 = scf.for %scan3A_434 = %scan3A_342 to %scan3A_344 step %scan3A_345 iter_args(%scan3A_435 = %scan3A_341) -> (i32)  : i32 {
      %mul3A_436 = arith.constant 16 : i32
      %mul3A_437 = arith.muli %scan3A_434, %mul3A_436 : i32
      %get3A = arith.constant 0 : i32
      %get3A_438 = arith.index_cast %get3A : i32 to index
      %get3A_439 = arith.index_cast %mul3A_437 : i32 to index
      %get3A_440 = tpu.vector_load %arg10[%get3A_438, %get3A_439] {strides = array<i32>} : memref<8x128xf32, #tpu.memory_space<vmem>>, vector<1x16xf32>,
      %get3A_441 = vector.shape_cast %get3A_440 : vector<1x16xf32> to vector<16xf32>
      %get3A_442 = arith.constant 1 : i32
      %get3A_443 = arith.index_cast %get3A_442 : i32 to index
      %get3A_444 = arith.index_cast %mul3A_437 : i32 to index
      %get3A_445 = tpu.vector_load %arg10[%get3A_443, %get3A_444] {strides = array<i32>} : memref<8x128xf32, #tpu.memory_space<vmem>>, vector<1x16xf32>,
      %get3A_446 = vector.shape_cast %get3A_445 : vector<1x16xf32> to vector<16xf32>
      %get3A_447 = arith.constant 2 : i32
      %get3A_448 = arith.index_cast %get3A_447 : i32 to index
      %get3A_449 = arith.index_cast %mul3A_437 : i32 to index
      %get3A_450 = tpu.vector_load %arg10[%get3A_448, %get3A_449] {strides = array<i32>} : memref<8x128xf32, #tpu.memory_space<vmem>>, vector<1x16xf32>,
      %get3A_451 = vector.shape_cast %get3A_450 : vector<1x16xf32> to vector<16xf32>
      %get3A_452 = arith.constant 3 : i32
      %get3A_453 = arith.index_cast %get3A_452 : i32 to index
      %get3A_454 = arith.index_cast %mul3A_437 : i32 to index
      %get3A_455 = tpu.vector_load %arg10[%get3A_453, %get3A_454] {strides = array<i32>} : memref<8x128xf32, #tpu.memory_space<vmem>>, vector<1x16xf32>,
      %get3A_456 = vector.shape_cast %get3A_455 : vector<1x16xf32> to vector<16xf32>
      %get3A_457 = arith.constant 4 : i32
      %get3A_458 = arith.index_cast %get3A_457 : i32 to index
      %get3A_459 = arith.index_cast %mul3A_437 : i32 to index
      %get3A_460 = tpu.vector_load %arg10[%get3A_458, %get3A_459] {strides = array<i32>} : memref<8x128xf32, #tpu.memory_space<vmem>>, vector<1x16xf32>,
      %get3A_461 = vector.shape_cast %get3A_460 : vector<1x16xf32> to vector<16xf32>
      %get3A_462 = arith.constant 5 : i32
      %get3A_463 = arith.index_cast %get3A_462 : i32 to index
      %get3A_464 = arith.index_cast %mul3A_437 : i32 to index
      %get3A_465 = tpu.vector_load %arg10[%get3A_463, %get3A_464] {strides = array<i32>} : memref<8x128xf32, #tpu.memory_space<vmem>>, vector<1x16xf32>,
      %get3A_466 = vector.shape_cast %get3A_465 : vector<1x16xf32> to vector<16xf32>
      %get3A_467 = arith.constant 6 : i32
      %get3A_468 = arith.index_cast %get3A_467 : i32 to index
      %get3A_469 = arith.index_cast %mul3A_437 : i32 to index
      %get3A_470 = tpu.vector_load %arg10[%get3A_468, %get3A_469] {strides = array<i32>} : memref<8x128xf32, #tpu.memory_space<vmem>>, vector<1x16xf32>,
      %get3A_471 = vector.shape_cast %get3A_470 : vector<1x16xf32> to vector<16xf32>
      %get3A_472 = arith.constant 7 : i32
      %get3A_473 = arith.index_cast %get3A_472 : i32 to index
      %get3A_474 = arith.index_cast %mul3A_437 : i32 to index
      %get3A_475 = tpu.vector_load %arg10[%get3A_473, %get3A_474] {strides = array<i32>} : memref<8x128xf32, #tpu.memory_space<vmem>>, vector<1x16xf32>,
      %get3A_476 = vector.shape_cast %get3A_475 : vector<1x16xf32> to vector<16xf32>
      %scan3A_477 = arith.constant 0 : i32
      %scan3A_478 = arith.constant 0 : i32
      %scan3A_479 = arith.constant 32 : i32
      %scan3A_480 = arith.addi %scan3A_478, %scan3A_479 : i32
      %scan3A_481 = arith.constant 1 : i32
      %scan3A_482 = scf.for %scan3A_485 = %scan3A_478 to %scan3A_480 step %scan3A_481 iter_args(%scan3A_486 = %scan3A_477) -> (i32)  : i32 {
        %mul3A_487 = arith.constant 8 : i32
        %mul3A_488 = arith.muli %scan3A_485, %mul3A_487 : i32
        %add3A_489 = arith.constant 0 : i32
        %add3A_490 = arith.addi %mul3A_488, %add3A_489 : i32
        %get3A_491 = arith.index_cast %add3A_490 : i32 to index
        %get3A_492 = arith.index_cast %mul3A_437 : i32 to index
        %get3A_493 = tpu.vector_load %arg8[%get3A_491, %get3A_492] {strides = array<i32>} : memref<256x128xf32, #tpu.memory_space<vmem>>, vector<1x16xf32>,
        %get3A_494 = vector.shape_cast %get3A_493 : vector<1x16xf32> to vector<16xf32>
        %add3A_495 = arith.addf %get3A_494, %get3A_441 : vector<16xf32>
        %add3A_496 = arith.constant 0 : i32
        %add3A_497 = arith.addi %mul3A_488, %add3A_496 : i32
        %swap3A = arith.index_cast %add3A_497 : i32 to index
        %swap3A_498 = arith.index_cast %mul3A_437 : i32 to index
        %swap3A_499 = tpu.vector_load %arg8[%swap3A, %swap3A_498] {strides = array<i32>} : memref<256x128xf32, #tpu.memory_space<vmem>>, vector<1x16xf32>,
        %swap3A_500 = vector.shape_cast %swap3A_499 : vector<1x16xf32> to vector<16xf32>
        %swap3A_501 = vector.shape_cast %add3A_495 : vector<16xf32> to vector<1x16xf32>
        tpu.vector_store %arg8[%swap3A, %swap3A_498], %swap3A_501 {strides = array<i32>} : memref<256x128xf32, #tpu.memory_space<vmem>>, vector<1x16xf32>,
        %add3A_502 = arith.constant 1 : i32
        %add3A_503 = arith.addi %mul3A_488, %add3A_502 : i32
        %get3A_504 = arith.index_cast %add3A_503 : i32 to index
        %get3A_505 = arith.index_cast %mul3A_437 : i32 to index
        %get3A_506 = tpu.vector_load %arg8[%get3A_504, %get3A_505] {strides = array<i32>} : memref<256x128xf32, #tpu.memory_space<vmem>>, vector<1x16xf32>,
        %get3A_507 = vector.shape_cast %get3A_506 : vector<1x16xf32> to vector<16xf32>
        %add3A_508 = arith.addf %get3A_507, %get3A_446 : vector<16xf32>
        %add3A_509 = arith.constant 1 : i32
        %add3A_510 = arith.addi %mul3A_488, %add3A_509 : i32
        %swap3A_511 = arith.index_cast %add3A_510 : i32 to index
        %swap3A_512 = arith.index_cast %mul3A_437 : i32 to index
        %swap3A_513 = tpu.vector_load %arg8[%swap3A_511, %swap3A_512] {strides = array<i32>} : memref<256x128xf32, #tpu.memory_space<vmem>>, vector<1x16xf32>,
        %swap3A_514 = vector.shape_cast %swap3A_513 : vector<1x16xf32> to vector<16xf32>
        %swap3A_515 = vector.shape_cast %add3A_508 : vector<16xf32> to vector<1x16xf32>
        tpu.vector_store %arg8[%swap3A_511, %swap3A_512], %swap3A_515 {strides = array<i32>} : memref<256x128xf32, #tpu.memory_space<vmem>>, vector<1x16xf32>,
        %add3A_516 = arith.constant 2 : i32
        %add3A_517 = arith.addi %mul3A_488, %add3A_516 : i32
        %get3A_518 = arith.index_cast %add3A_517 : i32 to index
        %get3A_519 = arith.index_cast %mul3A_437 : i32 to index
        %get3A_520 = tpu.vector_load %arg8[%get3A_518, %get3A_519] {strides = array<i32>} : memref<256x128xf32, #tpu.memory_space<vmem>>, vector<1x16xf32>,
        %get3A_521 = vector.shape_cast %get3A_520 : vector<1x16xf32> to vector<16xf32>
        %add3A_522 = arith.addf %get3A_521, %get3A_451 : vector<16xf32>
        %add3A_523 = arith.constant 2 : i32
        %add3A_524 = arith.addi %mul3A_488, %add3A_523 : i32
        %swap3A_525 = arith.index_cast %add3A_524 : i32 to index
        %swap3A_526 = arith.index_cast %mul3A_437 : i32 to index
        %swap3A_527 = tpu.vector_load %arg8[%swap3A_525, %swap3A_526] {strides = array<i32>} : memref<256x128xf32, #tpu.memory_space<vmem>>, vector<1x16xf32>,
        %swap3A_528 = vector.shape_cast %swap3A_527 : vector<1x16xf32> to vector<16xf32>
        %swap3A_529 = vector.shape_cast %add3A_522 : vector<16xf32> to vector<1x16xf32>
        tpu.vector_store %arg8[%swap3A_525, %swap3A_526], %swap3A_529 {strides = array<i32>} : memref<256x128xf32, #tpu.memory_space<vmem>>, vector<1x16xf32>,
        %add3A_530 = arith.constant 3 : i32
        %add3A_531 = arith.addi %mul3A_488, %add3A_530 : i32
        %get3A_532 = arith.index_cast %add3A_531 : i32 to index
        %get3A_533 = arith.index_cast %mul3A_437 : i32 to index
        %get3A_534 = tpu.vector_load %arg8[%get3A_532, %get3A_533] {strides = array<i32>} : memref<256x128xf32, #tpu.memory_space<vmem>>, vector<1x16xf32>,
        %get3A_535 = vector.shape_cast %get3A_534 : vector<1x16xf32> to vector<16xf32>
        %add3A_536 = arith.addf %get3A_535, %get3A_456 : vector<16xf32>
        %add3A_537 = arith.constant 3 : i32
        %add3A_538 = arith.addi %mul3A_488, %add3A_537 : i32
        %swap3A_539 = arith.index_cast %add3A_538 : i32 to index
        %swap3A_540 = arith.index_cast %mul3A_437 : i32 to index
        %swap3A_541 = tpu.vector_load %arg8[%swap3A_539, %swap3A_540] {strides = array<i32>} : memref<256x128xf32, #tpu.memory_space<vmem>>, vector<1x16xf32>,
        %swap3A_542 = vector.shape_cast %swap3A_541 : vector<1x16xf32> to vector<16xf32>
        %swap3A_543 = vector.shape_cast %add3A_536 : vector<16xf32> to vector<1x16xf32>
        tpu.vector_store %arg8[%swap3A_539, %swap3A_540], %swap3A_543 {strides = array<i32>} : memref<256x128xf32, #tpu.memory_space<vmem>>, vector<1x16xf32>,
        %add3A_544 = arith.constant 4 : i32
        %add3A_545 = arith.addi %mul3A_488, %add3A_544 : i32
        %get3A_546 = arith.index_cast %add3A_545 : i32 to index
        %get3A_547 = arith.index_cast %mul3A_437 : i32 to index
        %get3A_548 = tpu.vector_load %arg8[%get3A_546, %get3A_547] {strides = array<i32>} : memref<256x128xf32, #tpu.memory_space<vmem>>, vector<1x16xf32>,
        %get3A_549 = vector.shape_cast %get3A_548 : vector<1x16xf32> to vector<16xf32>
        %add3A_550 = arith.addf %get3A_549, %get3A_461 : vector<16xf32>
        %add3A_551 = arith.constant 4 : i32
        %add3A_552 = arith.addi %mul3A_488, %add3A_551 : i32
        %swap3A_553 = arith.index_cast %add3A_552 : i32 to index
        %swap3A_554 = arith.index_cast %mul3A_437 : i32 to index
        %swap3A_555 = tpu.vector_load %arg8[%swap3A_553, %swap3A_554] {strides = array<i32>} : memref<256x128xf32, #tpu.memory_space<vmem>>, vector<1x16xf32>,
        %swap3A_556 = vector.shape_cast %swap3A_555 : vector<1x16xf32> to vector<16xf32>
        %swap3A_557 = vector.shape_cast %add3A_550 : vector<16xf32> to vector<1x16xf32>
        tpu.vector_store %arg8[%swap3A_553, %swap3A_554], %swap3A_557 {strides = array<i32>} : memref<256x128xf32, #tpu.memory_space<vmem>>, vector<1x16xf32>,
        %add3A_558 = arith.constant 5 : i32
        %add3A_559 = arith.addi %mul3A_488, %add3A_558 : i32
        %get3A_560 = arith.index_cast %add3A_559 : i32 to index
        %get3A_561 = arith.index_cast %mul3A_437 : i32 to index
        %get3A_562 = tpu.vector_load %arg8[%get3A_560, %get3A_561] {strides = array<i32>} : memref<256x128xf32, #tpu.memory_space<vmem>>, vector<1x16xf32>,
        %get3A_563 = vector.shape_cast %get3A_562 : vector<1x16xf32> to vector<16xf32>
        %add3A_564 = arith.addf %get3A_563, %get3A_466 : vector<16xf32>
        %add3A_565 = arith.constant 5 : i32
        %add3A_566 = arith.addi %mul3A_488, %add3A_565 : i32
        %swap3A_567 = arith.index_cast %add3A_566 : i32 to index
        %swap3A_568 = arith.index_cast %mul3A_437 : i32 to index
        %swap3A_569 = tpu.vector_load %arg8[%swap3A_567, %swap3A_568] {strides = array<i32>} : memref<256x128xf32, #tpu.memory_space<vmem>>, vector<1x16xf32>,
        %swap3A_570 = vector.shape_cast %swap3A_569 : vector<1x16xf32> to vector<16xf32>
        %swap3A_571 = vector.shape_cast %add3A_564 : vector<16xf32> to vector<1x16xf32>
        tpu.vector_store %arg8[%swap3A_567, %swap3A_568], %swap3A_571 {strides = array<i32>} : memref<256x128xf32, #tpu.memory_space<vmem>>, vector<1x16xf32>,
        %add3A_572 = arith.constant 6 : i32
        %add3A_573 = arith.addi %mul3A_488, %add3A_572 : i32
        %get3A_574 = arith.index_cast %add3A_573 : i32 to index
        %get3A_575 = arith.index_cast %mul3A_437 : i32 to index
        %get3A_576 = tpu.vector_load %arg8[%get3A_574, %get3A_575] {strides = array<i32>} : memref<256x128xf32, #tpu.memory_space<vmem>>, vector<1x16xf32>,
        %get3A_577 = vector.shape_cast %get3A_576 : vector<1x16xf32> to vector<16xf32>
        %add3A_578 = arith.addf %get3A_577, %get3A_471 : vector<16xf32>
        %add3A_579 = arith.constant 6 : i32
        %add3A_580 = arith.addi %mul3A_488, %add3A_579 : i32
        %swap3A_581 = arith.index_cast %add3A_580 : i32 to index
        %swap3A_582 = arith.index_cast %mul3A_437 : i32 to index
        %swap3A_583 = tpu.vector_load %arg8[%swap3A_581, %swap3A_582] {strides = array<i32>} : memref<256x128xf32, #tpu.memory_space<vmem>>, vector<1x16xf32>,
        %swap3A_584 = vector.shape_cast %swap3A_583 : vector<1x16xf32> to vector<16xf32>
        %swap3A_585 = vector.shape_cast %add3A_578 : vector<16xf32> to vector<1x16xf32>
        tpu.vector_store %arg8[%swap3A_581, %swap3A_582], %swap3A_585 {strides = array<i32>} : memref<256x128xf32, #tpu.memory_space<vmem>>, vector<1x16xf32>,
        %add3A_586 = arith.constant 7 : i32
        %add3A_587 = arith.addi %mul3A_488, %add3A_586 : i32
        %get3A_588 = arith.index_cast %add3A_587 : i32 to index
        %get3A_589 = arith.index_cast %mul3A_437 : i32 to index
        %get3A_590 = tpu.vector_load %arg8[%get3A_588, %get3A_589] {strides = array<i32>} : memref<256x128xf32, #tpu.memory_space<vmem>>, vector<1x16xf32>,
        %get3A_591 = vector.shape_cast %get3A_590 : vector<1x16xf32> to vector<16xf32>
        %add3A_592 = arith.addf %get3A_591, %get3A_476 : vector<16xf32>
        %add3A_593 = arith.constant 7 : i32
        %add3A_594 = arith.addi %mul3A_488, %add3A_593 : i32
        %swap3A_595 = arith.index_cast %add3A_594 : i32 to index
        %swap3A_596 = arith.index_cast %mul3A_437 : i32 to index
        %swap3A_597 = tpu.vector_load %arg8[%swap3A_595, %swap3A_596] {strides = array<i32>} : memref<256x128xf32, #tpu.memory_space<vmem>>, vector<1x16xf32>,
        %swap3A_598 = vector.shape_cast %swap3A_597 : vector<1x16xf32> to vector<16xf32>
        %swap3A_599 = vector.shape_cast %add3A_592 : vector<16xf32> to vector<1x16xf32>
        tpu.vector_store %arg8[%swap3A_595, %swap3A_596], %swap3A_599 {strides = array<i32>} : memref<256x128xf32, #tpu.memory_space<vmem>>, vector<1x16xf32>,
        %scan3A_600 = arith.constant 0 : i32
        scf.yield %scan3A_600 : i32
      }
      %scan3A_483 = arith.constant 32 : i32
      %scan3A_484 = arith.constant 0 : i32
      scf.yield %scan3A_484 : i32
    }
    %scan3A_347 = arith.constant 8 : i32
    %add3A_348 = arith.constant 3072 : i32
    %add3A_349 = arith.addi %mul3A_2, %add3A_348 : i32
    %dma_start3A_350 = arith.constant 0 : i32
    %dma_start3A_351 = tpu.memref_slice %arg5[%add3A_349, %dma_start3A_350] : memref<131072x128xf32, #tpu.memory_space<hbm>> -> memref<256x128xf32, #tpu.memory_space<hbm>>
    %dma_start3A_352 = arith.constant 0 : i32
    %dma_start3A_353 = tpu.memref_slice %arg5[%add3A_349, %dma_start3A_352] : memref<131072x128xf32, #tpu.memory_space<hbm>> -> memref<256x128xf32, #tpu.memory_space<hbm>>
    tpu.enqueue_dma source(%arg8 : memref<256x128xf32, #tpu.memory_space<vmem>>) target(%dma_start3A_353 : memref<256x128xf32, #tpu.memory_space<hbm>>) target_semaphore(%arg13 : memref<!tpu.dma_semaphore, #tpu.memory_space<semaphore_mem>>)
    %dma_wait3A_354 = arith.constant 3328 : i32
    %dma_wait3A_355 = tpu.memref_slice %arg7[%dma_wait3A_354] : memref<4096xi32, #tpu.memory_space<vmem>> -> memref<256xi32, #tpu.memory_space<vmem>>
    %dma_wait3A_356 = arith.constant 0 : i32
    %dma_wait3A_357 = arith.constant 0 : i32
    %dma_wait3A_358 = tpu.memref_slice %arg6[%dma_wait3A_356, %dma_wait3A_357] : memref<1000x128xf32, #tpu.memory_space<vmem_shared>> -> memref<1000x128xf32, #tpu.memory_space<vmem_shared>>
    tpu.wait_indirect_dma semaphore(%arg12 : memref<!tpu.dma_semaphore, #tpu.memory_space<semaphore_mem>>) src(%dma_wait3A_358 : memref<1000x128xf32, #tpu.memory_space<vmem_shared>>) dst(%arg9 : memref<256x128xf32, #tpu.memory_space<vmem>>)
    %dma_wait3A_359 = arith.constant 0 : i32
    %dma_wait3A_360 = tpu.memref_slice %arg5[%add3A_349, %dma_wait3A_359] : memref<131072x128xf32, #tpu.memory_space<hbm>> -> memref<256x128xf32, #tpu.memory_space<hbm>>
    %dma_wait3A_361 = arith.constant 0 : i32
    %dma_wait3A_362 = tpu.memref_slice %arg5[%add3A_349, %dma_wait3A_361] : memref<131072x128xf32, #tpu.memory_space<hbm>> -> memref<256x128xf32, #tpu.memory_space<hbm>>
    tpu.wait_dma2 semaphore(%arg13 : memref<!tpu.dma_semaphore, #tpu.memory_space<semaphore_mem>>) src(%arg8 : memref<256x128xf32, #tpu.memory_space<vmem>>) dst(%dma_wait3A_362 : memref<256x128xf32, #tpu.memory_space<hbm>>)
    %dma_start3A_363 = arith.constant 3584 : i32
    %dma_start3A_364 = tpu.memref_slice %arg7[%dma_start3A_363] : memref<4096xi32, #tpu.memory_space<vmem>> -> memref<256xi32, #tpu.memory_space<vmem>>
    %dma_start3A_365 = arith.constant 0 : i32
    %dma_start3A_366 = arith.constant 0 : i32
    %dma_start3A_367 = tpu.memref_slice %arg6[%dma_start3A_365, %dma_start3A_366] : memref<1000x128xf32, #tpu.memory_space<vmem_shared>> -> memref<1000x128xf32, #tpu.memory_space<vmem_shared>>
    tpu.enqueue_indirect_dma source(%dma_start3A_367 : memref<1000x128xf32, #tpu.memory_space<vmem_shared>>) target(%arg8 : memref<256x128xf32, #tpu.memory_space<vmem>>) offsets(%dma_start3A_364 : memref<256xi32, #tpu.memory_space<vmem>>) semaphore(%arg11 : memref<!tpu.dma_semaphore, #tpu.memory_space<semaphore_mem>>)
    %scan3A_368 = arith.constant 0 : i32
    %scan3A_369 = arith.constant 0 : i32
    %scan3A_370 = arith.constant 8 : i32
    %scan3A_371 = arith.addi %scan3A_369, %scan3A_370 : i32
    %scan3A_372 = arith.constant 1 : i32
    %scan3A_373 = scf.for %scan3A_434 = %scan3A_369 to %scan3A_371 step %scan3A_372 iter_args(%scan3A_435 = %scan3A_368) -> (i32)  : i32 {
      %mul3A_436 = arith.constant 16 : i32
      %mul3A_437 = arith.muli %scan3A_434, %mul3A_436 : i32
      %get3A = arith.constant 0 : i32
      %get3A_438 = arith.index_cast %get3A : i32 to index
      %get3A_439 = arith.index_cast %mul3A_437 : i32 to index
      %get3A_440 = tpu.vector_load %arg10[%get3A_438, %get3A_439] {strides = array<i32>} : memref<8x128xf32, #tpu.memory_space<vmem>>, vector<1x16xf32>,
      %get3A_441 = vector.shape_cast %get3A_440 : vector<1x16xf32> to vector<16xf32>
      %get3A_442 = arith.constant 1 : i32
      %get3A_443 = arith.index_cast %get3A_442 : i32 to index
      %get3A_444 = arith.index_cast %mul3A_437 : i32 to index
      %get3A_445 = tpu.vector_load %arg10[%get3A_443, %get3A_444] {strides = array<i32>} : memref<8x128xf32, #tpu.memory_space<vmem>>, vector<1x16xf32>,
      %get3A_446 = vector.shape_cast %get3A_445 : vector<1x16xf32> to vector<16xf32>
      %get3A_447 = arith.constant 2 : i32
      %get3A_448 = arith.index_cast %get3A_447 : i32 to index
      %get3A_449 = arith.index_cast %mul3A_437 : i32 to index
      %get3A_450 = tpu.vector_load %arg10[%get3A_448, %get3A_449] {strides = array<i32>} : memref<8x128xf32, #tpu.memory_space<vmem>>, vector<1x16xf32>,
      %get3A_451 = vector.shape_cast %get3A_450 : vector<1x16xf32> to vector<16xf32>
      %get3A_452 = arith.constant 3 : i32
      %get3A_453 = arith.index_cast %get3A_452 : i32 to index
      %get3A_454 = arith.index_cast %mul3A_437 : i32 to index
      %get3A_455 = tpu.vector_load %arg10[%get3A_453, %get3A_454] {strides = array<i32>} : memref<8x128xf32, #tpu.memory_space<vmem>>, vector<1x16xf32>,
      %get3A_456 = vector.shape_cast %get3A_455 : vector<1x16xf32> to vector<16xf32>
      %get3A_457 = arith.constant 4 : i32
      %get3A_458 = arith.index_cast %get3A_457 : i32 to index
      %get3A_459 = arith.index_cast %mul3A_437 : i32 to index
      %get3A_460 = tpu.vector_load %arg10[%get3A_458, %get3A_459] {strides = array<i32>} : memref<8x128xf32, #tpu.memory_space<vmem>>, vector<1x16xf32>,
      %get3A_461 = vector.shape_cast %get3A_460 : vector<1x16xf32> to vector<16xf32>
      %get3A_462 = arith.constant 5 : i32
      %get3A_463 = arith.index_cast %get3A_462 : i32 to index
      %get3A_464 = arith.index_cast %mul3A_437 : i32 to index
      %get3A_465 = tpu.vector_load %arg10[%get3A_463, %get3A_464] {strides = array<i32>} : memref<8x128xf32, #tpu.memory_space<vmem>>, vector<1x16xf32>,
      %get3A_466 = vector.shape_cast %get3A_465 : vector<1x16xf32> to vector<16xf32>
      %get3A_467 = arith.constant 6 : i32
      %get3A_468 = arith.index_cast %get3A_467 : i32 to index
      %get3A_469 = arith.index_cast %mul3A_437 : i32 to index
      %get3A_470 = tpu.vector_load %arg10[%get3A_468, %get3A_469] {strides = array<i32>} : memref<8x128xf32, #tpu.memory_space<vmem>>, vector<1x16xf32>,
      %get3A_471 = vector.shape_cast %get3A_470 : vector<1x16xf32> to vector<16xf32>
      %get3A_472 = arith.constant 7 : i32
      %get3A_473 = arith.index_cast %get3A_472 : i32 to index
      %get3A_474 = arith.index_cast %mul3A_437 : i32 to index
      %get3A_475 = tpu.vector_load %arg10[%get3A_473, %get3A_474] {strides = array<i32>} : memref<8x128xf32, #tpu.memory_space<vmem>>, vector<1x16xf32>,
      %get3A_476 = vector.shape_cast %get3A_475 : vector<1x16xf32> to vector<16xf32>
      %scan3A_477 = arith.constant 0 : i32
      %scan3A_478 = arith.constant 0 : i32
      %scan3A_479 = arith.constant 32 : i32
      %scan3A_480 = arith.addi %scan3A_478, %scan3A_479 : i32
      %scan3A_481 = arith.constant 1 : i32
      %scan3A_482 = scf.for %scan3A_485 = %scan3A_478 to %scan3A_480 step %scan3A_481 iter_args(%scan3A_486 = %scan3A_477) -> (i32)  : i32 {
        %mul3A_487 = arith.constant 8 : i32
        %mul3A_488 = arith.muli %scan3A_485, %mul3A_487 : i32
        %add3A_489 = arith.constant 0 : i32
        %add3A_490 = arith.addi %mul3A_488, %add3A_489 : i32
        %get3A_491 = arith.index_cast %add3A_490 : i32 to index
        %get3A_492 = arith.index_cast %mul3A_437 : i32 to index
        %get3A_493 = tpu.vector_load %arg9[%get3A_491, %get3A_492] {strides = array<i32>} : memref<256x128xf32, #tpu.memory_space<vmem>>, vector<1x16xf32>,
        %get3A_494 = vector.shape_cast %get3A_493 : vector<1x16xf32> to vector<16xf32>
        %add3A_495 = arith.addf %get3A_494, %get3A_441 : vector<16xf32>
        %add3A_496 = arith.constant 0 : i32
        %add3A_497 = arith.addi %mul3A_488, %add3A_496 : i32
        %swap3A = arith.index_cast %add3A_497 : i32 to index
        %swap3A_498 = arith.index_cast %mul3A_437 : i32 to index
        %swap3A_499 = tpu.vector_load %arg9[%swap3A, %swap3A_498] {strides = array<i32>} : memref<256x128xf32, #tpu.memory_space<vmem>>, vector<1x16xf32>,
        %swap3A_500 = vector.shape_cast %swap3A_499 : vector<1x16xf32> to vector<16xf32>
        %swap3A_501 = vector.shape_cast %add3A_495 : vector<16xf32> to vector<1x16xf32>
        tpu.vector_store %arg9[%swap3A, %swap3A_498], %swap3A_501 {strides = array<i32>} : memref<256x128xf32, #tpu.memory_space<vmem>>, vector<1x16xf32>,
        %add3A_502 = arith.constant 1 : i32
        %add3A_503 = arith.addi %mul3A_488, %add3A_502 : i32
        %get3A_504 = arith.index_cast %add3A_503 : i32 to index
        %get3A_505 = arith.index_cast %mul3A_437 : i32 to index
        %get3A_506 = tpu.vector_load %arg9[%get3A_504, %get3A_505] {strides = array<i32>} : memref<256x128xf32, #tpu.memory_space<vmem>>, vector<1x16xf32>,
        %get3A_507 = vector.shape_cast %get3A_506 : vector<1x16xf32> to vector<16xf32>
        %add3A_508 = arith.addf %get3A_507, %get3A_446 : vector<16xf32>
        %add3A_509 = arith.constant 1 : i32
        %add3A_510 = arith.addi %mul3A_488, %add3A_509 : i32
        %swap3A_511 = arith.index_cast %add3A_510 : i32 to index
        %swap3A_512 = arith.index_cast %mul3A_437 : i32 to index
        %swap3A_513 = tpu.vector_load %arg9[%swap3A_511, %swap3A_512] {strides = array<i32>} : memref<256x128xf32, #tpu.memory_space<vmem>>, vector<1x16xf32>,
        %swap3A_514 = vector.shape_cast %swap3A_513 : vector<1x16xf32> to vector<16xf32>
        %swap3A_515 = vector.shape_cast %add3A_508 : vector<16xf32> to vector<1x16xf32>
        tpu.vector_store %arg9[%swap3A_511, %swap3A_512], %swap3A_515 {strides = array<i32>} : memref<256x128xf32, #tpu.memory_space<vmem>>, vector<1x16xf32>,
        %add3A_516 = arith.constant 2 : i32
        %add3A_517 = arith.addi %mul3A_488, %add3A_516 : i32
        %get3A_518 = arith.index_cast %add3A_517 : i32 to index
        %get3A_519 = arith.index_cast %mul3A_437 : i32 to index
        %get3A_520 = tpu.vector_load %arg9[%get3A_518, %get3A_519] {strides = array<i32>} : memref<256x128xf32, #tpu.memory_space<vmem>>, vector<1x16xf32>,
        %get3A_521 = vector.shape_cast %get3A_520 : vector<1x16xf32> to vector<16xf32>
        %add3A_522 = arith.addf %get3A_521, %get3A_451 : vector<16xf32>
        %add3A_523 = arith.constant 2 : i32
        %add3A_524 = arith.addi %mul3A_488, %add3A_523 : i32
        %swap3A_525 = arith.index_cast %add3A_524 : i32 to index
        %swap3A_526 = arith.index_cast %mul3A_437 : i32 to index
        %swap3A_527 = tpu.vector_load %arg9[%swap3A_525, %swap3A_526] {strides = array<i32>} : memref<256x128xf32, #tpu.memory_space<vmem>>, vector<1x16xf32>,
        %swap3A_528 = vector.shape_cast %swap3A_527 : vector<1x16xf32> to vector<16xf32>
        %swap3A_529 = vector.shape_cast %add3A_522 : vector<16xf32> to vector<1x16xf32>
        tpu.vector_store %arg9[%swap3A_525, %swap3A_526], %swap3A_529 {strides = array<i32>} : memref<256x128xf32, #tpu.memory_space<vmem>>, vector<1x16xf32>,
        %add3A_530 = arith.constant 3 : i32
        %add3A_531 = arith.addi %mul3A_488, %add3A_530 : i32
        %get3A_532 = arith.index_cast %add3A_531 : i32 to index
        %get3A_533 = arith.index_cast %mul3A_437 : i32 to index
        %get3A_534 = tpu.vector_load %arg9[%get3A_532, %get3A_533] {strides = array<i32>} : memref<256x128xf32, #tpu.memory_space<vmem>>, vector<1x16xf32>,
        %get3A_535 = vector.shape_cast %get3A_534 : vector<1x16xf32> to vector<16xf32>
        %add3A_536 = arith.addf %get3A_535, %get3A_456 : vector<16xf32>
        %add3A_537 = arith.constant 3 : i32
        %add3A_538 = arith.addi %mul3A_488, %add3A_537 : i32
        %swap3A_539 = arith.index_cast %add3A_538 : i32 to index
        %swap3A_540 = arith.index_cast %mul3A_437 : i32 to index
        %swap3A_541 = tpu.vector_load %arg9[%swap3A_539, %swap3A_540] {strides = array<i32>} : memref<256x128xf32, #tpu.memory_space<vmem>>, vector<1x16xf32>,
        %swap3A_542 = vector.shape_cast %swap3A_541 : vector<1x16xf32> to vector<16xf32>
        %swap3A_543 = vector.shape_cast %add3A_536 : vector<16xf32> to vector<1x16xf32>
        tpu.vector_store %arg9[%swap3A_539, %swap3A_540], %swap3A_543 {strides = array<i32>} : memref<256x128xf32, #tpu.memory_space<vmem>>, vector<1x16xf32>,
        %add3A_544 = arith.constant 4 : i32
        %add3A_545 = arith.addi %mul3A_488, %add3A_544 : i32
        %get3A_546 = arith.index_cast %add3A_545 : i32 to index
        %get3A_547 = arith.index_cast %mul3A_437 : i32 to index
        %get3A_548 = tpu.vector_load %arg9[%get3A_546, %get3A_547] {strides = array<i32>} : memref<256x128xf32, #tpu.memory_space<vmem>>, vector<1x16xf32>,
        %get3A_549 = vector.shape_cast %get3A_548 : vector<1x16xf32> to vector<16xf32>
        %add3A_550 = arith.addf %get3A_549, %get3A_461 : vector<16xf32>
        %add3A_551 = arith.constant 4 : i32
        %add3A_552 = arith.addi %mul3A_488, %add3A_551 : i32
        %swap3A_553 = arith.index_cast %add3A_552 : i32 to index
        %swap3A_554 = arith.index_cast %mul3A_437 : i32 to index
        %swap3A_555 = tpu.vector_load %arg9[%swap3A_553, %swap3A_554] {strides = array<i32>} : memref<256x128xf32, #tpu.memory_space<vmem>>, vector<1x16xf32>,
        %swap3A_556 = vector.shape_cast %swap3A_555 : vector<1x16xf32> to vector<16xf32>
        %swap3A_557 = vector.shape_cast %add3A_550 : vector<16xf32> to vector<1x16xf32>
        tpu.vector_store %arg9[%swap3A_553, %swap3A_554], %swap3A_557 {strides = array<i32>} : memref<256x128xf32, #tpu.memory_space<vmem>>, vector<1x16xf32>,
        %add3A_558 = arith.constant 5 : i32
        %add3A_559 = arith.addi %mul3A_488, %add3A_558 : i32
        %get3A_560 = arith.index_cast %add3A_559 : i32 to index
        %get3A_561 = arith.index_cast %mul3A_437 : i32 to index
        %get3A_562 = tpu.vector_load %arg9[%get3A_560, %get3A_561] {strides = array<i32>} : memref<256x128xf32, #tpu.memory_space<vmem>>, vector<1x16xf32>,
        %get3A_563 = vector.shape_cast %get3A_562 : vector<1x16xf32> to vector<16xf32>
        %add3A_564 = arith.addf %get3A_563, %get3A_466 : vector<16xf32>
        %add3A_565 = arith.constant 5 : i32
        %add3A_566 = arith.addi %mul3A_488, %add3A_565 : i32
        %swap3A_567 = arith.index_cast %add3A_566 : i32 to index
        %swap3A_568 = arith.index_cast %mul3A_437 : i32 to index
        %swap3A_569 = tpu.vector_load %arg9[%swap3A_567, %swap3A_568] {strides = array<i32>} : memref<256x128xf32, #tpu.memory_space<vmem>>, vector<1x16xf32>,
        %swap3A_570 = vector.shape_cast %swap3A_569 : vector<1x16xf32> to vector<16xf32>
        %swap3A_571 = vector.shape_cast %add3A_564 : vector<16xf32> to vector<1x16xf32>
        tpu.vector_store %arg9[%swap3A_567, %swap3A_568], %swap3A_571 {strides = array<i32>} : memref<256x128xf32, #tpu.memory_space<vmem>>, vector<1x16xf32>,
        %add3A_572 = arith.constant 6 : i32
        %add3A_573 = arith.addi %mul3A_488, %add3A_572 : i32
        %get3A_574 = arith.index_cast %add3A_573 : i32 to index
        %get3A_575 = arith.index_cast %mul3A_437 : i32 to index
        %get3A_576 = tpu.vector_load %arg9[%get3A_574, %get3A_575] {strides = array<i32>} : memref<256x128xf32, #tpu.memory_space<vmem>>, vector<1x16xf32>,
        %get3A_577 = vector.shape_cast %get3A_576 : vector<1x16xf32> to vector<16xf32>
        %add3A_578 = arith.addf %get3A_577, %get3A_471 : vector<16xf32>
        %add3A_579 = arith.constant 6 : i32
        %add3A_580 = arith.addi %mul3A_488, %add3A_579 : i32
        %swap3A_581 = arith.index_cast %add3A_580 : i32 to index
        %swap3A_582 = arith.index_cast %mul3A_437 : i32 to index
        %swap3A_583 = tpu.vector_load %arg9[%swap3A_581, %swap3A_582] {strides = array<i32>} : memref<256x128xf32, #tpu.memory_space<vmem>>, vector<1x16xf32>,
        %swap3A_584 = vector.shape_cast %swap3A_583 : vector<1x16xf32> to vector<16xf32>
        %swap3A_585 = vector.shape_cast %add3A_578 : vector<16xf32> to vector<1x16xf32>
        tpu.vector_store %arg9[%swap3A_581, %swap3A_582], %swap3A_585 {strides = array<i32>} : memref<256x128xf32, #tpu.memory_space<vmem>>, vector<1x16xf32>,
        %add3A_586 = arith.constant 7 : i32
        %add3A_587 = arith.addi %mul3A_488, %add3A_586 : i32
        %get3A_588 = arith.index_cast %add3A_587 : i32 to index
        %get3A_589 = arith.index_cast %mul3A_437 : i32 to index
        %get3A_590 = tpu.vector_load %arg9[%get3A_588, %get3A_589] {strides = array<i32>} : memref<256x128xf32, #tpu.memory_space<vmem>>, vector<1x16xf32>,
        %get3A_591 = vector.shape_cast %get3A_590 : vector<1x16xf32> to vector<16xf32>
        %add3A_592 = arith.addf %get3A_591, %get3A_476 : vector<16xf32>
        %add3A_593 = arith.constant 7 : i32
        %add3A_594 = arith.addi %mul3A_488, %add3A_593 : i32
        %swap3A_595 = arith.index_cast %add3A_594 : i32 to index
        %swap3A_596 = arith.index_cast %mul3A_437 : i32 to index
        %swap3A_597 = tpu.vector_load %arg9[%swap3A_595, %swap3A_596] {strides = array<i32>} : memref<256x128xf32, #tpu.memory_space<vmem>>, vector<1x16xf32>,
        %swap3A_598 = vector.shape_cast %swap3A_597 : vector<1x16xf32> to vector<16xf32>
        %swap3A_599 = vector.shape_cast %add3A_592 : vector<16xf32> to vector<1x16xf32>
        tpu.vector_store %arg9[%swap3A_595, %swap3A_596], %swap3A_599 {strides = array<i32>} : memref<256x128xf32, #tpu.memory_space<vmem>>, vector<1x16xf32>,
        %scan3A_600 = arith.constant 0 : i32
        scf.yield %scan3A_600 : i32
      }
      %scan3A_483 = arith.constant 32 : i32
      %scan3A_484 = arith.constant 0 : i32
      scf.yield %scan3A_484 : i32
    }
    %scan3A_374 = arith.constant 8 : i32
    %add3A_375 = arith.constant 3328 : i32
    %add3A_376 = arith.addi %mul3A_2, %add3A_375 : i32
    %dma_start3A_377 = arith.constant 0 : i32
    %dma_start3A_378 = tpu.memref_slice %arg5[%add3A_376, %dma_start3A_377] : memref<131072x128xf32, #tpu.memory_space<hbm>> -> memref<256x128xf32, #tpu.memory_space<hbm>>
    %dma_start3A_379 = arith.constant 0 : i32
    %dma_start3A_380 = tpu.memref_slice %arg5[%add3A_376, %dma_start3A_379] : memref<131072x128xf32, #tpu.memory_space<hbm>> -> memref<256x128xf32, #tpu.memory_space<hbm>>
    tpu.enqueue_dma source(%arg9 : memref<256x128xf32, #tpu.memory_space<vmem>>) target(%dma_start3A_380 : memref<256x128xf32, #tpu.memory_space<hbm>>) target_semaphore(%arg14 : memref<!tpu.dma_semaphore, #tpu.memory_space<semaphore_mem>>)
    %dma_wait3A_381 = arith.constant 3584 : i32
    %dma_wait3A_382 = tpu.memref_slice %arg7[%dma_wait3A_381] : memref<4096xi32, #tpu.memory_space<vmem>> -> memref<256xi32, #tpu.memory_space<vmem>>
    %dma_wait3A_383 = arith.constant 0 : i32
    %dma_wait3A_384 = arith.constant 0 : i32
    %dma_wait3A_385 = tpu.memref_slice %arg6[%dma_wait3A_383, %dma_wait3A_384] : memref<1000x128xf32, #tpu.memory_space<vmem_shared>> -> memref<1000x128xf32, #tpu.memory_space<vmem_shared>>
    tpu.wait_indirect_dma semaphore(%arg11 : memref<!tpu.dma_semaphore, #tpu.memory_space<semaphore_mem>>) src(%dma_wait3A_385 : memref<1000x128xf32, #tpu.memory_space<vmem_shared>>) dst(%arg8 : memref<256x128xf32, #tpu.memory_space<vmem>>)
    %dma_wait3A_386 = arith.constant 0 : i32
    %dma_wait3A_387 = tpu.memref_slice %arg5[%add3A_376, %dma_wait3A_386] : memref<131072x128xf32, #tpu.memory_space<hbm>> -> memref<256x128xf32, #tpu.memory_space<hbm>>
    %dma_wait3A_388 = arith.constant 0 : i32
    %dma_wait3A_389 = tpu.memref_slice %arg5[%add3A_376, %dma_wait3A_388] : memref<131072x128xf32, #tpu.memory_space<hbm>> -> memref<256x128xf32, #tpu.memory_space<hbm>>
    tpu.wait_dma2 semaphore(%arg14 : memref<!tpu.dma_semaphore, #tpu.memory_space<semaphore_mem>>) src(%arg9 : memref<256x128xf32, #tpu.memory_space<vmem>>) dst(%dma_wait3A_389 : memref<256x128xf32, #tpu.memory_space<hbm>>)
    %dma_start3A_390 = arith.constant 3840 : i32
    %dma_start3A_391 = tpu.memref_slice %arg7[%dma_start3A_390] : memref<4096xi32, #tpu.memory_space<vmem>> -> memref<256xi32, #tpu.memory_space<vmem>>
    %dma_start3A_392 = arith.constant 0 : i32
    %dma_start3A_393 = arith.constant 0 : i32
    %dma_start3A_394 = tpu.memref_slice %arg6[%dma_start3A_392, %dma_start3A_393] : memref<1000x128xf32, #tpu.memory_space<vmem_shared>> -> memref<1000x128xf32, #tpu.memory_space<vmem_shared>>
    tpu.enqueue_indirect_dma source(%dma_start3A_394 : memref<1000x128xf32, #tpu.memory_space<vmem_shared>>) target(%arg9 : memref<256x128xf32, #tpu.memory_space<vmem>>) offsets(%dma_start3A_391 : memref<256xi32, #tpu.memory_space<vmem>>) semaphore(%arg12 : memref<!tpu.dma_semaphore, #tpu.memory_space<semaphore_mem>>)
    %scan3A_395 = arith.constant 0 : i32
    %scan3A_396 = arith.constant 0 : i32
    %scan3A_397 = arith.constant 8 : i32
    %scan3A_398 = arith.addi %scan3A_396, %scan3A_397 : i32
    %scan3A_399 = arith.constant 1 : i32
    %scan3A_400 = scf.for %scan3A_434 = %scan3A_396 to %scan3A_398 step %scan3A_399 iter_args(%scan3A_435 = %scan3A_395) -> (i32)  : i32 {
      %mul3A_436 = arith.constant 16 : i32
      %mul3A_437 = arith.muli %scan3A_434, %mul3A_436 : i32
      %get3A = arith.constant 0 : i32
      %get3A_438 = arith.index_cast %get3A : i32 to index
      %get3A_439 = arith.index_cast %mul3A_437 : i32 to index
      %get3A_440 = tpu.vector_load %arg10[%get3A_438, %get3A_439] {strides = array<i32>} : memref<8x128xf32, #tpu.memory_space<vmem>>, vector<1x16xf32>,
      %get3A_441 = vector.shape_cast %get3A_440 : vector<1x16xf32> to vector<16xf32>
      %get3A_442 = arith.constant 1 : i32
      %get3A_443 = arith.index_cast %get3A_442 : i32 to index
      %get3A_444 = arith.index_cast %mul3A_437 : i32 to index
      %get3A_445 = tpu.vector_load %arg10[%get3A_443, %get3A_444] {strides = array<i32>} : memref<8x128xf32, #tpu.memory_space<vmem>>, vector<1x16xf32>,
      %get3A_446 = vector.shape_cast %get3A_445 : vector<1x16xf32> to vector<16xf32>
      %get3A_447 = arith.constant 2 : i32
      %get3A_448 = arith.index_cast %get3A_447 : i32 to index
      %get3A_449 = arith.index_cast %mul3A_437 : i32 to index
      %get3A_450 = tpu.vector_load %arg10[%get3A_448, %get3A_449] {strides = array<i32>} : memref<8x128xf32, #tpu.memory_space<vmem>>, vector<1x16xf32>,
      %get3A_451 = vector.shape_cast %get3A_450 : vector<1x16xf32> to vector<16xf32>
      %get3A_452 = arith.constant 3 : i32
      %get3A_453 = arith.index_cast %get3A_452 : i32 to index
      %get3A_454 = arith.index_cast %mul3A_437 : i32 to index
      %get3A_455 = tpu.vector_load %arg10[%get3A_453, %get3A_454] {strides = array<i32>} : memref<8x128xf32, #tpu.memory_space<vmem>>, vector<1x16xf32>,
      %get3A_456 = vector.shape_cast %get3A_455 : vector<1x16xf32> to vector<16xf32>
      %get3A_457 = arith.constant 4 : i32
      %get3A_458 = arith.index_cast %get3A_457 : i32 to index
      %get3A_459 = arith.index_cast %mul3A_437 : i32 to index
      %get3A_460 = tpu.vector_load %arg10[%get3A_458, %get3A_459] {strides = array<i32>} : memref<8x128xf32, #tpu.memory_space<vmem>>, vector<1x16xf32>,
      %get3A_461 = vector.shape_cast %get3A_460 : vector<1x16xf32> to vector<16xf32>
      %get3A_462 = arith.constant 5 : i32
      %get3A_463 = arith.index_cast %get3A_462 : i32 to index
      %get3A_464 = arith.index_cast %mul3A_437 : i32 to index
      %get3A_465 = tpu.vector_load %arg10[%get3A_463, %get3A_464] {strides = array<i32>} : memref<8x128xf32, #tpu.memory_space<vmem>>, vector<1x16xf32>,
      %get3A_466 = vector.shape_cast %get3A_465 : vector<1x16xf32> to vector<16xf32>
      %get3A_467 = arith.constant 6 : i32
      %get3A_468 = arith.index_cast %get3A_467 : i32 to index
      %get3A_469 = arith.index_cast %mul3A_437 : i32 to index
      %get3A_470 = tpu.vector_load %arg10[%get3A_468, %get3A_469] {strides = array<i32>} : memref<8x128xf32, #tpu.memory_space<vmem>>, vector<1x16xf32>,
      %get3A_471 = vector.shape_cast %get3A_470 : vector<1x16xf32> to vector<16xf32>
      %get3A_472 = arith.constant 7 : i32
      %get3A_473 = arith.index_cast %get3A_472 : i32 to index
      %get3A_474 = arith.index_cast %mul3A_437 : i32 to index
      %get3A_475 = tpu.vector_load %arg10[%get3A_473, %get3A_474] {strides = array<i32>} : memref<8x128xf32, #tpu.memory_space<vmem>>, vector<1x16xf32>,
      %get3A_476 = vector.shape_cast %get3A_475 : vector<1x16xf32> to vector<16xf32>
      %scan3A_477 = arith.constant 0 : i32
      %scan3A_478 = arith.constant 0 : i32
      %scan3A_479 = arith.constant 32 : i32
      %scan3A_480 = arith.addi %scan3A_478, %scan3A_479 : i32
      %scan3A_481 = arith.constant 1 : i32
      %scan3A_482 = scf.for %scan3A_485 = %scan3A_478 to %scan3A_480 step %scan3A_481 iter_args(%scan3A_486 = %scan3A_477) -> (i32)  : i32 {
        %mul3A_487 = arith.constant 8 : i32
        %mul3A_488 = arith.muli %scan3A_485, %mul3A_487 : i32
        %add3A_489 = arith.constant 0 : i32
        %add3A_490 = arith.addi %mul3A_488, %add3A_489 : i32
        %get3A_491 = arith.index_cast %add3A_490 : i32 to index
        %get3A_492 = arith.index_cast %mul3A_437 : i32 to index
        %get3A_493 = tpu.vector_load %arg8[%get3A_491, %get3A_492] {strides = array<i32>} : memref<256x128xf32, #tpu.memory_space<vmem>>, vector<1x16xf32>,
        %get3A_494 = vector.shape_cast %get3A_493 : vector<1x16xf32> to vector<16xf32>
        %add3A_495 = arith.addf %get3A_494, %get3A_441 : vector<16xf32>
        %add3A_496 = arith.constant 0 : i32
        %add3A_497 = arith.addi %mul3A_488, %add3A_496 : i32
        %swap3A = arith.index_cast %add3A_497 : i32 to index
        %swap3A_498 = arith.index_cast %mul3A_437 : i32 to index
        %swap3A_499 = tpu.vector_load %arg8[%swap3A, %swap3A_498] {strides = array<i32>} : memref<256x128xf32, #tpu.memory_space<vmem>>, vector<1x16xf32>,
        %swap3A_500 = vector.shape_cast %swap3A_499 : vector<1x16xf32> to vector<16xf32>
        %swap3A_501 = vector.shape_cast %add3A_495 : vector<16xf32> to vector<1x16xf32>
        tpu.vector_store %arg8[%swap3A, %swap3A_498], %swap3A_501 {strides = array<i32>} : memref<256x128xf32, #tpu.memory_space<vmem>>, vector<1x16xf32>,
        %add3A_502 = arith.constant 1 : i32
        %add3A_503 = arith.addi %mul3A_488, %add3A_502 : i32
        %get3A_504 = arith.index_cast %add3A_503 : i32 to index
        %get3A_505 = arith.index_cast %mul3A_437 : i32 to index
        %get3A_506 = tpu.vector_load %arg8[%get3A_504, %get3A_505] {strides = array<i32>} : memref<256x128xf32, #tpu.memory_space<vmem>>, vector<1x16xf32>,
        %get3A_507 = vector.shape_cast %get3A_506 : vector<1x16xf32> to vector<16xf32>
        %add3A_508 = arith.addf %get3A_507, %get3A_446 : vector<16xf32>
        %add3A_509 = arith.constant 1 : i32
        %add3A_510 = arith.addi %mul3A_488, %add3A_509 : i32
        %swap3A_511 = arith.index_cast %add3A_510 : i32 to index
        %swap3A_512 = arith.index_cast %mul3A_437 : i32 to index
        %swap3A_513 = tpu.vector_load %arg8[%swap3A_511, %swap3A_512] {strides = array<i32>} : memref<256x128xf32, #tpu.memory_space<vmem>>, vector<1x16xf32>,
        %swap3A_514 = vector.shape_cast %swap3A_513 : vector<1x16xf32> to vector<16xf32>
        %swap3A_515 = vector.shape_cast %add3A_508 : vector<16xf32> to vector<1x16xf32>
        tpu.vector_store %arg8[%swap3A_511, %swap3A_512], %swap3A_515 {strides = array<i32>} : memref<256x128xf32, #tpu.memory_space<vmem>>, vector<1x16xf32>,
        %add3A_516 = arith.constant 2 : i32
        %add3A_517 = arith.addi %mul3A_488, %add3A_516 : i32
        %get3A_518 = arith.index_cast %add3A_517 : i32 to index
        %get3A_519 = arith.index_cast %mul3A_437 : i32 to index
        %get3A_520 = tpu.vector_load %arg8[%get3A_518, %get3A_519] {strides = array<i32>} : memref<256x128xf32, #tpu.memory_space<vmem>>, vector<1x16xf32>,
        %get3A_521 = vector.shape_cast %get3A_520 : vector<1x16xf32> to vector<16xf32>
        %add3A_522 = arith.addf %get3A_521, %get3A_451 : vector<16xf32>
        %add3A_523 = arith.constant 2 : i32
        %add3A_524 = arith.addi %mul3A_488, %add3A_523 : i32
        %swap3A_525 = arith.index_cast %add3A_524 : i32 to index
        %swap3A_526 = arith.index_cast %mul3A_437 : i32 to index
        %swap3A_527 = tpu.vector_load %arg8[%swap3A_525, %swap3A_526] {strides = array<i32>} : memref<256x128xf32, #tpu.memory_space<vmem>>, vector<1x16xf32>,
        %swap3A_528 = vector.shape_cast %swap3A_527 : vector<1x16xf32> to vector<16xf32>
        %swap3A_529 = vector.shape_cast %add3A_522 : vector<16xf32> to vector<1x16xf32>
        tpu.vector_store %arg8[%swap3A_525, %swap3A_526], %swap3A_529 {strides = array<i32>} : memref<256x128xf32, #tpu.memory_space<vmem>>, vector<1x16xf32>,
        %add3A_530 = arith.constant 3 : i32
        %add3A_531 = arith.addi %mul3A_488, %add3A_530 : i32
        %get3A_532 = arith.index_cast %add3A_531 : i32 to index
        %get3A_533 = arith.index_cast %mul3A_437 : i32 to index
        %get3A_534 = tpu.vector_load %arg8[%get3A_532, %get3A_533] {strides = array<i32>} : memref<256x128xf32, #tpu.memory_space<vmem>>, vector<1x16xf32>,
        %get3A_535 = vector.shape_cast %get3A_534 : vector<1x16xf32> to vector<16xf32>
        %add3A_536 = arith.addf %get3A_535, %get3A_456 : vector<16xf32>
        %add3A_537 = arith.constant 3 : i32
        %add3A_538 = arith.addi %mul3A_488, %add3A_537 : i32
        %swap3A_539 = arith.index_cast %add3A_538 : i32 to index
        %swap3A_540 = arith.index_cast %mul3A_437 : i32 to index
        %swap3A_541 = tpu.vector_load %arg8[%swap3A_539, %swap3A_540] {strides = array<i32>} : memref<256x128xf32, #tpu.memory_space<vmem>>, vector<1x16xf32>,
        %swap3A_542 = vector.shape_cast %swap3A_541 : vector<1x16xf32> to vector<16xf32>
        %swap3A_543 = vector.shape_cast %add3A_536 : vector<16xf32> to vector<1x16xf32>
        tpu.vector_store %arg8[%swap3A_539, %swap3A_540], %swap3A_543 {strides = array<i32>} : memref<256x128xf32, #tpu.memory_space<vmem>>, vector<1x16xf32>,
        %add3A_544 = arith.constant 4 : i32
        %add3A_545 = arith.addi %mul3A_488, %add3A_544 : i32
        %get3A_546 = arith.index_cast %add3A_545 : i32 to index
        %get3A_547 = arith.index_cast %mul3A_437 : i32 to index
        %get3A_548 = tpu.vector_load %arg8[%get3A_546, %get3A_547] {strides = array<i32>} : memref<256x128xf32, #tpu.memory_space<vmem>>, vector<1x16xf32>,
        %get3A_549 = vector.shape_cast %get3A_548 : vector<1x16xf32> to vector<16xf32>
        %add3A_550 = arith.addf %get3A_549, %get3A_461 : vector<16xf32>
        %add3A_551 = arith.constant 4 : i32
        %add3A_552 = arith.addi %mul3A_488, %add3A_551 : i32
        %swap3A_553 = arith.index_cast %add3A_552 : i32 to index
        %swap3A_554 = arith.index_cast %mul3A_437 : i32 to index
        %swap3A_555 = tpu.vector_load %arg8[%swap3A_553, %swap3A_554] {strides = array<i32>} : memref<256x128xf32, #tpu.memory_space<vmem>>, vector<1x16xf32>,
        %swap3A_556 = vector.shape_cast %swap3A_555 : vector<1x16xf32> to vector<16xf32>
        %swap3A_557 = vector.shape_cast %add3A_550 : vector<16xf32> to vector<1x16xf32>
        tpu.vector_store %arg8[%swap3A_553, %swap3A_554], %swap3A_557 {strides = array<i32>} : memref<256x128xf32, #tpu.memory_space<vmem>>, vector<1x16xf32>,
        %add3A_558 = arith.constant 5 : i32
        %add3A_559 = arith.addi %mul3A_488, %add3A_558 : i32
        %get3A_560 = arith.index_cast %add3A_559 : i32 to index
        %get3A_561 = arith.index_cast %mul3A_437 : i32 to index
        %get3A_562 = tpu.vector_load %arg8[%get3A_560, %get3A_561] {strides = array<i32>} : memref<256x128xf32, #tpu.memory_space<vmem>>, vector<1x16xf32>,
        %get3A_563 = vector.shape_cast %get3A_562 : vector<1x16xf32> to vector<16xf32>
        %add3A_564 = arith.addf %get3A_563, %get3A_466 : vector<16xf32>
        %add3A_565 = arith.constant 5 : i32
        %add3A_566 = arith.addi %mul3A_488, %add3A_565 : i32
        %swap3A_567 = arith.index_cast %add3A_566 : i32 to index
        %swap3A_568 = arith.index_cast %mul3A_437 : i32 to index
        %swap3A_569 = tpu.vector_load %arg8[%swap3A_567, %swap3A_568] {strides = array<i32>} : memref<256x128xf32, #tpu.memory_space<vmem>>, vector<1x16xf32>,
        %swap3A_570 = vector.shape_cast %swap3A_569 : vector<1x16xf32> to vector<16xf32>
        %swap3A_571 = vector.shape_cast %add3A_564 : vector<16xf32> to vector<1x16xf32>
        tpu.vector_store %arg8[%swap3A_567, %swap3A_568], %swap3A_571 {strides = array<i32>} : memref<256x128xf32, #tpu.memory_space<vmem>>, vector<1x16xf32>,
        %add3A_572 = arith.constant 6 : i32
        %add3A_573 = arith.addi %mul3A_488, %add3A_572 : i32
        %get3A_574 = arith.index_cast %add3A_573 : i32 to index
        %get3A_575 = arith.index_cast %mul3A_437 : i32 to index
        %get3A_576 = tpu.vector_load %arg8[%get3A_574, %get3A_575] {strides = array<i32>} : memref<256x128xf32, #tpu.memory_space<vmem>>, vector<1x16xf32>,
        %get3A_577 = vector.shape_cast %get3A_576 : vector<1x16xf32> to vector<16xf32>
        %add3A_578 = arith.addf %get3A_577, %get3A_471 : vector<16xf32>
        %add3A_579 = arith.constant 6 : i32
        %add3A_580 = arith.addi %mul3A_488, %add3A_579 : i32
        %swap3A_581 = arith.index_cast %add3A_580 : i32 to index
        %swap3A_582 = arith.index_cast %mul3A_437 : i32 to index
        %swap3A_583 = tpu.vector_load %arg8[%swap3A_581, %swap3A_582] {strides = array<i32>} : memref<256x128xf32, #tpu.memory_space<vmem>>, vector<1x16xf32>,
        %swap3A_584 = vector.shape_cast %swap3A_583 : vector<1x16xf32> to vector<16xf32>
        %swap3A_585 = vector.shape_cast %add3A_578 : vector<16xf32> to vector<1x16xf32>
        tpu.vector_store %arg8[%swap3A_581, %swap3A_582], %swap3A_585 {strides = array<i32>} : memref<256x128xf32, #tpu.memory_space<vmem>>, vector<1x16xf32>,
        %add3A_586 = arith.constant 7 : i32
        %add3A_587 = arith.addi %mul3A_488, %add3A_586 : i32
        %get3A_588 = arith.index_cast %add3A_587 : i32 to index
        %get3A_589 = arith.index_cast %mul3A_437 : i32 to index
        %get3A_590 = tpu.vector_load %arg8[%get3A_588, %get3A_589] {strides = array<i32>} : memref<256x128xf32, #tpu.memory_space<vmem>>, vector<1x16xf32>,
        %get3A_591 = vector.shape_cast %get3A_590 : vector<1x16xf32> to vector<16xf32>
        %add3A_592 = arith.addf %get3A_591, %get3A_476 : vector<16xf32>
        %add3A_593 = arith.constant 7 : i32
        %add3A_594 = arith.addi %mul3A_488, %add3A_593 : i32
        %swap3A_595 = arith.index_cast %add3A_594 : i32 to index
        %swap3A_596 = arith.index_cast %mul3A_437 : i32 to index
        %swap3A_597 = tpu.vector_load %arg8[%swap3A_595, %swap3A_596] {strides = array<i32>} : memref<256x128xf32, #tpu.memory_space<vmem>>, vector<1x16xf32>,
        %swap3A_598 = vector.shape_cast %swap3A_597 : vector<1x16xf32> to vector<16xf32>
        %swap3A_599 = vector.shape_cast %add3A_592 : vector<16xf32> to vector<1x16xf32>
        tpu.vector_store %arg8[%swap3A_595, %swap3A_596], %swap3A_599 {strides = array<i32>} : memref<256x128xf32, #tpu.memory_space<vmem>>, vector<1x16xf32>,
        %scan3A_600 = arith.constant 0 : i32
        scf.yield %scan3A_600 : i32
      }
      %scan3A_483 = arith.constant 32 : i32
      %scan3A_484 = arith.constant 0 : i32
      scf.yield %scan3A_484 : i32
    }
    %scan3A_401 = arith.constant 8 : i32
    %add3A_402 = arith.constant 3584 : i32
    %add3A_403 = arith.addi %mul3A_2, %add3A_402 : i32
    %dma_start3A_404 = arith.constant 0 : i32
    %dma_start3A_405 = tpu.memref_slice %arg5[%add3A_403, %dma_start3A_404] : memref<131072x128xf32, #tpu.memory_space<hbm>> -> memref<256x128xf32, #tpu.memory_space<hbm>>
    %dma_start3A_406 = arith.constant 0 : i32
    %dma_start3A_407 = tpu.memref_slice %arg5[%add3A_403, %dma_start3A_406] : memref<131072x128xf32, #tpu.memory_space<hbm>> -> memref<256x128xf32, #tpu.memory_space<hbm>>
    tpu.enqueue_dma source(%arg8 : memref<256x128xf32, #tpu.memory_space<vmem>>) target(%dma_start3A_407 : memref<256x128xf32, #tpu.memory_space<hbm>>) target_semaphore(%arg13 : memref<!tpu.dma_semaphore, #tpu.memory_space<semaphore_mem>>)
    %dma_wait3A_408 = arith.constant 3840 : i32
    %dma_wait3A_409 = tpu.memref_slice %arg7[%dma_wait3A_408] : memref<4096xi32, #tpu.memory_space<vmem>> -> memref<256xi32, #tpu.memory_space<vmem>>
    %dma_wait3A_410 = arith.constant 0 : i32
    %dma_wait3A_411 = arith.constant 0 : i32
    %dma_wait3A_412 = tpu.memref_slice %arg6[%dma_wait3A_410, %dma_wait3A_411] : memref<1000x128xf32, #tpu.memory_space<vmem_shared>> -> memref<1000x128xf32, #tpu.memory_space<vmem_shared>>
    tpu.wait_indirect_dma semaphore(%arg12 : memref<!tpu.dma_semaphore, #tpu.memory_space<semaphore_mem>>) src(%dma_wait3A_412 : memref<1000x128xf32, #tpu.memory_space<vmem_shared>>) dst(%arg9 : memref<256x128xf32, #tpu.memory_space<vmem>>)
    %scan3A_413 = arith.constant 0 : i32
    %scan3A_414 = arith.constant 0 : i32
    %scan3A_415 = arith.constant 8 : i32
    %scan3A_416 = arith.addi %scan3A_414, %scan3A_415 : i32
    %scan3A_417 = arith.constant 1 : i32
    %scan3A_418 = scf.for %scan3A_434 = %scan3A_414 to %scan3A_416 step %scan3A_417 iter_args(%scan3A_435 = %scan3A_413) -> (i32)  : i32 {
      %mul3A_436 = arith.constant 16 : i32
      %mul3A_437 = arith.muli %scan3A_434, %mul3A_436 : i32
      %get3A = arith.constant 0 : i32
      %get3A_438 = arith.index_cast %get3A : i32 to index
      %get3A_439 = arith.index_cast %mul3A_437 : i32 to index
      %get3A_440 = tpu.vector_load %arg10[%get3A_438, %get3A_439] {strides = array<i32>} : memref<8x128xf32, #tpu.memory_space<vmem>>, vector<1x16xf32>,
      %get3A_441 = vector.shape_cast %get3A_440 : vector<1x16xf32> to vector<16xf32>
      %get3A_442 = arith.constant 1 : i32
      %get3A_443 = arith.index_cast %get3A_442 : i32 to index
      %get3A_444 = arith.index_cast %mul3A_437 : i32 to index
      %get3A_445 = tpu.vector_load %arg10[%get3A_443, %get3A_444] {strides = array<i32>} : memref<8x128xf32, #tpu.memory_space<vmem>>, vector<1x16xf32>,
      %get3A_446 = vector.shape_cast %get3A_445 : vector<1x16xf32> to vector<16xf32>
      %get3A_447 = arith.constant 2 : i32
      %get3A_448 = arith.index_cast %get3A_447 : i32 to index
      %get3A_449 = arith.index_cast %mul3A_437 : i32 to index
      %get3A_450 = tpu.vector_load %arg10[%get3A_448, %get3A_449] {strides = array<i32>} : memref<8x128xf32, #tpu.memory_space<vmem>>, vector<1x16xf32>,
      %get3A_451 = vector.shape_cast %get3A_450 : vector<1x16xf32> to vector<16xf32>
      %get3A_452 = arith.constant 3 : i32
      %get3A_453 = arith.index_cast %get3A_452 : i32 to index
      %get3A_454 = arith.index_cast %mul3A_437 : i32 to index
      %get3A_455 = tpu.vector_load %arg10[%get3A_453, %get3A_454] {strides = array<i32>} : memref<8x128xf32, #tpu.memory_space<vmem>>, vector<1x16xf32>,
      %get3A_456 = vector.shape_cast %get3A_455 : vector<1x16xf32> to vector<16xf32>
      %get3A_457 = arith.constant 4 : i32
      %get3A_458 = arith.index_cast %get3A_457 : i32 to index
      %get3A_459 = arith.index_cast %mul3A_437 : i32 to index
      %get3A_460 = tpu.vector_load %arg10[%get3A_458, %get3A_459] {strides = array<i32>} : memref<8x128xf32, #tpu.memory_space<vmem>>, vector<1x16xf32>,
      %get3A_461 = vector.shape_cast %get3A_460 : vector<1x16xf32> to vector<16xf32>
      %get3A_462 = arith.constant 5 : i32
      %get3A_463 = arith.index_cast %get3A_462 : i32 to index
      %get3A_464 = arith.index_cast %mul3A_437 : i32 to index
      %get3A_465 = tpu.vector_load %arg10[%get3A_463, %get3A_464] {strides = array<i32>} : memref<8x128xf32, #tpu.memory_space<vmem>>, vector<1x16xf32>,
      %get3A_466 = vector.shape_cast %get3A_465 : vector<1x16xf32> to vector<16xf32>
      %get3A_467 = arith.constant 6 : i32
      %get3A_468 = arith.index_cast %get3A_467 : i32 to index
      %get3A_469 = arith.index_cast %mul3A_437 : i32 to index
      %get3A_470 = tpu.vector_load %arg10[%get3A_468, %get3A_469] {strides = array<i32>} : memref<8x128xf32, #tpu.memory_space<vmem>>, vector<1x16xf32>,
      %get3A_471 = vector.shape_cast %get3A_470 : vector<1x16xf32> to vector<16xf32>
      %get3A_472 = arith.constant 7 : i32
      %get3A_473 = arith.index_cast %get3A_472 : i32 to index
      %get3A_474 = arith.index_cast %mul3A_437 : i32 to index
      %get3A_475 = tpu.vector_load %arg10[%get3A_473, %get3A_474] {strides = array<i32>} : memref<8x128xf32, #tpu.memory_space<vmem>>, vector<1x16xf32>,
      %get3A_476 = vector.shape_cast %get3A_475 : vector<1x16xf32> to vector<16xf32>
      %scan3A_477 = arith.constant 0 : i32
      %scan3A_478 = arith.constant 0 : i32
      %scan3A_479 = arith.constant 32 : i32
      %scan3A_480 = arith.addi %scan3A_478, %scan3A_479 : i32
      %scan3A_481 = arith.constant 1 : i32
      %scan3A_482 = scf.for %scan3A_485 = %scan3A_478 to %scan3A_480 step %scan3A_481 iter_args(%scan3A_486 = %scan3A_477) -> (i32)  : i32 {
        %mul3A_487 = arith.constant 8 : i32
        %mul3A_488 = arith.muli %scan3A_485, %mul3A_487 : i32
        %add3A_489 = arith.constant 0 : i32
        %add3A_490 = arith.addi %mul3A_488, %add3A_489 : i32
        %get3A_491 = arith.index_cast %add3A_490 : i32 to index
        %get3A_492 = arith.index_cast %mul3A_437 : i32 to index
        %get3A_493 = tpu.vector_load %arg9[%get3A_491, %get3A_492] {strides = array<i32>} : memref<256x128xf32, #tpu.memory_space<vmem>>, vector<1x16xf32>,
        %get3A_494 = vector.shape_cast %get3A_493 : vector<1x16xf32> to vector<16xf32>
        %add3A_495 = arith.addf %get3A_494, %get3A_441 : vector<16xf32>
        %add3A_496 = arith.constant 0 : i32
        %add3A_497 = arith.addi %mul3A_488, %add3A_496 : i32
        %swap3A = arith.index_cast %add3A_497 : i32 to index
        %swap3A_498 = arith.index_cast %mul3A_437 : i32 to index
        %swap3A_499 = tpu.vector_load %arg9[%swap3A, %swap3A_498] {strides = array<i32>} : memref<256x128xf32, #tpu.memory_space<vmem>>, vector<1x16xf32>,
        %swap3A_500 = vector.shape_cast %swap3A_499 : vector<1x16xf32> to vector<16xf32>
        %swap3A_501 = vector.shape_cast %add3A_495 : vector<16xf32> to vector<1x16xf32>
        tpu.vector_store %arg9[%swap3A, %swap3A_498], %swap3A_501 {strides = array<i32>} : memref<256x128xf32, #tpu.memory_space<vmem>>, vector<1x16xf32>,
        %add3A_502 = arith.constant 1 : i32
        %add3A_503 = arith.addi %mul3A_488, %add3A_502 : i32
        %get3A_504 = arith.index_cast %add3A_503 : i32 to index
        %get3A_505 = arith.index_cast %mul3A_437 : i32 to index
        %get3A_506 = tpu.vector_load %arg9[%get3A_504, %get3A_505] {strides = array<i32>} : memref<256x128xf32, #tpu.memory_space<vmem>>, vector<1x16xf32>,
        %get3A_507 = vector.shape_cast %get3A_506 : vector<1x16xf32> to vector<16xf32>
        %add3A_508 = arith.addf %get3A_507, %get3A_446 : vector<16xf32>
        %add3A_509 = arith.constant 1 : i32
        %add3A_510 = arith.addi %mul3A_488, %add3A_509 : i32
        %swap3A_511 = arith.index_cast %add3A_510 : i32 to index
        %swap3A_512 = arith.index_cast %mul3A_437 : i32 to index
        %swap3A_513 = tpu.vector_load %arg9[%swap3A_511, %swap3A_512] {strides = array<i32>} : memref<256x128xf32, #tpu.memory_space<vmem>>, vector<1x16xf32>,
        %swap3A_514 = vector.shape_cast %swap3A_513 : vector<1x16xf32> to vector<16xf32>
        %swap3A_515 = vector.shape_cast %add3A_508 : vector<16xf32> to vector<1x16xf32>
        tpu.vector_store %arg9[%swap3A_511, %swap3A_512], %swap3A_515 {strides = array<i32>} : memref<256x128xf32, #tpu.memory_space<vmem>>, vector<1x16xf32>,
        %add3A_516 = arith.constant 2 : i32
        %add3A_517 = arith.addi %mul3A_488, %add3A_516 : i32
        %get3A_518 = arith.index_cast %add3A_517 : i32 to index
        %get3A_519 = arith.index_cast %mul3A_437 : i32 to index
        %get3A_520 = tpu.vector_load %arg9[%get3A_518, %get3A_519] {strides = array<i32>} : memref<256x128xf32, #tpu.memory_space<vmem>>, vector<1x16xf32>,
        %get3A_521 = vector.shape_cast %get3A_520 : vector<1x16xf32> to vector<16xf32>
        %add3A_522 = arith.addf %get3A_521, %get3A_451 : vector<16xf32>
        %add3A_523 = arith.constant 2 : i32
        %add3A_524 = arith.addi %mul3A_488, %add3A_523 : i32
        %swap3A_525 = arith.index_cast %add3A_524 : i32 to index
        %swap3A_526 = arith.index_cast %mul3A_437 : i32 to index
        %swap3A_527 = tpu.vector_load %arg9[%swap3A_525, %swap3A_526] {strides = array<i32>} : memref<256x128xf32, #tpu.memory_space<vmem>>, vector<1x16xf32>,
        %swap3A_528 = vector.shape_cast %swap3A_527 : vector<1x16xf32> to vector<16xf32>
        %swap3A_529 = vector.shape_cast %add3A_522 : vector<16xf32> to vector<1x16xf32>
        tpu.vector_store %arg9[%swap3A_525, %swap3A_526], %swap3A_529 {strides = array<i32>} : memref<256x128xf32, #tpu.memory_space<vmem>>, vector<1x16xf32>,
        %add3A_530 = arith.constant 3 : i32
        %add3A_531 = arith.addi %mul3A_488, %add3A_530 : i32
        %get3A_532 = arith.index_cast %add3A_531 : i32 to index
        %get3A_533 = arith.index_cast %mul3A_437 : i32 to index
        %get3A_534 = tpu.vector_load %arg9[%get3A_532, %get3A_533] {strides = array<i32>} : memref<256x128xf32, #tpu.memory_space<vmem>>, vector<1x16xf32>,
        %get3A_535 = vector.shape_cast %get3A_534 : vector<1x16xf32> to vector<16xf32>
        %add3A_536 = arith.addf %get3A_535, %get3A_456 : vector<16xf32>
        %add3A_537 = arith.constant 3 : i32
        %add3A_538 = arith.addi %mul3A_488, %add3A_537 : i32
        %swap3A_539 = arith.index_cast %add3A_538 : i32 to index
        %swap3A_540 = arith.index_cast %mul3A_437 : i32 to index
        %swap3A_541 = tpu.vector_load %arg9[%swap3A_539, %swap3A_540] {strides = array<i32>} : memref<256x128xf32, #tpu.memory_space<vmem>>, vector<1x16xf32>,
        %swap3A_542 = vector.shape_cast %swap3A_541 : vector<1x16xf32> to vector<16xf32>
        %swap3A_543 = vector.shape_cast %add3A_536 : vector<16xf32> to vector<1x16xf32>
        tpu.vector_store %arg9[%swap3A_539, %swap3A_540], %swap3A_543 {strides = array<i32>} : memref<256x128xf32, #tpu.memory_space<vmem>>, vector<1x16xf32>,
        %add3A_544 = arith.constant 4 : i32
        %add3A_545 = arith.addi %mul3A_488, %add3A_544 : i32
        %get3A_546 = arith.index_cast %add3A_545 : i32 to index
        %get3A_547 = arith.index_cast %mul3A_437 : i32 to index
        %get3A_548 = tpu.vector_load %arg9[%get3A_546, %get3A_547] {strides = array<i32>} : memref<256x128xf32, #tpu.memory_space<vmem>>, vector<1x16xf32>,
        %get3A_549 = vector.shape_cast %get3A_548 : vector<1x16xf32> to vector<16xf32>
        %add3A_550 = arith.addf %get3A_549, %get3A_461 : vector<16xf32>
        %add3A_551 = arith.constant 4 : i32
        %add3A_552 = arith.addi %mul3A_488, %add3A_551 : i32
        %swap3A_553 = arith.index_cast %add3A_552 : i32 to index
        %swap3A_554 = arith.index_cast %mul3A_437 : i32 to index
        %swap3A_555 = tpu.vector_load %arg9[%swap3A_553, %swap3A_554] {strides = array<i32>} : memref<256x128xf32, #tpu.memory_space<vmem>>, vector<1x16xf32>,
        %swap3A_556 = vector.shape_cast %swap3A_555 : vector<1x16xf32> to vector<16xf32>
        %swap3A_557 = vector.shape_cast %add3A_550 : vector<16xf32> to vector<1x16xf32>
        tpu.vector_store %arg9[%swap3A_553, %swap3A_554], %swap3A_557 {strides = array<i32>} : memref<256x128xf32, #tpu.memory_space<vmem>>, vector<1x16xf32>,
        %add3A_558 = arith.constant 5 : i32
        %add3A_559 = arith.addi %mul3A_488, %add3A_558 : i32
        %get3A_560 = arith.index_cast %add3A_559 : i32 to index
        %get3A_561 = arith.index_cast %mul3A_437 : i32 to index
        %get3A_562 = tpu.vector_load %arg9[%get3A_560, %get3A_561] {strides = array<i32>} : memref<256x128xf32, #tpu.memory_space<vmem>>, vector<1x16xf32>,
        %get3A_563 = vector.shape_cast %get3A_562 : vector<1x16xf32> to vector<16xf32>
        %add3A_564 = arith.addf %get3A_563, %get3A_466 : vector<16xf32>
        %add3A_565 = arith.constant 5 : i32
        %add3A_566 = arith.addi %mul3A_488, %add3A_565 : i32
        %swap3A_567 = arith.index_cast %add3A_566 : i32 to index
        %swap3A_568 = arith.index_cast %mul3A_437 : i32 to index
        %swap3A_569 = tpu.vector_load %arg9[%swap3A_567, %swap3A_568] {strides = array<i32>} : memref<256x128xf32, #tpu.memory_space<vmem>>, vector<1x16xf32>,
        %swap3A_570 = vector.shape_cast %swap3A_569 : vector<1x16xf32> to vector<16xf32>
        %swap3A_571 = vector.shape_cast %add3A_564 : vector<16xf32> to vector<1x16xf32>
        tpu.vector_store %arg9[%swap3A_567, %swap3A_568], %swap3A_571 {strides = array<i32>} : memref<256x128xf32, #tpu.memory_space<vmem>>, vector<1x16xf32>,
        %add3A_572 = arith.constant 6 : i32
        %add3A_573 = arith.addi %mul3A_488, %add3A_572 : i32
        %get3A_574 = arith.index_cast %add3A_573 : i32 to index
        %get3A_575 = arith.index_cast %mul3A_437 : i32 to index
        %get3A_576 = tpu.vector_load %arg9[%get3A_574, %get3A_575] {strides = array<i32>} : memref<256x128xf32, #tpu.memory_space<vmem>>, vector<1x16xf32>,
        %get3A_577 = vector.shape_cast %get3A_576 : vector<1x16xf32> to vector<16xf32>
        %add3A_578 = arith.addf %get3A_577, %get3A_471 : vector<16xf32>
        %add3A_579 = arith.constant 6 : i32
        %add3A_580 = arith.addi %mul3A_488, %add3A_579 : i32
        %swap3A_581 = arith.index_cast %add3A_580 : i32 to index
        %swap3A_582 = arith.index_cast %mul3A_437 : i32 to index
        %swap3A_583 = tpu.vector_load %arg9[%swap3A_581, %swap3A_582] {strides = array<i32>} : memref<256x128xf32, #tpu.memory_space<vmem>>, vector<1x16xf32>,
        %swap3A_584 = vector.shape_cast %swap3A_583 : vector<1x16xf32> to vector<16xf32>
        %swap3A_585 = vector.shape_cast %add3A_578 : vector<16xf32> to vector<1x16xf32>
        tpu.vector_store %arg9[%swap3A_581, %swap3A_582], %swap3A_585 {strides = array<i32>} : memref<256x128xf32, #tpu.memory_space<vmem>>, vector<1x16xf32>,
        %add3A_586 = arith.constant 7 : i32
        %add3A_587 = arith.addi %mul3A_488, %add3A_586 : i32
        %get3A_588 = arith.index_cast %add3A_587 : i32 to index
        %get3A_589 = arith.index_cast %mul3A_437 : i32 to index
        %get3A_590 = tpu.vector_load %arg9[%get3A_588, %get3A_589] {strides = array<i32>} : memref<256x128xf32, #tpu.memory_space<vmem>>, vector<1x16xf32>,
        %get3A_591 = vector.shape_cast %get3A_590 : vector<1x16xf32> to vector<16xf32>
        %add3A_592 = arith.addf %get3A_591, %get3A_476 : vector<16xf32>
        %add3A_593 = arith.constant 7 : i32
        %add3A_594 = arith.addi %mul3A_488, %add3A_593 : i32
        %swap3A_595 = arith.index_cast %add3A_594 : i32 to index
        %swap3A_596 = arith.index_cast %mul3A_437 : i32 to index
        %swap3A_597 = tpu.vector_load %arg9[%swap3A_595, %swap3A_596] {strides = array<i32>} : memref<256x128xf32, #tpu.memory_space<vmem>>, vector<1x16xf32>,
        %swap3A_598 = vector.shape_cast %swap3A_597 : vector<1x16xf32> to vector<16xf32>
        %swap3A_599 = vector.shape_cast %add3A_592 : vector<16xf32> to vector<1x16xf32>
        tpu.vector_store %arg9[%swap3A_595, %swap3A_596], %swap3A_599 {strides = array<i32>} : memref<256x128xf32, #tpu.memory_space<vmem>>, vector<1x16xf32>,
        %scan3A_600 = arith.constant 0 : i32
        scf.yield %scan3A_600 : i32
      }
      %scan3A_483 = arith.constant 32 : i32
      %scan3A_484 = arith.constant 0 : i32
      scf.yield %scan3A_484 : i32
    }
    %scan3A_419 = arith.constant 8 : i32
    %add3A_420 = arith.constant 3840 : i32
    %add3A_421 = arith.addi %mul3A_2, %add3A_420 : i32
    %dma_start3A_422 = arith.constant 0 : i32
    %dma_start3A_423 = tpu.memref_slice %arg5[%add3A_421, %dma_start3A_422] : memref<131072x128xf32, #tpu.memory_space<hbm>> -> memref<256x128xf32, #tpu.memory_space<hbm>>
    %dma_start3A_424 = arith.constant 0 : i32
    %dma_start3A_425 = tpu.memref_slice %arg5[%add3A_421, %dma_start3A_424] : memref<131072x128xf32, #tpu.memory_space<hbm>> -> memref<256x128xf32, #tpu.memory_space<hbm>>
    tpu.enqueue_dma source(%arg9 : memref<256x128xf32, #tpu.memory_space<vmem>>) target(%dma_start3A_425 : memref<256x128xf32, #tpu.memory_space<hbm>>) target_semaphore(%arg14 : memref<!tpu.dma_semaphore, #tpu.memory_space<semaphore_mem>>)
    %dma_wait3A_426 = arith.constant 0 : i32
    %dma_wait3A_427 = tpu.memref_slice %arg5[%add3A_403, %dma_wait3A_426] : memref<131072x128xf32, #tpu.memory_space<hbm>> -> memref<256x128xf32, #tpu.memory_space<hbm>>
    %dma_wait3A_428 = arith.constant 0 : i32
    %dma_wait3A_429 = tpu.memref_slice %arg5[%add3A_403, %dma_wait3A_428] : memref<131072x128xf32, #tpu.memory_space<hbm>> -> memref<256x128xf32, #tpu.memory_space<hbm>>
    tpu.wait_dma2 semaphore(%arg13 : memref<!tpu.dma_semaphore, #tpu.memory_space<semaphore_mem>>) src(%arg8 : memref<256x128xf32, #tpu.memory_space<vmem>>) dst(%dma_wait3A_429 : memref<256x128xf32, #tpu.memory_space<hbm>>)
    %dma_wait3A_430 = arith.constant 0 : i32
    %dma_wait3A_431 = tpu.memref_slice %arg5[%add3A_421, %dma_wait3A_430] : memref<131072x128xf32, #tpu.memory_space<hbm>> -> memref<256x128xf32, #tpu.memory_space<hbm>>
    %dma_wait3A_432 = arith.constant 0 : i32
    %dma_wait3A_433 = tpu.memref_slice %arg5[%add3A_421, %dma_wait3A_432] : memref<131072x128xf32, #tpu.memory_space<hbm>> -> memref<256x128xf32, #tpu.memory_space<hbm>>
    tpu.wait_dma2 semaphore(%arg14 : memref<!tpu.dma_semaphore, #tpu.memory_space<semaphore_mem>>) src(%arg9 : memref<256x128xf32, #tpu.memory_space<vmem>>) dst(%dma_wait3A_433 : memref<256x128xf32, #tpu.memory_space<hbm>>)
    return
  }
}

</mosaic_0001>

<sc_bundles>
// kernel: kernel.3.cloned.1.call-start
scs
__scs_entry_jumppad:
0x0: {  	(pc) =	sbr.rel $0x88, $3  }
0x1: {  	(tag) =	ssettag $0x0;
	lr =	simm.s32 $0x1  }
0x2: {  	[smem:$0x3F9E] =	sst lr;
	_ =	strace $0xD0000000  }
0x3: {  	_ = 	snop  }
0x4: {  	_ = 	snop  }
0x5: {  	_ = 	snop  }
0x6: {  	_ = 	snop  }
0x7: {  	_ = 	snop  }
__scs_overlays_trampoline_lowered:
0x8: {  	[smem:$0x3FAD] =	sst s0  }
0x9: {  	[smem:$0x3FAE] =	sst s1  }
0xa: {  	[smem:$0x3FAF] =	sst s2  }
0xb: {  	[smem:$0x3FB0] =	sst s3  }
0xc: {  	[smem:$0x3FB1] =	sst s4  }
0xd: {  	[smem:$0x3FB2] =	sst s5  }
0xe: {  	[smem:$0x3FB3] =	sst s6  }
0xf: {  	[smem:$0x3FB4] =	sst s7  }
0x10: {  	[smem:$0x3FB5] =	sst s8  }
0x11: {  	[smem:$0x3FB6] =	sst s9;
	s0 =	simm.s32 @!p0 $0x0  }
0x12: {  	s1 =	sld [smem:$0x3F9C];
	s0 =	simm.s32 @p0 $0x1  }
0x13: {  	[smem:$0x3FB7] =	sst s0;
	s0 =	simm.s32 @!p1 $0x0  }
0x14: {  	s2 =	sld [smem:$0x3F9B];
	s0 =	simm.s32 @p1 $0x1  }
0x15: {  	[smem:$0x3FB8] =	sst s0;
	s0 =	simm.s32 @!p2 $0x0  }
0x16: {  	s3 =	sld [smem:$0x3FDB];
	s0 =	simm.s32 @p2 $0x1  }
0x17: {  	s4 =	simm.s32 $0x1BF5;
	[smem:$0x3FBA] =	sst s0  }
0x18: {  	s0 =	sld [smem:$0x3F9D];
	_ =	swait.ge [sflag:s4], $0x0  }
0x19: {  	s7 =	sld [smem:$0x3F9E]  }
0x1a: {  	s8 =	sadd.s32 $0xFFFFE003, lr  }
0x1b: {  	s9 =	sadd.s32 $0xFFFFFEF7, lr;
	s5 =	simm.s32 $0xFFFFFFFF;
	p2 =	slt.u32 s8, $0xFFFFF086  }
0x1c: {  	p1 =	slt.u32 s9, $0xF7A;
	s5 =	simm.s32 @!p2 $0x0  }
0x1d: {  	s5 =	simm.s32 @p1 $0x1;
	p0 =	seq.s32 s7, s2  }
0x1e: {  	s7 =	smul.u32 @!p0 $0xF7A, s2;
	p2 =	seq.s32 @!p0 s5, $0x0  }
0x1f: {  	s9 =	smul.u32 $0xF7A, s1;
	s8 =	simm.s32 @!p0 $0x1BF5;
	p2 =	por !p2, p0  }
0x20: {  	[sflag:s8] =	ssyncset.s32 @!p0 $0xFFFFF086;
	s6 =	sadd.s32 @!p0 s3, s7;
	s7 =	simm.s32 @!p0 $0x108  }
0x21: {  	s3 =	sadd.s32 s3, s9;
	s6 =	sadd.s32 @!p0 $0x88, s6;
	s7 =	simm.s32 @p2 $0x1082  }
0x22: {  	[simem:s7], [sflag:s8] =	dma.local @!p0 [hbm:s6], $0xF7A  }
0x23: {  	s9 =	sor.u32 $0xD0000000, s2;
	s6 =	simm.s32 $0x108;
	_ =	swait.ge @!p0 [sflag:s8], $0x0  }
0x24: {  	s3 =	sadd.s32 $0x88, s3;
	s6 =	simm.s32 @!p1 $0x1082;
	[sflag:s4] =	ssyncset.s32 $0xFFFFF086  }
0x25: {  	[simem:s6], [sflag:s4] =	dma.local [hbm:s3], $0xF7A  }
0x26: {  	[smem:$0x3F9E] =	sst s1;
	(tag) =	ssettag s2;
	_ =	strace s9  }
0x27: {  	s1 =	sld [smem:$0x3FAE]  }
0x28: {  	s2 =	sld [smem:$0x3FAF]  }
0x29: {  	s4 =	sld [smem:$0x3FB1]  }
0x2a: {  	p0 =	seq.s32 s5, $0x0;
	s5 =	sld [smem:$0x3FB2]  }
0x2b: {  	s6 =	sld [smem:$0x3FB3]  }
0x2c: {  	s7 =	sld [smem:$0x3FB4]  }
0x2d: {  	s3 =	simm.s32 $0x108;
	s8 =	sld [smem:$0x3FB5]  }
0x2e: {  	s3 =	simm.s32 @!p0 $0x1082;
	s9 =	sld [smem:$0x3FB6]  }
0x2f: {  	lr =	sadd.s32 s0, s3;
	s0 =	sld [smem:$0x3FAD]  }
0x30: {  	s3 =	sld [smem:$0x3FB0]  }
0x31: {  	[smem:$0x3FB9] =	sst s10  }
0x32: {  	s10 =	sld [smem:$0x3FB7];
	_ =	sdelay $0x3  }
0x33: {  	p0 =	seq.s32 s10, $0x1;
	s10 =	sld [smem:$0x3FB9];
	_ =	sdelay $0x3  }
0x34: {  	[smem:$0x3FB9] =	sst s10  }
0x35: {  	s10 =	sld [smem:$0x3FB8];
	_ =	sdelay $0x3  }
0x36: {  	p1 =	seq.s32 s10, $0x1;
	s10 =	sld [smem:$0x3FB9];
	_ =	sdelay $0x3  }
0x37: {  	[smem:$0x3FB9] =	sst s10  }
0x38: {  	s10 =	sld [smem:$0x3FBA]  }
0x39: {  	_ = 	snop;
	(pc) =	sbr.ind lr, $3  }
0x3a: {  	_ = 	snop  }
0x3b: {  	_ = 	snop  }
0x3c: {  	p2 =	seq.s32 s10, $0x1;
	s10 =	sld [smem:$0x3FB9]  }
0x3d: {  	_ =	shalt  }
0x3e: {  	_ =	shalt  }
0x3f: {  	_ =	shalt  }
0x40: {  	_ =	shalt  }
0x41: {  	_ =	shalt  }
0x42: {  	_ =	shalt  }
0x43: {  	_ =	shalt  }
0x44: {  	_ =	shalt  }
0x45: {  	_ =	shalt  }
0x46: {  	_ =	shalt  }
0x47: {  	_ =	shalt  }
0x48: {  	_ =	shalt  }
0x49: {  	_ =	shalt  }
0x4a: {  	_ =	shalt  }
0x4b: {  	_ =	shalt  }
0x4c: {  	_ =	shalt  }
0x4d: {  	_ =	shalt  }
0x4e: {  	_ =	shalt  }
0x4f: {  	_ =	shalt  }
0x50: {  	_ =	shalt  }
0x51: {  	_ =	shalt  }
0x52: {  	_ =	shalt  }
0x53: {  	_ =	shalt  }
0x54: {  	_ =	shalt  }
0x55: {  	_ =	shalt  }
0x56: {  	_ =	shalt  }
0x57: {  	_ =	shalt  }
0x58: {  	_ =	shalt  }
0x59: {  	_ =	shalt  }
0x5a: {  	_ =	shalt  }
0x5b: {  	_ =	shalt  }
0x5c: {  	_ =	shalt  }
0x5d: {  	_ =	shalt  }
0x5e: {  	_ =	shalt  }
0x5f: {  	_ =	shalt  }
0x60: {  	_ =	shalt  }
0x61: {  	_ =	shalt  }
0x62: {  	_ =	shalt  }
0x63: {  	_ =	shalt  }
0x64: {  	_ =	shalt  }
0x65: {  	_ =	shalt  }
0x66: {  	_ =	shalt  }
0x67: {  	_ =	shalt  }
0x68: {  	_ =	shalt  }
0x69: {  	_ =	shalt  }
0x6a: {  	_ =	shalt  }
0x6b: {  	_ =	shalt  }
0x6c: {  	_ =	shalt  }
0x6d: {  	_ =	shalt  }
0x6e: {  	_ =	shalt  }
0x6f: {  	_ =	shalt  }
0x70: {  	_ =	shalt  }
0x71: {  	_ =	shalt  }
0x72: {  	_ =	shalt  }
0x73: {  	_ =	shalt  }
0x74: {  	_ =	shalt  }
0x75: {  	_ =	shalt  }
0x76: {  	_ =	shalt  }
0x77: {  	_ =	shalt  }
0x78: {  	_ =	shalt  }
0x79: {  	_ =	shalt  }
0x7a: {  	_ =	shalt  }
0x7b: {  	_ =	shalt  }
0x7c: {  	_ =	shalt  }
0x7d: {  	_ =	shalt  }
0x7e: {  	_ =	shalt  }
0x7f: {  	_ =	shalt  }
0x80: {  	_ =	shalt  }
0x81: {  	_ =	shalt  }
0x82: {  	_ =	shalt  }
0x83: {  	_ =	shalt  }
0x84: {  	_ =	shalt  }
0x85: {  	_ =	shalt  }
0x86: {  	_ =	shalt  }
0x87: {  	_ =	shalt  }
.Lfunc_end0:
.L_simem_size_0:
called_computation_lowered:
.L_overlay_start_0:
0x88: {  	s2 =	sld [smem:$0x3FD9]  }
0x89: {  	s3 =	sld [smem:$0x3FFE];
	_ =	sdelay $0x1  }
0x8a: {  	s1 =	srdreg.scid  }
0x8b: {  	s0 =	sand.u32 $0x1, s1  }
0x8c: {  	s17 =	sshll.u32 s0, $0xA;
	s2 =	sadd.s32 s3, s2  }
0x8d: {  	s2 =	sadd.s32 s2, s17  }
0x8e: {  	[smem:$0x3FC5] =	sst s2  }
0x8f: {  	_ = 	snop  }
0x90: {  	s2 =	sld [smem:$0x3FC8]  }
0x91: {  	s18 =	sld [smem:$0x3FC7]  }
0x92: {  	s4 =	sld [smem:$0x3FD0];
	(tm) =	ssettm $0x1  }
0x93: {  	s5 =	sld [smem:$0x3FFB];
	_ =	sdelay $0x3  }
0x94: {  	_ =	strace s5  }
0x95: {  	s5 =	sld [smem:$0x3FFC];
	_ =	sdelay $0x3  }
0x96: {  	_ =	strace s5  }
0x97: {  	s5 =	sld [smem:$0x3FFD];
	_ =	sdelay $0x3  }
0x98: {  	_ =	strace s5  }
0x99: {  	_ =	strace $0x8FFFFFFF  }
0x9a: {  	s19 =	sld [smem:$0x3FDB];
	_ =	sdelay $0x1  }
0x9b: {  	s6 =	simm.s32 $_scs_section_size  }
0x9c: {  	s7 =	simm.s32 $_size__tile_overlayer_lowered;
	s8 =	simm.s32 $_tile_overlayer_lowered  }
0x9d: {  	s22 =	simm.s32 $0x1BFF;
	s21 =	sshll.u32 s8, $0x1;
	s5 =	sadd.s32 s6, s19  }
0x9e: {  	s9 =	simm.s32 $0x0;
	s20 =	sshll.u32 s7, $0x1;
	s7 =	sadd.s32 s21, s5  }
0x9f: {  	[timem:s9], [sflag:s22] =	dma.local [hbm:s7], s20  }
0xa0: {  	_ =	swait.ge [sflag:s22], s20  }
0xa1: {  	s6 =	ssub.s32 $0x0, s20;
	[sflag:s22] =	ssyncset.done $0x0  }
0xa2: {  	[sflag:s22] =	ssyncadd.s32 s6;
	_ =	sdelay $0x1  }
0xa3: {  	s23 =	simm.s32 $0x1B8B  }
0xa4: {  	_ =	swait.ge [sflag:s23], $0x1  }
0xa5: {  	[sflag:s23] =	ssyncset.done $0x0  }
0xa6: {  	s25 =	simm.s32 $0x1B8E;
	s24 =	sld [smem:$0x3FFE];
	[sflag:s23] =	ssyncadd.s32 $0xFFFFFFFF  }
0xa7: {  	s26 =	simm.s32 $execute0_lowered;
	[smem:$0x3FD2] =	sst s25  }
0xa8: {  	s7 =	sshll.u32 s26, $0x1;
	_ =	strace $0x80000046;
	[dreg:$0x1] =	wrdreg $0xFFFFFFFF  }
0xa9: {  	s28 =	simm.s32 $_size_execute0_lowered;
	s5 =	sadd.s32 s5, s7;
	[dreg:$0x0] =	wrdreg $0x0  }
0xaa: {  	s7 =	sshll.u32 s28, $0x1;
	[dreg:$0x2] =	wrdreg s5  }
0xab: {  	[dreg:$0x3] =	wrdreg s7  }
0xac: {  	[dreg:$0x4] =	wrdreg $0xC0  }
0xad: {  	_ =	task [dreg:s9], $0x5FFFF  }
0xae: {  	[dreg:$0x1] =	wrdreg $0xFFFFFFFF  }
0xaf: {  	[dreg:$0x0] =	wrdreg $0x60  }
0xb0: {  	[dreg:$0x2] =	wrdreg s2  }
0xb1: {  	[dreg:$0x3] =	wrdreg s24  }
0xb2: {  	[dreg:$0x4] =	wrdreg s18  }
0xb3: {  	[dreg:$0x5] =	wrdreg s4  }
0xb4: {  	[dreg:$0x6] =	wrdreg $0x0  }
0xb5: {  	[dreg:$0x7] =	wrdreg $0x9  }
0xb6: {  	_ =	task.clear_ibuf [dreg:s9], $0x8FFFF;
	_ =	strace $0x90000046  }
0xb7: {  	s29 =	simm.s32 $0x9;
	_ =	strace $0x80000048  }
0xb8: {  	_ =	swait.ge [sflag:s29], $0x1  }
0xb9: {  	[sflag:s29] =	ssyncadd.s32 $0xFFFFFFFF  }
0xba: {  	_ =	strace $0x90000048  }
0xbb: {  	_ =	sfence  }
0xbc: {  	s30 =	sld [smem:$0x0];
	_ =	sdelay $0x2  }
0xbd: {  	s31 =	sshll.u32 s1, $0xD;
	s1 =	sshrl.u32 s1, $0x2  }
0xbe: {  	s3 =	sand.u32 $0x4000, s31;
	s1 =	sadd.s32 s1, s30  }
0xbf: {  	s0 =	sor.u32 s3, s0;
	s1 =	sshll.u32 s1, $0x11  }
0xc0: {  	s0 =	sor.u32 s1, s0  }
0xc1: {  	s0 =	sadd.s32 $0x8F2B, s0  }
0xc2: {  	[sflag:s0] =	ssyncadd.remote.s32 $0x1  }
0xc3: {  	_ =	sfence.sel $0xFFFF  }
0xc4: {  	[dreg:$0x0] =	wrdreg $0xFFFFFFFF;
	(pc) =	sbr.abs _section_cstart, $3  }
0xc5: {  	[dreg:$0x1] =	wrdreg $0xFFFFFFFF  }
0xc6: {  	_ =	task.clear_ibuf [dreg:s9], $0x2FFFF;
	_ =	strace $0x9FFFFFFF  }
0xc7: {  	(tm) =	ssettm $0x7FFFFFFF  }
tec
execute0_lowered:
.L_overlay_start_1:
0x0: {  	(tag) =	ssettag $0x1  }
0x1: {  	s0 =	rddreg [dreg:$0x1]  }
0x2: {  	s1 =	rddreg [dreg:$0x3]  }
0x3: {  	s3 =	rddreg [dreg:$0x4]  }
0x4: {  	s2 =	srdreg.scid;
	s4 =	simm.s32 $0x0;
	s6 =	stileid.u32  }
0x5: {  	s28 =	simm.s32 $0x100;
	s29 =	simm.s32 $0x2F40;
	s30 =	simm.s32 $0x1  }
0x6: {  	s31 =	simm.s32 $0x4;
	s2 =	sand.u32 $0x1, s2;
	[smem:$0x7FF] =	sst s4  }
0x7: {  	s5 =	sshll.u32 s6, $0xD;
	p0 =	sne.s32 s6, $0x0;
	s7 =	sshll.u32 s2, $0xC  }
0x8: {  	_ =	strace $0x80000047;
	s2 =	ssub.s32 $0x2, s2;
	s5 =	sor.u32 s7, s5  }
0x9: {  	s23 =	sshrl.u32 @!p0 s3, $0x3;
	s8 =	sshrl.u32 s2, $0x1;
	s7 =	sshrl.u32 s5, $0x3  }
0xa: {  	s5 =	sshll.u32 s5, $0x4;
	s2 =	ssub.s32 s2, s8;
	s0 =	sadd.s32 s7, s0  }
0xb: {  	s5 =	sadd.s32 s1, s5;
	s22 =	smax.u32 s2, $0x1;
	s1 =	simm.s32 $0x2  }
0xc: {  	s2 =	simm.s32 $0x3;
	s0 =	sadd.s32 $0x400, s0;
	s24 =	sadd.s32 $0x1000, s5  }
0xd: {  	s25 =	sadd.s32 $0x2000, s5;
	s26 =	sadd.s32 $0x3000, s5;
	s10 =	sadd.s32 $0x4000, s5  }
0xe: {  	s11 =	sadd.s32 $0x5000, s5;
	s12 =	sadd.s32 $0x6000, s5;
	s13 =	sadd.s32 $0x7000, s5  }
0xf: {  	s14 =	sadd.s32 $0x8000, s5;
	s15 =	sadd.s32 $0x9000, s5;
	[dreg:$0x6] =	wrdreg s0  }
0x10: {  	s16 =	sadd.s32 $0xA000, s5;
	s17 =	sadd.s32 $0xB000, s5;
	[dreg:$0x7] =	wrdreg s24  }
0x11: {  	s18 =	sadd.s32 $0xC000, s5;
	s19 =	sadd.s32 $0xD000, s5;
	[dreg:$0x8] =	wrdreg s25  }
0x12: {  	s20 =	sadd.s32 $0xE000, s5;
	s21 =	sadd.s32 $0xF000, s5;
	[dreg:$0x9] =	wrdreg s26  }
0x13: {  	s25 =	simm.s32 $0x5;
	s0 =	simm.s32 $0xAF40;
	s26 =	simm.s32 $0x0  }
.LBB2_1:
0x14: {  	s6 =	simm.s32 @!p0 $0x1C05;
	s7 =	rddreg [dreg:$0x0]  }
0x15: {  	[spmem:s23], [sflag:s6] =	dma.local @!p0 [hbm:s7], $0x3E80  }
0x16: {  	s6 =	simm.s32 @!p0 $0x5  }
0x17: {  	_ =	swait.ge @!p0 [sflag:s6], $0x3E80  }
0x18: {  	[sflag:s6] =	ssyncset.done @!p0 $0x0  }
0x19: {  	s24 =	simm.s32 $0x1F40;
	s9 =	rddreg [dreg:$0x6];
	[sflag:s6] =	ssyncadd.s32 @!p0 $0xFFFFC180  }
0x1a: {  	[tilespmem:s24], [sflag:$0x5] =	stream.linear.gather [hbm4b:s9+s4], $0x1000, $0x38;
	[tilespmem:$0x13340] =	vst v63  }
0x1b: {  	_ =	swait.ge [sflag:s25], $0x1000  }
0x1c: {  	[sflag:s25] =	ssyncset.done $0x0  }
0x1d: {  	[sflag:s25] =	ssyncadd.s32 $0xFFFFF000  }
0x1e: {  	s8 =	simm.s32 $0x12F40;
	s9 =	rddreg [dreg:$0x2]  }
0x1f: {  	[tilespmem:s8], [sflag:$0x5] =	stream.linear.gather [hbm4b:s9+s4], $0x400, $0x38;
	[tilespmem:$0x13340] =	vst v63  }
0x20: {  	_ =	swait.ge [sflag:s25], $0x400  }
0x21: {  	[sflag:s25] =	ssyncset.done $0x0  }
0x22: {  	[sflag:s25] =	ssyncadd.s32 $0xFFFFFC00  }
0x23: {  	[bflag:$0x0] =	sbarrier.arrive $0xFFFF  }
0x24: {  	[tilespmem:s29], [sflag:$0x1] =	stream.indirect.gather [spmem:s3], $0x80, s24, s28, $0xb8;
	[tilespmem:$0x13340] =	vst v63  }
0x25: {  	_ =	swait.ge [sflag:s30], $0x8000  }
0x26: {  	[sflag:s30] =	ssyncset.done $0x0  }
0x27: {  	s24 =	simm.s32 $0x2040;
	[sflag:s30] =	ssyncadd.s32 $0xFFFF8000  }
0x28: {  	[tilespmem:s0], [sflag:$0x2] =	stream.indirect.gather [spmem:s3], $0x80, s24, s28, $0xb8;
	[tilespmem:$0x13340] =	vst v63  }
0x29: {  	s6 =	simm.s32 $0x0;
	s24 =	simm.s32 $0x3140  }
.LBB2_2:
0x2a: {  	s7 =	sshll.u32 s6, $0x4  }
0x2b: {  	v8 =	vld [tilespmem:s7+$0x12F40]  }
0x2c: {  	v7 =	vld [tilespmem:s7+$0x12FC0]  }
0x2d: {  	v6 =	vld [tilespmem:s7+$0x13040]  }
0x2e: {  	v0 =	vmov s24;
	v4 =	vld [tilespmem:s7+$0x130C0]  }
0x2f: {  	v5 =	vld [tilespmem:s7+$0x13140]  }
0x30: {  	v3 =	vld [tilespmem:s7+$0x131C0]  }
0x31: {  	v2 =	vld [tilespmem:s7+$0x13240]  }
0x32: {  	v1 =	vld [tilespmem:s7+$0x132C0];
	s7 =	simm.s32 $0x0  }
0x33: {  	v10 =	vld.idx.msk [tilespmem:v0+s7+$0xFFFFFE00 ss:$0x1], $0xffff  }
0x34: {  	v14 =	vld.idx.msk [tilespmem:v0+s7+$0xFFFFFE80 ss:$0x1], $0xffff  }
0x35: {  	v13 =	vld.idx.msk [tilespmem:v0+s7+$0xFFFFFF00 ss:$0x1], $0xffff  }
0x36: {  	v12 =	vld.idx.msk [tilespmem:v0+s7+$0xFFFFFF80 ss:$0x1], $0xffff  }
0x37: {  	v11 =	vld.idx.msk [tilespmem:v0+s7+$0x0 ss:$0x1], $0xffff  }
0x38: {  	v9 =	vld.idx.msk [tilespmem:v0+s7+$0x80 ss:$0x1], $0xffff  }
0x39: {  	s8 =	simm.s32 $0x1000;
	v15 =	vadd.f32 v10, v8;
	v10 =	vld.idx.msk [tilespmem:v0+s7+$0x100 ss:$0x1], $0xffff  }
.LBB2_3:
0x3a: {  	p1 =	sne.s32 s8, $0x1F000;
	v14 =	vadd.f32 v14, v7;
	v16 =	vld.idx.msk [tilespmem:v0+s7+$0x180 ss:$0x1], $0xffff  }
0x3b: {  	s9 =	sshra.s32 s8, $0x2;
	v13 =	vadd.f32 v13, v6;
	[tilespmem:v0+s7+$0xFFFFFE00 ss:$0x1] =	vst.idx.msk $0xffff, v15  }
0x3c: {  	v12 =	vadd.f32 v12, v4;
	v15 =	vld.idx.msk [tilespmem:v0+s9+$0xFFFFFE00 ss:$0x1], $0xffff;
	[tilespmem:v0+s7+$0xFFFFFE80 ss:$0x1] =	vst.idx.msk $0xffff, v14  }
0x3d: {  	v11 =	vadd.f32 v11, v5;
	v14 =	vld.idx.msk [tilespmem:v0+s9+$0xFFFFFE80 ss:$0x1], $0xffff;
	[tilespmem:v0+s7+$0xFFFFFF00 ss:$0x1] =	vst.idx.msk $0xffff, v13  }
.Ltmp0:
0x3e: {  	v9 =	vadd.f32 v9, v3;
	v13 =	vld.idx.msk [tilespmem:v0+s9+$0xFFFFFF00 ss:$0x1], $0xffff;
	[tilespmem:v0+s7+$0xFFFFFF80 ss:$0x1] =	vst.idx.msk $0xffff, v12;
	(pc) =	sbr.rel @p1 .LBB2_3-.Ltmp0, $4  }
0x3f: {  	v10 =	vadd.f32 v10, v2;
	v12 =	vld.idx.msk [tilespmem:v0+s9+$0xFFFFFF80 ss:$0x1], $0xffff;
	[tilespmem:v0+s7+$0x0 ss:$0x1] =	vst.idx.msk $0xffff, v11  }
0x40: {  	v16 =	vadd.f32 v16, v1;
	v11 =	vld.idx.msk [tilespmem:v0+s9+$0x0 ss:$0x1], $0xffff;
	[tilespmem:v0+s7+$0x80 ss:$0x1] =	vst.idx.msk $0xffff, v9  }
0x41: {  	v9 =	vld.idx.msk [tilespmem:v0+s9+$0x80 ss:$0x1], $0xffff;
	[tilespmem:v0+s7+$0x100 ss:$0x1] =	vst.idx.msk $0xffff, v10  }
0x42: {  	s8 =	sadd.s32 $0x1000, s8;
	v15 =	vadd.f32 v15, v8;
	v10 =	vld.idx.msk [tilespmem:v0+s9+$0x100 ss:$0x1], $0xffff;
	[tilespmem:v0+s7+$0x180 ss:$0x1] =	vst.idx.msk $0xffff, v16;
	s7 =	smov.u32 s9  }
0x43: {  	_ =	sdelay $0x2  }
0x44: {  	v7 =	vadd.f32 v14, v7  }
0x45: {  	v8 =	vld.idx.msk [tilespmem:v0+s7+$0x180 ss:$0x1], $0xffff;
	v6 =	vadd.f32 v13, v6;
	[tilespmem:v0+s7+$0xFFFFFE00 ss:$0x1] =	vst.idx.msk $0xffff, v15  }
0x46: {  	s6 =	sadd.s32 $0x1, s6;
	v4 =	vadd.f32 v12, v4;
	[tilespmem:v0+s7+$0xFFFFFE80 ss:$0x1] =	vst.idx.msk $0xffff, v7  }
0x47: {  	p1 =	sne.s32 s6, $0x8;
	[tilespmem:v0+s7+$0xFFFFFF00 ss:$0x1] =	vst.idx.msk $0xffff, v6;
	v5 =	vadd.f32 v11, v5  }
.Ltmp1:
0x48: {  	[tilespmem:v0+s7+$0xFFFFFF80 ss:$0x1] =	vst.idx.msk $0xffff, v4;
	v3 =	vadd.f32 v9, v3;
	(pc) =	sbr.rel @p1 .LBB2_2-.Ltmp1, $4  }
0x49: {  	[tilespmem:v0+s7+$0x0 ss:$0x1] =	vst.idx.msk $0xffff, v5;
	v2 =	vadd.f32 v10, v2  }
0x4a: {  	[tilespmem:v0+s7+$0x80 ss:$0x1] =	vst.idx.msk $0xffff, v3;
	v1 =	vadd.f32 v8, v1  }
0x4b: {  	[tilespmem:v0+s7+$0x100 ss:$0x1] =	vst.idx.msk $0xffff, v2  }
0x4c: {  	s24 =	sadd.s32 $0x10, s24;
	[tilespmem:v0+s7+$0x180 ss:$0x1] =	vst.idx.msk $0xffff, v1  }
0x4d: {  	s24 =	simm.s32 $0x0  }
0x4e: {  	[hbm4b:s5+s24] =	stream.linear.scatter [tilespmem:s29], [sflag:$0x3], $0x8000, $0x38;
	[tilespmem:$0x13340] =	vst v63  }
0x4f: {  	_ =	swait.ge [sflag:s1], $0x8000  }
0x50: {  	[sflag:s1] =	ssyncset.done $0x0  }
0x51: {  	[sflag:s1] =	ssyncadd.s32 $0xFFFF8000  }
0x52: {  	_ =	swait.ge [sflag:s2], $0x8000  }
0x53: {  	[sflag:s2] =	ssyncset.done $0x0  }
0x54: {  	s6 =	simm.s32 $0x2140;
	[sflag:s2] =	ssyncadd.s32 $0xFFFF8000  }
0x55: {  	[tilespmem:s29], [sflag:$0x1] =	stream.indirect.gather [spmem:s3], $0x80, s6, s28, $0xb8;
	[tilespmem:$0x13340] =	vst v63  }
0x56: {  	s6 =	simm.s32 $0xB140  }
.LBB2_6:
0x57: {  	s7 =	sshll.u32 s24, $0x4  }
0x58: {  	v8 =	vld [tilespmem:s7+$0x12F40]  }
0x59: {  	v7 =	vld [tilespmem:s7+$0x12FC0]  }
0x5a: {  	v6 =	vld [tilespmem:s7+$0x13040]  }
0x5b: {  	v0 =	vmov s6;
	v4 =	vld [tilespmem:s7+$0x130C0]  }
0x5c: {  	v5 =	vld [tilespmem:s7+$0x13140]  }
0x5d: {  	v3 =	vld [tilespmem:s7+$0x131C0]  }
0x5e: {  	v2 =	vld [tilespmem:s7+$0x13240]  }
0x5f: {  	v1 =	vld [tilespmem:s7+$0x132C0];
	s7 =	simm.s32 $0x0  }
0x60: {  	v10 =	vld.idx.msk [tilespmem:v0+s7+$0xFFFFFE00 ss:$0x1], $0xffff  }
0x61: {  	v14 =	vld.idx.msk [tilespmem:v0+s7+$0xFFFFFE80 ss:$0x1], $0xffff  }
0x62: {  	v13 =	vld.idx.msk [tilespmem:v0+s7+$0xFFFFFF00 ss:$0x1], $0xffff  }
0x63: {  	v12 =	vld.idx.msk [tilespmem:v0+s7+$0xFFFFFF80 ss:$0x1], $0xffff  }
0x64: {  	v11 =	vld.idx.msk [tilespmem:v0+s7+$0x0 ss:$0x1], $0xffff  }
0x65: {  	v9 =	vld.idx.msk [tilespmem:v0+s7+$0x80 ss:$0x1], $0xffff  }
0x66: {  	s8 =	simm.s32 $0x1000;
	v15 =	vadd.f32 v10, v8;
	v10 =	vld.idx.msk [tilespmem:v0+s7+$0x100 ss:$0x1], $0xffff  }
.LBB2_7:
0x67: {  	p1 =	sne.s32 s8, $0x1F000;
	v14 =	vadd.f32 v14, v7;
	v16 =	vld.idx.msk [tilespmem:v0+s7+$0x180 ss:$0x1], $0xffff  }
0x68: {  	s9 =	sshra.s32 s8, $0x2;
	v13 =	vadd.f32 v13, v6;
	[tilespmem:v0+s7+$0xFFFFFE00 ss:$0x1] =	vst.idx.msk $0xffff, v15  }
0x69: {  	v12 =	vadd.f32 v12, v4;
	v15 =	vld.idx.msk [tilespmem:v0+s9+$0xFFFFFE00 ss:$0x1], $0xffff;
	[tilespmem:v0+s7+$0xFFFFFE80 ss:$0x1] =	vst.idx.msk $0xffff, v14  }
0x6a: {  	v11 =	vadd.f32 v11, v5;
	v14 =	vld.idx.msk [tilespmem:v0+s9+$0xFFFFFE80 ss:$0x1], $0xffff;
	[tilespmem:v0+s7+$0xFFFFFF00 ss:$0x1] =	vst.idx.msk $0xffff, v13  }
.Ltmp2:
0x6b: {  	v9 =	vadd.f32 v9, v3;
	v13 =	vld.idx.msk [tilespmem:v0+s9+$0xFFFFFF00 ss:$0x1], $0xffff;
	[tilespmem:v0+s7+$0xFFFFFF80 ss:$0x1] =	vst.idx.msk $0xffff, v12;
	(pc) =	sbr.rel @p1 .LBB2_7-.Ltmp2, $4  }
0x6c: {  	v10 =	vadd.f32 v10, v2;
	v12 =	vld.idx.msk [tilespmem:v0+s9+$0xFFFFFF80 ss:$0x1], $0xffff;
	[tilespmem:v0+s7+$0x0 ss:$0x1] =	vst.idx.msk $0xffff, v11  }
0x6d: {  	v16 =	vadd.f32 v16, v1;
	v11 =	vld.idx.msk [tilespmem:v0+s9+$0x0 ss:$0x1], $0xffff;
	[tilespmem:v0+s7+$0x80 ss:$0x1] =	vst.idx.msk $0xffff, v9  }
0x6e: {  	v9 =	vld.idx.msk [tilespmem:v0+s9+$0x80 ss:$0x1], $0xffff;
	[tilespmem:v0+s7+$0x100 ss:$0x1] =	vst.idx.msk $0xffff, v10  }
0x6f: {  	s8 =	sadd.s32 $0x1000, s8;
	v15 =	vadd.f32 v15, v8;
	v10 =	vld.idx.msk [tilespmem:v0+s9+$0x100 ss:$0x1], $0xffff;
	[tilespmem:v0+s7+$0x180 ss:$0x1] =	vst.idx.msk $0xffff, v16;
	s7 =	smov.u32 s9  }
0x70: {  	_ =	sdelay $0x2  }
0x71: {  	v7 =	vadd.f32 v14, v7  }
0x72: {  	v8 =	vld.idx.msk [tilespmem:v0+s7+$0x180 ss:$0x1], $0xffff;
	v6 =	vadd.f32 v13, v6;
	[tilespmem:v0+s7+$0xFFFFFE00 ss:$0x1] =	vst.idx.msk $0xffff, v15  }
0x73: {  	s24 =	sadd.s32 $0x1, s24;
	v4 =	vadd.f32 v12, v4;
	[tilespmem:v0+s7+$0xFFFFFE80 ss:$0x1] =	vst.idx.msk $0xffff, v7  }
0x74: {  	p1 =	sne.s32 s24, $0x8;
	[tilespmem:v0+s7+$0xFFFFFF00 ss:$0x1] =	vst.idx.msk $0xffff, v6;
	v5 =	vadd.f32 v11, v5  }
.Ltmp3:
0x75: {  	[tilespmem:v0+s7+$0xFFFFFF80 ss:$0x1] =	vst.idx.msk $0xffff, v4;
	v3 =	vadd.f32 v9, v3;
	(pc) =	sbr.rel @p1 .LBB2_6-.Ltmp3, $4  }
0x76: {  	[tilespmem:v0+s7+$0x0 ss:$0x1] =	vst.idx.msk $0xffff, v5;
	v2 =	vadd.f32 v10, v2  }
0x77: {  	[tilespmem:v0+s7+$0x80 ss:$0x1] =	vst.idx.msk $0xffff, v3;
	v1 =	vadd.f32 v8, v1  }
0x78: {  	[tilespmem:v0+s7+$0x100 ss:$0x1] =	vst.idx.msk $0xffff, v2  }
0x79: {  	s6 =	sadd.s32 $0x10, s6;
	[tilespmem:v0+s7+$0x180 ss:$0x1] =	vst.idx.msk $0xffff, v1  }
0x7a: {  	s24 =	simm.s32 $0x0;
	s6 =	rddreg [dreg:$0x7]  }
0x7b: {  	[hbm4b:s6+s24] =	stream.linear.scatter [tilespmem:s0], [sflag:$0x4], $0x8000, $0x38;
	[tilespmem:$0x13340] =	vst v63  }
0x7c: {  	_ =	swait.ge [sflag:s30], $0x8000  }
0x7d: {  	[sflag:s30] =	ssyncset.done $0x0  }
0x7e: {  	[sflag:s30] =	ssyncadd.s32 $0xFFFF8000  }
0x7f: {  	_ =	swait.ge [sflag:s31], $0x8000  }
0x80: {  	[sflag:s31] =	ssyncset.done $0x0  }
0x81: {  	s9 =	simm.s32 $0x2240;
	s6 =	simm.s32 $0x3140;
	[sflag:s31] =	ssyncadd.s32 $0xFFFF8000  }
0x82: {  	[tilespmem:s0], [sflag:$0x2] =	stream.indirect.gather [spmem:s3], $0x80, s9, s28, $0xb8;
	[tilespmem:$0x13340] =	vst v63  }
.LBB2_10:
0x83: {  	s7 =	sshll.u32 s24, $0x4  }
0x84: {  	v8 =	vld [tilespmem:s7+$0x12F40]  }
0x85: {  	v7 =	vld [tilespmem:s7+$0x12FC0]  }
0x86: {  	v6 =	vld [tilespmem:s7+$0x13040]  }
0x87: {  	v0 =	vmov s6;
	v4 =	vld [tilespmem:s7+$0x130C0]  }
0x88: {  	v5 =	vld [tilespmem:s7+$0x13140]  }
0x89: {  	v3 =	vld [tilespmem:s7+$0x131C0]  }
0x8a: {  	v2 =	vld [tilespmem:s7+$0x13240]  }
0x8b: {  	v1 =	vld [tilespmem:s7+$0x132C0];
	s7 =	simm.s32 $0x0  }
0x8c: {  	v10 =	vld.idx.msk [tilespmem:v0+s7+$0xFFFFFE00 ss:$0x1], $0xffff  }
0x8d: {  	v14 =	vld.idx.msk [tilespmem:v0+s7+$0xFFFFFE80 ss:$0x1], $0xffff  }
0x8e: {  	v13 =	vld.idx.msk [tilespmem:v0+s7+$0xFFFFFF00 ss:$0x1], $0xffff  }
0x8f: {  	v12 =	vld.idx.msk [tilespmem:v0+s7+$0xFFFFFF80 ss:$0x1], $0xffff  }
0x90: {  	v11 =	vld.idx.msk [tilespmem:v0+s7+$0x0 ss:$0x1], $0xffff  }
0x91: {  	v9 =	vld.idx.msk [tilespmem:v0+s7+$0x80 ss:$0x1], $0xffff  }
0x92: {  	s8 =	simm.s32 $0x1000;
	v15 =	vadd.f32 v10, v8;
	v10 =	vld.idx.msk [tilespmem:v0+s7+$0x100 ss:$0x1], $0xffff  }
.LBB2_11:
0x93: {  	p1 =	sne.s32 s8, $0x1F000;
	v14 =	vadd.f32 v14, v7;
	v16 =	vld.idx.msk [tilespmem:v0+s7+$0x180 ss:$0x1], $0xffff  }
0x94: {  	s9 =	sshra.s32 s8, $0x2;
	v13 =	vadd.f32 v13, v6;
	[tilespmem:v0+s7+$0xFFFFFE00 ss:$0x1] =	vst.idx.msk $0xffff, v15  }
0x95: {  	v12 =	vadd.f32 v12, v4;
	v15 =	vld.idx.msk [tilespmem:v0+s9+$0xFFFFFE00 ss:$0x1], $0xffff;
	[tilespmem:v0+s7+$0xFFFFFE80 ss:$0x1] =	vst.idx.msk $0xffff, v14  }
0x96: {  	v11 =	vadd.f32 v11, v5;
	v14 =	vld.idx.msk [tilespmem:v0+s9+$0xFFFFFE80 ss:$0x1], $0xffff;
	[tilespmem:v0+s7+$0xFFFFFF00 ss:$0x1] =	vst.idx.msk $0xffff, v13  }
.Ltmp4:
0x97: {  	v9 =	vadd.f32 v9, v3;
	v13 =	vld.idx.msk [tilespmem:v0+s9+$0xFFFFFF00 ss:$0x1], $0xffff;
	[tilespmem:v0+s7+$0xFFFFFF80 ss:$0x1] =	vst.idx.msk $0xffff, v12;
	(pc) =	sbr.rel @p1 .LBB2_11-.Ltmp4, $4  }
0x98: {  	v10 =	vadd.f32 v10, v2;
	v12 =	vld.idx.msk [tilespmem:v0+s9+$0xFFFFFF80 ss:$0x1], $0xffff;
	[tilespmem:v0+s7+$0x0 ss:$0x1] =	vst.idx.msk $0xffff, v11  }
0x99: {  	v16 =	vadd.f32 v16, v1;
	v11 =	vld.idx.msk [tilespmem:v0+s9+$0x0 ss:$0x1], $0xffff;
	[tilespmem:v0+s7+$0x80 ss:$0x1] =	vst.idx.msk $0xffff, v9  }
0x9a: {  	v9 =	vld.idx.msk [tilespmem:v0+s9+$0x80 ss:$0x1], $0xffff;
	[tilespmem:v0+s7+$0x100 ss:$0x1] =	vst.idx.msk $0xffff, v10  }
0x9b: {  	s8 =	sadd.s32 $0x1000, s8;
	v15 =	vadd.f32 v15, v8;
	v10 =	vld.idx.msk [tilespmem:v0+s9+$0x100 ss:$0x1], $0xffff;
	[tilespmem:v0+s7+$0x180 ss:$0x1] =	vst.idx.msk $0xffff, v16;
	s7 =	smov.u32 s9  }
0x9c: {  	_ =	sdelay $0x2  }
0x9d: {  	v7 =	vadd.f32 v14, v7  }
0x9e: {  	v8 =	vld.idx.msk [tilespmem:v0+s7+$0x180 ss:$0x1], $0xffff;
	v6 =	vadd.f32 v13, v6;
	[tilespmem:v0+s7+$0xFFFFFE00 ss:$0x1] =	vst.idx.msk $0xffff, v15  }
0x9f: {  	s24 =	sadd.s32 $0x1, s24;
	v4 =	vadd.f32 v12, v4;
	[tilespmem:v0+s7+$0xFFFFFE80 ss:$0x1] =	vst.idx.msk $0xffff, v7  }
0xa0: {  	p1 =	sne.s32 s24, $0x8;
	[tilespmem:v0+s7+$0xFFFFFF00 ss:$0x1] =	vst.idx.msk $0xffff, v6;
	v5 =	vadd.f32 v11, v5  }
.Ltmp5:
0xa1: {  	[tilespmem:v0+s7+$0xFFFFFF80 ss:$0x1] =	vst.idx.msk $0xffff, v4;
	v3 =	vadd.f32 v9, v3;
	(pc) =	sbr.rel @p1 .LBB2_10-.Ltmp5, $4  }
0xa2: {  	[tilespmem:v0+s7+$0x0 ss:$0x1] =	vst.idx.msk $0xffff, v5;
	v2 =	vadd.f32 v10, v2  }
0xa3: {  	[tilespmem:v0+s7+$0x80 ss:$0x1] =	vst.idx.msk $0xffff, v3;
	v1 =	vadd.f32 v8, v1  }
0xa4: {  	[tilespmem:v0+s7+$0x100 ss:$0x1] =	vst.idx.msk $0xffff, v2  }
0xa5: {  	s6 =	sadd.s32 $0x10, s6;
	[tilespmem:v0+s7+$0x180 ss:$0x1] =	vst.idx.msk $0xffff, v1  }
0xa6: {  	s24 =	simm.s32 $0x0;
	s6 =	rddreg [dreg:$0x8]  }
0xa7: {  	[hbm4b:s6+s24] =	stream.linear.scatter [tilespmem:s29], [sflag:$0x3], $0x8000, $0x38;
	[tilespmem:$0x13340] =	vst v63  }
0xa8: {  	_ =	swait.ge [sflag:s1], $0x8000  }
0xa9: {  	[sflag:s1] =	ssyncset.done $0x0  }
0xaa: {  	[sflag:s1] =	ssyncadd.s32 $0xFFFF8000  }
0xab: {  	_ =	swait.ge [sflag:s2], $0x8000  }
0xac: {  	[sflag:s2] =	ssyncset.done $0x0  }
0xad: {  	s9 =	simm.s32 $0x2340;
	s6 =	simm.s32 $0xB140;
	[sflag:s2] =	ssyncadd.s32 $0xFFFF8000  }
0xae: {  	[tilespmem:s29], [sflag:$0x1] =	stream.indirect.gather [spmem:s3], $0x80, s9, s28, $0xb8;
	[tilespmem:$0x13340] =	vst v63  }
.LBB2_14:
0xaf: {  	s7 =	sshll.u32 s24, $0x4  }
0xb0: {  	v8 =	vld [tilespmem:s7+$0x12F40]  }
0xb1: {  	v7 =	vld [tilespmem:s7+$0x12FC0]  }
0xb2: {  	v6 =	vld [tilespmem:s7+$0x13040]  }
0xb3: {  	v0 =	vmov s6;
	v4 =	vld [tilespmem:s7+$0x130C0]  }
0xb4: {  	v5 =	vld [tilespmem:s7+$0x13140]  }
0xb5: {  	v3 =	vld [tilespmem:s7+$0x131C0]  }
0xb6: {  	v2 =	vld [tilespmem:s7+$0x13240]  }
0xb7: {  	v1 =	vld [tilespmem:s7+$0x132C0];
	s7 =	simm.s32 $0x0  }
0xb8: {  	v10 =	vld.idx.msk [tilespmem:v0+s7+$0xFFFFFE00 ss:$0x1], $0xffff  }
0xb9: {  	v14 =	vld.idx.msk [tilespmem:v0+s7+$0xFFFFFE80 ss:$0x1], $0xffff  }
0xba: {  	v13 =	vld.idx.msk [tilespmem:v0+s7+$0xFFFFFF00 ss:$0x1], $0xffff  }
0xbb: {  	v12 =	vld.idx.msk [tilespmem:v0+s7+$0xFFFFFF80 ss:$0x1], $0xffff  }
0xbc: {  	v11 =	vld.idx.msk [tilespmem:v0+s7+$0x0 ss:$0x1], $0xffff  }
0xbd: {  	v9 =	vld.idx.msk [tilespmem:v0+s7+$0x80 ss:$0x1], $0xffff  }
0xbe: {  	s8 =	simm.s32 $0x1000;
	v15 =	vadd.f32 v10, v8;
	v10 =	vld.idx.msk [tilespmem:v0+s7+$0x100 ss:$0x1], $0xffff  }
.LBB2_15:
0xbf: {  	p1 =	sne.s32 s8, $0x1F000;
	v14 =	vadd.f32 v14, v7;
	v16 =	vld.idx.msk [tilespmem:v0+s7+$0x180 ss:$0x1], $0xffff  }
0xc0: {  	s9 =	sshra.s32 s8, $0x2;
	v13 =	vadd.f32 v13, v6;
	[tilespmem:v0+s7+$0xFFFFFE00 ss:$0x1] =	vst.idx.msk $0xffff, v15  }
0xc1: {  	v12 =	vadd.f32 v12, v4;
	v15 =	vld.idx.msk [tilespmem:v0+s9+$0xFFFFFE00 ss:$0x1], $0xffff;
	[tilespmem:v0+s7+$0xFFFFFE80 ss:$0x1] =	vst.idx.msk $0xffff, v14  }
0xc2: {  	v11 =	vadd.f32 v11, v5;
	v14 =	vld.idx.msk [tilespmem:v0+s9+$0xFFFFFE80 ss:$0x1], $0xffff;
	[tilespmem:v0+s7+$0xFFFFFF00 ss:$0x1] =	vst.idx.msk $0xffff, v13  }
.Ltmp6:
0xc3: {  	v9 =	vadd.f32 v9, v3;
	v13 =	vld.idx.msk [tilespmem:v0+s9+$0xFFFFFF00 ss:$0x1], $0xffff;
	[tilespmem:v0+s7+$0xFFFFFF80 ss:$0x1] =	vst.idx.msk $0xffff, v12;
	(pc) =	sbr.rel @p1 .LBB2_15-.Ltmp6, $4  }
0xc4: {  	v10 =	vadd.f32 v10, v2;
	v12 =	vld.idx.msk [tilespmem:v0+s9+$0xFFFFFF80 ss:$0x1], $0xffff;
	[tilespmem:v0+s7+$0x0 ss:$0x1] =	vst.idx.msk $0xffff, v11  }
0xc5: {  	v16 =	vadd.f32 v16, v1;
	v11 =	vld.idx.msk [tilespmem:v0+s9+$0x0 ss:$0x1], $0xffff;
	[tilespmem:v0+s7+$0x80 ss:$0x1] =	vst.idx.msk $0xffff, v9  }
0xc6: {  	v9 =	vld.idx.msk [tilespmem:v0+s9+$0x80 ss:$0x1], $0xffff;
	[tilespmem:v0+s7+$0x100 ss:$0x1] =	vst.idx.msk $0xffff, v10  }
0xc7: {  	s8 =	sadd.s32 $0x1000, s8;
	v15 =	vadd.f32 v15, v8;
	v10 =	vld.idx.msk [tilespmem:v0+s9+$0x100 ss:$0x1], $0xffff;
	[tilespmem:v0+s7+$0x180 ss:$0x1] =	vst.idx.msk $0xffff, v16;
	s7 =	smov.u32 s9  }
0xc8: {  	_ =	sdelay $0x2  }
0xc9: {  	v7 =	vadd.f32 v14, v7  }
0xca: {  	v8 =	vld.idx.msk [tilespmem:v0+s7+$0x180 ss:$0x1], $0xffff;
	v6 =	vadd.f32 v13, v6;
	[tilespmem:v0+s7+$0xFFFFFE00 ss:$0x1] =	vst.idx.msk $0xffff, v15  }
0xcb: {  	s24 =	sadd.s32 $0x1, s24;
	v4 =	vadd.f32 v12, v4;
	[tilespmem:v0+s7+$0xFFFFFE80 ss:$0x1] =	vst.idx.msk $0xffff, v7  }
0xcc: {  	p1 =	sne.s32 s24, $0x8;
	[tilespmem:v0+s7+$0xFFFFFF00 ss:$0x1] =	vst.idx.msk $0xffff, v6;
	v5 =	vadd.f32 v11, v5  }
.Ltmp7:
0xcd: {  	[tilespmem:v0+s7+$0xFFFFFF80 ss:$0x1] =	vst.idx.msk $0xffff, v4;
	v3 =	vadd.f32 v9, v3;
	(pc) =	sbr.rel @p1 .LBB2_14-.Ltmp7, $4  }
0xce: {  	[tilespmem:v0+s7+$0x0 ss:$0x1] =	vst.idx.msk $0xffff, v5;
	v2 =	vadd.f32 v10, v2  }
0xcf: {  	[tilespmem:v0+s7+$0x80 ss:$0x1] =	vst.idx.msk $0xffff, v3;
	v1 =	vadd.f32 v8, v1  }
0xd0: {  	[tilespmem:v0+s7+$0x100 ss:$0x1] =	vst.idx.msk $0xffff, v2  }
0xd1: {  	s6 =	sadd.s32 $0x10, s6;
	[tilespmem:v0+s7+$0x180 ss:$0x1] =	vst.idx.msk $0xffff, v1  }
0xd2: {  	s24 =	simm.s32 $0x0;
	s6 =	rddreg [dreg:$0x9]  }
0xd3: {  	[hbm4b:s6+s24] =	stream.linear.scatter [tilespmem:s0], [sflag:$0x4], $0x8000, $0x38;
	[tilespmem:$0x13340] =	vst v63  }
0xd4: {  	_ =	swait.ge [sflag:s30], $0x8000  }
0xd5: {  	[sflag:s30] =	ssyncset.done $0x0  }
0xd6: {  	[sflag:s30] =	ssyncadd.s32 $0xFFFF8000  }
0xd7: {  	_ =	swait.ge [sflag:s31], $0x8000  }
0xd8: {  	[sflag:s31] =	ssyncset.done $0x0  }
0xd9: {  	s9 =	simm.s32 $0x2440;
	s6 =	simm.s32 $0x3140;
	[sflag:s31] =	ssyncadd.s32 $0xFFFF8000  }
0xda: {  	[tilespmem:s0], [sflag:$0x2] =	stream.indirect.gather [spmem:s3], $0x80, s9, s28, $0xb8;
	[tilespmem:$0x13340] =	vst v63  }
.LBB2_18:
0xdb: {  	s7 =	sshll.u32 s24, $0x4  }
0xdc: {  	v8 =	vld [tilespmem:s7+$0x12F40]  }
0xdd: {  	v7 =	vld [tilespmem:s7+$0x12FC0]  }
0xde: {  	v6 =	vld [tilespmem:s7+$0x13040]  }
0xdf: {  	v0 =	vmov s6;
	v4 =	vld [tilespmem:s7+$0x130C0]  }
0xe0: {  	v5 =	vld [tilespmem:s7+$0x13140]  }
0xe1: {  	v3 =	vld [tilespmem:s7+$0x131C0]  }
0xe2: {  	v2 =	vld [tilespmem:s7+$0x13240]  }
0xe3: {  	v1 =	vld [tilespmem:s7+$0x132C0];
	s7 =	simm.s32 $0x0  }
0xe4: {  	v10 =	vld.idx.msk [tilespmem:v0+s7+$0xFFFFFE00 ss:$0x1], $0xffff  }
0xe5: {  	v14 =	vld.idx.msk [tilespmem:v0+s7+$0xFFFFFE80 ss:$0x1], $0xffff  }
0xe6: {  	v13 =	vld.idx.msk [tilespmem:v0+s7+$0xFFFFFF00 ss:$0x1], $0xffff  }
0xe7: {  	v12 =	vld.idx.msk [tilespmem:v0+s7+$0xFFFFFF80 ss:$0x1], $0xffff  }
0xe8: {  	v11 =	vld.idx.msk [tilespmem:v0+s7+$0x0 ss:$0x1], $0xffff  }
0xe9: {  	v9 =	vld.idx.msk [tilespmem:v0+s7+$0x80 ss:$0x1], $0xffff  }
0xea: {  	s8 =	simm.s32 $0x1000;
	v15 =	vadd.f32 v10, v8;
	v10 =	vld.idx.msk [tilespmem:v0+s7+$0x100 ss:$0x1], $0xffff  }
.LBB2_19:
0xeb: {  	p1 =	sne.s32 s8, $0x1F000;
	v14 =	vadd.f32 v14, v7;
	v16 =	vld.idx.msk [tilespmem:v0+s7+$0x180 ss:$0x1], $0xffff  }
0xec: {  	s9 =	sshra.s32 s8, $0x2;
	v13 =	vadd.f32 v13, v6;
	[tilespmem:v0+s7+$0xFFFFFE00 ss:$0x1] =	vst.idx.msk $0xffff, v15  }
0xed: {  	v12 =	vadd.f32 v12, v4;
	v15 =	vld.idx.msk [tilespmem:v0+s9+$0xFFFFFE00 ss:$0x1], $0xffff;
	[tilespmem:v0+s7+$0xFFFFFE80 ss:$0x1] =	vst.idx.msk $0xffff, v14  }
0xee: {  	v11 =	vadd.f32 v11, v5;
	v14 =	vld.idx.msk [tilespmem:v0+s9+$0xFFFFFE80 ss:$0x1], $0xffff;
	[tilespmem:v0+s7+$0xFFFFFF00 ss:$0x1] =	vst.idx.msk $0xffff, v13  }
.Ltmp8:
0xef: {  	v9 =	vadd.f32 v9, v3;
	v13 =	vld.idx.msk [tilespmem:v0+s9+$0xFFFFFF00 ss:$0x1], $0xffff;
	[tilespmem:v0+s7+$0xFFFFFF80 ss:$0x1] =	vst.idx.msk $0xffff, v12;
	(pc) =	sbr.rel @p1 .LBB2_19-.Ltmp8, $4  }
0xf0: {  	v10 =	vadd.f32 v10, v2;
	v12 =	vld.idx.msk [tilespmem:v0+s9+$0xFFFFFF80 ss:$0x1], $0xffff;
	[tilespmem:v0+s7+$0x0 ss:$0x1] =	vst.idx.msk $0xffff, v11  }
0xf1: {  	v16 =	vadd.f32 v16, v1;
	v11 =	vld.idx.msk [tilespmem:v0+s9+$0x0 ss:$0x1], $0xffff;
	[tilespmem:v0+s7+$0x80 ss:$0x1] =	vst.idx.msk $0xffff, v9  }
0xf2: {  	v9 =	vld.idx.msk [tilespmem:v0+s9+$0x80 ss:$0x1], $0xffff;
	[tilespmem:v0+s7+$0x100 ss:$0x1] =	vst.idx.msk $0xffff, v10  }
0xf3: {  	s8 =	sadd.s32 $0x1000, s8;
	v15 =	vadd.f32 v15, v8;
	v10 =	vld.idx.msk [tilespmem:v0+s9+$0x100 ss:$0x1], $0xffff;
	[tilespmem:v0+s7+$0x180 ss:$0x1] =	vst.idx.msk $0xffff, v16;
	s7 =	smov.u32 s9  }
0xf4: {  	_ =	sdelay $0x2  }
0xf5: {  	v7 =	vadd.f32 v14, v7  }
0xf6: {  	v8 =	vld.idx.msk [tilespmem:v0+s7+$0x180 ss:$0x1], $0xffff;
	v6 =	vadd.f32 v13, v6;
	[tilespmem:v0+s7+$0xFFFFFE00 ss:$0x1] =	vst.idx.msk $0xffff, v15  }
0xf7: {  	s24 =	sadd.s32 $0x1, s24;
	v4 =	vadd.f32 v12, v4;
	[tilespmem:v0+s7+$0xFFFFFE80 ss:$0x1] =	vst.idx.msk $0xffff, v7  }
0xf8: {  	p1 =	sne.s32 s24, $0x8;
	[tilespmem:v0+s7+$0xFFFFFF00 ss:$0x1] =	vst.idx.msk $0xffff, v6;
	v5 =	vadd.f32 v11, v5  }
.Ltmp9:
0xf9: {  	[tilespmem:v0+s7+$0xFFFFFF80 ss:$0x1] =	vst.idx.msk $0xffff, v4;
	v3 =	vadd.f32 v9, v3;
	(pc) =	sbr.rel @p1 .LBB2_18-.Ltmp9, $4  }
0xfa: {  	[tilespmem:v0+s7+$0x0 ss:$0x1] =	vst.idx.msk $0xffff, v5;
	v2 =	vadd.f32 v10, v2  }
0xfb: {  	[tilespmem:v0+s7+$0x80 ss:$0x1] =	vst.idx.msk $0xffff, v3;
	v1 =	vadd.f32 v8, v1  }
0xfc: {  	[tilespmem:v0+s7+$0x100 ss:$0x1] =	vst.idx.msk $0xffff, v2  }
0xfd: {  	s6 =	sadd.s32 $0x10, s6;
	[tilespmem:v0+s7+$0x180 ss:$0x1] =	vst.idx.msk $0xffff, v1  }
0xfe: {  	s24 =	simm.s32 $0x0  }
0xff: {  	[hbm4b:s10+s24] =	stream.linear.scatter [tilespmem:s29], [sflag:$0x3], $0x8000, $0x38;
	[tilespmem:$0x13340] =	vst v63  }
0x100: {  	_ =	swait.ge [sflag:s1], $0x8000  }
0x101: {  	[sflag:s1] =	ssyncset.done $0x0  }
0x102: {  	[sflag:s1] =	ssyncadd.s32 $0xFFFF8000  }
0x103: {  	_ =	swait.ge [sflag:s2], $0x8000  }
0x104: {  	[sflag:s2] =	ssyncset.done $0x0  }
0x105: {  	s6 =	simm.s32 $0x2540;
	[sflag:s2] =	ssyncadd.s32 $0xFFFF8000  }
0x106: {  	[tilespmem:s29], [sflag:$0x1] =	stream.indirect.gather [spmem:s3], $0x80, s6, s28, $0xb8;
	[tilespmem:$0x13340] =	vst v63  }
0x107: {  	s6 =	simm.s32 $0xB140  }
.LBB2_22:
0x108: {  	s7 =	sshll.u32 s24, $0x4  }
0x109: {  	v8 =	vld [tilespmem:s7+$0x12F40]  }
0x10a: {  	v7 =	vld [tilespmem:s7+$0x12FC0]  }
0x10b: {  	v6 =	vld [tilespmem:s7+$0x13040]  }
0x10c: {  	v0 =	vmov s6;
	v4 =	vld [tilespmem:s7+$0x130C0]  }
0x10d: {  	v5 =	vld [tilespmem:s7+$0x13140]  }
0x10e: {  	v3 =	vld [tilespmem:s7+$0x131C0]  }
0x10f: {  	v2 =	vld [tilespmem:s7+$0x13240]  }
0x110: {  	v1 =	vld [tilespmem:s7+$0x132C0];
	s7 =	simm.s32 $0x0  }
0x111: {  	v10 =	vld.idx.msk [tilespmem:v0+s7+$0xFFFFFE00 ss:$0x1], $0xffff  }
0x112: {  	v14 =	vld.idx.msk [tilespmem:v0+s7+$0xFFFFFE80 ss:$0x1], $0xffff  }
0x113: {  	v13 =	vld.idx.msk [tilespmem:v0+s7+$0xFFFFFF00 ss:$0x1], $0xffff  }
0x114: {  	v12 =	vld.idx.msk [tilespmem:v0+s7+$0xFFFFFF80 ss:$0x1], $0xffff  }
0x115: {  	v11 =	vld.idx.msk [tilespmem:v0+s7+$0x0 ss:$0x1], $0xffff  }
0x116: {  	v9 =	vld.idx.msk [tilespmem:v0+s7+$0x80 ss:$0x1], $0xffff  }
0x117: {  	s8 =	simm.s32 $0x1000;
	v15 =	vadd.f32 v10, v8;
	v10 =	vld.idx.msk [tilespmem:v0+s7+$0x100 ss:$0x1], $0xffff  }
.LBB2_23:
0x118: {  	p1 =	sne.s32 s8, $0x1F000;
	v14 =	vadd.f32 v14, v7;
	v16 =	vld.idx.msk [tilespmem:v0+s7+$0x180 ss:$0x1], $0xffff  }
0x119: {  	s9 =	sshra.s32 s8, $0x2;
	v13 =	vadd.f32 v13, v6;
	[tilespmem:v0+s7+$0xFFFFFE00 ss:$0x1] =	vst.idx.msk $0xffff, v15  }
0x11a: {  	v12 =	vadd.f32 v12, v4;
	v15 =	vld.idx.msk [tilespmem:v0+s9+$0xFFFFFE00 ss:$0x1], $0xffff;
	[tilespmem:v0+s7+$0xFFFFFE80 ss:$0x1] =	vst.idx.msk $0xffff, v14  }
0x11b: {  	v11 =	vadd.f32 v11, v5;
	v14 =	vld.idx.msk [tilespmem:v0+s9+$0xFFFFFE80 ss:$0x1], $0xffff;
	[tilespmem:v0+s7+$0xFFFFFF00 ss:$0x1] =	vst.idx.msk $0xffff, v13  }
.Ltmp10:
0x11c: {  	v9 =	vadd.f32 v9, v3;
	v13 =	vld.idx.msk [tilespmem:v0+s9+$0xFFFFFF00 ss:$0x1], $0xffff;
	[tilespmem:v0+s7+$0xFFFFFF80 ss:$0x1] =	vst.idx.msk $0xffff, v12;
	(pc) =	sbr.rel @p1 .LBB2_23-.Ltmp10, $4  }
0x11d: {  	v10 =	vadd.f32 v10, v2;
	v12 =	vld.idx.msk [tilespmem:v0+s9+$0xFFFFFF80 ss:$0x1], $0xffff;
	[tilespmem:v0+s7+$0x0 ss:$0x1] =	vst.idx.msk $0xffff, v11  }
0x11e: {  	v16 =	vadd.f32 v16, v1;
	v11 =	vld.idx.msk [tilespmem:v0+s9+$0x0 ss:$0x1], $0xffff;
	[tilespmem:v0+s7+$0x80 ss:$0x1] =	vst.idx.msk $0xffff, v9  }
0x11f: {  	v9 =	vld.idx.msk [tilespmem:v0+s9+$0x80 ss:$0x1], $0xffff;
	[tilespmem:v0+s7+$0x100 ss:$0x1] =	vst.idx.msk $0xffff, v10  }
0x120: {  	s8 =	sadd.s32 $0x1000, s8;
	v15 =	vadd.f32 v15, v8;
	v10 =	vld.idx.msk [tilespmem:v0+s9+$0x100 ss:$0x1], $0xffff;
	[tilespmem:v0+s7+$0x180 ss:$0x1] =	vst.idx.msk $0xffff, v16;
	s7 =	smov.u32 s9  }
0x121: {  	_ =	sdelay $0x2  }
0x122: {  	v7 =	vadd.f32 v14, v7  }
0x123: {  	v8 =	vld.idx.msk [tilespmem:v0+s7+$0x180 ss:$0x1], $0xffff;
	v6 =	vadd.f32 v13, v6;
	[tilespmem:v0+s7+$0xFFFFFE00 ss:$0x1] =	vst.idx.msk $0xffff, v15  }
0x124: {  	s24 =	sadd.s32 $0x1, s24;
	v4 =	vadd.f32 v12, v4;
	[tilespmem:v0+s7+$0xFFFFFE80 ss:$0x1] =	vst.idx.msk $0xffff, v7  }
0x125: {  	p1 =	sne.s32 s24, $0x8;
	[tilespmem:v0+s7+$0xFFFFFF00 ss:$0x1] =	vst.idx.msk $0xffff, v6;
	v5 =	vadd.f32 v11, v5  }
.Ltmp11:
0x126: {  	[tilespmem:v0+s7+$0xFFFFFF80 ss:$0x1] =	vst.idx.msk $0xffff, v4;
	v3 =	vadd.f32 v9, v3;
	(pc) =	sbr.rel @p1 .LBB2_22-.Ltmp11, $4  }
0x127: {  	[tilespmem:v0+s7+$0x0 ss:$0x1] =	vst.idx.msk $0xffff, v5;
	v2 =	vadd.f32 v10, v2  }
0x128: {  	[tilespmem:v0+s7+$0x80 ss:$0x1] =	vst.idx.msk $0xffff, v3;
	v1 =	vadd.f32 v8, v1  }
0x129: {  	[tilespmem:v0+s7+$0x100 ss:$0x1] =	vst.idx.msk $0xffff, v2  }
0x12a: {  	s6 =	sadd.s32 $0x10, s6;
	[tilespmem:v0+s7+$0x180 ss:$0x1] =	vst.idx.msk $0xffff, v1  }
0x12b: {  	s24 =	simm.s32 $0x0  }
0x12c: {  	[hbm4b:s11+s24] =	stream.linear.scatter [tilespmem:s0], [sflag:$0x4], $0x8000, $0x38;
	[tilespmem:$0x13340] =	vst v63  }
0x12d: {  	_ =	swait.ge [sflag:s30], $0x8000  }
0x12e: {  	[sflag:s30] =	ssyncset.done $0x0  }
0x12f: {  	[sflag:s30] =	ssyncadd.s32 $0xFFFF8000  }
0x130: {  	_ =	swait.ge [sflag:s31], $0x8000  }
0x131: {  	[sflag:s31] =	ssyncset.done $0x0  }
0x132: {  	s6 =	simm.s32 $0x2640;
	[sflag:s31] =	ssyncadd.s32 $0xFFFF8000  }
0x133: {  	[tilespmem:s0], [sflag:$0x2] =	stream.indirect.gather [spmem:s3], $0x80, s6, s28, $0xb8;
	[tilespmem:$0x13340] =	vst v63  }
0x134: {  	s6 =	simm.s32 $0x3140  }
.LBB2_26:
0x135: {  	s7 =	sshll.u32 s24, $0x4  }
0x136: {  	v8 =	vld [tilespmem:s7+$0x12F40]  }
0x137: {  	v7 =	vld [tilespmem:s7+$0x12FC0]  }
0x138: {  	v6 =	vld [tilespmem:s7+$0x13040]  }
0x139: {  	v0 =	vmov s6;
	v4 =	vld [tilespmem:s7+$0x130C0]  }
0x13a: {  	v5 =	vld [tilespmem:s7+$0x13140]  }
0x13b: {  	v3 =	vld [tilespmem:s7+$0x131C0]  }
0x13c: {  	v2 =	vld [tilespmem:s7+$0x13240]  }
0x13d: {  	v1 =	vld [tilespmem:s7+$0x132C0];
	s7 =	simm.s32 $0x0  }
0x13e: {  	v10 =	vld.idx.msk [tilespmem:v0+s7+$0xFFFFFE00 ss:$0x1], $0xffff  }
0x13f: {  	v14 =	vld.idx.msk [tilespmem:v0+s7+$0xFFFFFE80 ss:$0x1], $0xffff  }
0x140: {  	v13 =	vld.idx.msk [tilespmem:v0+s7+$0xFFFFFF00 ss:$0x1], $0xffff  }
0x141: {  	v12 =	vld.idx.msk [tilespmem:v0+s7+$0xFFFFFF80 ss:$0x1], $0xffff  }
0x142: {  	v11 =	vld.idx.msk [tilespmem:v0+s7+$0x0 ss:$0x1], $0xffff  }
0x143: {  	v9 =	vld.idx.msk [tilespmem:v0+s7+$0x80 ss:$0x1], $0xffff  }
0x144: {  	s8 =	simm.s32 $0x1000;
	v15 =	vadd.f32 v10, v8;
	v10 =	vld.idx.msk [tilespmem:v0+s7+$0x100 ss:$0x1], $0xffff  }
.LBB2_27:
0x145: {  	p1 =	sne.s32 s8, $0x1F000;
	v14 =	vadd.f32 v14, v7;
	v16 =	vld.idx.msk [tilespmem:v0+s7+$0x180 ss:$0x1], $0xffff  }
0x146: {  	s9 =	sshra.s32 s8, $0x2;
	v13 =	vadd.f32 v13, v6;
	[tilespmem:v0+s7+$0xFFFFFE00 ss:$0x1] =	vst.idx.msk $0xffff, v15  }
0x147: {  	v12 =	vadd.f32 v12, v4;
	v15 =	vld.idx.msk [tilespmem:v0+s9+$0xFFFFFE00 ss:$0x1], $0xffff;
	[tilespmem:v0+s7+$0xFFFFFE80 ss:$0x1] =	vst.idx.msk $0xffff, v14  }
0x148: {  	v11 =	vadd.f32 v11, v5;
	v14 =	vld.idx.msk [tilespmem:v0+s9+$0xFFFFFE80 ss:$0x1], $0xffff;
	[tilespmem:v0+s7+$0xFFFFFF00 ss:$0x1] =	vst.idx.msk $0xffff, v13  }
.Ltmp12:
0x149: {  	v9 =	vadd.f32 v9, v3;
	v13 =	vld.idx.msk [tilespmem:v0+s9+$0xFFFFFF00 ss:$0x1], $0xffff;
	[tilespmem:v0+s7+$0xFFFFFF80 ss:$0x1] =	vst.idx.msk $0xffff, v12;
	(pc) =	sbr.rel @p1 .LBB2_27-.Ltmp12, $4  }
0x14a: {  	v10 =	vadd.f32 v10, v2;
	v12 =	vld.idx.msk [tilespmem:v0+s9+$0xFFFFFF80 ss:$0x1], $0xffff;
	[tilespmem:v0+s7+$0x0 ss:$0x1] =	vst.idx.msk $0xffff, v11  }
0x14b: {  	v16 =	vadd.f32 v16, v1;
	v11 =	vld.idx.msk [tilespmem:v0+s9+$0x0 ss:$0x1], $0xffff;
	[tilespmem:v0+s7+$0x80 ss:$0x1] =	vst.idx.msk $0xffff, v9  }
0x14c: {  	v9 =	vld.idx.msk [tilespmem:v0+s9+$0x80 ss:$0x1], $0xffff;
	[tilespmem:v0+s7+$0x100 ss:$0x1] =	vst.idx.msk $0xffff, v10  }
0x14d: {  	s8 =	sadd.s32 $0x1000, s8;
	v15 =	vadd.f32 v15, v8;
	v10 =	vld.idx.msk [tilespmem:v0+s9+$0x100 ss:$0x1], $0xffff;
	[tilespmem:v0+s7+$0x180 ss:$0x1] =	vst.idx.msk $0xffff, v16;
	s7 =	smov.u32 s9  }
0x14e: {  	_ =	sdelay $0x2  }
0x14f: {  	v7 =	vadd.f32 v14, v7  }
0x150: {  	v8 =	vld.idx.msk [tilespmem:v0+s7+$0x180 ss:$0x1], $0xffff;
	v6 =	vadd.f32 v13, v6;
	[tilespmem:v0+s7+$0xFFFFFE00 ss:$0x1] =	vst.idx.msk $0xffff, v15  }
0x151: {  	s24 =	sadd.s32 $0x1, s24;
	v4 =	vadd.f32 v12, v4;
	[tilespmem:v0+s7+$0xFFFFFE80 ss:$0x1] =	vst.idx.msk $0xffff, v7  }
0x152: {  	p1 =	sne.s32 s24, $0x8;
	[tilespmem:v0+s7+$0xFFFFFF00 ss:$0x1] =	vst.idx.msk $0xffff, v6;
	v5 =	vadd.f32 v11, v5  }
.Ltmp13:
0x153: {  	[tilespmem:v0+s7+$0xFFFFFF80 ss:$0x1] =	vst.idx.msk $0xffff, v4;
	v3 =	vadd.f32 v9, v3;
	(pc) =	sbr.rel @p1 .LBB2_26-.Ltmp13, $4  }
0x154: {  	[tilespmem:v0+s7+$0x0 ss:$0x1] =	vst.idx.msk $0xffff, v5;
	v2 =	vadd.f32 v10, v2  }
0x155: {  	[tilespmem:v0+s7+$0x80 ss:$0x1] =	vst.idx.msk $0xffff, v3;
	v1 =	vadd.f32 v8, v1  }
0x156: {  	[tilespmem:v0+s7+$0x100 ss:$0x1] =	vst.idx.msk $0xffff, v2  }
0x157: {  	s6 =	sadd.s32 $0x10, s6;
	[tilespmem:v0+s7+$0x180 ss:$0x1] =	vst.idx.msk $0xffff, v1  }
0x158: {  	s24 =	simm.s32 $0x0  }
0x159: {  	[hbm4b:s12+s24] =	stream.linear.scatter [tilespmem:s29], [sflag:$0x3], $0x8000, $0x38;
	[tilespmem:$0x13340] =	vst v63  }
0x15a: {  	_ =	swait.ge [sflag:s1], $0x8000  }
0x15b: {  	[sflag:s1] =	ssyncset.done $0x0  }
0x15c: {  	[sflag:s1] =	ssyncadd.s32 $0xFFFF8000  }
0x15d: {  	_ =	swait.ge [sflag:s2], $0x8000  }
0x15e: {  	[sflag:s2] =	ssyncset.done $0x0  }
0x15f: {  	s6 =	simm.s32 $0x2740;
	[sflag:s2] =	ssyncadd.s32 $0xFFFF8000  }
0x160: {  	[tilespmem:s29], [sflag:$0x1] =	stream.indirect.gather [spmem:s3], $0x80, s6, s28, $0xb8;
	[tilespmem:$0x13340] =	vst v63  }
0x161: {  	s6 =	simm.s32 $0xB140  }
.LBB2_30:
0x162: {  	s7 =	sshll.u32 s24, $0x4  }
0x163: {  	v8 =	vld [tilespmem:s7+$0x12F40]  }
0x164: {  	v7 =	vld [tilespmem:s7+$0x12FC0]  }
0x165: {  	v6 =	vld [tilespmem:s7+$0x13040]  }
0x166: {  	v0 =	vmov s6;
	v4 =	vld [tilespmem:s7+$0x130C0]  }
0x167: {  	v5 =	vld [tilespmem:s7+$0x13140]  }
0x168: {  	v3 =	vld [tilespmem:s7+$0x131C0]  }
0x169: {  	v2 =	vld [tilespmem:s7+$0x13240]  }
0x16a: {  	v1 =	vld [tilespmem:s7+$0x132C0];
	s7 =	simm.s32 $0x0  }
0x16b: {  	v10 =	vld.idx.msk [tilespmem:v0+s7+$0xFFFFFE00 ss:$0x1], $0xffff  }
0x16c: {  	v14 =	vld.idx.msk [tilespmem:v0+s7+$0xFFFFFE80 ss:$0x1], $0xffff  }
0x16d: {  	v13 =	vld.idx.msk [tilespmem:v0+s7+$0xFFFFFF00 ss:$0x1], $0xffff  }
0x16e: {  	v12 =	vld.idx.msk [tilespmem:v0+s7+$0xFFFFFF80 ss:$0x1], $0xffff  }
0x16f: {  	v11 =	vld.idx.msk [tilespmem:v0+s7+$0x0 ss:$0x1], $0xffff  }
0x170: {  	v9 =	vld.idx.msk [tilespmem:v0+s7+$0x80 ss:$0x1], $0xffff  }
0x171: {  	s8 =	simm.s32 $0x1000;
	v15 =	vadd.f32 v10, v8;
	v10 =	vld.idx.msk [tilespmem:v0+s7+$0x100 ss:$0x1], $0xffff  }
.LBB2_31:
0x172: {  	p1 =	sne.s32 s8, $0x1F000;
	v14 =	vadd.f32 v14, v7;
	v16 =	vld.idx.msk [tilespmem:v0+s7+$0x180 ss:$0x1], $0xffff  }
0x173: {  	s9 =	sshra.s32 s8, $0x2;
	v13 =	vadd.f32 v13, v6;
	[tilespmem:v0+s7+$0xFFFFFE00 ss:$0x1] =	vst.idx.msk $0xffff, v15  }
0x174: {  	v12 =	vadd.f32 v12, v4;
	v15 =	vld.idx.msk [tilespmem:v0+s9+$0xFFFFFE00 ss:$0x1], $0xffff;
	[tilespmem:v0+s7+$0xFFFFFE80 ss:$0x1] =	vst.idx.msk $0xffff, v14  }
0x175: {  	v11 =	vadd.f32 v11, v5;
	v14 =	vld.idx.msk [tilespmem:v0+s9+$0xFFFFFE80 ss:$0x1], $0xffff;
	[tilespmem:v0+s7+$0xFFFFFF00 ss:$0x1] =	vst.idx.msk $0xffff, v13  }
.Ltmp14:
0x176: {  	v9 =	vadd.f32 v9, v3;
	v13 =	vld.idx.msk [tilespmem:v0+s9+$0xFFFFFF00 ss:$0x1], $0xffff;
	[tilespmem:v0+s7+$0xFFFFFF80 ss:$0x1] =	vst.idx.msk $0xffff, v12;
	(pc) =	sbr.rel @p1 .LBB2_31-.Ltmp14, $4  }
0x177: {  	v10 =	vadd.f32 v10, v2;
	v12 =	vld.idx.msk [tilespmem:v0+s9+$0xFFFFFF80 ss:$0x1], $0xffff;
	[tilespmem:v0+s7+$0x0 ss:$0x1] =	vst.idx.msk $0xffff, v11  }
0x178: {  	v16 =	vadd.f32 v16, v1;
	v11 =	vld.idx.msk [tilespmem:v0+s9+$0x0 ss:$0x1], $0xffff;
	[tilespmem:v0+s7+$0x80 ss:$0x1] =	vst.idx.msk $0xffff, v9  }
0x179: {  	v9 =	vld.idx.msk [tilespmem:v0+s9+$0x80 ss:$0x1], $0xffff;
	[tilespmem:v0+s7+$0x100 ss:$0x1] =	vst.idx.msk $0xffff, v10  }
0x17a: {  	s8 =	sadd.s32 $0x1000, s8;
	v15 =	vadd.f32 v15, v8;
	v10 =	vld.idx.msk [tilespmem:v0+s9+$0x100 ss:$0x1], $0xffff;
	[tilespmem:v0+s7+$0x180 ss:$0x1] =	vst.idx.msk $0xffff, v16;
	s7 =	smov.u32 s9  }
0x17b: {  	_ =	sdelay $0x2  }
0x17c: {  	v7 =	vadd.f32 v14, v7  }
0x17d: {  	v8 =	vld.idx.msk [tilespmem:v0+s7+$0x180 ss:$0x1], $0xffff;
	v6 =	vadd.f32 v13, v6;
	[tilespmem:v0+s7+$0xFFFFFE00 ss:$0x1] =	vst.idx.msk $0xffff, v15  }
0x17e: {  	s24 =	sadd.s32 $0x1, s24;
	v4 =	vadd.f32 v12, v4;
	[tilespmem:v0+s7+$0xFFFFFE80 ss:$0x1] =	vst.idx.msk $0xffff, v7  }
0x17f: {  	p1 =	sne.s32 s24, $0x8;
	[tilespmem:v0+s7+$0xFFFFFF00 ss:$0x1] =	vst.idx.msk $0xffff, v6;
	v5 =	vadd.f32 v11, v5  }
.Ltmp15:
0x180: {  	[tilespmem:v0+s7+$0xFFFFFF80 ss:$0x1] =	vst.idx.msk $0xffff, v4;
	v3 =	vadd.f32 v9, v3;
	(pc) =	sbr.rel @p1 .LBB2_30-.Ltmp15, $4  }
0x181: {  	[tilespmem:v0+s7+$0x0 ss:$0x1] =	vst.idx.msk $0xffff, v5;
	v2 =	vadd.f32 v10, v2  }
0x182: {  	[tilespmem:v0+s7+$0x80 ss:$0x1] =	vst.idx.msk $0xffff, v3;
	v1 =	vadd.f32 v8, v1  }
0x183: {  	[tilespmem:v0+s7+$0x100 ss:$0x1] =	vst.idx.msk $0xffff, v2  }
0x184: {  	s6 =	sadd.s32 $0x10, s6;
	[tilespmem:v0+s7+$0x180 ss:$0x1] =	vst.idx.msk $0xffff, v1  }
0x185: {  	s24 =	simm.s32 $0x0  }
0x186: {  	[hbm4b:s13+s24] =	stream.linear.scatter [tilespmem:s0], [sflag:$0x4], $0x8000, $0x38;
	[tilespmem:$0x13340] =	vst v63  }
0x187: {  	_ =	swait.ge [sflag:s30], $0x8000  }
0x188: {  	[sflag:s30] =	ssyncset.done $0x0  }
0x189: {  	[sflag:s30] =	ssyncadd.s32 $0xFFFF8000  }
0x18a: {  	_ =	swait.ge [sflag:s31], $0x8000  }
0x18b: {  	[sflag:s31] =	ssyncset.done $0x0  }
0x18c: {  	s6 =	simm.s32 $0x2840;
	[sflag:s31] =	ssyncadd.s32 $0xFFFF8000  }
0x18d: {  	[tilespmem:s0], [sflag:$0x2] =	stream.indirect.gather [spmem:s3], $0x80, s6, s28, $0xb8;
	[tilespmem:$0x13340] =	vst v63  }
0x18e: {  	s6 =	simm.s32 $0x3140  }
.LBB2_34:
0x18f: {  	s7 =	sshll.u32 s24, $0x4  }
0x190: {  	v8 =	vld [tilespmem:s7+$0x12F40]  }
0x191: {  	v7 =	vld [tilespmem:s7+$0x12FC0]  }
0x192: {  	v6 =	vld [tilespmem:s7+$0x13040]  }
0x193: {  	v0 =	vmov s6;
	v4 =	vld [tilespmem:s7+$0x130C0]  }
0x194: {  	v5 =	vld [tilespmem:s7+$0x13140]  }
0x195: {  	v3 =	vld [tilespmem:s7+$0x131C0]  }
0x196: {  	v2 =	vld [tilespmem:s7+$0x13240]  }
0x197: {  	v1 =	vld [tilespmem:s7+$0x132C0];
	s7 =	simm.s32 $0x0  }
0x198: {  	v10 =	vld.idx.msk [tilespmem:v0+s7+$0xFFFFFE00 ss:$0x1], $0xffff  }
0x199: {  	v14 =	vld.idx.msk [tilespmem:v0+s7+$0xFFFFFE80 ss:$0x1], $0xffff  }
0x19a: {  	v13 =	vld.idx.msk [tilespmem:v0+s7+$0xFFFFFF00 ss:$0x1], $0xffff  }
0x19b: {  	v12 =	vld.idx.msk [tilespmem:v0+s7+$0xFFFFFF80 ss:$0x1], $0xffff  }
0x19c: {  	v11 =	vld.idx.msk [tilespmem:v0+s7+$0x0 ss:$0x1], $0xffff  }
0x19d: {  	v9 =	vld.idx.msk [tilespmem:v0+s7+$0x80 ss:$0x1], $0xffff  }
0x19e: {  	s8 =	simm.s32 $0x1000;
	v15 =	vadd.f32 v10, v8;
	v10 =	vld.idx.msk [tilespmem:v0+s7+$0x100 ss:$0x1], $0xffff  }
.LBB2_35:
0x19f: {  	p1 =	sne.s32 s8, $0x1F000;
	v14 =	vadd.f32 v14, v7;
	v16 =	vld.idx.msk [tilespmem:v0+s7+$0x180 ss:$0x1], $0xffff  }
0x1a0: {  	s9 =	sshra.s32 s8, $0x2;
	v13 =	vadd.f32 v13, v6;
	[tilespmem:v0+s7+$0xFFFFFE00 ss:$0x1] =	vst.idx.msk $0xffff, v15  }
0x1a1: {  	v12 =	vadd.f32 v12, v4;
	v15 =	vld.idx.msk [tilespmem:v0+s9+$0xFFFFFE00 ss:$0x1], $0xffff;
	[tilespmem:v0+s7+$0xFFFFFE80 ss:$0x1] =	vst.idx.msk $0xffff, v14  }
0x1a2: {  	v11 =	vadd.f32 v11, v5;
	v14 =	vld.idx.msk [tilespmem:v0+s9+$0xFFFFFE80 ss:$0x1], $0xffff;
	[tilespmem:v0+s7+$0xFFFFFF00 ss:$0x1] =	vst.idx.msk $0xffff, v13  }
.Ltmp16:
0x1a3: {  	v9 =	vadd.f32 v9, v3;
	v13 =	vld.idx.msk [tilespmem:v0+s9+$0xFFFFFF00 ss:$0x1], $0xffff;
	[tilespmem:v0+s7+$0xFFFFFF80 ss:$0x1] =	vst.idx.msk $0xffff, v12;
	(pc) =	sbr.rel @p1 .LBB2_35-.Ltmp16, $4  }
0x1a4: {  	v10 =	vadd.f32 v10, v2;
	v12 =	vld.idx.msk [tilespmem:v0+s9+$0xFFFFFF80 ss:$0x1], $0xffff;
	[tilespmem:v0+s7+$0x0 ss:$0x1] =	vst.idx.msk $0xffff, v11  }
0x1a5: {  	v16 =	vadd.f32 v16, v1;
	v11 =	vld.idx.msk [tilespmem:v0+s9+$0x0 ss:$0x1], $0xffff;
	[tilespmem:v0+s7+$0x80 ss:$0x1] =	vst.idx.msk $0xffff, v9  }
0x1a6: {  	v9 =	vld.idx.msk [tilespmem:v0+s9+$0x80 ss:$0x1], $0xffff;
	[tilespmem:v0+s7+$0x100 ss:$0x1] =	vst.idx.msk $0xffff, v10  }
0x1a7: {  	s8 =	sadd.s32 $0x1000, s8;
	v15 =	vadd.f32 v15, v8;
	v10 =	vld.idx.msk [tilespmem:v0+s9+$0x100 ss:$0x1], $0xffff;
	[tilespmem:v0+s7+$0x180 ss:$0x1] =	vst.idx.msk $0xffff, v16;
	s7 =	smov.u32 s9  }
0x1a8: {  	_ =	sdelay $0x2  }
0x1a9: {  	v7 =	vadd.f32 v14, v7  }
0x1aa: {  	v8 =	vld.idx.msk [tilespmem:v0+s7+$0x180 ss:$0x1], $0xffff;
	v6 =	vadd.f32 v13, v6;
	[tilespmem:v0+s7+$0xFFFFFE00 ss:$0x1] =	vst.idx.msk $0xffff, v15  }
0x1ab: {  	s24 =	sadd.s32 $0x1, s24;
	v4 =	vadd.f32 v12, v4;
	[tilespmem:v0+s7+$0xFFFFFE80 ss:$0x1] =	vst.idx.msk $0xffff, v7  }
0x1ac: {  	p1 =	sne.s32 s24, $0x8;
	[tilespmem:v0+s7+$0xFFFFFF00 ss:$0x1] =	vst.idx.msk $0xffff, v6;
	v5 =	vadd.f32 v11, v5  }
.Ltmp17:
0x1ad: {  	[tilespmem:v0+s7+$0xFFFFFF80 ss:$0x1] =	vst.idx.msk $0xffff, v4;
	v3 =	vadd.f32 v9, v3;
	(pc) =	sbr.rel @p1 .LBB2_34-.Ltmp17, $4  }
0x1ae: {  	[tilespmem:v0+s7+$0x0 ss:$0x1] =	vst.idx.msk $0xffff, v5;
	v2 =	vadd.f32 v10, v2  }
0x1af: {  	[tilespmem:v0+s7+$0x80 ss:$0x1] =	vst.idx.msk $0xffff, v3;
	v1 =	vadd.f32 v8, v1  }
0x1b0: {  	[tilespmem:v0+s7+$0x100 ss:$0x1] =	vst.idx.msk $0xffff, v2  }
0x1b1: {  	s6 =	sadd.s32 $0x10, s6;
	[tilespmem:v0+s7+$0x180 ss:$0x1] =	vst.idx.msk $0xffff, v1  }
0x1b2: {  	s24 =	simm.s32 $0x0  }
0x1b3: {  	[hbm4b:s14+s24] =	stream.linear.scatter [tilespmem:s29], [sflag:$0x3], $0x8000, $0x38;
	[tilespmem:$0x13340] =	vst v63  }
0x1b4: {  	_ =	swait.ge [sflag:s1], $0x8000  }
0x1b5: {  	[sflag:s1] =	ssyncset.done $0x0  }
0x1b6: {  	[sflag:s1] =	ssyncadd.s32 $0xFFFF8000  }
0x1b7: {  	_ =	swait.ge [sflag:s2], $0x8000  }
0x1b8: {  	[sflag:s2] =	ssyncset.done $0x0  }
0x1b9: {  	s6 =	simm.s32 $0x2940;
	[sflag:s2] =	ssyncadd.s32 $0xFFFF8000  }
0x1ba: {  	[tilespmem:s29], [sflag:$0x1] =	stream.indirect.gather [spmem:s3], $0x80, s6, s28, $0xb8;
	[tilespmem:$0x13340] =	vst v63  }
0x1bb: {  	s6 =	simm.s32 $0xB140  }
.LBB2_38:
0x1bc: {  	s7 =	sshll.u32 s24, $0x4  }
0x1bd: {  	v8 =	vld [tilespmem:s7+$0x12F40]  }
0x1be: {  	v7 =	vld [tilespmem:s7+$0x12FC0]  }
0x1bf: {  	v6 =	vld [tilespmem:s7+$0x13040]  }
0x1c0: {  	v0 =	vmov s6;
	v4 =	vld [tilespmem:s7+$0x130C0]  }
0x1c1: {  	v5 =	vld [tilespmem:s7+$0x13140]  }
0x1c2: {  	v3 =	vld [tilespmem:s7+$0x131C0]  }
0x1c3: {  	v2 =	vld [tilespmem:s7+$0x13240]  }
0x1c4: {  	v1 =	vld [tilespmem:s7+$0x132C0];
	s7 =	simm.s32 $0x0  }
0x1c5: {  	v10 =	vld.idx.msk [tilespmem:v0+s7+$0xFFFFFE00 ss:$0x1], $0xffff  }
0x1c6: {  	v14 =	vld.idx.msk [tilespmem:v0+s7+$0xFFFFFE80 ss:$0x1], $0xffff  }
0x1c7: {  	v13 =	vld.idx.msk [tilespmem:v0+s7+$0xFFFFFF00 ss:$0x1], $0xffff  }
0x1c8: {  	v12 =	vld.idx.msk [tilespmem:v0+s7+$0xFFFFFF80 ss:$0x1], $0xffff  }
0x1c9: {  	v11 =	vld.idx.msk [tilespmem:v0+s7+$0x0 ss:$0x1], $0xffff  }
0x1ca: {  	v9 =	vld.idx.msk [tilespmem:v0+s7+$0x80 ss:$0x1], $0xffff  }
0x1cb: {  	s8 =	simm.s32 $0x1000;
	v15 =	vadd.f32 v10, v8;
	v10 =	vld.idx.msk [tilespmem:v0+s7+$0x100 ss:$0x1], $0xffff  }
.LBB2_39:
0x1cc: {  	p1 =	sne.s32 s8, $0x1F000;
	v14 =	vadd.f32 v14, v7;
	v16 =	vld.idx.msk [tilespmem:v0+s7+$0x180 ss:$0x1], $0xffff  }
0x1cd: {  	s9 =	sshra.s32 s8, $0x2;
	v13 =	vadd.f32 v13, v6;
	[tilespmem:v0+s7+$0xFFFFFE00 ss:$0x1] =	vst.idx.msk $0xffff, v15  }
0x1ce: {  	v12 =	vadd.f32 v12, v4;
	v15 =	vld.idx.msk [tilespmem:v0+s9+$0xFFFFFE00 ss:$0x1], $0xffff;
	[tilespmem:v0+s7+$0xFFFFFE80 ss:$0x1] =	vst.idx.msk $0xffff, v14  }
0x1cf: {  	v11 =	vadd.f32 v11, v5;
	v14 =	vld.idx.msk [tilespmem:v0+s9+$0xFFFFFE80 ss:$0x1], $0xffff;
	[tilespmem:v0+s7+$0xFFFFFF00 ss:$0x1] =	vst.idx.msk $0xffff, v13  }
.Ltmp18:
0x1d0: {  	v9 =	vadd.f32 v9, v3;
	v13 =	vld.idx.msk [tilespmem:v0+s9+$0xFFFFFF00 ss:$0x1], $0xffff;
	[tilespmem:v0+s7+$0xFFFFFF80 ss:$0x1] =	vst.idx.msk $0xffff, v12;
	(pc) =	sbr.rel @p1 .LBB2_39-.Ltmp18, $4  }
0x1d1: {  	v10 =	vadd.f32 v10, v2;
	v12 =	vld.idx.msk [tilespmem:v0+s9+$0xFFFFFF80 ss:$0x1], $0xffff;
	[tilespmem:v0+s7+$0x0 ss:$0x1] =	vst.idx.msk $0xffff, v11  }
0x1d2: {  	v16 =	vadd.f32 v16, v1;
	v11 =	vld.idx.msk [tilespmem:v0+s9+$0x0 ss:$0x1], $0xffff;
	[tilespmem:v0+s7+$0x80 ss:$0x1] =	vst.idx.msk $0xffff, v9  }
0x1d3: {  	v9 =	vld.idx.msk [tilespmem:v0+s9+$0x80 ss:$0x1], $0xffff;
	[tilespmem:v0+s7+$0x100 ss:$0x1] =	vst.idx.msk $0xffff, v10  }
0x1d4: {  	s8 =	sadd.s32 $0x1000, s8;
	v15 =	vadd.f32 v15, v8;
	v10 =	vld.idx.msk [tilespmem:v0+s9+$0x100 ss:$0x1], $0xffff;
	[tilespmem:v0+s7+$0x180 ss:$0x1] =	vst.idx.msk $0xffff, v16;
	s7 =	smov.u32 s9  }
0x1d5: {  	_ =	sdelay $0x2  }
0x1d6: {  	v7 =	vadd.f32 v14, v7  }
0x1d7: {  	v8 =	vld.idx.msk [tilespmem:v0+s7+$0x180 ss:$0x1], $0xffff;
	v6 =	vadd.f32 v13, v6;
	[tilespmem:v0+s7+$0xFFFFFE00 ss:$0x1] =	vst.idx.msk $0xffff, v15  }
0x1d8: {  	s24 =	sadd.s32 $0x1, s24;
	v4 =	vadd.f32 v12, v4;
	[tilespmem:v0+s7+$0xFFFFFE80 ss:$0x1] =	vst.idx.msk $0xffff, v7  }
0x1d9: {  	p1 =	sne.s32 s24, $0x8;
	[tilespmem:v0+s7+$0xFFFFFF00 ss:$0x1] =	vst.idx.msk $0xffff, v6;
	v5 =	vadd.f32 v11, v5  }
.Ltmp19:
0x1da: {  	[tilespmem:v0+s7+$0xFFFFFF80 ss:$0x1] =	vst.idx.msk $0xffff, v4;
	v3 =	vadd.f32 v9, v3;
	(pc) =	sbr.rel @p1 .LBB2_38-.Ltmp19, $4  }
0x1db: {  	[tilespmem:v0+s7+$0x0 ss:$0x1] =	vst.idx.msk $0xffff, v5;
	v2 =	vadd.f32 v10, v2  }
0x1dc: {  	[tilespmem:v0+s7+$0x80 ss:$0x1] =	vst.idx.msk $0xffff, v3;
	v1 =	vadd.f32 v8, v1  }
0x1dd: {  	[tilespmem:v0+s7+$0x100 ss:$0x1] =	vst.idx.msk $0xffff, v2  }
0x1de: {  	s6 =	sadd.s32 $0x10, s6;
	[tilespmem:v0+s7+$0x180 ss:$0x1] =	vst.idx.msk $0xffff, v1  }
0x1df: {  	s24 =	simm.s32 $0x0  }
0x1e0: {  	[hbm4b:s15+s24] =	stream.linear.scatter [tilespmem:s0], [sflag:$0x4], $0x8000, $0x38;
	[tilespmem:$0x13340] =	vst v63  }
0x1e1: {  	_ =	swait.ge [sflag:s30], $0x8000  }
0x1e2: {  	[sflag:s30] =	ssyncset.done $0x0  }
0x1e3: {  	[sflag:s30] =	ssyncadd.s32 $0xFFFF8000  }
0x1e4: {  	_ =	swait.ge [sflag:s31], $0x8000  }
0x1e5: {  	[sflag:s31] =	ssyncset.done $0x0  }
0x1e6: {  	s6 =	simm.s32 $0x2A40;
	[sflag:s31] =	ssyncadd.s32 $0xFFFF8000  }
0x1e7: {  	[tilespmem:s0], [sflag:$0x2] =	stream.indirect.gather [spmem:s3], $0x80, s6, s28, $0xb8;
	[tilespmem:$0x13340] =	vst v63  }
0x1e8: {  	s6 =	simm.s32 $0x3140  }
.LBB2_42:
0x1e9: {  	s7 =	sshll.u32 s24, $0x4  }
0x1ea: {  	v8 =	vld [tilespmem:s7+$0x12F40]  }
0x1eb: {  	v7 =	vld [tilespmem:s7+$0x12FC0]  }
0x1ec: {  	v6 =	vld [tilespmem:s7+$0x13040]  }
0x1ed: {  	v0 =	vmov s6;
	v4 =	vld [tilespmem:s7+$0x130C0]  }
0x1ee: {  	v5 =	vld [tilespmem:s7+$0x13140]  }
0x1ef: {  	v3 =	vld [tilespmem:s7+$0x131C0]  }
0x1f0: {  	v2 =	vld [tilespmem:s7+$0x13240]  }
0x1f1: {  	v1 =	vld [tilespmem:s7+$0x132C0];
	s7 =	simm.s32 $0x0  }
0x1f2: {  	v10 =	vld.idx.msk [tilespmem:v0+s7+$0xFFFFFE00 ss:$0x1], $0xffff  }
0x1f3: {  	v14 =	vld.idx.msk [tilespmem:v0+s7+$0xFFFFFE80 ss:$0x1], $0xffff  }
0x1f4: {  	v13 =	vld.idx.msk [tilespmem:v0+s7+$0xFFFFFF00 ss:$0x1], $0xffff  }
0x1f5: {  	v12 =	vld.idx.msk [tilespmem:v0+s7+$0xFFFFFF80 ss:$0x1], $0xffff  }
0x1f6: {  	v11 =	vld.idx.msk [tilespmem:v0+s7+$0x0 ss:$0x1], $0xffff  }
0x1f7: {  	v9 =	vld.idx.msk [tilespmem:v0+s7+$0x80 ss:$0x1], $0xffff  }
0x1f8: {  	s8 =	simm.s32 $0x1000;
	v15 =	vadd.f32 v10, v8;
	v10 =	vld.idx.msk [tilespmem:v0+s7+$0x100 ss:$0x1], $0xffff  }
.LBB2_43:
0x1f9: {  	p1 =	sne.s32 s8, $0x1F000;
	v14 =	vadd.f32 v14, v7;
	v16 =	vld.idx.msk [tilespmem:v0+s7+$0x180 ss:$0x1], $0xffff  }
0x1fa: {  	s9 =	sshra.s32 s8, $0x2;
	v13 =	vadd.f32 v13, v6;
	[tilespmem:v0+s7+$0xFFFFFE00 ss:$0x1] =	vst.idx.msk $0xffff, v15  }
0x1fb: {  	v12 =	vadd.f32 v12, v4;
	v15 =	vld.idx.msk [tilespmem:v0+s9+$0xFFFFFE00 ss:$0x1], $0xffff;
	[tilespmem:v0+s7+$0xFFFFFE80 ss:$0x1] =	vst.idx.msk $0xffff, v14  }
0x1fc: {  	v11 =	vadd.f32 v11, v5;
	v14 =	vld.idx.msk [tilespmem:v0+s9+$0xFFFFFE80 ss:$0x1], $0xffff;
	[tilespmem:v0+s7+$0xFFFFFF00 ss:$0x1] =	vst.idx.msk $0xffff, v13  }
.Ltmp20:
0x1fd: {  	v9 =	vadd.f32 v9, v3;
	v13 =	vld.idx.msk [tilespmem:v0+s9+$0xFFFFFF00 ss:$0x1], $0xffff;
	[tilespmem:v0+s7+$0xFFFFFF80 ss:$0x1] =	vst.idx.msk $0xffff, v12;
	(pc) =	sbr.rel @p1 .LBB2_43-.Ltmp20, $4  }
0x1fe: {  	v10 =	vadd.f32 v10, v2;
	v12 =	vld.idx.msk [tilespmem:v0+s9+$0xFFFFFF80 ss:$0x1], $0xffff;
	[tilespmem:v0+s7+$0x0 ss:$0x1] =	vst.idx.msk $0xffff, v11  }
0x1ff: {  	v16 =	vadd.f32 v16, v1;
	v11 =	vld.idx.msk [tilespmem:v0+s9+$0x0 ss:$0x1], $0xffff;
	[tilespmem:v0+s7+$0x80 ss:$0x1] =	vst.idx.msk $0xffff, v9  }
0x200: {  	v9 =	vld.idx.msk [tilespmem:v0+s9+$0x80 ss:$0x1], $0xffff;
	[tilespmem:v0+s7+$0x100 ss:$0x1] =	vst.idx.msk $0xffff, v10  }
0x201: {  	s8 =	sadd.s32 $0x1000, s8;
	v15 =	vadd.f32 v15, v8;
	v10 =	vld.idx.msk [tilespmem:v0+s9+$0x100 ss:$0x1], $0xffff;
	[tilespmem:v0+s7+$0x180 ss:$0x1] =	vst.idx.msk $0xffff, v16;
	s7 =	smov.u32 s9  }
0x202: {  	_ =	sdelay $0x2  }
0x203: {  	v7 =	vadd.f32 v14, v7  }
0x204: {  	v8 =	vld.idx.msk [tilespmem:v0+s7+$0x180 ss:$0x1], $0xffff;
	v6 =	vadd.f32 v13, v6;
	[tilespmem:v0+s7+$0xFFFFFE00 ss:$0x1] =	vst.idx.msk $0xffff, v15  }
0x205: {  	s24 =	sadd.s32 $0x1, s24;
	v4 =	vadd.f32 v12, v4;
	[tilespmem:v0+s7+$0xFFFFFE80 ss:$0x1] =	vst.idx.msk $0xffff, v7  }
0x206: {  	p1 =	sne.s32 s24, $0x8;
	[tilespmem:v0+s7+$0xFFFFFF00 ss:$0x1] =	vst.idx.msk $0xffff, v6;
	v5 =	vadd.f32 v11, v5  }
.Ltmp21:
0x207: {  	[tilespmem:v0+s7+$0xFFFFFF80 ss:$0x1] =	vst.idx.msk $0xffff, v4;
	v3 =	vadd.f32 v9, v3;
	(pc) =	sbr.rel @p1 .LBB2_42-.Ltmp21, $4  }
0x208: {  	[tilespmem:v0+s7+$0x0 ss:$0x1] =	vst.idx.msk $0xffff, v5;
	v2 =	vadd.f32 v10, v2  }
0x209: {  	[tilespmem:v0+s7+$0x80 ss:$0x1] =	vst.idx.msk $0xffff, v3;
	v1 =	vadd.f32 v8, v1  }
0x20a: {  	[tilespmem:v0+s7+$0x100 ss:$0x1] =	vst.idx.msk $0xffff, v2  }
0x20b: {  	s6 =	sadd.s32 $0x10, s6;
	[tilespmem:v0+s7+$0x180 ss:$0x1] =	vst.idx.msk $0xffff, v1  }
0x20c: {  	s24 =	simm.s32 $0x0  }
0x20d: {  	[hbm4b:s16+s24] =	stream.linear.scatter [tilespmem:s29], [sflag:$0x3], $0x8000, $0x38;
	[tilespmem:$0x13340] =	vst v63  }
0x20e: {  	_ =	swait.ge [sflag:s1], $0x8000  }
0x20f: {  	[sflag:s1] =	ssyncset.done $0x0  }
0x210: {  	[sflag:s1] =	ssyncadd.s32 $0xFFFF8000  }
0x211: {  	_ =	swait.ge [sflag:s2], $0x8000  }
0x212: {  	[sflag:s2] =	ssyncset.done $0x0  }
0x213: {  	s6 =	simm.s32 $0x2B40;
	[sflag:s2] =	ssyncadd.s32 $0xFFFF8000  }
0x214: {  	[tilespmem:s29], [sflag:$0x1] =	stream.indirect.gather [spmem:s3], $0x80, s6, s28, $0xb8;
	[tilespmem:$0x13340] =	vst v63  }
0x215: {  	s6 =	simm.s32 $0xB140  }
.LBB2_46:
0x216: {  	s7 =	sshll.u32 s24, $0x4  }
0x217: {  	v8 =	vld [tilespmem:s7+$0x12F40]  }
0x218: {  	v7 =	vld [tilespmem:s7+$0x12FC0]  }
0x219: {  	v6 =	vld [tilespmem:s7+$0x13040]  }
0x21a: {  	v0 =	vmov s6;
	v4 =	vld [tilespmem:s7+$0x130C0]  }
0x21b: {  	v5 =	vld [tilespmem:s7+$0x13140]  }
0x21c: {  	v3 =	vld [tilespmem:s7+$0x131C0]  }
0x21d: {  	v2 =	vld [tilespmem:s7+$0x13240]  }
0x21e: {  	v1 =	vld [tilespmem:s7+$0x132C0];
	s7 =	simm.s32 $0x0  }
0x21f: {  	v10 =	vld.idx.msk [tilespmem:v0+s7+$0xFFFFFE00 ss:$0x1], $0xffff  }
0x220: {  	v14 =	vld.idx.msk [tilespmem:v0+s7+$0xFFFFFE80 ss:$0x1], $0xffff  }
0x221: {  	v13 =	vld.idx.msk [tilespmem:v0+s7+$0xFFFFFF00 ss:$0x1], $0xffff  }
0x222: {  	v12 =	vld.idx.msk [tilespmem:v0+s7+$0xFFFFFF80 ss:$0x1], $0xffff  }
0x223: {  	v11 =	vld.idx.msk [tilespmem:v0+s7+$0x0 ss:$0x1], $0xffff  }
0x224: {  	v9 =	vld.idx.msk [tilespmem:v0+s7+$0x80 ss:$0x1], $0xffff  }
0x225: {  	s8 =	simm.s32 $0x1000;
	v15 =	vadd.f32 v10, v8;
	v10 =	vld.idx.msk [tilespmem:v0+s7+$0x100 ss:$0x1], $0xffff  }
.LBB2_47:
0x226: {  	p1 =	sne.s32 s8, $0x1F000;
	v14 =	vadd.f32 v14, v7;
	v16 =	vld.idx.msk [tilespmem:v0+s7+$0x180 ss:$0x1], $0xffff  }
0x227: {  	s9 =	sshra.s32 s8, $0x2;
	v13 =	vadd.f32 v13, v6;
	[tilespmem:v0+s7+$0xFFFFFE00 ss:$0x1] =	vst.idx.msk $0xffff, v15  }
0x228: {  	v12 =	vadd.f32 v12, v4;
	v15 =	vld.idx.msk [tilespmem:v0+s9+$0xFFFFFE00 ss:$0x1], $0xffff;
	[tilespmem:v0+s7+$0xFFFFFE80 ss:$0x1] =	vst.idx.msk $0xffff, v14  }
0x229: {  	v11 =	vadd.f32 v11, v5;
	v14 =	vld.idx.msk [tilespmem:v0+s9+$0xFFFFFE80 ss:$0x1], $0xffff;
	[tilespmem:v0+s7+$0xFFFFFF00 ss:$0x1] =	vst.idx.msk $0xffff, v13  }
.Ltmp22:
0x22a: {  	v9 =	vadd.f32 v9, v3;
	v13 =	vld.idx.msk [tilespmem:v0+s9+$0xFFFFFF00 ss:$0x1], $0xffff;
	[tilespmem:v0+s7+$0xFFFFFF80 ss:$0x1] =	vst.idx.msk $0xffff, v12;
	(pc) =	sbr.rel @p1 .LBB2_47-.Ltmp22, $4  }
0x22b: {  	v10 =	vadd.f32 v10, v2;
	v12 =	vld.idx.msk [tilespmem:v0+s9+$0xFFFFFF80 ss:$0x1], $0xffff;
	[tilespmem:v0+s7+$0x0 ss:$0x1] =	vst.idx.msk $0xffff, v11  }
0x22c: {  	v16 =	vadd.f32 v16, v1;
	v11 =	vld.idx.msk [tilespmem:v0+s9+$0x0 ss:$0x1], $0xffff;
	[tilespmem:v0+s7+$0x80 ss:$0x1] =	vst.idx.msk $0xffff, v9  }
0x22d: {  	v9 =	vld.idx.msk [tilespmem:v0+s9+$0x80 ss:$0x1], $0xffff;
	[tilespmem:v0+s7+$0x100 ss:$0x1] =	vst.idx.msk $0xffff, v10  }
0x22e: {  	s8 =	sadd.s32 $0x1000, s8;
	v15 =	vadd.f32 v15, v8;
	v10 =	vld.idx.msk [tilespmem:v0+s9+$0x100 ss:$0x1], $0xffff;
	[tilespmem:v0+s7+$0x180 ss:$0x1] =	vst.idx.msk $0xffff, v16;
	s7 =	smov.u32 s9  }
0x22f: {  	_ =	sdelay $0x2  }
0x230: {  	v7 =	vadd.f32 v14, v7  }
0x231: {  	v8 =	vld.idx.msk [tilespmem:v0+s7+$0x180 ss:$0x1], $0xffff;
	v6 =	vadd.f32 v13, v6;
	[tilespmem:v0+s7+$0xFFFFFE00 ss:$0x1] =	vst.idx.msk $0xffff, v15  }
0x232: {  	s24 =	sadd.s32 $0x1, s24;
	v4 =	vadd.f32 v12, v4;
	[tilespmem:v0+s7+$0xFFFFFE80 ss:$0x1] =	vst.idx.msk $0xffff, v7  }
0x233: {  	p1 =	sne.s32 s24, $0x8;
	[tilespmem:v0+s7+$0xFFFFFF00 ss:$0x1] =	vst.idx.msk $0xffff, v6;
	v5 =	vadd.f32 v11, v5  }
.Ltmp23:
0x234: {  	[tilespmem:v0+s7+$0xFFFFFF80 ss:$0x1] =	vst.idx.msk $0xffff, v4;
	v3 =	vadd.f32 v9, v3;
	(pc) =	sbr.rel @p1 .LBB2_46-.Ltmp23, $4  }
0x235: {  	[tilespmem:v0+s7+$0x0 ss:$0x1] =	vst.idx.msk $0xffff, v5;
	v2 =	vadd.f32 v10, v2  }
0x236: {  	[tilespmem:v0+s7+$0x80 ss:$0x1] =	vst.idx.msk $0xffff, v3;
	v1 =	vadd.f32 v8, v1  }
0x237: {  	[tilespmem:v0+s7+$0x100 ss:$0x1] =	vst.idx.msk $0xffff, v2  }
0x238: {  	s6 =	sadd.s32 $0x10, s6;
	[tilespmem:v0+s7+$0x180 ss:$0x1] =	vst.idx.msk $0xffff, v1  }
0x239: {  	s24 =	simm.s32 $0x0  }
0x23a: {  	[hbm4b:s17+s24] =	stream.linear.scatter [tilespmem:s0], [sflag:$0x4], $0x8000, $0x38;
	[tilespmem:$0x13340] =	vst v63  }
0x23b: {  	_ =	swait.ge [sflag:s30], $0x8000  }
0x23c: {  	[sflag:s30] =	ssyncset.done $0x0  }
0x23d: {  	[sflag:s30] =	ssyncadd.s32 $0xFFFF8000  }
0x23e: {  	_ =	swait.ge [sflag:s31], $0x8000  }
0x23f: {  	[sflag:s31] =	ssyncset.done $0x0  }
0x240: {  	s6 =	simm.s32 $0x2C40;
	[sflag:s31] =	ssyncadd.s32 $0xFFFF8000  }
0x241: {  	[tilespmem:s0], [sflag:$0x2] =	stream.indirect.gather [spmem:s3], $0x80, s6, s28, $0xb8;
	[tilespmem:$0x13340] =	vst v63  }
0x242: {  	s6 =	simm.s32 $0x3140  }
.LBB2_50:
0x243: {  	s7 =	sshll.u32 s24, $0x4  }
0x244: {  	v8 =	vld [tilespmem:s7+$0x12F40]  }
0x245: {  	v7 =	vld [tilespmem:s7+$0x12FC0]  }
0x246: {  	v6 =	vld [tilespmem:s7+$0x13040]  }
0x247: {  	v0 =	vmov s6;
	v4 =	vld [tilespmem:s7+$0x130C0]  }
0x248: {  	v5 =	vld [tilespmem:s7+$0x13140]  }
0x249: {  	v3 =	vld [tilespmem:s7+$0x131C0]  }
0x24a: {  	v2 =	vld [tilespmem:s7+$0x13240]  }
0x24b: {  	v1 =	vld [tilespmem:s7+$0x132C0];
	s7 =	simm.s32 $0x0  }
0x24c: {  	v10 =	vld.idx.msk [tilespmem:v0+s7+$0xFFFFFE00 ss:$0x1], $0xffff  }
0x24d: {  	v14 =	vld.idx.msk [tilespmem:v0+s7+$0xFFFFFE80 ss:$0x1], $0xffff  }
0x24e: {  	v13 =	vld.idx.msk [tilespmem:v0+s7+$0xFFFFFF00 ss:$0x1], $0xffff  }
0x24f: {  	v12 =	vld.idx.msk [tilespmem:v0+s7+$0xFFFFFF80 ss:$0x1], $0xffff  }
0x250: {  	v11 =	vld.idx.msk [tilespmem:v0+s7+$0x0 ss:$0x1], $0xffff  }
0x251: {  	v9 =	vld.idx.msk [tilespmem:v0+s7+$0x80 ss:$0x1], $0xffff  }
0x252: {  	s8 =	simm.s32 $0x1000;
	v15 =	vadd.f32 v10, v8;
	v10 =	vld.idx.msk [tilespmem:v0+s7+$0x100 ss:$0x1], $0xffff  }
.LBB2_51:
0x253: {  	p1 =	sne.s32 s8, $0x1F000;
	v14 =	vadd.f32 v14, v7;
	v16 =	vld.idx.msk [tilespmem:v0+s7+$0x180 ss:$0x1], $0xffff  }
0x254: {  	s9 =	sshra.s32 s8, $0x2;
	v13 =	vadd.f32 v13, v6;
	[tilespmem:v0+s7+$0xFFFFFE00 ss:$0x1] =	vst.idx.msk $0xffff, v15  }
0x255: {  	v12 =	vadd.f32 v12, v4;
	v15 =	vld.idx.msk [tilespmem:v0+s9+$0xFFFFFE00 ss:$0x1], $0xffff;
	[tilespmem:v0+s7+$0xFFFFFE80 ss:$0x1] =	vst.idx.msk $0xffff, v14  }
0x256: {  	v11 =	vadd.f32 v11, v5;
	v14 =	vld.idx.msk [tilespmem:v0+s9+$0xFFFFFE80 ss:$0x1], $0xffff;
	[tilespmem:v0+s7+$0xFFFFFF00 ss:$0x1] =	vst.idx.msk $0xffff, v13  }
.Ltmp24:
0x257: {  	v9 =	vadd.f32 v9, v3;
	v13 =	vld.idx.msk [tilespmem:v0+s9+$0xFFFFFF00 ss:$0x1], $0xffff;
	[tilespmem:v0+s7+$0xFFFFFF80 ss:$0x1] =	vst.idx.msk $0xffff, v12;
	(pc) =	sbr.rel @p1 .LBB2_51-.Ltmp24, $4  }
0x258: {  	v10 =	vadd.f32 v10, v2;
	v12 =	vld.idx.msk [tilespmem:v0+s9+$0xFFFFFF80 ss:$0x1], $0xffff;
	[tilespmem:v0+s7+$0x0 ss:$0x1] =	vst.idx.msk $0xffff, v11  }
0x259: {  	v16 =	vadd.f32 v16, v1;
	v11 =	vld.idx.msk [tilespmem:v0+s9+$0x0 ss:$0x1], $0xffff;
	[tilespmem:v0+s7+$0x80 ss:$0x1] =	vst.idx.msk $0xffff, v9  }
0x25a: {  	v9 =	vld.idx.msk [tilespmem:v0+s9+$0x80 ss:$0x1], $0xffff;
	[tilespmem:v0+s7+$0x100 ss:$0x1] =	vst.idx.msk $0xffff, v10  }
0x25b: {  	s8 =	sadd.s32 $0x1000, s8;
	v15 =	vadd.f32 v15, v8;
	v10 =	vld.idx.msk [tilespmem:v0+s9+$0x100 ss:$0x1], $0xffff;
	[tilespmem:v0+s7+$0x180 ss:$0x1] =	vst.idx.msk $0xffff, v16;
	s7 =	smov.u32 s9  }
0x25c: {  	_ =	sdelay $0x2  }
0x25d: {  	v7 =	vadd.f32 v14, v7  }
0x25e: {  	v8 =	vld.idx.msk [tilespmem:v0+s7+$0x180 ss:$0x1], $0xffff;
	v6 =	vadd.f32 v13, v6;
	[tilespmem:v0+s7+$0xFFFFFE00 ss:$0x1] =	vst.idx.msk $0xffff, v15  }
0x25f: {  	s24 =	sadd.s32 $0x1, s24;
	v4 =	vadd.f32 v12, v4;
	[tilespmem:v0+s7+$0xFFFFFE80 ss:$0x1] =	vst.idx.msk $0xffff, v7  }
0x260: {  	p1 =	sne.s32 s24, $0x8;
	[tilespmem:v0+s7+$0xFFFFFF00 ss:$0x1] =	vst.idx.msk $0xffff, v6;
	v5 =	vadd.f32 v11, v5  }
.Ltmp25:
0x261: {  	[tilespmem:v0+s7+$0xFFFFFF80 ss:$0x1] =	vst.idx.msk $0xffff, v4;
	v3 =	vadd.f32 v9, v3;
	(pc) =	sbr.rel @p1 .LBB2_50-.Ltmp25, $4  }
0x262: {  	[tilespmem:v0+s7+$0x0 ss:$0x1] =	vst.idx.msk $0xffff, v5;
	v2 =	vadd.f32 v10, v2  }
0x263: {  	[tilespmem:v0+s7+$0x80 ss:$0x1] =	vst.idx.msk $0xffff, v3;
	v1 =	vadd.f32 v8, v1  }
0x264: {  	[tilespmem:v0+s7+$0x100 ss:$0x1] =	vst.idx.msk $0xffff, v2  }
0x265: {  	s6 =	sadd.s32 $0x10, s6;
	[tilespmem:v0+s7+$0x180 ss:$0x1] =	vst.idx.msk $0xffff, v1  }
0x266: {  	s24 =	simm.s32 $0x0  }
0x267: {  	[hbm4b:s18+s24] =	stream.linear.scatter [tilespmem:s29], [sflag:$0x3], $0x8000, $0x38;
	[tilespmem:$0x13340] =	vst v63  }
0x268: {  	_ =	swait.ge [sflag:s1], $0x8000  }
0x269: {  	[sflag:s1] =	ssyncset.done $0x0  }
0x26a: {  	[sflag:s1] =	ssyncadd.s32 $0xFFFF8000  }
0x26b: {  	_ =	swait.ge [sflag:s2], $0x8000  }
0x26c: {  	[sflag:s2] =	ssyncset.done $0x0  }
0x26d: {  	s6 =	simm.s32 $0x2D40;
	[sflag:s2] =	ssyncadd.s32 $0xFFFF8000  }
0x26e: {  	[tilespmem:s29], [sflag:$0x1] =	stream.indirect.gather [spmem:s3], $0x80, s6, s28, $0xb8;
	[tilespmem:$0x13340] =	vst v63  }
0x26f: {  	s6 =	simm.s32 $0xB140  }
.LBB2_54:
0x270: {  	s7 =	sshll.u32 s24, $0x4  }
0x271: {  	v8 =	vld [tilespmem:s7+$0x12F40]  }
0x272: {  	v7 =	vld [tilespmem:s7+$0x12FC0]  }
0x273: {  	v6 =	vld [tilespmem:s7+$0x13040]  }
0x274: {  	v0 =	vmov s6;
	v4 =	vld [tilespmem:s7+$0x130C0]  }
0x275: {  	v5 =	vld [tilespmem:s7+$0x13140]  }
0x276: {  	v3 =	vld [tilespmem:s7+$0x131C0]  }
0x277: {  	v2 =	vld [tilespmem:s7+$0x13240]  }
0x278: {  	v1 =	vld [tilespmem:s7+$0x132C0];
	s7 =	simm.s32 $0x0  }
0x279: {  	v10 =	vld.idx.msk [tilespmem:v0+s7+$0xFFFFFE00 ss:$0x1], $0xffff  }
0x27a: {  	v14 =	vld.idx.msk [tilespmem:v0+s7+$0xFFFFFE80 ss:$0x1], $0xffff  }
0x27b: {  	v13 =	vld.idx.msk [tilespmem:v0+s7+$0xFFFFFF00 ss:$0x1], $0xffff  }
0x27c: {  	v12 =	vld.idx.msk [tilespmem:v0+s7+$0xFFFFFF80 ss:$0x1], $0xffff  }
0x27d: {  	v11 =	vld.idx.msk [tilespmem:v0+s7+$0x0 ss:$0x1], $0xffff  }
0x27e: {  	v9 =	vld.idx.msk [tilespmem:v0+s7+$0x80 ss:$0x1], $0xffff  }
0x27f: {  	s8 =	simm.s32 $0x1000;
	v15 =	vadd.f32 v10, v8;
	v10 =	vld.idx.msk [tilespmem:v0+s7+$0x100 ss:$0x1], $0xffff  }
.LBB2_55:
0x280: {  	p1 =	sne.s32 s8, $0x1F000;
	v14 =	vadd.f32 v14, v7;
	v16 =	vld.idx.msk [tilespmem:v0+s7+$0x180 ss:$0x1], $0xffff  }
0x281: {  	s9 =	sshra.s32 s8, $0x2;
	v13 =	vadd.f32 v13, v6;
	[tilespmem:v0+s7+$0xFFFFFE00 ss:$0x1] =	vst.idx.msk $0xffff, v15  }
0x282: {  	v12 =	vadd.f32 v12, v4;
	v15 =	vld.idx.msk [tilespmem:v0+s9+$0xFFFFFE00 ss:$0x1], $0xffff;
	[tilespmem:v0+s7+$0xFFFFFE80 ss:$0x1] =	vst.idx.msk $0xffff, v14  }
0x283: {  	v11 =	vadd.f32 v11, v5;
	v14 =	vld.idx.msk [tilespmem:v0+s9+$0xFFFFFE80 ss:$0x1], $0xffff;
	[tilespmem:v0+s7+$0xFFFFFF00 ss:$0x1] =	vst.idx.msk $0xffff, v13  }
.Ltmp26:
0x284: {  	v9 =	vadd.f32 v9, v3;
	v13 =	vld.idx.msk [tilespmem:v0+s9+$0xFFFFFF00 ss:$0x1], $0xffff;
	[tilespmem:v0+s7+$0xFFFFFF80 ss:$0x1] =	vst.idx.msk $0xffff, v12;
	(pc) =	sbr.rel @p1 .LBB2_55-.Ltmp26, $4  }
0x285: {  	v10 =	vadd.f32 v10, v2;
	v12 =	vld.idx.msk [tilespmem:v0+s9+$0xFFFFFF80 ss:$0x1], $0xffff;
	[tilespmem:v0+s7+$0x0 ss:$0x1] =	vst.idx.msk $0xffff, v11  }
0x286: {  	v16 =	vadd.f32 v16, v1;
	v11 =	vld.idx.msk [tilespmem:v0+s9+$0x0 ss:$0x1], $0xffff;
	[tilespmem:v0+s7+$0x80 ss:$0x1] =	vst.idx.msk $0xffff, v9  }
0x287: {  	v9 =	vld.idx.msk [tilespmem:v0+s9+$0x80 ss:$0x1], $0xffff;
	[tilespmem:v0+s7+$0x100 ss:$0x1] =	vst.idx.msk $0xffff, v10  }
0x288: {  	s8 =	sadd.s32 $0x1000, s8;
	v15 =	vadd.f32 v15, v8;
	v10 =	vld.idx.msk [tilespmem:v0+s9+$0x100 ss:$0x1], $0xffff;
	[tilespmem:v0+s7+$0x180 ss:$0x1] =	vst.idx.msk $0xffff, v16;
	s7 =	smov.u32 s9  }
0x289: {  	_ =	sdelay $0x2  }
0x28a: {  	v7 =	vadd.f32 v14, v7  }
0x28b: {  	v8 =	vld.idx.msk [tilespmem:v0+s7+$0x180 ss:$0x1], $0xffff;
	v6 =	vadd.f32 v13, v6;
	[tilespmem:v0+s7+$0xFFFFFE00 ss:$0x1] =	vst.idx.msk $0xffff, v15  }
0x28c: {  	s24 =	sadd.s32 $0x1, s24;
	v4 =	vadd.f32 v12, v4;
	[tilespmem:v0+s7+$0xFFFFFE80 ss:$0x1] =	vst.idx.msk $0xffff, v7  }
0x28d: {  	p1 =	sne.s32 s24, $0x8;
	[tilespmem:v0+s7+$0xFFFFFF00 ss:$0x1] =	vst.idx.msk $0xffff, v6;
	v5 =	vadd.f32 v11, v5  }
.Ltmp27:
0x28e: {  	[tilespmem:v0+s7+$0xFFFFFF80 ss:$0x1] =	vst.idx.msk $0xffff, v4;
	v3 =	vadd.f32 v9, v3;
	(pc) =	sbr.rel @p1 .LBB2_54-.Ltmp27, $4  }
0x28f: {  	[tilespmem:v0+s7+$0x0 ss:$0x1] =	vst.idx.msk $0xffff, v5;
	v2 =	vadd.f32 v10, v2  }
0x290: {  	[tilespmem:v0+s7+$0x80 ss:$0x1] =	vst.idx.msk $0xffff, v3;
	v1 =	vadd.f32 v8, v1  }
0x291: {  	[tilespmem:v0+s7+$0x100 ss:$0x1] =	vst.idx.msk $0xffff, v2  }
0x292: {  	s6 =	sadd.s32 $0x10, s6;
	[tilespmem:v0+s7+$0x180 ss:$0x1] =	vst.idx.msk $0xffff, v1  }
0x293: {  	s24 =	simm.s32 $0x0  }
0x294: {  	[hbm4b:s19+s24] =	stream.linear.scatter [tilespmem:s0], [sflag:$0x4], $0x8000, $0x38;
	[tilespmem:$0x13340] =	vst v63  }
0x295: {  	_ =	swait.ge [sflag:s30], $0x8000  }
0x296: {  	[sflag:s30] =	ssyncset.done $0x0  }
0x297: {  	[sflag:s30] =	ssyncadd.s32 $0xFFFF8000  }
0x298: {  	_ =	swait.ge [sflag:s31], $0x8000  }
0x299: {  	[sflag:s31] =	ssyncset.done $0x0  }
0x29a: {  	s6 =	simm.s32 $0x2E40;
	[sflag:s31] =	ssyncadd.s32 $0xFFFF8000  }
0x29b: {  	[tilespmem:s0], [sflag:$0x2] =	stream.indirect.gather [spmem:s3], $0x80, s6, s28, $0xb8;
	[tilespmem:$0x13340] =	vst v63  }
0x29c: {  	s6 =	simm.s32 $0x3140  }
.LBB2_58:
0x29d: {  	s7 =	sshll.u32 s24, $0x4  }
0x29e: {  	v8 =	vld [tilespmem:s7+$0x12F40]  }
0x29f: {  	v7 =	vld [tilespmem:s7+$0x12FC0]  }
0x2a0: {  	v6 =	vld [tilespmem:s7+$0x13040]  }
0x2a1: {  	v0 =	vmov s6;
	v4 =	vld [tilespmem:s7+$0x130C0]  }
0x2a2: {  	v5 =	vld [tilespmem:s7+$0x13140]  }
0x2a3: {  	v3 =	vld [tilespmem:s7+$0x131C0]  }
0x2a4: {  	v2 =	vld [tilespmem:s7+$0x13240]  }
0x2a5: {  	v1 =	vld [tilespmem:s7+$0x132C0];
	s7 =	simm.s32 $0x0  }
0x2a6: {  	v10 =	vld.idx.msk [tilespmem:v0+s7+$0xFFFFFE00 ss:$0x1], $0xffff  }
0x2a7: {  	v14 =	vld.idx.msk [tilespmem:v0+s7+$0xFFFFFE80 ss:$0x1], $0xffff  }
0x2a8: {  	v13 =	vld.idx.msk [tilespmem:v0+s7+$0xFFFFFF00 ss:$0x1], $0xffff  }
0x2a9: {  	v12 =	vld.idx.msk [tilespmem:v0+s7+$0xFFFFFF80 ss:$0x1], $0xffff  }
0x2aa: {  	v11 =	vld.idx.msk [tilespmem:v0+s7+$0x0 ss:$0x1], $0xffff  }
0x2ab: {  	v9 =	vld.idx.msk [tilespmem:v0+s7+$0x80 ss:$0x1], $0xffff  }
0x2ac: {  	s8 =	simm.s32 $0x1000;
	v15 =	vadd.f32 v10, v8;
	v10 =	vld.idx.msk [tilespmem:v0+s7+$0x100 ss:$0x1], $0xffff  }
.LBB2_59:
0x2ad: {  	p1 =	sne.s32 s8, $0x1F000;
	v14 =	vadd.f32 v14, v7;
	v16 =	vld.idx.msk [tilespmem:v0+s7+$0x180 ss:$0x1], $0xffff  }
0x2ae: {  	s9 =	sshra.s32 s8, $0x2;
	v13 =	vadd.f32 v13, v6;
	[tilespmem:v0+s7+$0xFFFFFE00 ss:$0x1] =	vst.idx.msk $0xffff, v15  }
0x2af: {  	v12 =	vadd.f32 v12, v4;
	v15 =	vld.idx.msk [tilespmem:v0+s9+$0xFFFFFE00 ss:$0x1], $0xffff;
	[tilespmem:v0+s7+$0xFFFFFE80 ss:$0x1] =	vst.idx.msk $0xffff, v14  }
0x2b0: {  	v11 =	vadd.f32 v11, v5;
	v14 =	vld.idx.msk [tilespmem:v0+s9+$0xFFFFFE80 ss:$0x1], $0xffff;
	[tilespmem:v0+s7+$0xFFFFFF00 ss:$0x1] =	vst.idx.msk $0xffff, v13  }
.Ltmp28:
0x2b1: {  	v9 =	vadd.f32 v9, v3;
	v13 =	vld.idx.msk [tilespmem:v0+s9+$0xFFFFFF00 ss:$0x1], $0xffff;
	[tilespmem:v0+s7+$0xFFFFFF80 ss:$0x1] =	vst.idx.msk $0xffff, v12;
	(pc) =	sbr.rel @p1 .LBB2_59-.Ltmp28, $4  }
0x2b2: {  	v10 =	vadd.f32 v10, v2;
	v12 =	vld.idx.msk [tilespmem:v0+s9+$0xFFFFFF80 ss:$0x1], $0xffff;
	[tilespmem:v0+s7+$0x0 ss:$0x1] =	vst.idx.msk $0xffff, v11  }
0x2b3: {  	v16 =	vadd.f32 v16, v1;
	v11 =	vld.idx.msk [tilespmem:v0+s9+$0x0 ss:$0x1], $0xffff;
	[tilespmem:v0+s7+$0x80 ss:$0x1] =	vst.idx.msk $0xffff, v9  }
0x2b4: {  	v9 =	vld.idx.msk [tilespmem:v0+s9+$0x80 ss:$0x1], $0xffff;
	[tilespmem:v0+s7+$0x100 ss:$0x1] =	vst.idx.msk $0xffff, v10  }
0x2b5: {  	s8 =	sadd.s32 $0x1000, s8;
	v15 =	vadd.f32 v15, v8;
	v10 =	vld.idx.msk [tilespmem:v0+s9+$0x100 ss:$0x1], $0xffff;
	[tilespmem:v0+s7+$0x180 ss:$0x1] =	vst.idx.msk $0xffff, v16;
	s7 =	smov.u32 s9  }
0x2b6: {  	_ =	sdelay $0x2  }
0x2b7: {  	v7 =	vadd.f32 v14, v7  }
0x2b8: {  	v8 =	vld.idx.msk [tilespmem:v0+s7+$0x180 ss:$0x1], $0xffff;
	v6 =	vadd.f32 v13, v6;
	[tilespmem:v0+s7+$0xFFFFFE00 ss:$0x1] =	vst.idx.msk $0xffff, v15  }
0x2b9: {  	s24 =	sadd.s32 $0x1, s24;
	v4 =	vadd.f32 v12, v4;
	[tilespmem:v0+s7+$0xFFFFFE80 ss:$0x1] =	vst.idx.msk $0xffff, v7  }
0x2ba: {  	p1 =	sne.s32 s24, $0x8;
	[tilespmem:v0+s7+$0xFFFFFF00 ss:$0x1] =	vst.idx.msk $0xffff, v6;
	v5 =	vadd.f32 v11, v5  }
.Ltmp29:
0x2bb: {  	[tilespmem:v0+s7+$0xFFFFFF80 ss:$0x1] =	vst.idx.msk $0xffff, v4;
	v3 =	vadd.f32 v9, v3;
	(pc) =	sbr.rel @p1 .LBB2_58-.Ltmp29, $4  }
0x2bc: {  	[tilespmem:v0+s7+$0x0 ss:$0x1] =	vst.idx.msk $0xffff, v5;
	v2 =	vadd.f32 v10, v2  }
0x2bd: {  	[tilespmem:v0+s7+$0x80 ss:$0x1] =	vst.idx.msk $0xffff, v3;
	v1 =	vadd.f32 v8, v1  }
0x2be: {  	[tilespmem:v0+s7+$0x100 ss:$0x1] =	vst.idx.msk $0xffff, v2  }
0x2bf: {  	s6 =	sadd.s32 $0x10, s6;
	[tilespmem:v0+s7+$0x180 ss:$0x1] =	vst.idx.msk $0xffff, v1  }
0x2c0: {  	s24 =	simm.s32 $0x0  }
0x2c1: {  	[hbm4b:s20+s24] =	stream.linear.scatter [tilespmem:s29], [sflag:$0x3], $0x8000, $0x38;
	[tilespmem:$0x13340] =	vst v63  }
0x2c2: {  	_ =	swait.ge [sflag:s1], $0x8000  }
0x2c3: {  	[sflag:s1] =	ssyncset.done $0x0  }
0x2c4: {  	s6 =	simm.s32 $0xB140;
	[sflag:s1] =	ssyncadd.s32 $0xFFFF8000  }
.LBB2_62:
0x2c5: {  	s7 =	sshll.u32 s24, $0x4  }
0x2c6: {  	v8 =	vld [tilespmem:s7+$0x12F40]  }
0x2c7: {  	v7 =	vld [tilespmem:s7+$0x12FC0]  }
0x2c8: {  	v6 =	vld [tilespmem:s7+$0x13040]  }
0x2c9: {  	v0 =	vmov s6;
	v4 =	vld [tilespmem:s7+$0x130C0]  }
0x2ca: {  	v5 =	vld [tilespmem:s7+$0x13140]  }
0x2cb: {  	v3 =	vld [tilespmem:s7+$0x131C0]  }
0x2cc: {  	v2 =	vld [tilespmem:s7+$0x13240]  }
0x2cd: {  	v1 =	vld [tilespmem:s7+$0x132C0];
	s7 =	simm.s32 $0x0  }
0x2ce: {  	v10 =	vld.idx.msk [tilespmem:v0+s7+$0xFFFFFE00 ss:$0x1], $0xffff  }
0x2cf: {  	v14 =	vld.idx.msk [tilespmem:v0+s7+$0xFFFFFE80 ss:$0x1], $0xffff  }
0x2d0: {  	v13 =	vld.idx.msk [tilespmem:v0+s7+$0xFFFFFF00 ss:$0x1], $0xffff  }
0x2d1: {  	v12 =	vld.idx.msk [tilespmem:v0+s7+$0xFFFFFF80 ss:$0x1], $0xffff  }
0x2d2: {  	v11 =	vld.idx.msk [tilespmem:v0+s7+$0x0 ss:$0x1], $0xffff  }
0x2d3: {  	v9 =	vld.idx.msk [tilespmem:v0+s7+$0x80 ss:$0x1], $0xffff  }
0x2d4: {  	s8 =	simm.s32 $0x1000;
	v15 =	vadd.f32 v10, v8;
	v10 =	vld.idx.msk [tilespmem:v0+s7+$0x100 ss:$0x1], $0xffff  }
.LBB2_63:
0x2d5: {  	p1 =	sne.s32 s8, $0x1F000;
	v14 =	vadd.f32 v14, v7;
	v16 =	vld.idx.msk [tilespmem:v0+s7+$0x180 ss:$0x1], $0xffff  }
0x2d6: {  	s9 =	sshra.s32 s8, $0x2;
	v13 =	vadd.f32 v13, v6;
	[tilespmem:v0+s7+$0xFFFFFE00 ss:$0x1] =	vst.idx.msk $0xffff, v15  }
0x2d7: {  	v12 =	vadd.f32 v12, v4;
	v15 =	vld.idx.msk [tilespmem:v0+s9+$0xFFFFFE00 ss:$0x1], $0xffff;
	[tilespmem:v0+s7+$0xFFFFFE80 ss:$0x1] =	vst.idx.msk $0xffff, v14  }
0x2d8: {  	v11 =	vadd.f32 v11, v5;
	v14 =	vld.idx.msk [tilespmem:v0+s9+$0xFFFFFE80 ss:$0x1], $0xffff;
	[tilespmem:v0+s7+$0xFFFFFF00 ss:$0x1] =	vst.idx.msk $0xffff, v13  }
.Ltmp30:
0x2d9: {  	v9 =	vadd.f32 v9, v3;
	v13 =	vld.idx.msk [tilespmem:v0+s9+$0xFFFFFF00 ss:$0x1], $0xffff;
	[tilespmem:v0+s7+$0xFFFFFF80 ss:$0x1] =	vst.idx.msk $0xffff, v12;
	(pc) =	sbr.rel @p1 .LBB2_63-.Ltmp30, $4  }
0x2da: {  	v10 =	vadd.f32 v10, v2;
	v12 =	vld.idx.msk [tilespmem:v0+s9+$0xFFFFFF80 ss:$0x1], $0xffff;
	[tilespmem:v0+s7+$0x0 ss:$0x1] =	vst.idx.msk $0xffff, v11  }
0x2db: {  	v16 =	vadd.f32 v16, v1;
	v11 =	vld.idx.msk [tilespmem:v0+s9+$0x0 ss:$0x1], $0xffff;
	[tilespmem:v0+s7+$0x80 ss:$0x1] =	vst.idx.msk $0xffff, v9  }
0x2dc: {  	v9 =	vld.idx.msk [tilespmem:v0+s9+$0x80 ss:$0x1], $0xffff;
	[tilespmem:v0+s7+$0x100 ss:$0x1] =	vst.idx.msk $0xffff, v10  }
0x2dd: {  	s8 =	sadd.s32 $0x1000, s8;
	v15 =	vadd.f32 v15, v8;
	v10 =	vld.idx.msk [tilespmem:v0+s9+$0x100 ss:$0x1], $0xffff;
	[tilespmem:v0+s7+$0x180 ss:$0x1] =	vst.idx.msk $0xffff, v16;
	s7 =	smov.u32 s9  }
0x2de: {  	_ =	sdelay $0x2  }
0x2df: {  	v7 =	vadd.f32 v14, v7  }
0x2e0: {  	v8 =	vld.idx.msk [tilespmem:v0+s7+$0x180 ss:$0x1], $0xffff;
	v6 =	vadd.f32 v13, v6;
	[tilespmem:v0+s7+$0xFFFFFE00 ss:$0x1] =	vst.idx.msk $0xffff, v15  }
0x2e1: {  	s24 =	sadd.s32 $0x1, s24;
	v4 =	vadd.f32 v12, v4;
	[tilespmem:v0+s7+$0xFFFFFE80 ss:$0x1] =	vst.idx.msk $0xffff, v7  }
0x2e2: {  	p1 =	sne.s32 s24, $0x8;
	[tilespmem:v0+s7+$0xFFFFFF00 ss:$0x1] =	vst.idx.msk $0xffff, v6;
	v5 =	vadd.f32 v11, v5  }
.Ltmp31:
0x2e3: {  	[tilespmem:v0+s7+$0xFFFFFF80 ss:$0x1] =	vst.idx.msk $0xffff, v4;
	v3 =	vadd.f32 v9, v3;
	(pc) =	sbr.rel @p1 .LBB2_62-.Ltmp31, $4  }
0x2e4: {  	[tilespmem:v0+s7+$0x0 ss:$0x1] =	vst.idx.msk $0xffff, v5;
	v2 =	vadd.f32 v10, v2  }
0x2e5: {  	[tilespmem:v0+s7+$0x80 ss:$0x1] =	vst.idx.msk $0xffff, v3;
	v1 =	vadd.f32 v8, v1  }
0x2e6: {  	[tilespmem:v0+s7+$0x100 ss:$0x1] =	vst.idx.msk $0xffff, v2  }
0x2e7: {  	s6 =	sadd.s32 $0x10, s6;
	[tilespmem:v0+s7+$0x180 ss:$0x1] =	vst.idx.msk $0xffff, v1  }
0x2e8: {  	[hbm4b:s21+s4] =	stream.linear.scatter [tilespmem:s0], [sflag:$0x4], $0x8000, $0x38;
	[tilespmem:$0x13340] =	vst v63  }
0x2e9: {  	s26 =	sadd.s32 $0x1, s26  }
0x2ea: {  	_ =	swait.ge [sflag:s2], $0x8000;
	p1 =	sne.s32 s26, s22  }
.Ltmp32:
0x2eb: {  	[sflag:s2] =	ssyncset.done $0x0;
	(pc) =	sbr.rel @p1 .LBB2_1-.Ltmp32, $4  }
0x2ec: {  	[sflag:s2] =	ssyncadd.s32 $0xFFFF8000  }
0x2ed: {  	_ =	swait.ge [sflag:s31], $0x8000  }
0x2ee: {  	[sflag:s31] =	ssyncset.done $0x0  }
0x2ef: {  	[sflag:s31] =	ssyncadd.s32 $0xFFFF8000  }
0x2f0: {  	_ =	sfence.sel $0x180000  }
0x2f1: {  	[bflag:$0x0] =	sbarrier.arrive $0xFFFF  }
0x2f2: {  	_ =	strace $0x90000047  }
0x2f3: {  	[bflag:$0x2] =	sbarrier.arrive $0xFFFF  }
0x2f4: {  	s0 =	rddreg [dreg:$0x5]  }
0x2f5: {  	s0 =	sadd.s32 @!p0 $0x100000, s0  }
0x2f6: {  	[sflag:s0] =	ssyncadd.tile.s32 @!p0 $0x1;
	_ =	shalt  }
.Lfunc_end2:
_tile_overlayer_lowered:
.L_overlay_start_2:
0x2f7: {  	(tag) =	ssettag $0x2  }
0x2f8: {  	s0 =	rddreg [dreg:$0x0];
	s2 =	stileid.u32  }
0x2f9: {  	s1 =	rddreg [dreg:$0x1];
	p0 =	sne.s32 s2, $0x0  }
0x2fa: {  	s3 =	rddreg [dreg:$0x2];
	[bflag:$0x3] =	sbarrier.arrive $0xFFFF;
	s2 =	simm.s32 @!p0 $0x1C05  }
0x2fb: {  	[timem:s3], [sflag:s2] =	dma.local @!p0 [hbm:s0], s1  }
0x2fc: {  	s0 =	simm.s32 @!p0 $0x5  }
0x2fd: {  	_ =	swait.ge @!p0 [sflag:s0], s1  }
0x2fe: {  	s1 =	ssub.s32 @!p0 $0x0, s1;
	[sflag:s0] =	ssyncset.done @!p0 $0x0  }
0x2ff: {  	[sflag:s0] =	ssyncadd.s32 @!p0 s1  }
0x300: {  	[bflag:$0x3] =	sbarrier.arrive $0xFFFF  }
0x301: {  	_ =	shalt  }

</sc_bundles>
